<compile_context>
chip_gen: v7x
topology: tpu7x:2x2x1
jax: 0.10.2.dev20260603
libtpu: 0.0.44.dev20260713+nightly
codegen_flags: <defaults>
</compile_context>

<pallas_src>
import functools

import jax
import jax.numpy as jnp
import numpy as np
from jax import lax
from jax.experimental import pallas as pl
from jax.experimental.pallas import tpu as pltpu, tpu_sc as plsc

N = 10000
D = 128
E = 320000
EPS = 1e-5

NC = 2
NS = 16
NW = NC * NS

CH = 64
NPE = 10112
CPE = 162
ROWS_E = CPE * NW

_mesh = plsc.VectorSubcoreMesh(core_axis_name="c", subcore_axis_name="s")




@functools.partial(
    pl.kernel,
    out_type=jax.ShapeDtypeStruct((NC, NPE), jnp.float32),
    mesh=_mesh,
    scratch_types=[
        pltpu.VMEM((CPE, CH), jnp.int32),
        pltpu.VMEM((CH,), jnp.float32),
        pltpu.VMEM_SHARED((NPE,), jnp.float32),
    ],
    compiler_params=pltpu.CompilerParams(use_tc_tiling_on_sc=False),
)
def _deg_pass(dst_hbm, zeros_hbm, ones_hbm, out_hbm, dst_v, ones_v, acc_sh):
    c = lax.axis_index("c")
    s = lax.axis_index("s")
    w = c * NS + s
    sl = NPE // NS
    pltpu.sync_copy(zeros_hbm.at[pl.ds(s * sl, sl)], acc_sh.at[pl.ds(s * sl, sl)])
    pltpu.sync_copy(ones_hbm, ones_v)
    pltpu.sync_copy(dst_hbm.at[pl.ds(w * CPE, CPE)], dst_v)
    plsc.subcore_barrier()

    def body(j, carry):
        pltpu.sync_copy(ones_v, acc_sh.at[dst_v.at[j]], add=True)
        return carry

    lax.fori_loop(0, CPE, body, 0)
    plsc.subcore_barrier()
    pltpu.sync_copy(acc_sh.at[pl.ds(s * sl, sl)], out_hbm.at[c, pl.ds(s * sl, sl)])


NB = 6
NR = CPE // NB


@functools.partial(
    pl.kernel,
    out_type=jax.ShapeDtypeStruct((NC, NPE, D), jnp.float32),
    mesh=_mesh,
    scratch_types=(
        [pltpu.VMEM((CH,), jnp.int32)] * (2 * NB)
        + [pltpu.VMEM((CH, D), jnp.float32)] * NB
        + [pltpu.VMEM_SHARED((NPE, D), jnp.float32)]
        + [pltpu.SemaphoreType.DMA] * (4 * NB)
    ),
    compiler_params=pltpu.CompilerParams(use_tc_tiling_on_sc=False),
)
def _edge_pass(u_hbm, src_hbm, dst_hbm, zeros_hbm, out_hbm, *scratch):
    srcb = scratch[0:NB]
    dstb = scratch[NB:2 * NB]
    rows = scratch[2 * NB:3 * NB]
    acc_sh = scratch[3 * NB]
    lss = scratch[3 * NB + 1:3 * NB + 1 + NB]
    lds = scratch[3 * NB + 1 + NB:3 * NB + 1 + 2 * NB]
    gsem = scratch[3 * NB + 1 + 2 * NB:3 * NB + 1 + 3 * NB]
    ssem = scratch[3 * NB + 1 + 3 * NB:]
    c = lax.axis_index("c")
    s = lax.axis_index("s")
    w = c * NS + s
    sl = NPE // NS
    pltpu.sync_copy(zeros_hbm.at[pl.ds(s * sl, sl)], acc_sh.at[pl.ds(s * sl, sl)])
    plsc.subcore_barrier()

    def i_src(b, j):
        return pltpu.make_async_copy(src_hbm.at[w * CPE + j], srcb[b], lss[b])

    def i_dst(b, j):
        return pltpu.make_async_copy(dst_hbm.at[w * CPE + j], dstb[b], lds[b])

    def g_desc(b):
        return pltpu.make_async_copy(u_hbm.at[srcb[b]], rows[b], gsem[b])

    def s_desc(b):
        return pltpu.make_async_copy(rows[b], acc_sh.at[dstb[b]], ssem[b])

    for b in range(NB):
        i_src(b, b).start()
        i_dst(b, b).start()
    for b in range(NB):
        i_src(b, b).wait()
        g_desc(b).start()

    def round_(r, carry):
        j0 = r * NB
        for b in range(NB):
            g_desc(b).wait()
            i_dst(b, j0 + b).wait()
            s_desc(b).start(add=True)
            i_src(b, j0 + NB + b).start()
        for b in range(NB):
            s_desc(b).wait()
            i_dst(b, j0 + NB + b).start()
            i_src(b, j0 + NB + b).wait()
            g_desc(b).start()
        return carry

    lax.fori_loop(0, NR - 1, round_, 0)
    j0 = (NR - 1) * NB
    for b in range(NB):
        g_desc(b).wait()
        i_dst(b, j0 + b).wait()
        s_desc(b).start(add=True)
    for b in range(NB):
        s_desc(b).wait()
    plsc.subcore_barrier()
    pltpu.sync_copy(acc_sh.at[pl.ds(s * sl, sl)], out_hbm.at[c, pl.ds(s * sl, sl)])



_R = 1000


def _mm_scale_body(x_ref, w_ref, da_ref, db_ref, u_ref):
    t = jnp.dot(x_ref[...], w_ref[...], preferred_element_type=jnp.float32)
    dinv = lax.rsqrt(da_ref[...] + db_ref[...] + 1.0)
    u_ref[...] = t * dinv


def _mm_scale(x, w, da, db):
    return pl.pallas_call(
        _mm_scale_body,
        out_shape=jax.ShapeDtypeStruct((N, D), jnp.float32),
        grid=(N // _R,),
        in_specs=[
            pl.BlockSpec((_R, D), lambda i: (i, 0)),
            pl.BlockSpec((D, D), lambda i: (0, 0)),
            pl.BlockSpec((_R, 1), lambda i: (i, 0)),
            pl.BlockSpec((_R, 1), lambda i: (i, 0)),
        ],
        out_specs=pl.BlockSpec((_R, D), lambda i: (i, 0)),
    )(x, w, da, db)


def _norm_relu(sa, sb, u, da, db, b, g, be):
    dinv = lax.rsqrt(da + db + 1.0)
    t = dinv * (sa + sb + u) + b
    mean = jnp.mean(t, axis=-1, keepdims=True)
    var = jnp.mean((t - mean) ** 2, axis=-1, keepdims=True)
    t = (t - mean) * lax.rsqrt(var + EPS) * g + be
    return jnp.maximum(t, 0.0)


def _mid_body(sa_ref, sb_ref, u_ref, da_ref, db_ref, b_ref, g_ref, be_ref,
              w_ref, out_ref):
    h = _norm_relu(sa_ref[0], sb_ref[0], u_ref[...], da_ref[...],
                   db_ref[...], b_ref[...], g_ref[...], be_ref[...])
    dinv = lax.rsqrt(da_ref[...] + db_ref[...] + 1.0)
    out_ref[...] = jnp.dot(h, w_ref[...], preferred_element_type=jnp.float32) * dinv


_SA = pl.BlockSpec((1, _R, D), lambda i: (0, i, 0))
_SB = pl.BlockSpec((1, _R, D), lambda i: (1, i, 0))


def _mid_stage(s, u, da, db, b, g, be, w):
    vec = pl.BlockSpec((1, D), lambda i: (0, 0))
    row = pl.BlockSpec((_R, D), lambda i: (i, 0))
    col = pl.BlockSpec((_R, 1), lambda i: (i, 0))
    return pl.pallas_call(
        _mid_body,
        out_shape=jax.ShapeDtypeStruct((N, D), jnp.float32),
        grid=(N // _R,),
        in_specs=[_SA, _SB, row, col, col, vec, vec, vec,
                  pl.BlockSpec((D, D), lambda i: (0, 0))],
        out_specs=row,
    )(s, s, u, da, db, b, g, be, w)


def _final_body(sa_ref, sb_ref, u_ref, da_ref, db_ref, b_ref, g_ref, be_ref,
                out_ref):
    out_ref[...] = _norm_relu(sa_ref[0], sb_ref[0], u_ref[...], da_ref[...],
                              db_ref[...], b_ref[...], g_ref[...], be_ref[...])


def _final_stage(s, u, da, db, b, g, be):
    vec = pl.BlockSpec((1, D), lambda i: (0, 0))
    row = pl.BlockSpec((_R, D), lambda i: (i, 0))
    col = pl.BlockSpec((_R, 1), lambda i: (i, 0))
    return pl.pallas_call(
        _final_body,
        out_shape=jax.ShapeDtypeStruct((N, D), jnp.float32),
        grid=(N // _R,),
        in_specs=[_SA, _SB, row, col, col, vec, vec, vec],
        out_specs=row,
    )(s, s, u, da, db, b, g, be)




def kernel(x, edge_index, W0, b0, g0, be0, W1, b1, g1, be1):
    src = edge_index[0].astype(jnp.int32)
    dst = edge_index[1].astype(jnp.int32)
    pad_e = ROWS_E * CH - E
    pad_src_e = (jnp.arange(pad_e, dtype=jnp.int32) * 37) % N
    pad_dst_e = N + jnp.arange(pad_e, dtype=jnp.int32) % (NPE - N)
    src3d = jnp.concatenate([src, pad_src_e]).reshape(ROWS_E, CH)
    dst3d = jnp.concatenate([dst, pad_dst_e]).reshape(ROWS_E, CH)
    zeros2d = jnp.zeros((NPE, D), jnp.float32)
    zeros1d = jnp.zeros((NPE,), jnp.float32)
    ones_ch = jnp.ones((CH,), jnp.float32)

    degs = _deg_pass(dst3d, zeros1d, ones_ch)
    da = degs[0, :N][:, None]
    db = degs[1, :N][:, None]

    b0r, g0r, be0r = b0.reshape(1, D), g0.reshape(1, D), be0.reshape(1, D)
    b1r, g1r, be1r = b1.reshape(1, D), g1.reshape(1, D), be1.reshape(1, D)

    u0 = _mm_scale(x, W0, da, db)
    s0 = _edge_pass(u0, src3d, dst3d, zeros2d)
    u1 = _mid_stage(s0, u0, da, db, b0r, g0r, be0r, W1)
    s1 = _edge_pass(u1, src3d, dst3d, zeros2d)
    return _final_stage(s1, u1, da, db, b1r, g1r, be1r)

# --- scband reference (transcript-rebuilt; emitter-appended) ---
"""Pipeline reference for scband-graph-processor-22342419874156 (READ-ONLY COPY).

The authoritative reference and input builder live on the scoring server;
editing this copy changes nothing except your own understanding.
"""

import jax, jax.numpy as jnp
import numpy as np

N = 10000
D = 128
E = 320000
EPS = 1e-5


def layer_norm(x, g, b):
    mean = jnp.mean(x, axis=-1, keepdims=True)
    var = jnp.mean((x - mean) ** 2, axis=-1, keepdims=True)
    return (x - mean) / jnp.sqrt(var + EPS) * g + b


def setup_inputs(seed: int = 0) -> dict:
    key = jax.random.key(seed)
    ks = jax.random.split(key, 4)
    x = jax.random.normal(ks[0], (N, D), dtype=jnp.float32)
    edge_index = jax.random.randint(ks[1], (2, E), 0, N)
    scale = 1.0 / np.sqrt(D)
    W0 = jax.random.normal(ks[2], (D, D), dtype=jnp.float32) * scale
    W1 = jax.random.normal(ks[3], (D, D), dtype=jnp.float32) * scale
    b0 = jnp.zeros((D,), jnp.float32)
    b1 = jnp.zeros((D,), jnp.float32)
    g0 = jnp.ones((D,), jnp.float32)
    g1 = jnp.ones((D,), jnp.float32)
    be0 = jnp.zeros((D,), jnp.float32)
    be1 = jnp.zeros((D,), jnp.float32)
    return {"x": x, "edge_index": edge_index, "W0": W0, "b0": b0, "g0": g0, "be0": be0, "W1": W1, "b1": b1, "g1": g1, "be1": be1}


def reference(x, edge_index, W0, b0, g0, be0, W1, b1, g1, be1):
    # GCNConv with added self-loops and symmetric D^{-1/2} A D^{-1/2} normalization
    loop = jnp.arange(N, dtype=edge_index.dtype)
    src = jnp.concatenate([edge_index[0], loop])
    dst = jnp.concatenate([edge_index[1], loop])
    deg = jnp.zeros((N,), x.dtype).at[dst].add(1.0)
    dinv = jnp.where(deg > 0, 1.0 / jnp.sqrt(deg), 0.0)
    norm = dinv[src] * dinv[dst]
    h = x
    for W, b, g, be in ((W0, b0, g0, be0), (W1, b1, g1, be1)):
        t = h @ W
        msg = t[src] * norm[:, None]
        t = jnp.zeros((N, D), t.dtype).at[dst].add(msg) + b
        t = layer_norm(t, g, be)
        h = jax.nn.relu(t)
        # dropout (p=0.1) is identity in eval mode
    return h

if __name__ == "__main__":
    import jax
    _d = setup_inputs()
    print(jax.jit(kernel)(*tuple(_d.values())))

</pallas_src>

<mosaic_0001>
#map = affine_map<(d0, d1) -> (0, 0)>
#map1 = affine_map<(d0, d1) -> (0)>
module attributes {stable_mosaic.version = 14 : i64} {
  func.func @_deg_pass(%arg0: i32, %arg1: i32, %arg2: memref<5184x64xi32, #tpu.memory_space<hbm>>, %arg3: memref<10112xf32, #tpu.memory_space<hbm>>, %arg4: memref<64xf32, #tpu.memory_space<hbm>>, %arg5: memref<2x10112xf32, #tpu.memory_space<hbm>>, %arg6: memref<162x64xi32, #tpu.memory_space<vmem>>, %arg7: memref<64xf32, #tpu.memory_space<vmem>>, %arg8: memref<10112xf32, #tpu.memory_space<vmem_shared>>) attributes {dimension_semantics = [#tpu.dimension_semantics<core_parallel>, #tpu.dimension_semantics<subcore_parallel>], iteration_bounds = array<i64: 2, 16>, scalar_prefetch = 0 : i64, scratch_operands = 3 : i64, tpu.core_type = #tpu.core_type<sc_vector_subcore>, window_params = [{transform_indices = #map}, {transform_indices = #map1}, {transform_indices = #map1}, {transform_indices = #map}]} {
    %mul3A = arith.constant 16 : i32
    %mul3A_0 = arith.muli %arg0, %mul3A : i32
    %add3A = arith.addi %mul3A_0, %arg1 : i32
    %mul3A_1 = arith.constant 632 : i32
    %mul3A_2 = arith.muli %arg1, %mul3A_1 : i32
    %mul3A_3 = arith.constant 632 : i32
    %mul3A_4 = arith.muli %arg1, %mul3A_3 : i32
    "tpu.region"() ({
      %run_scoped3A = tpu.sem_alloc : memref<!tpu.dma_semaphore, #tpu.memory_space<semaphore_mem>>
      %dma_start3A = tpu.memref_slice %arg8[%mul3A_4] : memref<10112xf32, #tpu.memory_space<vmem_shared>> -> memref<632xf32, #tpu.memory_space<vmem_shared>>
      %dma_start3A_17 = tpu.memref_slice %arg3[%mul3A_2] : memref<10112xf32, #tpu.memory_space<hbm>> -> memref<632xf32, #tpu.memory_space<hbm>>
      tpu.enqueue_dma source(%dma_start3A_17 : memref<632xf32, #tpu.memory_space<hbm>>) target(%dma_start3A : memref<632xf32, #tpu.memory_space<vmem_shared>>) target_semaphore(%run_scoped3A : memref<!tpu.dma_semaphore, #tpu.memory_space<semaphore_mem>>)
      %dma_wait3A = tpu.memref_slice %arg8[%mul3A_4] : memref<10112xf32, #tpu.memory_space<vmem_shared>> -> memref<632xf32, #tpu.memory_space<vmem_shared>>
      %dma_wait3A_18 = tpu.memref_slice %arg3[%mul3A_2] : memref<10112xf32, #tpu.memory_space<hbm>> -> memref<632xf32, #tpu.memory_space<hbm>>
      tpu.wait_dma2 semaphore(%run_scoped3A : memref<!tpu.dma_semaphore, #tpu.memory_space<semaphore_mem>>) src(%dma_wait3A_18 : memref<632xf32, #tpu.memory_space<hbm>>) dst(%dma_wait3A : memref<632xf32, #tpu.memory_space<vmem_shared>>)
      tpu.yield
    }) : () -> ()
    "tpu.region"() ({
      %run_scoped3A = tpu.sem_alloc : memref<!tpu.dma_semaphore, #tpu.memory_space<semaphore_mem>>
      tpu.enqueue_dma source(%arg4 : memref<64xf32, #tpu.memory_space<hbm>>) target(%arg7 : memref<64xf32, #tpu.memory_space<vmem>>) target_semaphore(%run_scoped3A : memref<!tpu.dma_semaphore, #tpu.memory_space<semaphore_mem>>)
      tpu.wait_dma2 semaphore(%run_scoped3A : memref<!tpu.dma_semaphore, #tpu.memory_space<semaphore_mem>>) src(%arg4 : memref<64xf32, #tpu.memory_space<hbm>>) dst(%arg7 : memref<64xf32, #tpu.memory_space<vmem>>)
      tpu.yield
    }) : () -> ()
    %mul3A_5 = arith.constant 162 : i32
    %mul3A_6 = arith.muli %add3A, %mul3A_5 : i32
    "tpu.region"() ({
      %run_scoped3A = tpu.sem_alloc : memref<!tpu.dma_semaphore, #tpu.memory_space<semaphore_mem>>
      %dma_start3A = arith.constant 0 : i32
      %dma_start3A_17 = tpu.memref_slice %arg2[%mul3A_6, %dma_start3A] : memref<5184x64xi32, #tpu.memory_space<hbm>> -> memref<162x64xi32, #tpu.memory_space<hbm>>
      %dma_start3A_18 = arith.constant 0 : i32
      %dma_start3A_19 = tpu.memref_slice %arg2[%mul3A_6, %dma_start3A_18] : memref<5184x64xi32, #tpu.memory_space<hbm>> -> memref<162x64xi32, #tpu.memory_space<hbm>>
      tpu.enqueue_dma source(%dma_start3A_19 : memref<162x64xi32, #tpu.memory_space<hbm>>) target(%arg6 : memref<162x64xi32, #tpu.memory_space<vmem>>) target_semaphore(%run_scoped3A : memref<!tpu.dma_semaphore, #tpu.memory_space<semaphore_mem>>)
      %dma_wait3A = arith.constant 0 : i32
      %dma_wait3A_20 = tpu.memref_slice %arg2[%mul3A_6, %dma_wait3A] : memref<5184x64xi32, #tpu.memory_space<hbm>> -> memref<162x64xi32, #tpu.memory_space<hbm>>
      %dma_wait3A_21 = arith.constant 0 : i32
      %dma_wait3A_22 = tpu.memref_slice %arg2[%mul3A_6, %dma_wait3A_21] : memref<5184x64xi32, #tpu.memory_space<hbm>> -> memref<162x64xi32, #tpu.memory_space<hbm>>
      tpu.wait_dma2 semaphore(%run_scoped3A : memref<!tpu.dma_semaphore, #tpu.memory_space<semaphore_mem>>) src(%dma_wait3A_22 : memref<162x64xi32, #tpu.memory_space<hbm>>) dst(%arg6 : memref<162x64xi32, #tpu.memory_space<vmem>>)
      tpu.yield
    }) : () -> ()
    %barrier3A = arith.constant 0 : index
    tpu.barrier barrier_id(%barrier3A)
    %scan3A = arith.constant 0 : i32
    %scan3A_7 = arith.constant 0 : i32
    %scan3A_8 = arith.constant 162 : i32
    %scan3A_9 = arith.addi %scan3A_7, %scan3A_8 : i32
    %scan3A_10 = arith.constant 1 : i32
    scf.for %scan3A_17 = %scan3A_7 to %scan3A_9 step %scan3A_10  : i32 {
      "tpu.region"() ({
        %run_scoped3A = tpu.sem_alloc : memref<!tpu.dma_semaphore, #tpu.memory_space<semaphore_mem>>
        %dma_start3A = arith.constant 0 : i32
        %dma_start3A_18 = tpu.memref_slice %arg6[%scan3A_17, %dma_start3A] : memref<162x64xi32, #tpu.memory_space<vmem>> -> memref<1x64xi32, #tpu.memory_space<vmem>>
        %dma_start3A_19 = tpu.memref_squeeze %dma_start3A_18 : memref<1x64xi32, #tpu.memory_space<vmem>> -> memref<64xi32, #tpu.memory_space<vmem>>
        %dma_start3A_20 = arith.constant 0 : i32
        %dma_start3A_21 = tpu.memref_slice %arg8[%dma_start3A_20] : memref<10112xf32, #tpu.memory_space<vmem_shared>> -> memref<10112xf32, #tpu.memory_space<vmem_shared>>
        tpu.enqueue_indirect_dma source(%arg7 : memref<64xf32, #tpu.memory_space<vmem>>) target(%dma_start3A_21 : memref<10112xf32, #tpu.memory_space<vmem_shared>>) offsets(%dma_start3A_19 : memref<64xi32, #tpu.memory_space<vmem>>) semaphore(%run_scoped3A : memref<!tpu.dma_semaphore, #tpu.memory_space<semaphore_mem>>) {add = true}
        %dma_wait3A = arith.constant 0 : i32
        %dma_wait3A_22 = tpu.memref_slice %arg6[%scan3A_17, %dma_wait3A] : memref<162x64xi32, #tpu.memory_space<vmem>> -> memref<1x64xi32, #tpu.memory_space<vmem>>
        %dma_wait3A_23 = tpu.memref_squeeze %dma_wait3A_22 : memref<1x64xi32, #tpu.memory_space<vmem>> -> memref<64xi32, #tpu.memory_space<vmem>>
        %dma_wait3A_24 = arith.constant 0 : i32
        %dma_wait3A_25 = tpu.memref_slice %arg8[%dma_wait3A_24] : memref<10112xf32, #tpu.memory_space<vmem_shared>> -> memref<10112xf32, #tpu.memory_space<vmem_shared>>
        tpu.wait_indirect_dma semaphore(%run_scoped3A : memref<!tpu.dma_semaphore, #tpu.memory_space<semaphore_mem>>) src(%arg7 : memref<64xf32, #tpu.memory_space<vmem>>) dst(%dma_wait3A_25 : memref<10112xf32, #tpu.memory_space<vmem_shared>>)
        tpu.yield
      }) : () -> ()
    }
    %scan3A_11 = arith.constant 162 : i32
    %barrier3A_12 = arith.constant 0 : index
    tpu.barrier barrier_id(%barrier3A_12)
    %mul3A_13 = arith.constant 632 : i32
    %mul3A_14 = arith.muli %arg1, %mul3A_13 : i32
    %mul3A_15 = arith.constant 632 : i32
    %mul3A_16 = arith.muli %arg1, %mul3A_15 : i32
    "tpu.region"() ({
      %run_scoped3A = tpu.sem_alloc : memref<!tpu.dma_semaphore, #tpu.memory_space<semaphore_mem>>
      %dma_start3A = tpu.memref_slice %arg5[%arg0, %mul3A_16] : memref<2x10112xf32, #tpu.memory_space<hbm>> -> memref<1x632xf32, #tpu.memory_space<hbm>>
      %dma_start3A_17 = tpu.memref_squeeze %dma_start3A : memref<1x632xf32, #tpu.memory_space<hbm>> -> memref<632xf32, #tpu.memory_space<hbm>>
      %dma_start3A_18 = tpu.memref_slice %arg8[%mul3A_14] : memref<10112xf32, #tpu.memory_space<vmem_shared>> -> memref<632xf32, #tpu.memory_space<vmem_shared>>
      tpu.enqueue_dma source(%dma_start3A_18 : memref<632xf32, #tpu.memory_space<vmem_shared>>) target(%dma_start3A_17 : memref<632xf32, #tpu.memory_space<hbm>>) target_semaphore(%run_scoped3A : memref<!tpu.dma_semaphore, #tpu.memory_space<semaphore_mem>>)
      %dma_wait3A = tpu.memref_slice %arg5[%arg0, %mul3A_16] : memref<2x10112xf32, #tpu.memory_space<hbm>> -> memref<1x632xf32, #tpu.memory_space<hbm>>
      %dma_wait3A_19 = tpu.memref_squeeze %dma_wait3A : memref<1x632xf32, #tpu.memory_space<hbm>> -> memref<632xf32, #tpu.memory_space<hbm>>
      %dma_wait3A_20 = tpu.memref_slice %arg8[%mul3A_14] : memref<10112xf32, #tpu.memory_space<vmem_shared>> -> memref<632xf32, #tpu.memory_space<vmem_shared>>
      tpu.wait_dma2 semaphore(%run_scoped3A : memref<!tpu.dma_semaphore, #tpu.memory_space<semaphore_mem>>) src(%dma_wait3A_20 : memref<632xf32, #tpu.memory_space<vmem_shared>>) dst(%dma_wait3A_19 : memref<632xf32, #tpu.memory_space<hbm>>)
      tpu.yield
    }) : () -> ()
    return
  }
}

#map = affine_map<(d0, d1) -> (0, 0)>
#map1 = affine_map<(d0, d1) -> (0, 0, 0)>
module attributes {stable_mosaic.version = 14 : i64} {
  func.func @_edge_pass(%arg0: i32, %arg1: i32, %arg2: memref<10000x128xf32, #tpu.memory_space<hbm>>, %arg3: memref<5184x64xi32, #tpu.memory_space<hbm>>, %arg4: memref<5184x64xi32, #tpu.memory_space<hbm>>, %arg5: memref<10112x128xf32, #tpu.memory_space<hbm>>, %arg6: memref<2x10112x128xf32, #tpu.memory_space<hbm>>, %arg7: memref<64xi32, #tpu.memory_space<vmem>>, %arg8: memref<64xi32, #tpu.memory_space<vmem>>, %arg9: memref<64xi32, #tpu.memory_space<vmem>>, %arg10: memref<64xi32, #tpu.memory_space<vmem>>, %arg11: memref<64xi32, #tpu.memory_space<vmem>>, %arg12: memref<64xi32, #tpu.memory_space<vmem>>, %arg13: memref<64xi32, #tpu.memory_space<vmem>>, %arg14: memref<64xi32, #tpu.memory_space<vmem>>, %arg15: memref<64xi32, #tpu.memory_space<vmem>>, %arg16: memref<64xi32, #tpu.memory_space<vmem>>, %arg17: memref<64xi32, #tpu.memory_space<vmem>>, %arg18: memref<64xi32, #tpu.memory_space<vmem>>, %arg19: memref<64x128xf32, #tpu.memory_space<vmem>>, %arg20: memref<64x128xf32, #tpu.memory_space<vmem>>, %arg21: memref<64x128xf32, #tpu.memory_space<vmem>>, %arg22: memref<64x128xf32, #tpu.memory_space<vmem>>, %arg23: memref<64x128xf32, #tpu.memory_space<vmem>>, %arg24: memref<64x128xf32, #tpu.memory_space<vmem>>, %arg25: memref<10112x128xf32, #tpu.memory_space<vmem_shared>>, %arg26: memref<!tpu.dma_semaphore, #tpu.memory_space<semaphore_mem>>, %arg27: memref<!tpu.dma_semaphore, #tpu.memory_space<semaphore_mem>>, %arg28: memref<!tpu.dma_semaphore, #tpu.memory_space<semaphore_mem>>, %arg29: memref<!tpu.dma_semaphore, #tpu.memory_space<semaphore_mem>>, %arg30: memref<!tpu.dma_semaphore, #tpu.memory_space<semaphore_mem>>, %arg31: memref<!tpu.dma_semaphore, #tpu.memory_space<semaphore_mem>>, %arg32: memref<!tpu.dma_semaphore, #tpu.memory_space<semaphore_mem>>, %arg33: memref<!tpu.dma_semaphore, #tpu.memory_space<semaphore_mem>>, %arg34: memref<!tpu.dma_semaphore, #tpu.memory_space<semaphore_mem>>, %arg35: memref<!tpu.dma_semaphore, #tpu.memory_space<semaphore_mem>>, %arg36: memref<!tpu.dma_semaphore, #tpu.memory_space<semaphore_mem>>, %arg37: memref<!tpu.dma_semaphore, #tpu.memory_space<semaphore_mem>>, %arg38: memref<!tpu.dma_semaphore, #tpu.memory_space<semaphore_mem>>, %arg39: memref<!tpu.dma_semaphore, #tpu.memory_space<semaphore_mem>>, %arg40: memref<!tpu.dma_semaphore, #tpu.memory_space<semaphore_mem>>, %arg41: memref<!tpu.dma_semaphore, #tpu.memory_space<semaphore_mem>>, %arg42: memref<!tpu.dma_semaphore, #tpu.memory_space<semaphore_mem>>, %arg43: memref<!tpu.dma_semaphore, #tpu.memory_space<semaphore_mem>>, %arg44: memref<!tpu.dma_semaphore, #tpu.memory_space<semaphore_mem>>, %arg45: memref<!tpu.dma_semaphore, #tpu.memory_space<semaphore_mem>>, %arg46: memref<!tpu.dma_semaphore, #tpu.memory_space<semaphore_mem>>, %arg47: memref<!tpu.dma_semaphore, #tpu.memory_space<semaphore_mem>>, %arg48: memref<!tpu.dma_semaphore, #tpu.memory_space<semaphore_mem>>, %arg49: memref<!tpu.dma_semaphore, #tpu.memory_space<semaphore_mem>>) attributes {dimension_semantics = [#tpu.dimension_semantics<core_parallel>, #tpu.dimension_semantics<subcore_parallel>], iteration_bounds = array<i64: 2, 16>, scalar_prefetch = 0 : i64, scratch_operands = 43 : i64, tpu.core_type = #tpu.core_type<sc_vector_subcore>, window_params = [{transform_indices = #map}, {transform_indices = #map}, {transform_indices = #map}, {transform_indices = #map}, {transform_indices = #map1}]} {
    %mul3A = arith.constant 16 : i32
    %mul3A_0 = arith.muli %arg0, %mul3A : i32
    %add3A = arith.addi %mul3A_0, %arg1 : i32
    %mul3A_1 = arith.constant 632 : i32
    %mul3A_2 = arith.muli %arg1, %mul3A_1 : i32
    %mul3A_3 = arith.constant 632 : i32
    %mul3A_4 = arith.muli %arg1, %mul3A_3 : i32
    "tpu.region"() ({
      %run_scoped3A = tpu.sem_alloc : memref<!tpu.dma_semaphore, #tpu.memory_space<semaphore_mem>>
      %dma_start3A_325 = arith.constant 0 : i32
      %dma_start3A_326 = tpu.memref_slice %arg25[%mul3A_4, %dma_start3A_325] : memref<10112x128xf32, #tpu.memory_space<vmem_shared>> -> memref<632x128xf32, #tpu.memory_space<vmem_shared>>
      %dma_start3A_327 = arith.constant 0 : i32
      %dma_start3A_328 = tpu.memref_slice %arg5[%mul3A_2, %dma_start3A_327] : memref<10112x128xf32, #tpu.memory_space<hbm>> -> memref<632x128xf32, #tpu.memory_space<hbm>>
      tpu.enqueue_dma source(%dma_start3A_328 : memref<632x128xf32, #tpu.memory_space<hbm>>) target(%dma_start3A_326 : memref<632x128xf32, #tpu.memory_space<vmem_shared>>) target_semaphore(%run_scoped3A : memref<!tpu.dma_semaphore, #tpu.memory_space<semaphore_mem>>)
      %dma_wait3A_329 = arith.constant 0 : i32
      %dma_wait3A_330 = tpu.memref_slice %arg25[%mul3A_4, %dma_wait3A_329] : memref<10112x128xf32, #tpu.memory_space<vmem_shared>> -> memref<632x128xf32, #tpu.memory_space<vmem_shared>>
      %dma_wait3A_331 = arith.constant 0 : i32
      %dma_wait3A_332 = tpu.memref_slice %arg5[%mul3A_2, %dma_wait3A_331] : memref<10112x128xf32, #tpu.memory_space<hbm>> -> memref<632x128xf32, #tpu.memory_space<hbm>>
      tpu.wait_dma2 semaphore(%run_scoped3A : memref<!tpu.dma_semaphore, #tpu.memory_space<semaphore_mem>>) src(%dma_wait3A_332 : memref<632x128xf32, #tpu.memory_space<hbm>>) dst(%dma_wait3A_330 : memref<632x128xf32, #tpu.memory_space<vmem_shared>>)
      tpu.yield
    }) : () -> ()
    %barrier3A = arith.constant 0 : index
    tpu.barrier barrier_id(%barrier3A)
    %mul3A_5 = arith.constant 162 : i32
    %mul3A_6 = arith.muli %add3A, %mul3A_5 : i32
    %add3A_7 = arith.constant 0 : i32
    %add3A_8 = arith.addi %mul3A_6, %add3A_7 : i32
    %dma_start3A = arith.constant 0 : i32
    %dma_start3A_9 = tpu.memref_slice %arg3[%add3A_8, %dma_start3A] : memref<5184x64xi32, #tpu.memory_space<hbm>> -> memref<1x64xi32, #tpu.memory_space<hbm>>
    %dma_start3A_10 = tpu.memref_squeeze %dma_start3A_9 : memref<1x64xi32, #tpu.memory_space<hbm>> -> memref<64xi32, #tpu.memory_space<hbm>>
    %dma_start3A_11 = arith.constant 0 : i32
    %dma_start3A_12 = tpu.memref_slice %arg3[%add3A_8, %dma_start3A_11] : memref<5184x64xi32, #tpu.memory_space<hbm>> -> memref<1x64xi32, #tpu.memory_space<hbm>>
    %dma_start3A_13 = tpu.memref_squeeze %dma_start3A_12 : memref<1x64xi32, #tpu.memory_space<hbm>> -> memref<64xi32, #tpu.memory_space<hbm>>
    tpu.enqueue_dma source(%dma_start3A_13 : memref<64xi32, #tpu.memory_space<hbm>>) target(%arg7 : memref<64xi32, #tpu.memory_space<vmem>>) target_semaphore(%arg26 : memref<!tpu.dma_semaphore, #tpu.memory_space<semaphore_mem>>)
    %mul3A_14 = arith.constant 162 : i32
    %mul3A_15 = arith.muli %add3A, %mul3A_14 : i32
    %add3A_16 = arith.constant 0 : i32
    %add3A_17 = arith.addi %mul3A_15, %add3A_16 : i32
    %dma_start3A_18 = arith.constant 0 : i32
    %dma_start3A_19 = tpu.memref_slice %arg4[%add3A_17, %dma_start3A_18] : memref<5184x64xi32, #tpu.memory_space<hbm>> -> memref<1x64xi32, #tpu.memory_space<hbm>>
    %dma_start3A_20 = tpu.memref_squeeze %dma_start3A_19 : memref<1x64xi32, #tpu.memory_space<hbm>> -> memref<64xi32, #tpu.memory_space<hbm>>
    %dma_start3A_21 = arith.constant 0 : i32
    %dma_start3A_22 = tpu.memref_slice %arg4[%add3A_17, %dma_start3A_21] : memref<5184x64xi32, #tpu.memory_space<hbm>> -> memref<1x64xi32, #tpu.memory_space<hbm>>
    %dma_start3A_23 = tpu.memref_squeeze %dma_start3A_22 : memref<1x64xi32, #tpu.memory_space<hbm>> -> memref<64xi32, #tpu.memory_space<hbm>>
    tpu.enqueue_dma source(%dma_start3A_23 : memref<64xi32, #tpu.memory_space<hbm>>) target(%arg13 : memref<64xi32, #tpu.memory_space<vmem>>) target_semaphore(%arg32 : memref<!tpu.dma_semaphore, #tpu.memory_space<semaphore_mem>>)
    %mul3A_24 = arith.constant 162 : i32
    %mul3A_25 = arith.muli %add3A, %mul3A_24 : i32
    %add3A_26 = arith.constant 1 : i32
    %add3A_27 = arith.addi %mul3A_25, %add3A_26 : i32
    %dma_start3A_28 = arith.constant 0 : i32
    %dma_start3A_29 = tpu.memref_slice %arg3[%add3A_27, %dma_start3A_28] : memref<5184x64xi32, #tpu.memory_space<hbm>> -> memref<1x64xi32, #tpu.memory_space<hbm>>
    %dma_start3A_30 = tpu.memref_squeeze %dma_start3A_29 : memref<1x64xi32, #tpu.memory_space<hbm>> -> memref<64xi32, #tpu.memory_space<hbm>>
    %dma_start3A_31 = arith.constant 0 : i32
    %dma_start3A_32 = tpu.memref_slice %arg3[%add3A_27, %dma_start3A_31] : memref<5184x64xi32, #tpu.memory_space<hbm>> -> memref<1x64xi32, #tpu.memory_space<hbm>>
    %dma_start3A_33 = tpu.memref_squeeze %dma_start3A_32 : memref<1x64xi32, #tpu.memory_space<hbm>> -> memref<64xi32, #tpu.memory_space<hbm>>
    tpu.enqueue_dma source(%dma_start3A_33 : memref<64xi32, #tpu.memory_space<hbm>>) target(%arg8 : memref<64xi32, #tpu.memory_space<vmem>>) target_semaphore(%arg27 : memref<!tpu.dma_semaphore, #tpu.memory_space<semaphore_mem>>)
    %mul3A_34 = arith.constant 162 : i32
    %mul3A_35 = arith.muli %add3A, %mul3A_34 : i32
    %add3A_36 = arith.constant 1 : i32
    %add3A_37 = arith.addi %mul3A_35, %add3A_36 : i32
    %dma_start3A_38 = arith.constant 0 : i32
    %dma_start3A_39 = tpu.memref_slice %arg4[%add3A_37, %dma_start3A_38] : memref<5184x64xi32, #tpu.memory_space<hbm>> -> memref<1x64xi32, #tpu.memory_space<hbm>>
    %dma_start3A_40 = tpu.memref_squeeze %dma_start3A_39 : memref<1x64xi32, #tpu.memory_space<hbm>> -> memref<64xi32, #tpu.memory_space<hbm>>
    %dma_start3A_41 = arith.constant 0 : i32
    %dma_start3A_42 = tpu.memref_slice %arg4[%add3A_37, %dma_start3A_41] : memref<5184x64xi32, #tpu.memory_space<hbm>> -> memref<1x64xi32, #tpu.memory_space<hbm>>
    %dma_start3A_43 = tpu.memref_squeeze %dma_start3A_42 : memref<1x64xi32, #tpu.memory_space<hbm>> -> memref<64xi32, #tpu.memory_space<hbm>>
    tpu.enqueue_dma source(%dma_start3A_43 : memref<64xi32, #tpu.memory_space<hbm>>) target(%arg14 : memref<64xi32, #tpu.memory_space<vmem>>) target_semaphore(%arg33 : memref<!tpu.dma_semaphore, #tpu.memory_space<semaphore_mem>>)
    %mul3A_44 = arith.constant 162 : i32
    %mul3A_45 = arith.muli %add3A, %mul3A_44 : i32
    %add3A_46 = arith.constant 2 : i32
    %add3A_47 = arith.addi %mul3A_45, %add3A_46 : i32
    %dma_start3A_48 = arith.constant 0 : i32
    %dma_start3A_49 = tpu.memref_slice %arg3[%add3A_47, %dma_start3A_48] : memref<5184x64xi32, #tpu.memory_space<hbm>> -> memref<1x64xi32, #tpu.memory_space<hbm>>
    %dma_start3A_50 = tpu.memref_squeeze %dma_start3A_49 : memref<1x64xi32, #tpu.memory_space<hbm>> -> memref<64xi32, #tpu.memory_space<hbm>>
    %dma_start3A_51 = arith.constant 0 : i32
    %dma_start3A_52 = tpu.memref_slice %arg3[%add3A_47, %dma_start3A_51] : memref<5184x64xi32, #tpu.memory_space<hbm>> -> memref<1x64xi32, #tpu.memory_space<hbm>>
    %dma_start3A_53 = tpu.memref_squeeze %dma_start3A_52 : memref<1x64xi32, #tpu.memory_space<hbm>> -> memref<64xi32, #tpu.memory_space<hbm>>
    tpu.enqueue_dma source(%dma_start3A_53 : memref<64xi32, #tpu.memory_space<hbm>>) target(%arg9 : memref<64xi32, #tpu.memory_space<vmem>>) target_semaphore(%arg28 : memref<!tpu.dma_semaphore, #tpu.memory_space<semaphore_mem>>)
    %mul3A_54 = arith.constant 162 : i32
    %mul3A_55 = arith.muli %add3A, %mul3A_54 : i32
    %add3A_56 = arith.constant 2 : i32
    %add3A_57 = arith.addi %mul3A_55, %add3A_56 : i32
    %dma_start3A_58 = arith.constant 0 : i32
    %dma_start3A_59 = tpu.memref_slice %arg4[%add3A_57, %dma_start3A_58] : memref<5184x64xi32, #tpu.memory_space<hbm>> -> memref<1x64xi32, #tpu.memory_space<hbm>>
    %dma_start3A_60 = tpu.memref_squeeze %dma_start3A_59 : memref<1x64xi32, #tpu.memory_space<hbm>> -> memref<64xi32, #tpu.memory_space<hbm>>
    %dma_start3A_61 = arith.constant 0 : i32
    %dma_start3A_62 = tpu.memref_slice %arg4[%add3A_57, %dma_start3A_61] : memref<5184x64xi32, #tpu.memory_space<hbm>> -> memref<1x64xi32, #tpu.memory_space<hbm>>
    %dma_start3A_63 = tpu.memref_squeeze %dma_start3A_62 : memref<1x64xi32, #tpu.memory_space<hbm>> -> memref<64xi32, #tpu.memory_space<hbm>>
    tpu.enqueue_dma source(%dma_start3A_63 : memref<64xi32, #tpu.memory_space<hbm>>) target(%arg15 : memref<64xi32, #tpu.memory_space<vmem>>) target_semaphore(%arg34 : memref<!tpu.dma_semaphore, #tpu.memory_space<semaphore_mem>>)
    %mul3A_64 = arith.constant 162 : i32
    %mul3A_65 = arith.muli %add3A, %mul3A_64 : i32
    %add3A_66 = arith.constant 3 : i32
    %add3A_67 = arith.addi %mul3A_65, %add3A_66 : i32
    %dma_start3A_68 = arith.constant 0 : i32
    %dma_start3A_69 = tpu.memref_slice %arg3[%add3A_67, %dma_start3A_68] : memref<5184x64xi32, #tpu.memory_space<hbm>> -> memref<1x64xi32, #tpu.memory_space<hbm>>
    %dma_start3A_70 = tpu.memref_squeeze %dma_start3A_69 : memref<1x64xi32, #tpu.memory_space<hbm>> -> memref<64xi32, #tpu.memory_space<hbm>>
    %dma_start3A_71 = arith.constant 0 : i32
    %dma_start3A_72 = tpu.memref_slice %arg3[%add3A_67, %dma_start3A_71] : memref<5184x64xi32, #tpu.memory_space<hbm>> -> memref<1x64xi32, #tpu.memory_space<hbm>>
    %dma_start3A_73 = tpu.memref_squeeze %dma_start3A_72 : memref<1x64xi32, #tpu.memory_space<hbm>> -> memref<64xi32, #tpu.memory_space<hbm>>
    tpu.enqueue_dma source(%dma_start3A_73 : memref<64xi32, #tpu.memory_space<hbm>>) target(%arg10 : memref<64xi32, #tpu.memory_space<vmem>>) target_semaphore(%arg29 : memref<!tpu.dma_semaphore, #tpu.memory_space<semaphore_mem>>)
    %mul3A_74 = arith.constant 162 : i32
    %mul3A_75 = arith.muli %add3A, %mul3A_74 : i32
    %add3A_76 = arith.constant 3 : i32
    %add3A_77 = arith.addi %mul3A_75, %add3A_76 : i32
    %dma_start3A_78 = arith.constant 0 : i32
    %dma_start3A_79 = tpu.memref_slice %arg4[%add3A_77, %dma_start3A_78] : memref<5184x64xi32, #tpu.memory_space<hbm>> -> memref<1x64xi32, #tpu.memory_space<hbm>>
    %dma_start3A_80 = tpu.memref_squeeze %dma_start3A_79 : memref<1x64xi32, #tpu.memory_space<hbm>> -> memref<64xi32, #tpu.memory_space<hbm>>
    %dma_start3A_81 = arith.constant 0 : i32
    %dma_start3A_82 = tpu.memref_slice %arg4[%add3A_77, %dma_start3A_81] : memref<5184x64xi32, #tpu.memory_space<hbm>> -> memref<1x64xi32, #tpu.memory_space<hbm>>
    %dma_start3A_83 = tpu.memref_squeeze %dma_start3A_82 : memref<1x64xi32, #tpu.memory_space<hbm>> -> memref<64xi32, #tpu.memory_space<hbm>>
    tpu.enqueue_dma source(%dma_start3A_83 : memref<64xi32, #tpu.memory_space<hbm>>) target(%arg16 : memref<64xi32, #tpu.memory_space<vmem>>) target_semaphore(%arg35 : memref<!tpu.dma_semaphore, #tpu.memory_space<semaphore_mem>>)
    %mul3A_84 = arith.constant 162 : i32
    %mul3A_85 = arith.muli %add3A, %mul3A_84 : i32
    %add3A_86 = arith.constant 4 : i32
    %add3A_87 = arith.addi %mul3A_85, %add3A_86 : i32
    %dma_start3A_88 = arith.constant 0 : i32
    %dma_start3A_89 = tpu.memref_slice %arg3[%add3A_87, %dma_start3A_88] : memref<5184x64xi32, #tpu.memory_space<hbm>> -> memref<1x64xi32, #tpu.memory_space<hbm>>
    %dma_start3A_90 = tpu.memref_squeeze %dma_start3A_89 : memref<1x64xi32, #tpu.memory_space<hbm>> -> memref<64xi32, #tpu.memory_space<hbm>>
    %dma_start3A_91 = arith.constant 0 : i32
    %dma_start3A_92 = tpu.memref_slice %arg3[%add3A_87, %dma_start3A_91] : memref<5184x64xi32, #tpu.memory_space<hbm>> -> memref<1x64xi32, #tpu.memory_space<hbm>>
    %dma_start3A_93 = tpu.memref_squeeze %dma_start3A_92 : memref<1x64xi32, #tpu.memory_space<hbm>> -> memref<64xi32, #tpu.memory_space<hbm>>
    tpu.enqueue_dma source(%dma_start3A_93 : memref<64xi32, #tpu.memory_space<hbm>>) target(%arg11 : memref<64xi32, #tpu.memory_space<vmem>>) target_semaphore(%arg30 : memref<!tpu.dma_semaphore, #tpu.memory_space<semaphore_mem>>)
    %mul3A_94 = arith.constant 162 : i32
    %mul3A_95 = arith.muli %add3A, %mul3A_94 : i32
    %add3A_96 = arith.constant 4 : i32
    %add3A_97 = arith.addi %mul3A_95, %add3A_96 : i32
    %dma_start3A_98 = arith.constant 0 : i32
    %dma_start3A_99 = tpu.memref_slice %arg4[%add3A_97, %dma_start3A_98] : memref<5184x64xi32, #tpu.memory_space<hbm>> -> memref<1x64xi32, #tpu.memory_space<hbm>>
    %dma_start3A_100 = tpu.memref_squeeze %dma_start3A_99 : memref<1x64xi32, #tpu.memory_space<hbm>> -> memref<64xi32, #tpu.memory_space<hbm>>
    %dma_start3A_101 = arith.constant 0 : i32
    %dma_start3A_102 = tpu.memref_slice %arg4[%add3A_97, %dma_start3A_101] : memref<5184x64xi32, #tpu.memory_space<hbm>> -> memref<1x64xi32, #tpu.memory_space<hbm>>
    %dma_start3A_103 = tpu.memref_squeeze %dma_start3A_102 : memref<1x64xi32, #tpu.memory_space<hbm>> -> memref<64xi32, #tpu.memory_space<hbm>>
    tpu.enqueue_dma source(%dma_start3A_103 : memref<64xi32, #tpu.memory_space<hbm>>) target(%arg17 : memref<64xi32, #tpu.memory_space<vmem>>) target_semaphore(%arg36 : memref<!tpu.dma_semaphore, #tpu.memory_space<semaphore_mem>>)
    %mul3A_104 = arith.constant 162 : i32
    %mul3A_105 = arith.muli %add3A, %mul3A_104 : i32
    %add3A_106 = arith.constant 5 : i32
    %add3A_107 = arith.addi %mul3A_105, %add3A_106 : i32
    %dma_start3A_108 = arith.constant 0 : i32
    %dma_start3A_109 = tpu.memref_slice %arg3[%add3A_107, %dma_start3A_108] : memref<5184x64xi32, #tpu.memory_space<hbm>> -> memref<1x64xi32, #tpu.memory_space<hbm>>
    %dma_start3A_110 = tpu.memref_squeeze %dma_start3A_109 : memref<1x64xi32, #tpu.memory_space<hbm>> -> memref<64xi32, #tpu.memory_space<hbm>>
    %dma_start3A_111 = arith.constant 0 : i32
    %dma_start3A_112 = tpu.memref_slice %arg3[%add3A_107, %dma_start3A_111] : memref<5184x64xi32, #tpu.memory_space<hbm>> -> memref<1x64xi32, #tpu.memory_space<hbm>>
    %dma_start3A_113 = tpu.memref_squeeze %dma_start3A_112 : memref<1x64xi32, #tpu.memory_space<hbm>> -> memref<64xi32, #tpu.memory_space<hbm>>
    tpu.enqueue_dma source(%dma_start3A_113 : memref<64xi32, #tpu.memory_space<hbm>>) target(%arg12 : memref<64xi32, #tpu.memory_space<vmem>>) target_semaphore(%arg31 : memref<!tpu.dma_semaphore, #tpu.memory_space<semaphore_mem>>)
    %mul3A_114 = arith.constant 162 : i32
    %mul3A_115 = arith.muli %add3A, %mul3A_114 : i32
    %add3A_116 = arith.constant 5 : i32
    %add3A_117 = arith.addi %mul3A_115, %add3A_116 : i32
    %dma_start3A_118 = arith.constant 0 : i32
    %dma_start3A_119 = tpu.memref_slice %arg4[%add3A_117, %dma_start3A_118] : memref<5184x64xi32, #tpu.memory_space<hbm>> -> memref<1x64xi32, #tpu.memory_space<hbm>>
    %dma_start3A_120 = tpu.memref_squeeze %dma_start3A_119 : memref<1x64xi32, #tpu.memory_space<hbm>> -> memref<64xi32, #tpu.memory_space<hbm>>
    %dma_start3A_121 = arith.constant 0 : i32
    %dma_start3A_122 = tpu.memref_slice %arg4[%add3A_117, %dma_start3A_121] : memref<5184x64xi32, #tpu.memory_space<hbm>> -> memref<1x64xi32, #tpu.memory_space<hbm>>
    %dma_start3A_123 = tpu.memref_squeeze %dma_start3A_122 : memref<1x64xi32, #tpu.memory_space<hbm>> -> memref<64xi32, #tpu.memory_space<hbm>>
    tpu.enqueue_dma source(%dma_start3A_123 : memref<64xi32, #tpu.memory_space<hbm>>) target(%arg18 : memref<64xi32, #tpu.memory_space<vmem>>) target_semaphore(%arg37 : memref<!tpu.dma_semaphore, #tpu.memory_space<semaphore_mem>>)
    %mul3A_124 = arith.constant 162 : i32
    %mul3A_125 = arith.muli %add3A, %mul3A_124 : i32
    %add3A_126 = arith.constant 0 : i32
    %add3A_127 = arith.addi %mul3A_125, %add3A_126 : i32
    %dma_wait3A = arith.constant 0 : i32
    %dma_wait3A_128 = tpu.memref_slice %arg3[%add3A_127, %dma_wait3A] : memref<5184x64xi32, #tpu.memory_space<hbm>> -> memref<1x64xi32, #tpu.memory_space<hbm>>
    %dma_wait3A_129 = tpu.memref_squeeze %dma_wait3A_128 : memref<1x64xi32, #tpu.memory_space<hbm>> -> memref<64xi32, #tpu.memory_space<hbm>>
    %dma_wait3A_130 = arith.constant 0 : i32
    %dma_wait3A_131 = tpu.memref_slice %arg3[%add3A_127, %dma_wait3A_130] : memref<5184x64xi32, #tpu.memory_space<hbm>> -> memref<1x64xi32, #tpu.memory_space<hbm>>
    %dma_wait3A_132 = tpu.memref_squeeze %dma_wait3A_131 : memref<1x64xi32, #tpu.memory_space<hbm>> -> memref<64xi32, #tpu.memory_space<hbm>>
    tpu.wait_dma2 semaphore(%arg26 : memref<!tpu.dma_semaphore, #tpu.memory_space<semaphore_mem>>) src(%dma_wait3A_132 : memref<64xi32, #tpu.memory_space<hbm>>) dst(%arg7 : memref<64xi32, #tpu.memory_space<vmem>>)
    %dma_start3A_133 = arith.constant 0 : i32
    %dma_start3A_134 = arith.constant 0 : i32
    %dma_start3A_135 = tpu.memref_slice %arg2[%dma_start3A_133, %dma_start3A_134] : memref<10000x128xf32, #tpu.memory_space<hbm>> -> memref<10000x128xf32, #tpu.memory_space<hbm>>
    tpu.enqueue_indirect_dma source(%dma_start3A_135 : memref<10000x128xf32, #tpu.memory_space<hbm>>) target(%arg19 : memref<64x128xf32, #tpu.memory_space<vmem>>) offsets(%arg7 : memref<64xi32, #tpu.memory_space<vmem>>) semaphore(%arg38 : memref<!tpu.dma_semaphore, #tpu.memory_space<semaphore_mem>>)
    %mul3A_136 = arith.constant 162 : i32
    %mul3A_137 = arith.muli %add3A, %mul3A_136 : i32
    %add3A_138 = arith.constant 1 : i32
    %add3A_139 = arith.addi %mul3A_137, %add3A_138 : i32
    %dma_wait3A_140 = arith.constant 0 : i32
    %dma_wait3A_141 = tpu.memref_slice %arg3[%add3A_139, %dma_wait3A_140] : memref<5184x64xi32, #tpu.memory_space<hbm>> -> memref<1x64xi32, #tpu.memory_space<hbm>>
    %dma_wait3A_142 = tpu.memref_squeeze %dma_wait3A_141 : memref<1x64xi32, #tpu.memory_space<hbm>> -> memref<64xi32, #tpu.memory_space<hbm>>
    %dma_wait3A_143 = arith.constant 0 : i32
    %dma_wait3A_144 = tpu.memref_slice %arg3[%add3A_139, %dma_wait3A_143] : memref<5184x64xi32, #tpu.memory_space<hbm>> -> memref<1x64xi32, #tpu.memory_space<hbm>>
    %dma_wait3A_145 = tpu.memref_squeeze %dma_wait3A_144 : memref<1x64xi32, #tpu.memory_space<hbm>> -> memref<64xi32, #tpu.memory_space<hbm>>
    tpu.wait_dma2 semaphore(%arg27 : memref<!tpu.dma_semaphore, #tpu.memory_space<semaphore_mem>>) src(%dma_wait3A_145 : memref<64xi32, #tpu.memory_space<hbm>>) dst(%arg8 : memref<64xi32, #tpu.memory_space<vmem>>)
    %dma_start3A_146 = arith.constant 0 : i32
    %dma_start3A_147 = arith.constant 0 : i32
    %dma_start3A_148 = tpu.memref_slice %arg2[%dma_start3A_146, %dma_start3A_147] : memref<10000x128xf32, #tpu.memory_space<hbm>> -> memref<10000x128xf32, #tpu.memory_space<hbm>>
    tpu.enqueue_indirect_dma source(%dma_start3A_148 : memref<10000x128xf32, #tpu.memory_space<hbm>>) target(%arg20 : memref<64x128xf32, #tpu.memory_space<vmem>>) offsets(%arg8 : memref<64xi32, #tpu.memory_space<vmem>>) semaphore(%arg39 : memref<!tpu.dma_semaphore, #tpu.memory_space<semaphore_mem>>)
    %mul3A_149 = arith.constant 162 : i32
    %mul3A_150 = arith.muli %add3A, %mul3A_149 : i32
    %add3A_151 = arith.constant 2 : i32
    %add3A_152 = arith.addi %mul3A_150, %add3A_151 : i32
    %dma_wait3A_153 = arith.constant 0 : i32
    %dma_wait3A_154 = tpu.memref_slice %arg3[%add3A_152, %dma_wait3A_153] : memref<5184x64xi32, #tpu.memory_space<hbm>> -> memref<1x64xi32, #tpu.memory_space<hbm>>
    %dma_wait3A_155 = tpu.memref_squeeze %dma_wait3A_154 : memref<1x64xi32, #tpu.memory_space<hbm>> -> memref<64xi32, #tpu.memory_space<hbm>>
    %dma_wait3A_156 = arith.constant 0 : i32
    %dma_wait3A_157 = tpu.memref_slice %arg3[%add3A_152, %dma_wait3A_156] : memref<5184x64xi32, #tpu.memory_space<hbm>> -> memref<1x64xi32, #tpu.memory_space<hbm>>
    %dma_wait3A_158 = tpu.memref_squeeze %dma_wait3A_157 : memref<1x64xi32, #tpu.memory_space<hbm>> -> memref<64xi32, #tpu.memory_space<hbm>>
    tpu.wait_dma2 semaphore(%arg28 : memref<!tpu.dma_semaphore, #tpu.memory_space<semaphore_mem>>) src(%dma_wait3A_158 : memref<64xi32, #tpu.memory_space<hbm>>) dst(%arg9 : memref<64xi32, #tpu.memory_space<vmem>>)
    %dma_start3A_159 = arith.constant 0 : i32
    %dma_start3A_160 = arith.constant 0 : i32
    %dma_start3A_161 = tpu.memref_slice %arg2[%dma_start3A_159, %dma_start3A_160] : memref<10000x128xf32, #tpu.memory_space<hbm>> -> memref<10000x128xf32, #tpu.memory_space<hbm>>
    tpu.enqueue_indirect_dma source(%dma_start3A_161 : memref<10000x128xf32, #tpu.memory_space<hbm>>) target(%arg21 : memref<64x128xf32, #tpu.memory_space<vmem>>) offsets(%arg9 : memref<64xi32, #tpu.memory_space<vmem>>) semaphore(%arg40 : memref<!tpu.dma_semaphore, #tpu.memory_space<semaphore_mem>>)
    %mul3A_162 = arith.constant 162 : i32
    %mul3A_163 = arith.muli %add3A, %mul3A_162 : i32
    %add3A_164 = arith.constant 3 : i32
    %add3A_165 = arith.addi %mul3A_163, %add3A_164 : i32
    %dma_wait3A_166 = arith.constant 0 : i32
    %dma_wait3A_167 = tpu.memref_slice %arg3[%add3A_165, %dma_wait3A_166] : memref<5184x64xi32, #tpu.memory_space<hbm>> -> memref<1x64xi32, #tpu.memory_space<hbm>>
    %dma_wait3A_168 = tpu.memref_squeeze %dma_wait3A_167 : memref<1x64xi32, #tpu.memory_space<hbm>> -> memref<64xi32, #tpu.memory_space<hbm>>
    %dma_wait3A_169 = arith.constant 0 : i32
    %dma_wait3A_170 = tpu.memref_slice %arg3[%add3A_165, %dma_wait3A_169] : memref<5184x64xi32, #tpu.memory_space<hbm>> -> memref<1x64xi32, #tpu.memory_space<hbm>>
    %dma_wait3A_171 = tpu.memref_squeeze %dma_wait3A_170 : memref<1x64xi32, #tpu.memory_space<hbm>> -> memref<64xi32, #tpu.memory_space<hbm>>
    tpu.wait_dma2 semaphore(%arg29 : memref<!tpu.dma_semaphore, #tpu.memory_space<semaphore_mem>>) src(%dma_wait3A_171 : memref<64xi32, #tpu.memory_space<hbm>>) dst(%arg10 : memref<64xi32, #tpu.memory_space<vmem>>)
    %dma_start3A_172 = arith.constant 0 : i32
    %dma_start3A_173 = arith.constant 0 : i32
    %dma_start3A_174 = tpu.memref_slice %arg2[%dma_start3A_172, %dma_start3A_173] : memref<10000x128xf32, #tpu.memory_space<hbm>> -> memref<10000x128xf32, #tpu.memory_space<hbm>>
    tpu.enqueue_indirect_dma source(%dma_start3A_174 : memref<10000x128xf32, #tpu.memory_space<hbm>>) target(%arg22 : memref<64x128xf32, #tpu.memory_space<vmem>>) offsets(%arg10 : memref<64xi32, #tpu.memory_space<vmem>>) semaphore(%arg41 : memref<!tpu.dma_semaphore, #tpu.memory_space<semaphore_mem>>)
    %mul3A_175 = arith.constant 162 : i32
    %mul3A_176 = arith.muli %add3A, %mul3A_175 : i32
    %add3A_177 = arith.constant 4 : i32
    %add3A_178 = arith.addi %mul3A_176, %add3A_177 : i32
    %dma_wait3A_179 = arith.constant 0 : i32
    %dma_wait3A_180 = tpu.memref_slice %arg3[%add3A_178, %dma_wait3A_179] : memref<5184x64xi32, #tpu.memory_space<hbm>> -> memref<1x64xi32, #tpu.memory_space<hbm>>
    %dma_wait3A_181 = tpu.memref_squeeze %dma_wait3A_180 : memref<1x64xi32, #tpu.memory_space<hbm>> -> memref<64xi32, #tpu.memory_space<hbm>>
    %dma_wait3A_182 = arith.constant 0 : i32
    %dma_wait3A_183 = tpu.memref_slice %arg3[%add3A_178, %dma_wait3A_182] : memref<5184x64xi32, #tpu.memory_space<hbm>> -> memref<1x64xi32, #tpu.memory_space<hbm>>
    %dma_wait3A_184 = tpu.memref_squeeze %dma_wait3A_183 : memref<1x64xi32, #tpu.memory_space<hbm>> -> memref<64xi32, #tpu.memory_space<hbm>>
    tpu.wait_dma2 semaphore(%arg30 : memref<!tpu.dma_semaphore, #tpu.memory_space<semaphore_mem>>) src(%dma_wait3A_184 : memref<64xi32, #tpu.memory_space<hbm>>) dst(%arg11 : memref<64xi32, #tpu.memory_space<vmem>>)
    %dma_start3A_185 = arith.constant 0 : i32
    %dma_start3A_186 = arith.constant 0 : i32
    %dma_start3A_187 = tpu.memref_slice %arg2[%dma_start3A_185, %dma_start3A_186] : memref<10000x128xf32, #tpu.memory_space<hbm>> -> memref<10000x128xf32, #tpu.memory_space<hbm>>
    tpu.enqueue_indirect_dma source(%dma_start3A_187 : memref<10000x128xf32, #tpu.memory_space<hbm>>) target(%arg23 : memref<64x128xf32, #tpu.memory_space<vmem>>) offsets(%arg11 : memref<64xi32, #tpu.memory_space<vmem>>) semaphore(%arg42 : memref<!tpu.dma_semaphore, #tpu.memory_space<semaphore_mem>>)
    %mul3A_188 = arith.constant 162 : i32
    %mul3A_189 = arith.muli %add3A, %mul3A_188 : i32
    %add3A_190 = arith.constant 5 : i32
    %add3A_191 = arith.addi %mul3A_189, %add3A_190 : i32
    %dma_wait3A_192 = arith.constant 0 : i32
    %dma_wait3A_193 = tpu.memref_slice %arg3[%add3A_191, %dma_wait3A_192] : memref<5184x64xi32, #tpu.memory_space<hbm>> -> memref<1x64xi32, #tpu.memory_space<hbm>>
    %dma_wait3A_194 = tpu.memref_squeeze %dma_wait3A_193 : memref<1x64xi32, #tpu.memory_space<hbm>> -> memref<64xi32, #tpu.memory_space<hbm>>
    %dma_wait3A_195 = arith.constant 0 : i32
    %dma_wait3A_196 = tpu.memref_slice %arg3[%add3A_191, %dma_wait3A_195] : memref<5184x64xi32, #tpu.memory_space<hbm>> -> memref<1x64xi32, #tpu.memory_space<hbm>>
    %dma_wait3A_197 = tpu.memref_squeeze %dma_wait3A_196 : memref<1x64xi32, #tpu.memory_space<hbm>> -> memref<64xi32, #tpu.memory_space<hbm>>
    tpu.wait_dma2 semaphore(%arg31 : memref<!tpu.dma_semaphore, #tpu.memory_space<semaphore_mem>>) src(%dma_wait3A_197 : memref<64xi32, #tpu.memory_space<hbm>>) dst(%arg12 : memref<64xi32, #tpu.memory_space<vmem>>)
    %dma_start3A_198 = arith.constant 0 : i32
    %dma_start3A_199 = arith.constant 0 : i32
    %dma_start3A_200 = tpu.memref_slice %arg2[%dma_start3A_198, %dma_start3A_199] : memref<10000x128xf32, #tpu.memory_space<hbm>> -> memref<10000x128xf32, #tpu.memory_space<hbm>>
    tpu.enqueue_indirect_dma source(%dma_start3A_200 : memref<10000x128xf32, #tpu.memory_space<hbm>>) target(%arg24 : memref<64x128xf32, #tpu.memory_space<vmem>>) offsets(%arg12 : memref<64xi32, #tpu.memory_space<vmem>>) semaphore(%arg43 : memref<!tpu.dma_semaphore, #tpu.memory_space<semaphore_mem>>)
    %scan3A = arith.constant 0 : i32
    %scan3A_201 = arith.constant 0 : i32
    %scan3A_202 = arith.constant 26 : i32
    %scan3A_203 = arith.addi %scan3A_201, %scan3A_202 : i32
    %scan3A_204 = arith.constant 1 : i32
    scf.for %scan3A_325 = %scan3A_201 to %scan3A_203 step %scan3A_204  : i32 {
      %mul3A_326 = arith.constant 6 : i32
      %mul3A_327 = arith.muli %scan3A_325, %mul3A_326 : i32
      %dma_wait3A_328 = arith.constant 0 : i32
      %dma_wait3A_329 = arith.constant 0 : i32
      %dma_wait3A_330 = tpu.memref_slice %arg2[%dma_wait3A_328, %dma_wait3A_329] : memref<10000x128xf32, #tpu.memory_space<hbm>> -> memref<10000x128xf32, #tpu.memory_space<hbm>>
      tpu.wait_indirect_dma semaphore(%arg38 : memref<!tpu.dma_semaphore, #tpu.memory_space<semaphore_mem>>) src(%dma_wait3A_330 : memref<10000x128xf32, #tpu.memory_space<hbm>>) dst(%arg19 : memref<64x128xf32, #tpu.memory_space<vmem>>)
      %add3A_331 = arith.constant 0 : i32
      %add3A_332 = arith.addi %mul3A_327, %add3A_331 : i32
      %mul3A_333 = arith.constant 162 : i32
      %mul3A_334 = arith.muli %add3A, %mul3A_333 : i32
      %add3A_335 = arith.addi %mul3A_334, %add3A_332 : i32
      %dma_wait3A_336 = arith.constant 0 : i32
      %dma_wait3A_337 = tpu.memref_slice %arg4[%add3A_335, %dma_wait3A_336] : memref<5184x64xi32, #tpu.memory_space<hbm>> -> memref<1x64xi32, #tpu.memory_space<hbm>>
      %dma_wait3A_338 = tpu.memref_squeeze %dma_wait3A_337 : memref<1x64xi32, #tpu.memory_space<hbm>> -> memref<64xi32, #tpu.memory_space<hbm>>
      %dma_wait3A_339 = arith.constant 0 : i32
      %dma_wait3A_340 = tpu.memref_slice %arg4[%add3A_335, %dma_wait3A_339] : memref<5184x64xi32, #tpu.memory_space<hbm>> -> memref<1x64xi32, #tpu.memory_space<hbm>>
      %dma_wait3A_341 = tpu.memref_squeeze %dma_wait3A_340 : memref<1x64xi32, #tpu.memory_space<hbm>> -> memref<64xi32, #tpu.memory_space<hbm>>
      tpu.wait_dma2 semaphore(%arg32 : memref<!tpu.dma_semaphore, #tpu.memory_space<semaphore_mem>>) src(%dma_wait3A_341 : memref<64xi32, #tpu.memory_space<hbm>>) dst(%arg13 : memref<64xi32, #tpu.memory_space<vmem>>)
      %dma_start3A_342 = arith.constant 0 : i32
      %dma_start3A_343 = arith.constant 0 : i32
      %dma_start3A_344 = tpu.memref_slice %arg25[%dma_start3A_342, %dma_start3A_343] : memref<10112x128xf32, #tpu.memory_space<vmem_shared>> -> memref<10112x128xf32, #tpu.memory_space<vmem_shared>>
      tpu.enqueue_indirect_dma source(%arg19 : memref<64x128xf32, #tpu.memory_space<vmem>>) target(%dma_start3A_344 : memref<10112x128xf32, #tpu.memory_space<vmem_shared>>) offsets(%arg13 : memref<64xi32, #tpu.memory_space<vmem>>) semaphore(%arg44 : memref<!tpu.dma_semaphore, #tpu.memory_space<semaphore_mem>>) {add = true}
      %add3A_345 = arith.constant 6 : i32
      %add3A_346 = arith.addi %mul3A_327, %add3A_345 : i32
      %add3A_347 = arith.constant 0 : i32
      %add3A_348 = arith.addi %add3A_346, %add3A_347 : i32
      %mul3A_349 = arith.constant 162 : i32
      %mul3A_350 = arith.muli %add3A, %mul3A_349 : i32
      %add3A_351 = arith.addi %mul3A_350, %add3A_348 : i32
      %dma_start3A_352 = arith.constant 0 : i32
      %dma_start3A_353 = tpu.memref_slice %arg3[%add3A_351, %dma_start3A_352] : memref<5184x64xi32, #tpu.memory_space<hbm>> -> memref<1x64xi32, #tpu.memory_space<hbm>>
      %dma_start3A_354 = tpu.memref_squeeze %dma_start3A_353 : memref<1x64xi32, #tpu.memory_space<hbm>> -> memref<64xi32, #tpu.memory_space<hbm>>
      %dma_start3A_355 = arith.constant 0 : i32
      %dma_start3A_356 = tpu.memref_slice %arg3[%add3A_351, %dma_start3A_355] : memref<5184x64xi32, #tpu.memory_space<hbm>> -> memref<1x64xi32, #tpu.memory_space<hbm>>
      %dma_start3A_357 = tpu.memref_squeeze %dma_start3A_356 : memref<1x64xi32, #tpu.memory_space<hbm>> -> memref<64xi32, #tpu.memory_space<hbm>>
      tpu.enqueue_dma source(%dma_start3A_357 : memref<64xi32, #tpu.memory_space<hbm>>) target(%arg7 : memref<64xi32, #tpu.memory_space<vmem>>) target_semaphore(%arg26 : memref<!tpu.dma_semaphore, #tpu.memory_space<semaphore_mem>>)
      %dma_wait3A_358 = arith.constant 0 : i32
      %dma_wait3A_359 = arith.constant 0 : i32
      %dma_wait3A_360 = tpu.memref_slice %arg2[%dma_wait3A_358, %dma_wait3A_359] : memref<10000x128xf32, #tpu.memory_space<hbm>> -> memref<10000x128xf32, #tpu.memory_space<hbm>>
      tpu.wait_indirect_dma semaphore(%arg39 : memref<!tpu.dma_semaphore, #tpu.memory_space<semaphore_mem>>) src(%dma_wait3A_360 : memref<10000x128xf32, #tpu.memory_space<hbm>>) dst(%arg20 : memref<64x128xf32, #tpu.memory_space<vmem>>)
      %add3A_361 = arith.constant 1 : i32
      %add3A_362 = arith.addi %mul3A_327, %add3A_361 : i32
      %mul3A_363 = arith.constant 162 : i32
      %mul3A_364 = arith.muli %add3A, %mul3A_363 : i32
      %add3A_365 = arith.addi %mul3A_364, %add3A_362 : i32
      %dma_wait3A_366 = arith.constant 0 : i32
      %dma_wait3A_367 = tpu.memref_slice %arg4[%add3A_365, %dma_wait3A_366] : memref<5184x64xi32, #tpu.memory_space<hbm>> -> memref<1x64xi32, #tpu.memory_space<hbm>>
      %dma_wait3A_368 = tpu.memref_squeeze %dma_wait3A_367 : memref<1x64xi32, #tpu.memory_space<hbm>> -> memref<64xi32, #tpu.memory_space<hbm>>
      %dma_wait3A_369 = arith.constant 0 : i32
      %dma_wait3A_370 = tpu.memref_slice %arg4[%add3A_365, %dma_wait3A_369] : memref<5184x64xi32, #tpu.memory_space<hbm>> -> memref<1x64xi32, #tpu.memory_space<hbm>>
      %dma_wait3A_371 = tpu.memref_squeeze %dma_wait3A_370 : memref<1x64xi32, #tpu.memory_space<hbm>> -> memref<64xi32, #tpu.memory_space<hbm>>
      tpu.wait_dma2 semaphore(%arg33 : memref<!tpu.dma_semaphore, #tpu.memory_space<semaphore_mem>>) src(%dma_wait3A_371 : memref<64xi32, #tpu.memory_space<hbm>>) dst(%arg14 : memref<64xi32, #tpu.memory_space<vmem>>)
      %dma_start3A_372 = arith.constant 0 : i32
      %dma_start3A_373 = arith.constant 0 : i32
      %dma_start3A_374 = tpu.memref_slice %arg25[%dma_start3A_372, %dma_start3A_373] : memref<10112x128xf32, #tpu.memory_space<vmem_shared>> -> memref<10112x128xf32, #tpu.memory_space<vmem_shared>>
      tpu.enqueue_indirect_dma source(%arg20 : memref<64x128xf32, #tpu.memory_space<vmem>>) target(%dma_start3A_374 : memref<10112x128xf32, #tpu.memory_space<vmem_shared>>) offsets(%arg14 : memref<64xi32, #tpu.memory_space<vmem>>) semaphore(%arg45 : memref<!tpu.dma_semaphore, #tpu.memory_space<semaphore_mem>>) {add = true}
      %add3A_375 = arith.constant 6 : i32
      %add3A_376 = arith.addi %mul3A_327, %add3A_375 : i32
      %add3A_377 = arith.constant 1 : i32
      %add3A_378 = arith.addi %add3A_376, %add3A_377 : i32
      %mul3A_379 = arith.constant 162 : i32
      %mul3A_380 = arith.muli %add3A, %mul3A_379 : i32
      %add3A_381 = arith.addi %mul3A_380, %add3A_378 : i32
      %dma_start3A_382 = arith.constant 0 : i32
      %dma_start3A_383 = tpu.memref_slice %arg3[%add3A_381, %dma_start3A_382] : memref<5184x64xi32, #tpu.memory_space<hbm>> -> memref<1x64xi32, #tpu.memory_space<hbm>>
      %dma_start3A_384 = tpu.memref_squeeze %dma_start3A_383 : memref<1x64xi32, #tpu.memory_space<hbm>> -> memref<64xi32, #tpu.memory_space<hbm>>
      %dma_start3A_385 = arith.constant 0 : i32
      %dma_start3A_386 = tpu.memref_slice %arg3[%add3A_381, %dma_start3A_385] : memref<5184x64xi32, #tpu.memory_space<hbm>> -> memref<1x64xi32, #tpu.memory_space<hbm>>
      %dma_start3A_387 = tpu.memref_squeeze %dma_start3A_386 : memref<1x64xi32, #tpu.memory_space<hbm>> -> memref<64xi32, #tpu.memory_space<hbm>>
      tpu.enqueue_dma source(%dma_start3A_387 : memref<64xi32, #tpu.memory_space<hbm>>) target(%arg8 : memref<64xi32, #tpu.memory_space<vmem>>) target_semaphore(%arg27 : memref<!tpu.dma_semaphore, #tpu.memory_space<semaphore_mem>>)
      %dma_wait3A_388 = arith.constant 0 : i32
      %dma_wait3A_389 = arith.constant 0 : i32
      %dma_wait3A_390 = tpu.memref_slice %arg2[%dma_wait3A_388, %dma_wait3A_389] : memref<10000x128xf32, #tpu.memory_space<hbm>> -> memref<10000x128xf32, #tpu.memory_space<hbm>>
      tpu.wait_indirect_dma semaphore(%arg40 : memref<!tpu.dma_semaphore, #tpu.memory_space<semaphore_mem>>) src(%dma_wait3A_390 : memref<10000x128xf32, #tpu.memory_space<hbm>>) dst(%arg21 : memref<64x128xf32, #tpu.memory_space<vmem>>)
      %add3A_391 = arith.constant 2 : i32
      %add3A_392 = arith.addi %mul3A_327, %add3A_391 : i32
      %mul3A_393 = arith.constant 162 : i32
      %mul3A_394 = arith.muli %add3A, %mul3A_393 : i32
      %add3A_395 = arith.addi %mul3A_394, %add3A_392 : i32
      %dma_wait3A_396 = arith.constant 0 : i32
      %dma_wait3A_397 = tpu.memref_slice %arg4[%add3A_395, %dma_wait3A_396] : memref<5184x64xi32, #tpu.memory_space<hbm>> -> memref<1x64xi32, #tpu.memory_space<hbm>>
      %dma_wait3A_398 = tpu.memref_squeeze %dma_wait3A_397 : memref<1x64xi32, #tpu.memory_space<hbm>> -> memref<64xi32, #tpu.memory_space<hbm>>
      %dma_wait3A_399 = arith.constant 0 : i32
      %dma_wait3A_400 = tpu.memref_slice %arg4[%add3A_395, %dma_wait3A_399] : memref<5184x64xi32, #tpu.memory_space<hbm>> -> memref<1x64xi32, #tpu.memory_space<hbm>>
      %dma_wait3A_401 = tpu.memref_squeeze %dma_wait3A_400 : memref<1x64xi32, #tpu.memory_space<hbm>> -> memref<64xi32, #tpu.memory_space<hbm>>
      tpu.wait_dma2 semaphore(%arg34 : memref<!tpu.dma_semaphore, #tpu.memory_space<semaphore_mem>>) src(%dma_wait3A_401 : memref<64xi32, #tpu.memory_space<hbm>>) dst(%arg15 : memref<64xi32, #tpu.memory_space<vmem>>)
      %dma_start3A_402 = arith.constant 0 : i32
      %dma_start3A_403 = arith.constant 0 : i32
      %dma_start3A_404 = tpu.memref_slice %arg25[%dma_start3A_402, %dma_start3A_403] : memref<10112x128xf32, #tpu.memory_space<vmem_shared>> -> memref<10112x128xf32, #tpu.memory_space<vmem_shared>>
      tpu.enqueue_indirect_dma source(%arg21 : memref<64x128xf32, #tpu.memory_space<vmem>>) target(%dma_start3A_404 : memref<10112x128xf32, #tpu.memory_space<vmem_shared>>) offsets(%arg15 : memref<64xi32, #tpu.memory_space<vmem>>) semaphore(%arg46 : memref<!tpu.dma_semaphore, #tpu.memory_space<semaphore_mem>>) {add = true}
      %add3A_405 = arith.constant 6 : i32
      %add3A_406 = arith.addi %mul3A_327, %add3A_405 : i32
      %add3A_407 = arith.constant 2 : i32
      %add3A_408 = arith.addi %add3A_406, %add3A_407 : i32
      %mul3A_409 = arith.constant 162 : i32
      %mul3A_410 = arith.muli %add3A, %mul3A_409 : i32
      %add3A_411 = arith.addi %mul3A_410, %add3A_408 : i32
      %dma_start3A_412 = arith.constant 0 : i32
      %dma_start3A_413 = tpu.memref_slice %arg3[%add3A_411, %dma_start3A_412] : memref<5184x64xi32, #tpu.memory_space<hbm>> -> memref<1x64xi32, #tpu.memory_space<hbm>>
      %dma_start3A_414 = tpu.memref_squeeze %dma_start3A_413 : memref<1x64xi32, #tpu.memory_space<hbm>> -> memref<64xi32, #tpu.memory_space<hbm>>
      %dma_start3A_415 = arith.constant 0 : i32
      %dma_start3A_416 = tpu.memref_slice %arg3[%add3A_411, %dma_start3A_415] : memref<5184x64xi32, #tpu.memory_space<hbm>> -> memref<1x64xi32, #tpu.memory_space<hbm>>
      %dma_start3A_417 = tpu.memref_squeeze %dma_start3A_416 : memref<1x64xi32, #tpu.memory_space<hbm>> -> memref<64xi32, #tpu.memory_space<hbm>>
      tpu.enqueue_dma source(%dma_start3A_417 : memref<64xi32, #tpu.memory_space<hbm>>) target(%arg9 : memref<64xi32, #tpu.memory_space<vmem>>) target_semaphore(%arg28 : memref<!tpu.dma_semaphore, #tpu.memory_space<semaphore_mem>>)
      %dma_wait3A_418 = arith.constant 0 : i32
      %dma_wait3A_419 = arith.constant 0 : i32
      %dma_wait3A_420 = tpu.memref_slice %arg2[%dma_wait3A_418, %dma_wait3A_419] : memref<10000x128xf32, #tpu.memory_space<hbm>> -> memref<10000x128xf32, #tpu.memory_space<hbm>>
      tpu.wait_indirect_dma semaphore(%arg41 : memref<!tpu.dma_semaphore, #tpu.memory_space<semaphore_mem>>) src(%dma_wait3A_420 : memref<10000x128xf32, #tpu.memory_space<hbm>>) dst(%arg22 : memref<64x128xf32, #tpu.memory_space<vmem>>)
      %add3A_421 = arith.constant 3 : i32
      %add3A_422 = arith.addi %mul3A_327, %add3A_421 : i32
      %mul3A_423 = arith.constant 162 : i32
      %mul3A_424 = arith.muli %add3A, %mul3A_423 : i32
      %add3A_425 = arith.addi %mul3A_424, %add3A_422 : i32
      %dma_wait3A_426 = arith.constant 0 : i32
      %dma_wait3A_427 = tpu.memref_slice %arg4[%add3A_425, %dma_wait3A_426] : memref<5184x64xi32, #tpu.memory_space<hbm>> -> memref<1x64xi32, #tpu.memory_space<hbm>>
      %dma_wait3A_428 = tpu.memref_squeeze %dma_wait3A_427 : memref<1x64xi32, #tpu.memory_space<hbm>> -> memref<64xi32, #tpu.memory_space<hbm>>
      %dma_wait3A_429 = arith.constant 0 : i32
      %dma_wait3A_430 = tpu.memref_slice %arg4[%add3A_425, %dma_wait3A_429] : memref<5184x64xi32, #tpu.memory_space<hbm>> -> memref<1x64xi32, #tpu.memory_space<hbm>>
      %dma_wait3A_431 = tpu.memref_squeeze %dma_wait3A_430 : memref<1x64xi32, #tpu.memory_space<hbm>> -> memref<64xi32, #tpu.memory_space<hbm>>
      tpu.wait_dma2 semaphore(%arg35 : memref<!tpu.dma_semaphore, #tpu.memory_space<semaphore_mem>>) src(%dma_wait3A_431 : memref<64xi32, #tpu.memory_space<hbm>>) dst(%arg16 : memref<64xi32, #tpu.memory_space<vmem>>)
      %dma_start3A_432 = arith.constant 0 : i32
      %dma_start3A_433 = arith.constant 0 : i32
      %dma_start3A_434 = tpu.memref_slice %arg25[%dma_start3A_432, %dma_start3A_433] : memref<10112x128xf32, #tpu.memory_space<vmem_shared>> -> memref<10112x128xf32, #tpu.memory_space<vmem_shared>>
      tpu.enqueue_indirect_dma source(%arg22 : memref<64x128xf32, #tpu.memory_space<vmem>>) target(%dma_start3A_434 : memref<10112x128xf32, #tpu.memory_space<vmem_shared>>) offsets(%arg16 : memref<64xi32, #tpu.memory_space<vmem>>) semaphore(%arg47 : memref<!tpu.dma_semaphore, #tpu.memory_space<semaphore_mem>>) {add = true}
      %add3A_435 = arith.constant 6 : i32
      %add3A_436 = arith.addi %mul3A_327, %add3A_435 : i32
      %add3A_437 = arith.constant 3 : i32
      %add3A_438 = arith.addi %add3A_436, %add3A_437 : i32
      %mul3A_439 = arith.constant 162 : i32
      %mul3A_440 = arith.muli %add3A, %mul3A_439 : i32
      %add3A_441 = arith.addi %mul3A_440, %add3A_438 : i32
      %dma_start3A_442 = arith.constant 0 : i32
      %dma_start3A_443 = tpu.memref_slice %arg3[%add3A_441, %dma_start3A_442] : memref<5184x64xi32, #tpu.memory_space<hbm>> -> memref<1x64xi32, #tpu.memory_space<hbm>>
      %dma_start3A_444 = tpu.memref_squeeze %dma_start3A_443 : memref<1x64xi32, #tpu.memory_space<hbm>> -> memref<64xi32, #tpu.memory_space<hbm>>
      %dma_start3A_445 = arith.constant 0 : i32
      %dma_start3A_446 = tpu.memref_slice %arg3[%add3A_441, %dma_start3A_445] : memref<5184x64xi32, #tpu.memory_space<hbm>> -> memref<1x64xi32, #tpu.memory_space<hbm>>
      %dma_start3A_447 = tpu.memref_squeeze %dma_start3A_446 : memref<1x64xi32, #tpu.memory_space<hbm>> -> memref<64xi32, #tpu.memory_space<hbm>>
      tpu.enqueue_dma source(%dma_start3A_447 : memref<64xi32, #tpu.memory_space<hbm>>) target(%arg10 : memref<64xi32, #tpu.memory_space<vmem>>) target_semaphore(%arg29 : memref<!tpu.dma_semaphore, #tpu.memory_space<semaphore_mem>>)
      %dma_wait3A_448 = arith.constant 0 : i32
      %dma_wait3A_449 = arith.constant 0 : i32
      %dma_wait3A_450 = tpu.memref_slice %arg2[%dma_wait3A_448, %dma_wait3A_449] : memref<10000x128xf32, #tpu.memory_space<hbm>> -> memref<10000x128xf32, #tpu.memory_space<hbm>>
      tpu.wait_indirect_dma semaphore(%arg42 : memref<!tpu.dma_semaphore, #tpu.memory_space<semaphore_mem>>) src(%dma_wait3A_450 : memref<10000x128xf32, #tpu.memory_space<hbm>>) dst(%arg23 : memref<64x128xf32, #tpu.memory_space<vmem>>)
      %add3A_451 = arith.constant 4 : i32
      %add3A_452 = arith.addi %mul3A_327, %add3A_451 : i32
      %mul3A_453 = arith.constant 162 : i32
      %mul3A_454 = arith.muli %add3A, %mul3A_453 : i32
      %add3A_455 = arith.addi %mul3A_454, %add3A_452 : i32
      %dma_wait3A_456 = arith.constant 0 : i32
      %dma_wait3A_457 = tpu.memref_slice %arg4[%add3A_455, %dma_wait3A_456] : memref<5184x64xi32, #tpu.memory_space<hbm>> -> memref<1x64xi32, #tpu.memory_space<hbm>>
      %dma_wait3A_458 = tpu.memref_squeeze %dma_wait3A_457 : memref<1x64xi32, #tpu.memory_space<hbm>> -> memref<64xi32, #tpu.memory_space<hbm>>
      %dma_wait3A_459 = arith.constant 0 : i32
      %dma_wait3A_460 = tpu.memref_slice %arg4[%add3A_455, %dma_wait3A_459] : memref<5184x64xi32, #tpu.memory_space<hbm>> -> memref<1x64xi32, #tpu.memory_space<hbm>>
      %dma_wait3A_461 = tpu.memref_squeeze %dma_wait3A_460 : memref<1x64xi32, #tpu.memory_space<hbm>> -> memref<64xi32, #tpu.memory_space<hbm>>
      tpu.wait_dma2 semaphore(%arg36 : memref<!tpu.dma_semaphore, #tpu.memory_space<semaphore_mem>>) src(%dma_wait3A_461 : memref<64xi32, #tpu.memory_space<hbm>>) dst(%arg17 : memref<64xi32, #tpu.memory_space<vmem>>)
      %dma_start3A_462 = arith.constant 0 : i32
      %dma_start3A_463 = arith.constant 0 : i32
      %dma_start3A_464 = tpu.memref_slice %arg25[%dma_start3A_462, %dma_start3A_463] : memref<10112x128xf32, #tpu.memory_space<vmem_shared>> -> memref<10112x128xf32, #tpu.memory_space<vmem_shared>>
      tpu.enqueue_indirect_dma source(%arg23 : memref<64x128xf32, #tpu.memory_space<vmem>>) target(%dma_start3A_464 : memref<10112x128xf32, #tpu.memory_space<vmem_shared>>) offsets(%arg17 : memref<64xi32, #tpu.memory_space<vmem>>) semaphore(%arg48 : memref<!tpu.dma_semaphore, #tpu.memory_space<semaphore_mem>>) {add = true}
      %add3A_465 = arith.constant 6 : i32
      %add3A_466 = arith.addi %mul3A_327, %add3A_465 : i32
      %add3A_467 = arith.constant 4 : i32
      %add3A_468 = arith.addi %add3A_466, %add3A_467 : i32
      %mul3A_469 = arith.constant 162 : i32
      %mul3A_470 = arith.muli %add3A, %mul3A_469 : i32
      %add3A_471 = arith.addi %mul3A_470, %add3A_468 : i32
      %dma_start3A_472 = arith.constant 0 : i32
      %dma_start3A_473 = tpu.memref_slice %arg3[%add3A_471, %dma_start3A_472] : memref<5184x64xi32, #tpu.memory_space<hbm>> -> memref<1x64xi32, #tpu.memory_space<hbm>>
      %dma_start3A_474 = tpu.memref_squeeze %dma_start3A_473 : memref<1x64xi32, #tpu.memory_space<hbm>> -> memref<64xi32, #tpu.memory_space<hbm>>
      %dma_start3A_475 = arith.constant 0 : i32
      %dma_start3A_476 = tpu.memref_slice %arg3[%add3A_471, %dma_start3A_475] : memref<5184x64xi32, #tpu.memory_space<hbm>> -> memref<1x64xi32, #tpu.memory_space<hbm>>
      %dma_start3A_477 = tpu.memref_squeeze %dma_start3A_476 : memref<1x64xi32, #tpu.memory_space<hbm>> -> memref<64xi32, #tpu.memory_space<hbm>>
      tpu.enqueue_dma source(%dma_start3A_477 : memref<64xi32, #tpu.memory_space<hbm>>) target(%arg11 : memref<64xi32, #tpu.memory_space<vmem>>) target_semaphore(%arg30 : memref<!tpu.dma_semaphore, #tpu.memory_space<semaphore_mem>>)
      %dma_wait3A_478 = arith.constant 0 : i32
      %dma_wait3A_479 = arith.constant 0 : i32
      %dma_wait3A_480 = tpu.memref_slice %arg2[%dma_wait3A_478, %dma_wait3A_479] : memref<10000x128xf32, #tpu.memory_space<hbm>> -> memref<10000x128xf32, #tpu.memory_space<hbm>>
      tpu.wait_indirect_dma semaphore(%arg43 : memref<!tpu.dma_semaphore, #tpu.memory_space<semaphore_mem>>) src(%dma_wait3A_480 : memref<10000x128xf32, #tpu.memory_space<hbm>>) dst(%arg24 : memref<64x128xf32, #tpu.memory_space<vmem>>)
      %add3A_481 = arith.constant 5 : i32
      %add3A_482 = arith.addi %mul3A_327, %add3A_481 : i32
      %mul3A_483 = arith.constant 162 : i32
      %mul3A_484 = arith.muli %add3A, %mul3A_483 : i32
      %add3A_485 = arith.addi %mul3A_484, %add3A_482 : i32
      %dma_wait3A_486 = arith.constant 0 : i32
      %dma_wait3A_487 = tpu.memref_slice %arg4[%add3A_485, %dma_wait3A_486] : memref<5184x64xi32, #tpu.memory_space<hbm>> -> memref<1x64xi32, #tpu.memory_space<hbm>>
      %dma_wait3A_488 = tpu.memref_squeeze %dma_wait3A_487 : memref<1x64xi32, #tpu.memory_space<hbm>> -> memref<64xi32, #tpu.memory_space<hbm>>
      %dma_wait3A_489 = arith.constant 0 : i32
      %dma_wait3A_490 = tpu.memref_slice %arg4[%add3A_485, %dma_wait3A_489] : memref<5184x64xi32, #tpu.memory_space<hbm>> -> memref<1x64xi32, #tpu.memory_space<hbm>>
      %dma_wait3A_491 = tpu.memref_squeeze %dma_wait3A_490 : memref<1x64xi32, #tpu.memory_space<hbm>> -> memref<64xi32, #tpu.memory_space<hbm>>
      tpu.wait_dma2 semaphore(%arg37 : memref<!tpu.dma_semaphore, #tpu.memory_space<semaphore_mem>>) src(%dma_wait3A_491 : memref<64xi32, #tpu.memory_space<hbm>>) dst(%arg18 : memref<64xi32, #tpu.memory_space<vmem>>)
      %dma_start3A_492 = arith.constant 0 : i32
      %dma_start3A_493 = arith.constant 0 : i32
      %dma_start3A_494 = tpu.memref_slice %arg25[%dma_start3A_492, %dma_start3A_493] : memref<10112x128xf32, #tpu.memory_space<vmem_shared>> -> memref<10112x128xf32, #tpu.memory_space<vmem_shared>>
      tpu.enqueue_indirect_dma source(%arg24 : memref<64x128xf32, #tpu.memory_space<vmem>>) target(%dma_start3A_494 : memref<10112x128xf32, #tpu.memory_space<vmem_shared>>) offsets(%arg18 : memref<64xi32, #tpu.memory_space<vmem>>) semaphore(%arg49 : memref<!tpu.dma_semaphore, #tpu.memory_space<semaphore_mem>>) {add = true}
      %add3A_495 = arith.constant 6 : i32
      %add3A_496 = arith.addi %mul3A_327, %add3A_495 : i32
      %add3A_497 = arith.constant 5 : i32
      %add3A_498 = arith.addi %add3A_496, %add3A_497 : i32
      %mul3A_499 = arith.constant 162 : i32
      %mul3A_500 = arith.muli %add3A, %mul3A_499 : i32
      %add3A_501 = arith.addi %mul3A_500, %add3A_498 : i32
      %dma_start3A_502 = arith.constant 0 : i32
      %dma_start3A_503 = tpu.memref_slice %arg3[%add3A_501, %dma_start3A_502] : memref<5184x64xi32, #tpu.memory_space<hbm>> -> memref<1x64xi32, #tpu.memory_space<hbm>>
      %dma_start3A_504 = tpu.memref_squeeze %dma_start3A_503 : memref<1x64xi32, #tpu.memory_space<hbm>> -> memref<64xi32, #tpu.memory_space<hbm>>
      %dma_start3A_505 = arith.constant 0 : i32
      %dma_start3A_506 = tpu.memref_slice %arg3[%add3A_501, %dma_start3A_505] : memref<5184x64xi32, #tpu.memory_space<hbm>> -> memref<1x64xi32, #tpu.memory_space<hbm>>
      %dma_start3A_507 = tpu.memref_squeeze %dma_start3A_506 : memref<1x64xi32, #tpu.memory_space<hbm>> -> memref<64xi32, #tpu.memory_space<hbm>>
      tpu.enqueue_dma source(%dma_start3A_507 : memref<64xi32, #tpu.memory_space<hbm>>) target(%arg12 : memref<64xi32, #tpu.memory_space<vmem>>) target_semaphore(%arg31 : memref<!tpu.dma_semaphore, #tpu.memory_space<semaphore_mem>>)
      %dma_wait3A_508 = arith.constant 0 : i32
      %dma_wait3A_509 = arith.constant 0 : i32
      %dma_wait3A_510 = tpu.memref_slice %arg25[%dma_wait3A_508, %dma_wait3A_509] : memref<10112x128xf32, #tpu.memory_space<vmem_shared>> -> memref<10112x128xf32, #tpu.memory_space<vmem_shared>>
      tpu.wait_indirect_dma semaphore(%arg44 : memref<!tpu.dma_semaphore, #tpu.memory_space<semaphore_mem>>) src(%arg19 : memref<64x128xf32, #tpu.memory_space<vmem>>) dst(%dma_wait3A_510 : memref<10112x128xf32, #tpu.memory_space<vmem_shared>>)
      %add3A_511 = arith.constant 6 : i32
      %add3A_512 = arith.addi %mul3A_327, %add3A_511 : i32
      %add3A_513 = arith.constant 0 : i32
      %add3A_514 = arith.addi %add3A_512, %add3A_513 : i32
      %mul3A_515 = arith.constant 162 : i32
      %mul3A_516 = arith.muli %add3A, %mul3A_515 : i32
      %add3A_517 = arith.addi %mul3A_516, %add3A_514 : i32
      %dma_start3A_518 = arith.constant 0 : i32
      %dma_start3A_519 = tpu.memref_slice %arg4[%add3A_517, %dma_start3A_518] : memref<5184x64xi32, #tpu.memory_space<hbm>> -> memref<1x64xi32, #tpu.memory_space<hbm>>
      %dma_start3A_520 = tpu.memref_squeeze %dma_start3A_519 : memref<1x64xi32, #tpu.memory_space<hbm>> -> memref<64xi32, #tpu.memory_space<hbm>>
      %dma_start3A_521 = arith.constant 0 : i32
      %dma_start3A_522 = tpu.memref_slice %arg4[%add3A_517, %dma_start3A_521] : memref<5184x64xi32, #tpu.memory_space<hbm>> -> memref<1x64xi32, #tpu.memory_space<hbm>>
      %dma_start3A_523 = tpu.memref_squeeze %dma_start3A_522 : memref<1x64xi32, #tpu.memory_space<hbm>> -> memref<64xi32, #tpu.memory_space<hbm>>
      tpu.enqueue_dma source(%dma_start3A_523 : memref<64xi32, #tpu.memory_space<hbm>>) target(%arg13 : memref<64xi32, #tpu.memory_space<vmem>>) target_semaphore(%arg32 : memref<!tpu.dma_semaphore, #tpu.memory_space<semaphore_mem>>)
      %add3A_524 = arith.constant 6 : i32
      %add3A_525 = arith.addi %mul3A_327, %add3A_524 : i32
      %add3A_526 = arith.constant 0 : i32
      %add3A_527 = arith.addi %add3A_525, %add3A_526 : i32
      %mul3A_528 = arith.constant 162 : i32
      %mul3A_529 = arith.muli %add3A, %mul3A_528 : i32
      %add3A_530 = arith.addi %mul3A_529, %add3A_527 : i32
      %dma_wait3A_531 = arith.constant 0 : i32
      %dma_wait3A_532 = tpu.memref_slice %arg3[%add3A_530, %dma_wait3A_531] : memref<5184x64xi32, #tpu.memory_space<hbm>> -> memref<1x64xi32, #tpu.memory_space<hbm>>
      %dma_wait3A_533 = tpu.memref_squeeze %dma_wait3A_532 : memref<1x64xi32, #tpu.memory_space<hbm>> -> memref<64xi32, #tpu.memory_space<hbm>>
      %dma_wait3A_534 = arith.constant 0 : i32
      %dma_wait3A_535 = tpu.memref_slice %arg3[%add3A_530, %dma_wait3A_534] : memref<5184x64xi32, #tpu.memory_space<hbm>> -> memref<1x64xi32, #tpu.memory_space<hbm>>
      %dma_wait3A_536 = tpu.memref_squeeze %dma_wait3A_535 : memref<1x64xi32, #tpu.memory_space<hbm>> -> memref<64xi32, #tpu.memory_space<hbm>>
      tpu.wait_dma2 semaphore(%arg26 : memref<!tpu.dma_semaphore, #tpu.memory_space<semaphore_mem>>) src(%dma_wait3A_536 : memref<64xi32, #tpu.memory_space<hbm>>) dst(%arg7 : memref<64xi32, #tpu.memory_space<vmem>>)
      %dma_start3A_537 = arith.constant 0 : i32
      %dma_start3A_538 = arith.constant 0 : i32
      %dma_start3A_539 = tpu.memref_slice %arg2[%dma_start3A_537, %dma_start3A_538] : memref<10000x128xf32, #tpu.memory_space<hbm>> -> memref<10000x128xf32, #tpu.memory_space<hbm>>
      tpu.enqueue_indirect_dma source(%dma_start3A_539 : memref<10000x128xf32, #tpu.memory_space<hbm>>) target(%arg19 : memref<64x128xf32, #tpu.memory_space<vmem>>) offsets(%arg7 : memref<64xi32, #tpu.memory_space<vmem>>) semaphore(%arg38 : memref<!tpu.dma_semaphore, #tpu.memory_space<semaphore_mem>>)
      %dma_wait3A_540 = arith.constant 0 : i32
      %dma_wait3A_541 = arith.constant 0 : i32
      %dma_wait3A_542 = tpu.memref_slice %arg25[%dma_wait3A_540, %dma_wait3A_541] : memref<10112x128xf32, #tpu.memory_space<vmem_shared>> -> memref<10112x128xf32, #tpu.memory_space<vmem_shared>>
      tpu.wait_indirect_dma semaphore(%arg45 : memref<!tpu.dma_semaphore, #tpu.memory_space<semaphore_mem>>) src(%arg20 : memref<64x128xf32, #tpu.memory_space<vmem>>) dst(%dma_wait3A_542 : memref<10112x128xf32, #tpu.memory_space<vmem_shared>>)
      %add3A_543 = arith.constant 6 : i32
      %add3A_544 = arith.addi %mul3A_327, %add3A_543 : i32
      %add3A_545 = arith.constant 1 : i32
      %add3A_546 = arith.addi %add3A_544, %add3A_545 : i32
      %mul3A_547 = arith.constant 162 : i32
      %mul3A_548 = arith.muli %add3A, %mul3A_547 : i32
      %add3A_549 = arith.addi %mul3A_548, %add3A_546 : i32
      %dma_start3A_550 = arith.constant 0 : i32
      %dma_start3A_551 = tpu.memref_slice %arg4[%add3A_549, %dma_start3A_550] : memref<5184x64xi32, #tpu.memory_space<hbm>> -> memref<1x64xi32, #tpu.memory_space<hbm>>
      %dma_start3A_552 = tpu.memref_squeeze %dma_start3A_551 : memref<1x64xi32, #tpu.memory_space<hbm>> -> memref<64xi32, #tpu.memory_space<hbm>>
      %dma_start3A_553 = arith.constant 0 : i32
      %dma_start3A_554 = tpu.memref_slice %arg4[%add3A_549, %dma_start3A_553] : memref<5184x64xi32, #tpu.memory_space<hbm>> -> memref<1x64xi32, #tpu.memory_space<hbm>>
      %dma_start3A_555 = tpu.memref_squeeze %dma_start3A_554 : memref<1x64xi32, #tpu.memory_space<hbm>> -> memref<64xi32, #tpu.memory_space<hbm>>
      tpu.enqueue_dma source(%dma_start3A_555 : memref<64xi32, #tpu.memory_space<hbm>>) target(%arg14 : memref<64xi32, #tpu.memory_space<vmem>>) target_semaphore(%arg33 : memref<!tpu.dma_semaphore, #tpu.memory_space<semaphore_mem>>)
      %add3A_556 = arith.constant 6 : i32
      %add3A_557 = arith.addi %mul3A_327, %add3A_556 : i32
      %add3A_558 = arith.constant 1 : i32
      %add3A_559 = arith.addi %add3A_557, %add3A_558 : i32
      %mul3A_560 = arith.constant 162 : i32
      %mul3A_561 = arith.muli %add3A, %mul3A_560 : i32
      %add3A_562 = arith.addi %mul3A_561, %add3A_559 : i32
      %dma_wait3A_563 = arith.constant 0 : i32
      %dma_wait3A_564 = tpu.memref_slice %arg3[%add3A_562, %dma_wait3A_563] : memref<5184x64xi32, #tpu.memory_space<hbm>> -> memref<1x64xi32, #tpu.memory_space<hbm>>
      %dma_wait3A_565 = tpu.memref_squeeze %dma_wait3A_564 : memref<1x64xi32, #tpu.memory_space<hbm>> -> memref<64xi32, #tpu.memory_space<hbm>>
      %dma_wait3A_566 = arith.constant 0 : i32
      %dma_wait3A_567 = tpu.memref_slice %arg3[%add3A_562, %dma_wait3A_566] : memref<5184x64xi32, #tpu.memory_space<hbm>> -> memref<1x64xi32, #tpu.memory_space<hbm>>
      %dma_wait3A_568 = tpu.memref_squeeze %dma_wait3A_567 : memref<1x64xi32, #tpu.memory_space<hbm>> -> memref<64xi32, #tpu.memory_space<hbm>>
      tpu.wait_dma2 semaphore(%arg27 : memref<!tpu.dma_semaphore, #tpu.memory_space<semaphore_mem>>) src(%dma_wait3A_568 : memref<64xi32, #tpu.memory_space<hbm>>) dst(%arg8 : memref<64xi32, #tpu.memory_space<vmem>>)
      %dma_start3A_569 = arith.constant 0 : i32
      %dma_start3A_570 = arith.constant 0 : i32
      %dma_start3A_571 = tpu.memref_slice %arg2[%dma_start3A_569, %dma_start3A_570] : memref<10000x128xf32, #tpu.memory_space<hbm>> -> memref<10000x128xf32, #tpu.memory_space<hbm>>
      tpu.enqueue_indirect_dma source(%dma_start3A_571 : memref<10000x128xf32, #tpu.memory_space<hbm>>) target(%arg20 : memref<64x128xf32, #tpu.memory_space<vmem>>) offsets(%arg8 : memref<64xi32, #tpu.memory_space<vmem>>) semaphore(%arg39 : memref<!tpu.dma_semaphore, #tpu.memory_space<semaphore_mem>>)
      %dma_wait3A_572 = arith.constant 0 : i32
      %dma_wait3A_573 = arith.constant 0 : i32
      %dma_wait3A_574 = tpu.memref_slice %arg25[%dma_wait3A_572, %dma_wait3A_573] : memref<10112x128xf32, #tpu.memory_space<vmem_shared>> -> memref<10112x128xf32, #tpu.memory_space<vmem_shared>>
      tpu.wait_indirect_dma semaphore(%arg46 : memref<!tpu.dma_semaphore, #tpu.memory_space<semaphore_mem>>) src(%arg21 : memref<64x128xf32, #tpu.memory_space<vmem>>) dst(%dma_wait3A_574 : memref<10112x128xf32, #tpu.memory_space<vmem_shared>>)
      %add3A_575 = arith.constant 6 : i32
      %add3A_576 = arith.addi %mul3A_327, %add3A_575 : i32
      %add3A_577 = arith.constant 2 : i32
      %add3A_578 = arith.addi %add3A_576, %add3A_577 : i32
      %mul3A_579 = arith.constant 162 : i32
      %mul3A_580 = arith.muli %add3A, %mul3A_579 : i32
      %add3A_581 = arith.addi %mul3A_580, %add3A_578 : i32
      %dma_start3A_582 = arith.constant 0 : i32
      %dma_start3A_583 = tpu.memref_slice %arg4[%add3A_581, %dma_start3A_582] : memref<5184x64xi32, #tpu.memory_space<hbm>> -> memref<1x64xi32, #tpu.memory_space<hbm>>
      %dma_start3A_584 = tpu.memref_squeeze %dma_start3A_583 : memref<1x64xi32, #tpu.memory_space<hbm>> -> memref<64xi32, #tpu.memory_space<hbm>>
      %dma_start3A_585 = arith.constant 0 : i32
      %dma_start3A_586 = tpu.memref_slice %arg4[%add3A_581, %dma_start3A_585] : memref<5184x64xi32, #tpu.memory_space<hbm>> -> memref<1x64xi32, #tpu.memory_space<hbm>>
      %dma_start3A_587 = tpu.memref_squeeze %dma_start3A_586 : memref<1x64xi32, #tpu.memory_space<hbm>> -> memref<64xi32, #tpu.memory_space<hbm>>
      tpu.enqueue_dma source(%dma_start3A_587 : memref<64xi32, #tpu.memory_space<hbm>>) target(%arg15 : memref<64xi32, #tpu.memory_space<vmem>>) target_semaphore(%arg34 : memref<!tpu.dma_semaphore, #tpu.memory_space<semaphore_mem>>)
      %add3A_588 = arith.constant 6 : i32
      %add3A_589 = arith.addi %mul3A_327, %add3A_588 : i32
      %add3A_590 = arith.constant 2 : i32
      %add3A_591 = arith.addi %add3A_589, %add3A_590 : i32
      %mul3A_592 = arith.constant 162 : i32
      %mul3A_593 = arith.muli %add3A, %mul3A_592 : i32
      %add3A_594 = arith.addi %mul3A_593, %add3A_591 : i32
      %dma_wait3A_595 = arith.constant 0 : i32
      %dma_wait3A_596 = tpu.memref_slice %arg3[%add3A_594, %dma_wait3A_595] : memref<5184x64xi32, #tpu.memory_space<hbm>> -> memref<1x64xi32, #tpu.memory_space<hbm>>
      %dma_wait3A_597 = tpu.memref_squeeze %dma_wait3A_596 : memref<1x64xi32, #tpu.memory_space<hbm>> -> memref<64xi32, #tpu.memory_space<hbm>>
      %dma_wait3A_598 = arith.constant 0 : i32
      %dma_wait3A_599 = tpu.memref_slice %arg3[%add3A_594, %dma_wait3A_598] : memref<5184x64xi32, #tpu.memory_space<hbm>> -> memref<1x64xi32, #tpu.memory_space<hbm>>
      %dma_wait3A_600 = tpu.memref_squeeze %dma_wait3A_599 : memref<1x64xi32, #tpu.memory_space<hbm>> -> memref<64xi32, #tpu.memory_space<hbm>>
      tpu.wait_dma2 semaphore(%arg28 : memref<!tpu.dma_semaphore, #tpu.memory_space<semaphore_mem>>) src(%dma_wait3A_600 : memref<64xi32, #tpu.memory_space<hbm>>) dst(%arg9 : memref<64xi32, #tpu.memory_space<vmem>>)
      %dma_start3A_601 = arith.constant 0 : i32
      %dma_start3A_602 = arith.constant 0 : i32
      %dma_start3A_603 = tpu.memref_slice %arg2[%dma_start3A_601, %dma_start3A_602] : memref<10000x128xf32, #tpu.memory_space<hbm>> -> memref<10000x128xf32, #tpu.memory_space<hbm>>
      tpu.enqueue_indirect_dma source(%dma_start3A_603 : memref<10000x128xf32, #tpu.memory_space<hbm>>) target(%arg21 : memref<64x128xf32, #tpu.memory_space<vmem>>) offsets(%arg9 : memref<64xi32, #tpu.memory_space<vmem>>) semaphore(%arg40 : memref<!tpu.dma_semaphore, #tpu.memory_space<semaphore_mem>>)
      %dma_wait3A_604 = arith.constant 0 : i32
      %dma_wait3A_605 = arith.constant 0 : i32
      %dma_wait3A_606 = tpu.memref_slice %arg25[%dma_wait3A_604, %dma_wait3A_605] : memref<10112x128xf32, #tpu.memory_space<vmem_shared>> -> memref<10112x128xf32, #tpu.memory_space<vmem_shared>>
      tpu.wait_indirect_dma semaphore(%arg47 : memref<!tpu.dma_semaphore, #tpu.memory_space<semaphore_mem>>) src(%arg22 : memref<64x128xf32, #tpu.memory_space<vmem>>) dst(%dma_wait3A_606 : memref<10112x128xf32, #tpu.memory_space<vmem_shared>>)
      %add3A_607 = arith.constant 6 : i32
      %add3A_608 = arith.addi %mul3A_327, %add3A_607 : i32
      %add3A_609 = arith.constant 3 : i32
      %add3A_610 = arith.addi %add3A_608, %add3A_609 : i32
      %mul3A_611 = arith.constant 162 : i32
      %mul3A_612 = arith.muli %add3A, %mul3A_611 : i32
      %add3A_613 = arith.addi %mul3A_612, %add3A_610 : i32
      %dma_start3A_614 = arith.constant 0 : i32
      %dma_start3A_615 = tpu.memref_slice %arg4[%add3A_613, %dma_start3A_614] : memref<5184x64xi32, #tpu.memory_space<hbm>> -> memref<1x64xi32, #tpu.memory_space<hbm>>
      %dma_start3A_616 = tpu.memref_squeeze %dma_start3A_615 : memref<1x64xi32, #tpu.memory_space<hbm>> -> memref<64xi32, #tpu.memory_space<hbm>>
      %dma_start3A_617 = arith.constant 0 : i32
      %dma_start3A_618 = tpu.memref_slice %arg4[%add3A_613, %dma_start3A_617] : memref<5184x64xi32, #tpu.memory_space<hbm>> -> memref<1x64xi32, #tpu.memory_space<hbm>>
      %dma_start3A_619 = tpu.memref_squeeze %dma_start3A_618 : memref<1x64xi32, #tpu.memory_space<hbm>> -> memref<64xi32, #tpu.memory_space<hbm>>
      tpu.enqueue_dma source(%dma_start3A_619 : memref<64xi32, #tpu.memory_space<hbm>>) target(%arg16 : memref<64xi32, #tpu.memory_space<vmem>>) target_semaphore(%arg35 : memref<!tpu.dma_semaphore, #tpu.memory_space<semaphore_mem>>)
      %add3A_620 = arith.constant 6 : i32
      %add3A_621 = arith.addi %mul3A_327, %add3A_620 : i32
      %add3A_622 = arith.constant 3 : i32
      %add3A_623 = arith.addi %add3A_621, %add3A_622 : i32
      %mul3A_624 = arith.constant 162 : i32
      %mul3A_625 = arith.muli %add3A, %mul3A_624 : i32
      %add3A_626 = arith.addi %mul3A_625, %add3A_623 : i32
      %dma_wait3A_627 = arith.constant 0 : i32
      %dma_wait3A_628 = tpu.memref_slice %arg3[%add3A_626, %dma_wait3A_627] : memref<5184x64xi32, #tpu.memory_space<hbm>> -> memref<1x64xi32, #tpu.memory_space<hbm>>
      %dma_wait3A_629 = tpu.memref_squeeze %dma_wait3A_628 : memref<1x64xi32, #tpu.memory_space<hbm>> -> memref<64xi32, #tpu.memory_space<hbm>>
      %dma_wait3A_630 = arith.constant 0 : i32
      %dma_wait3A_631 = tpu.memref_slice %arg3[%add3A_626, %dma_wait3A_630] : memref<5184x64xi32, #tpu.memory_space<hbm>> -> memref<1x64xi32, #tpu.memory_space<hbm>>
      %dma_wait3A_632 = tpu.memref_squeeze %dma_wait3A_631 : memref<1x64xi32, #tpu.memory_space<hbm>> -> memref<64xi32, #tpu.memory_space<hbm>>
      tpu.wait_dma2 semaphore(%arg29 : memref<!tpu.dma_semaphore, #tpu.memory_space<semaphore_mem>>) src(%dma_wait3A_632 : memref<64xi32, #tpu.memory_space<hbm>>) dst(%arg10 : memref<64xi32, #tpu.memory_space<vmem>>)
      %dma_start3A_633 = arith.constant 0 : i32
      %dma_start3A_634 = arith.constant 0 : i32
      %dma_start3A_635 = tpu.memref_slice %arg2[%dma_start3A_633, %dma_start3A_634] : memref<10000x128xf32, #tpu.memory_space<hbm>> -> memref<10000x128xf32, #tpu.memory_space<hbm>>
      tpu.enqueue_indirect_dma source(%dma_start3A_635 : memref<10000x128xf32, #tpu.memory_space<hbm>>) target(%arg22 : memref<64x128xf32, #tpu.memory_space<vmem>>) offsets(%arg10 : memref<64xi32, #tpu.memory_space<vmem>>) semaphore(%arg41 : memref<!tpu.dma_semaphore, #tpu.memory_space<semaphore_mem>>)
      %dma_wait3A_636 = arith.constant 0 : i32
      %dma_wait3A_637 = arith.constant 0 : i32
      %dma_wait3A_638 = tpu.memref_slice %arg25[%dma_wait3A_636, %dma_wait3A_637] : memref<10112x128xf32, #tpu.memory_space<vmem_shared>> -> memref<10112x128xf32, #tpu.memory_space<vmem_shared>>
      tpu.wait_indirect_dma semaphore(%arg48 : memref<!tpu.dma_semaphore, #tpu.memory_space<semaphore_mem>>) src(%arg23 : memref<64x128xf32, #tpu.memory_space<vmem>>) dst(%dma_wait3A_638 : memref<10112x128xf32, #tpu.memory_space<vmem_shared>>)
      %add3A_639 = arith.constant 6 : i32
      %add3A_640 = arith.addi %mul3A_327, %add3A_639 : i32
      %add3A_641 = arith.constant 4 : i32
      %add3A_642 = arith.addi %add3A_640, %add3A_641 : i32
      %mul3A_643 = arith.constant 162 : i32
      %mul3A_644 = arith.muli %add3A, %mul3A_643 : i32
      %add3A_645 = arith.addi %mul3A_644, %add3A_642 : i32
      %dma_start3A_646 = arith.constant 0 : i32
      %dma_start3A_647 = tpu.memref_slice %arg4[%add3A_645, %dma_start3A_646] : memref<5184x64xi32, #tpu.memory_space<hbm>> -> memref<1x64xi32, #tpu.memory_space<hbm>>
      %dma_start3A_648 = tpu.memref_squeeze %dma_start3A_647 : memref<1x64xi32, #tpu.memory_space<hbm>> -> memref<64xi32, #tpu.memory_space<hbm>>
      %dma_start3A_649 = arith.constant 0 : i32
      %dma_start3A_650 = tpu.memref_slice %arg4[%add3A_645, %dma_start3A_649] : memref<5184x64xi32, #tpu.memory_space<hbm>> -> memref<1x64xi32, #tpu.memory_space<hbm>>
      %dma_start3A_651 = tpu.memref_squeeze %dma_start3A_650 : memref<1x64xi32, #tpu.memory_space<hbm>> -> memref<64xi32, #tpu.memory_space<hbm>>
      tpu.enqueue_dma source(%dma_start3A_651 : memref<64xi32, #tpu.memory_space<hbm>>) target(%arg17 : memref<64xi32, #tpu.memory_space<vmem>>) target_semaphore(%arg36 : memref<!tpu.dma_semaphore, #tpu.memory_space<semaphore_mem>>)
      %add3A_652 = arith.constant 6 : i32
      %add3A_653 = arith.addi %mul3A_327, %add3A_652 : i32
      %add3A_654 = arith.constant 4 : i32
      %add3A_655 = arith.addi %add3A_653, %add3A_654 : i32
      %mul3A_656 = arith.constant 162 : i32
      %mul3A_657 = arith.muli %add3A, %mul3A_656 : i32
      %add3A_658 = arith.addi %mul3A_657, %add3A_655 : i32
      %dma_wait3A_659 = arith.constant 0 : i32
      %dma_wait3A_660 = tpu.memref_slice %arg3[%add3A_658, %dma_wait3A_659] : memref<5184x64xi32, #tpu.memory_space<hbm>> -> memref<1x64xi32, #tpu.memory_space<hbm>>
      %dma_wait3A_661 = tpu.memref_squeeze %dma_wait3A_660 : memref<1x64xi32, #tpu.memory_space<hbm>> -> memref<64xi32, #tpu.memory_space<hbm>>
      %dma_wait3A_662 = arith.constant 0 : i32
      %dma_wait3A_663 = tpu.memref_slice %arg3[%add3A_658, %dma_wait3A_662] : memref<5184x64xi32, #tpu.memory_space<hbm>> -> memref<1x64xi32, #tpu.memory_space<hbm>>
      %dma_wait3A_664 = tpu.memref_squeeze %dma_wait3A_663 : memref<1x64xi32, #tpu.memory_space<hbm>> -> memref<64xi32, #tpu.memory_space<hbm>>
      tpu.wait_dma2 semaphore(%arg30 : memref<!tpu.dma_semaphore, #tpu.memory_space<semaphore_mem>>) src(%dma_wait3A_664 : memref<64xi32, #tpu.memory_space<hbm>>) dst(%arg11 : memref<64xi32, #tpu.memory_space<vmem>>)
      %dma_start3A_665 = arith.constant 0 : i32
      %dma_start3A_666 = arith.constant 0 : i32
      %dma_start3A_667 = tpu.memref_slice %arg2[%dma_start3A_665, %dma_start3A_666] : memref<10000x128xf32, #tpu.memory_space<hbm>> -> memref<10000x128xf32, #tpu.memory_space<hbm>>
      tpu.enqueue_indirect_dma source(%dma_start3A_667 : memref<10000x128xf32, #tpu.memory_space<hbm>>) target(%arg23 : memref<64x128xf32, #tpu.memory_space<vmem>>) offsets(%arg11 : memref<64xi32, #tpu.memory_space<vmem>>) semaphore(%arg42 : memref<!tpu.dma_semaphore, #tpu.memory_space<semaphore_mem>>)
      %dma_wait3A_668 = arith.constant 0 : i32
      %dma_wait3A_669 = arith.constant 0 : i32
      %dma_wait3A_670 = tpu.memref_slice %arg25[%dma_wait3A_668, %dma_wait3A_669] : memref<10112x128xf32, #tpu.memory_space<vmem_shared>> -> memref<10112x128xf32, #tpu.memory_space<vmem_shared>>
      tpu.wait_indirect_dma semaphore(%arg49 : memref<!tpu.dma_semaphore, #tpu.memory_space<semaphore_mem>>) src(%arg24 : memref<64x128xf32, #tpu.memory_space<vmem>>) dst(%dma_wait3A_670 : memref<10112x128xf32, #tpu.memory_space<vmem_shared>>)
      %add3A_671 = arith.constant 6 : i32
      %add3A_672 = arith.addi %mul3A_327, %add3A_671 : i32
      %add3A_673 = arith.constant 5 : i32
      %add3A_674 = arith.addi %add3A_672, %add3A_673 : i32
      %mul3A_675 = arith.constant 162 : i32
      %mul3A_676 = arith.muli %add3A, %mul3A_675 : i32
      %add3A_677 = arith.addi %mul3A_676, %add3A_674 : i32
      %dma_start3A_678 = arith.constant 0 : i32
      %dma_start3A_679 = tpu.memref_slice %arg4[%add3A_677, %dma_start3A_678] : memref<5184x64xi32, #tpu.memory_space<hbm>> -> memref<1x64xi32, #tpu.memory_space<hbm>>
      %dma_start3A_680 = tpu.memref_squeeze %dma_start3A_679 : memref<1x64xi32, #tpu.memory_space<hbm>> -> memref<64xi32, #tpu.memory_space<hbm>>
      %dma_start3A_681 = arith.constant 0 : i32
      %dma_start3A_682 = tpu.memref_slice %arg4[%add3A_677, %dma_start3A_681] : memref<5184x64xi32, #tpu.memory_space<hbm>> -> memref<1x64xi32, #tpu.memory_space<hbm>>
      %dma_start3A_683 = tpu.memref_squeeze %dma_start3A_682 : memref<1x64xi32, #tpu.memory_space<hbm>> -> memref<64xi32, #tpu.memory_space<hbm>>
      tpu.enqueue_dma source(%dma_start3A_683 : memref<64xi32, #tpu.memory_space<hbm>>) target(%arg18 : memref<64xi32, #tpu.memory_space<vmem>>) target_semaphore(%arg37 : memref<!tpu.dma_semaphore, #tpu.memory_space<semaphore_mem>>)
      %add3A_684 = arith.constant 6 : i32
      %add3A_685 = arith.addi %mul3A_327, %add3A_684 : i32
      %add3A_686 = arith.constant 5 : i32
      %add3A_687 = arith.addi %add3A_685, %add3A_686 : i32
      %mul3A_688 = arith.constant 162 : i32
      %mul3A_689 = arith.muli %add3A, %mul3A_688 : i32
      %add3A_690 = arith.addi %mul3A_689, %add3A_687 : i32
      %dma_wait3A_691 = arith.constant 0 : i32
      %dma_wait3A_692 = tpu.memref_slice %arg3[%add3A_690, %dma_wait3A_691] : memref<5184x64xi32, #tpu.memory_space<hbm>> -> memref<1x64xi32, #tpu.memory_space<hbm>>
      %dma_wait3A_693 = tpu.memref_squeeze %dma_wait3A_692 : memref<1x64xi32, #tpu.memory_space<hbm>> -> memref<64xi32, #tpu.memory_space<hbm>>
      %dma_wait3A_694 = arith.constant 0 : i32
      %dma_wait3A_695 = tpu.memref_slice %arg3[%add3A_690, %dma_wait3A_694] : memref<5184x64xi32, #tpu.memory_space<hbm>> -> memref<1x64xi32, #tpu.memory_space<hbm>>
      %dma_wait3A_696 = tpu.memref_squeeze %dma_wait3A_695 : memref<1x64xi32, #tpu.memory_space<hbm>> -> memref<64xi32, #tpu.memory_space<hbm>>
      tpu.wait_dma2 semaphore(%arg31 : memref<!tpu.dma_semaphore, #tpu.memory_space<semaphore_mem>>) src(%dma_wait3A_696 : memref<64xi32, #tpu.memory_space<hbm>>) dst(%arg12 : memref<64xi32, #tpu.memory_space<vmem>>)
      %dma_start3A_697 = arith.constant 0 : i32
      %dma_start3A_698 = arith.constant 0 : i32
      %dma_start3A_699 = tpu.memref_slice %arg2[%dma_start3A_697, %dma_start3A_698] : memref<10000x128xf32, #tpu.memory_space<hbm>> -> memref<10000x128xf32, #tpu.memory_space<hbm>>
      tpu.enqueue_indirect_dma source(%dma_start3A_699 : memref<10000x128xf32, #tpu.memory_space<hbm>>) target(%arg24 : memref<64x128xf32, #tpu.memory_space<vmem>>) offsets(%arg12 : memref<64xi32, #tpu.memory_space<vmem>>) semaphore(%arg43 : memref<!tpu.dma_semaphore, #tpu.memory_space<semaphore_mem>>)
    }
    %scan3A_205 = arith.constant 26 : i32
    %dma_wait3A_206 = arith.constant 0 : i32
    %dma_wait3A_207 = arith.constant 0 : i32
    %dma_wait3A_208 = tpu.memref_slice %arg2[%dma_wait3A_206, %dma_wait3A_207] : memref<10000x128xf32, #tpu.memory_space<hbm>> -> memref<10000x128xf32, #tpu.memory_space<hbm>>
    tpu.wait_indirect_dma semaphore(%arg38 : memref<!tpu.dma_semaphore, #tpu.memory_space<semaphore_mem>>) src(%dma_wait3A_208 : memref<10000x128xf32, #tpu.memory_space<hbm>>) dst(%arg19 : memref<64x128xf32, #tpu.memory_space<vmem>>)
    %mul3A_209 = arith.constant 162 : i32
    %mul3A_210 = arith.muli %add3A, %mul3A_209 : i32
    %add3A_211 = arith.constant 156 : i32
    %add3A_212 = arith.addi %mul3A_210, %add3A_211 : i32
    %dma_wait3A_213 = arith.constant 0 : i32
    %dma_wait3A_214 = tpu.memref_slice %arg4[%add3A_212, %dma_wait3A_213] : memref<5184x64xi32, #tpu.memory_space<hbm>> -> memref<1x64xi32, #tpu.memory_space<hbm>>
    %dma_wait3A_215 = tpu.memref_squeeze %dma_wait3A_214 : memref<1x64xi32, #tpu.memory_space<hbm>> -> memref<64xi32, #tpu.memory_space<hbm>>
    %dma_wait3A_216 = arith.constant 0 : i32
    %dma_wait3A_217 = tpu.memref_slice %arg4[%add3A_212, %dma_wait3A_216] : memref<5184x64xi32, #tpu.memory_space<hbm>> -> memref<1x64xi32, #tpu.memory_space<hbm>>
    %dma_wait3A_218 = tpu.memref_squeeze %dma_wait3A_217 : memref<1x64xi32, #tpu.memory_space<hbm>> -> memref<64xi32, #tpu.memory_space<hbm>>
    tpu.wait_dma2 semaphore(%arg32 : memref<!tpu.dma_semaphore, #tpu.memory_space<semaphore_mem>>) src(%dma_wait3A_218 : memref<64xi32, #tpu.memory_space<hbm>>) dst(%arg13 : memref<64xi32, #tpu.memory_space<vmem>>)
    %dma_start3A_219 = arith.constant 0 : i32
    %dma_start3A_220 = arith.constant 0 : i32
    %dma_start3A_221 = tpu.memref_slice %arg25[%dma_start3A_219, %dma_start3A_220] : memref<10112x128xf32, #tpu.memory_space<vmem_shared>> -> memref<10112x128xf32, #tpu.memory_space<vmem_shared>>
    tpu.enqueue_indirect_dma source(%arg19 : memref<64x128xf32, #tpu.memory_space<vmem>>) target(%dma_start3A_221 : memref<10112x128xf32, #tpu.memory_space<vmem_shared>>) offsets(%arg13 : memref<64xi32, #tpu.memory_space<vmem>>) semaphore(%arg44 : memref<!tpu.dma_semaphore, #tpu.memory_space<semaphore_mem>>) {add = true}
    %dma_wait3A_222 = arith.constant 0 : i32
    %dma_wait3A_223 = arith.constant 0 : i32
    %dma_wait3A_224 = tpu.memref_slice %arg2[%dma_wait3A_222, %dma_wait3A_223] : memref<10000x128xf32, #tpu.memory_space<hbm>> -> memref<10000x128xf32, #tpu.memory_space<hbm>>
    tpu.wait_indirect_dma semaphore(%arg39 : memref<!tpu.dma_semaphore, #tpu.memory_space<semaphore_mem>>) src(%dma_wait3A_224 : memref<10000x128xf32, #tpu.memory_space<hbm>>) dst(%arg20 : memref<64x128xf32, #tpu.memory_space<vmem>>)
    %mul3A_225 = arith.constant 162 : i32
    %mul3A_226 = arith.muli %add3A, %mul3A_225 : i32
    %add3A_227 = arith.constant 157 : i32
    %add3A_228 = arith.addi %mul3A_226, %add3A_227 : i32
    %dma_wait3A_229 = arith.constant 0 : i32
    %dma_wait3A_230 = tpu.memref_slice %arg4[%add3A_228, %dma_wait3A_229] : memref<5184x64xi32, #tpu.memory_space<hbm>> -> memref<1x64xi32, #tpu.memory_space<hbm>>
    %dma_wait3A_231 = tpu.memref_squeeze %dma_wait3A_230 : memref<1x64xi32, #tpu.memory_space<hbm>> -> memref<64xi32, #tpu.memory_space<hbm>>
    %dma_wait3A_232 = arith.constant 0 : i32
    %dma_wait3A_233 = tpu.memref_slice %arg4[%add3A_228, %dma_wait3A_232] : memref<5184x64xi32, #tpu.memory_space<hbm>> -> memref<1x64xi32, #tpu.memory_space<hbm>>
    %dma_wait3A_234 = tpu.memref_squeeze %dma_wait3A_233 : memref<1x64xi32, #tpu.memory_space<hbm>> -> memref<64xi32, #tpu.memory_space<hbm>>
    tpu.wait_dma2 semaphore(%arg33 : memref<!tpu.dma_semaphore, #tpu.memory_space<semaphore_mem>>) src(%dma_wait3A_234 : memref<64xi32, #tpu.memory_space<hbm>>) dst(%arg14 : memref<64xi32, #tpu.memory_space<vmem>>)
    %dma_start3A_235 = arith.constant 0 : i32
    %dma_start3A_236 = arith.constant 0 : i32
    %dma_start3A_237 = tpu.memref_slice %arg25[%dma_start3A_235, %dma_start3A_236] : memref<10112x128xf32, #tpu.memory_space<vmem_shared>> -> memref<10112x128xf32, #tpu.memory_space<vmem_shared>>
    tpu.enqueue_indirect_dma source(%arg20 : memref<64x128xf32, #tpu.memory_space<vmem>>) target(%dma_start3A_237 : memref<10112x128xf32, #tpu.memory_space<vmem_shared>>) offsets(%arg14 : memref<64xi32, #tpu.memory_space<vmem>>) semaphore(%arg45 : memref<!tpu.dma_semaphore, #tpu.memory_space<semaphore_mem>>) {add = true}
    %dma_wait3A_238 = arith.constant 0 : i32
    %dma_wait3A_239 = arith.constant 0 : i32
    %dma_wait3A_240 = tpu.memref_slice %arg2[%dma_wait3A_238, %dma_wait3A_239] : memref<10000x128xf32, #tpu.memory_space<hbm>> -> memref<10000x128xf32, #tpu.memory_space<hbm>>
    tpu.wait_indirect_dma semaphore(%arg40 : memref<!tpu.dma_semaphore, #tpu.memory_space<semaphore_mem>>) src(%dma_wait3A_240 : memref<10000x128xf32, #tpu.memory_space<hbm>>) dst(%arg21 : memref<64x128xf32, #tpu.memory_space<vmem>>)
    %mul3A_241 = arith.constant 162 : i32
    %mul3A_242 = arith.muli %add3A, %mul3A_241 : i32
    %add3A_243 = arith.constant 158 : i32
    %add3A_244 = arith.addi %mul3A_242, %add3A_243 : i32
    %dma_wait3A_245 = arith.constant 0 : i32
    %dma_wait3A_246 = tpu.memref_slice %arg4[%add3A_244, %dma_wait3A_245] : memref<5184x64xi32, #tpu.memory_space<hbm>> -> memref<1x64xi32, #tpu.memory_space<hbm>>
    %dma_wait3A_247 = tpu.memref_squeeze %dma_wait3A_246 : memref<1x64xi32, #tpu.memory_space<hbm>> -> memref<64xi32, #tpu.memory_space<hbm>>
    %dma_wait3A_248 = arith.constant 0 : i32
    %dma_wait3A_249 = tpu.memref_slice %arg4[%add3A_244, %dma_wait3A_248] : memref<5184x64xi32, #tpu.memory_space<hbm>> -> memref<1x64xi32, #tpu.memory_space<hbm>>
    %dma_wait3A_250 = tpu.memref_squeeze %dma_wait3A_249 : memref<1x64xi32, #tpu.memory_space<hbm>> -> memref<64xi32, #tpu.memory_space<hbm>>
    tpu.wait_dma2 semaphore(%arg34 : memref<!tpu.dma_semaphore, #tpu.memory_space<semaphore_mem>>) src(%dma_wait3A_250 : memref<64xi32, #tpu.memory_space<hbm>>) dst(%arg15 : memref<64xi32, #tpu.memory_space<vmem>>)
    %dma_start3A_251 = arith.constant 0 : i32
    %dma_start3A_252 = arith.constant 0 : i32
    %dma_start3A_253 = tpu.memref_slice %arg25[%dma_start3A_251, %dma_start3A_252] : memref<10112x128xf32, #tpu.memory_space<vmem_shared>> -> memref<10112x128xf32, #tpu.memory_space<vmem_shared>>
    tpu.enqueue_indirect_dma source(%arg21 : memref<64x128xf32, #tpu.memory_space<vmem>>) target(%dma_start3A_253 : memref<10112x128xf32, #tpu.memory_space<vmem_shared>>) offsets(%arg15 : memref<64xi32, #tpu.memory_space<vmem>>) semaphore(%arg46 : memref<!tpu.dma_semaphore, #tpu.memory_space<semaphore_mem>>) {add = true}
    %dma_wait3A_254 = arith.constant 0 : i32
    %dma_wait3A_255 = arith.constant 0 : i32
    %dma_wait3A_256 = tpu.memref_slice %arg2[%dma_wait3A_254, %dma_wait3A_255] : memref<10000x128xf32, #tpu.memory_space<hbm>> -> memref<10000x128xf32, #tpu.memory_space<hbm>>
    tpu.wait_indirect_dma semaphore(%arg41 : memref<!tpu.dma_semaphore, #tpu.memory_space<semaphore_mem>>) src(%dma_wait3A_256 : memref<10000x128xf32, #tpu.memory_space<hbm>>) dst(%arg22 : memref<64x128xf32, #tpu.memory_space<vmem>>)
    %mul3A_257 = arith.constant 162 : i32
    %mul3A_258 = arith.muli %add3A, %mul3A_257 : i32
    %add3A_259 = arith.constant 159 : i32
    %add3A_260 = arith.addi %mul3A_258, %add3A_259 : i32
    %dma_wait3A_261 = arith.constant 0 : i32
    %dma_wait3A_262 = tpu.memref_slice %arg4[%add3A_260, %dma_wait3A_261] : memref<5184x64xi32, #tpu.memory_space<hbm>> -> memref<1x64xi32, #tpu.memory_space<hbm>>
    %dma_wait3A_263 = tpu.memref_squeeze %dma_wait3A_262 : memref<1x64xi32, #tpu.memory_space<hbm>> -> memref<64xi32, #tpu.memory_space<hbm>>
    %dma_wait3A_264 = arith.constant 0 : i32
    %dma_wait3A_265 = tpu.memref_slice %arg4[%add3A_260, %dma_wait3A_264] : memref<5184x64xi32, #tpu.memory_space<hbm>> -> memref<1x64xi32, #tpu.memory_space<hbm>>
    %dma_wait3A_266 = tpu.memref_squeeze %dma_wait3A_265 : memref<1x64xi32, #tpu.memory_space<hbm>> -> memref<64xi32, #tpu.memory_space<hbm>>
    tpu.wait_dma2 semaphore(%arg35 : memref<!tpu.dma_semaphore, #tpu.memory_space<semaphore_mem>>) src(%dma_wait3A_266 : memref<64xi32, #tpu.memory_space<hbm>>) dst(%arg16 : memref<64xi32, #tpu.memory_space<vmem>>)
    %dma_start3A_267 = arith.constant 0 : i32
    %dma_start3A_268 = arith.constant 0 : i32
    %dma_start3A_269 = tpu.memref_slice %arg25[%dma_start3A_267, %dma_start3A_268] : memref<10112x128xf32, #tpu.memory_space<vmem_shared>> -> memref<10112x128xf32, #tpu.memory_space<vmem_shared>>
    tpu.enqueue_indirect_dma source(%arg22 : memref<64x128xf32, #tpu.memory_space<vmem>>) target(%dma_start3A_269 : memref<10112x128xf32, #tpu.memory_space<vmem_shared>>) offsets(%arg16 : memref<64xi32, #tpu.memory_space<vmem>>) semaphore(%arg47 : memref<!tpu.dma_semaphore, #tpu.memory_space<semaphore_mem>>) {add = true}
    %dma_wait3A_270 = arith.constant 0 : i32
    %dma_wait3A_271 = arith.constant 0 : i32
    %dma_wait3A_272 = tpu.memref_slice %arg2[%dma_wait3A_270, %dma_wait3A_271] : memref<10000x128xf32, #tpu.memory_space<hbm>> -> memref<10000x128xf32, #tpu.memory_space<hbm>>
    tpu.wait_indirect_dma semaphore(%arg42 : memref<!tpu.dma_semaphore, #tpu.memory_space<semaphore_mem>>) src(%dma_wait3A_272 : memref<10000x128xf32, #tpu.memory_space<hbm>>) dst(%arg23 : memref<64x128xf32, #tpu.memory_space<vmem>>)
    %mul3A_273 = arith.constant 162 : i32
    %mul3A_274 = arith.muli %add3A, %mul3A_273 : i32
    %add3A_275 = arith.constant 160 : i32
    %add3A_276 = arith.addi %mul3A_274, %add3A_275 : i32
    %dma_wait3A_277 = arith.constant 0 : i32
    %dma_wait3A_278 = tpu.memref_slice %arg4[%add3A_276, %dma_wait3A_277] : memref<5184x64xi32, #tpu.memory_space<hbm>> -> memref<1x64xi32, #tpu.memory_space<hbm>>
    %dma_wait3A_279 = tpu.memref_squeeze %dma_wait3A_278 : memref<1x64xi32, #tpu.memory_space<hbm>> -> memref<64xi32, #tpu.memory_space<hbm>>
    %dma_wait3A_280 = arith.constant 0 : i32
    %dma_wait3A_281 = tpu.memref_slice %arg4[%add3A_276, %dma_wait3A_280] : memref<5184x64xi32, #tpu.memory_space<hbm>> -> memref<1x64xi32, #tpu.memory_space<hbm>>
    %dma_wait3A_282 = tpu.memref_squeeze %dma_wait3A_281 : memref<1x64xi32, #tpu.memory_space<hbm>> -> memref<64xi32, #tpu.memory_space<hbm>>
    tpu.wait_dma2 semaphore(%arg36 : memref<!tpu.dma_semaphore, #tpu.memory_space<semaphore_mem>>) src(%dma_wait3A_282 : memref<64xi32, #tpu.memory_space<hbm>>) dst(%arg17 : memref<64xi32, #tpu.memory_space<vmem>>)
    %dma_start3A_283 = arith.constant 0 : i32
    %dma_start3A_284 = arith.constant 0 : i32
    %dma_start3A_285 = tpu.memref_slice %arg25[%dma_start3A_283, %dma_start3A_284] : memref<10112x128xf32, #tpu.memory_space<vmem_shared>> -> memref<10112x128xf32, #tpu.memory_space<vmem_shared>>
    tpu.enqueue_indirect_dma source(%arg23 : memref<64x128xf32, #tpu.memory_space<vmem>>) target(%dma_start3A_285 : memref<10112x128xf32, #tpu.memory_space<vmem_shared>>) offsets(%arg17 : memref<64xi32, #tpu.memory_space<vmem>>) semaphore(%arg48 : memref<!tpu.dma_semaphore, #tpu.memory_space<semaphore_mem>>) {add = true}
    %dma_wait3A_286 = arith.constant 0 : i32
    %dma_wait3A_287 = arith.constant 0 : i32
    %dma_wait3A_288 = tpu.memref_slice %arg2[%dma_wait3A_286, %dma_wait3A_287] : memref<10000x128xf32, #tpu.memory_space<hbm>> -> memref<10000x128xf32, #tpu.memory_space<hbm>>
    tpu.wait_indirect_dma semaphore(%arg43 : memref<!tpu.dma_semaphore, #tpu.memory_space<semaphore_mem>>) src(%dma_wait3A_288 : memref<10000x128xf32, #tpu.memory_space<hbm>>) dst(%arg24 : memref<64x128xf32, #tpu.memory_space<vmem>>)
    %mul3A_289 = arith.constant 162 : i32
    %mul3A_290 = arith.muli %add3A, %mul3A_289 : i32
    %add3A_291 = arith.constant 161 : i32
    %add3A_292 = arith.addi %mul3A_290, %add3A_291 : i32
    %dma_wait3A_293 = arith.constant 0 : i32
    %dma_wait3A_294 = tpu.memref_slice %arg4[%add3A_292, %dma_wait3A_293] : memref<5184x64xi32, #tpu.memory_space<hbm>> -> memref<1x64xi32, #tpu.memory_space<hbm>>
    %dma_wait3A_295 = tpu.memref_squeeze %dma_wait3A_294 : memref<1x64xi32, #tpu.memory_space<hbm>> -> memref<64xi32, #tpu.memory_space<hbm>>
    %dma_wait3A_296 = arith.constant 0 : i32
    %dma_wait3A_297 = tpu.memref_slice %arg4[%add3A_292, %dma_wait3A_296] : memref<5184x64xi32, #tpu.memory_space<hbm>> -> memref<1x64xi32, #tpu.memory_space<hbm>>
    %dma_wait3A_298 = tpu.memref_squeeze %dma_wait3A_297 : memref<1x64xi32, #tpu.memory_space<hbm>> -> memref<64xi32, #tpu.memory_space<hbm>>
    tpu.wait_dma2 semaphore(%arg37 : memref<!tpu.dma_semaphore, #tpu.memory_space<semaphore_mem>>) src(%dma_wait3A_298 : memref<64xi32, #tpu.memory_space<hbm>>) dst(%arg18 : memref<64xi32, #tpu.memory_space<vmem>>)
    %dma_start3A_299 = arith.constant 0 : i32
    %dma_start3A_300 = arith.constant 0 : i32
    %dma_start3A_301 = tpu.memref_slice %arg25[%dma_start3A_299, %dma_start3A_300] : memref<10112x128xf32, #tpu.memory_space<vmem_shared>> -> memref<10112x128xf32, #tpu.memory_space<vmem_shared>>
    tpu.enqueue_indirect_dma source(%arg24 : memref<64x128xf32, #tpu.memory_space<vmem>>) target(%dma_start3A_301 : memref<10112x128xf32, #tpu.memory_space<vmem_shared>>) offsets(%arg18 : memref<64xi32, #tpu.memory_space<vmem>>) semaphore(%arg49 : memref<!tpu.dma_semaphore, #tpu.memory_space<semaphore_mem>>) {add = true}
    %dma_wait3A_302 = arith.constant 0 : i32
    %dma_wait3A_303 = arith.constant 0 : i32
    %dma_wait3A_304 = tpu.memref_slice %arg25[%dma_wait3A_302, %dma_wait3A_303] : memref<10112x128xf32, #tpu.memory_space<vmem_shared>> -> memref<10112x128xf32, #tpu.memory_space<vmem_shared>>
    tpu.wait_indirect_dma semaphore(%arg44 : memref<!tpu.dma_semaphore, #tpu.memory_space<semaphore_mem>>) src(%arg19 : memref<64x128xf32, #tpu.memory_space<vmem>>) dst(%dma_wait3A_304 : memref<10112x128xf32, #tpu.memory_space<vmem_shared>>)
    %dma_wait3A_305 = arith.constant 0 : i32
    %dma_wait3A_306 = arith.constant 0 : i32
    %dma_wait3A_307 = tpu.memref_slice %arg25[%dma_wait3A_305, %dma_wait3A_306] : memref<10112x128xf32, #tpu.memory_space<vmem_shared>> -> memref<10112x128xf32, #tpu.memory_space<vmem_shared>>
    tpu.wait_indirect_dma semaphore(%arg45 : memref<!tpu.dma_semaphore, #tpu.memory_space<semaphore_mem>>) src(%arg20 : memref<64x128xf32, #tpu.memory_space<vmem>>) dst(%dma_wait3A_307 : memref<10112x128xf32, #tpu.memory_space<vmem_shared>>)
    %dma_wait3A_308 = arith.constant 0 : i32
    %dma_wait3A_309 = arith.constant 0 : i32
    %dma_wait3A_310 = tpu.memref_slice %arg25[%dma_wait3A_308, %dma_wait3A_309] : memref<10112x128xf32, #tpu.memory_space<vmem_shared>> -> memref<10112x128xf32, #tpu.memory_space<vmem_shared>>
    tpu.wait_indirect_dma semaphore(%arg46 : memref<!tpu.dma_semaphore, #tpu.memory_space<semaphore_mem>>) src(%arg21 : memref<64x128xf32, #tpu.memory_space<vmem>>) dst(%dma_wait3A_310 : memref<10112x128xf32, #tpu.memory_space<vmem_shared>>)
    %dma_wait3A_311 = arith.constant 0 : i32
    %dma_wait3A_312 = arith.constant 0 : i32
    %dma_wait3A_313 = tpu.memref_slice %arg25[%dma_wait3A_311, %dma_wait3A_312] : memref<10112x128xf32, #tpu.memory_space<vmem_shared>> -> memref<10112x128xf32, #tpu.memory_space<vmem_shared>>
    tpu.wait_indirect_dma semaphore(%arg47 : memref<!tpu.dma_semaphore, #tpu.memory_space<semaphore_mem>>) src(%arg22 : memref<64x128xf32, #tpu.memory_space<vmem>>) dst(%dma_wait3A_313 : memref<10112x128xf32, #tpu.memory_space<vmem_shared>>)
    %dma_wait3A_314 = arith.constant 0 : i32
    %dma_wait3A_315 = arith.constant 0 : i32
    %dma_wait3A_316 = tpu.memref_slice %arg25[%dma_wait3A_314, %dma_wait3A_315] : memref<10112x128xf32, #tpu.memory_space<vmem_shared>> -> memref<10112x128xf32, #tpu.memory_space<vmem_shared>>
    tpu.wait_indirect_dma semaphore(%arg48 : memref<!tpu.dma_semaphore, #tpu.memory_space<semaphore_mem>>) src(%arg23 : memref<64x128xf32, #tpu.memory_space<vmem>>) dst(%dma_wait3A_316 : memref<10112x128xf32, #tpu.memory_space<vmem_shared>>)
    %dma_wait3A_317 = arith.constant 0 : i32
    %dma_wait3A_318 = arith.constant 0 : i32
    %dma_wait3A_319 = tpu.memref_slice %arg25[%dma_wait3A_317, %dma_wait3A_318] : memref<10112x128xf32, #tpu.memory_space<vmem_shared>> -> memref<10112x128xf32, #tpu.memory_space<vmem_shared>>
    tpu.wait_indirect_dma semaphore(%arg49 : memref<!tpu.dma_semaphore, #tpu.memory_space<semaphore_mem>>) src(%arg24 : memref<64x128xf32, #tpu.memory_space<vmem>>) dst(%dma_wait3A_319 : memref<10112x128xf32, #tpu.memory_space<vmem_shared>>)
    %barrier3A_320 = arith.constant 0 : index
    tpu.barrier barrier_id(%barrier3A_320)
    %mul3A_321 = arith.constant 632 : i32
    %mul3A_322 = arith.muli %arg1, %mul3A_321 : i32
    %mul3A_323 = arith.constant 632 : i32
    %mul3A_324 = arith.muli %arg1, %mul3A_323 : i32
    "tpu.region"() ({
      %run_scoped3A = tpu.sem_alloc : memref<!tpu.dma_semaphore, #tpu.memory_space<semaphore_mem>>
      %dma_start3A_325 = arith.constant 0 : i32
      %dma_start3A_326 = tpu.memref_slice %arg6[%arg0, %mul3A_324, %dma_start3A_325] : memref<2x10112x128xf32, #tpu.memory_space<hbm>> -> memref<1x632x128xf32, #tpu.memory_space<hbm>>
      %dma_start3A_327 = tpu.memref_squeeze %dma_start3A_326 : memref<1x632x128xf32, #tpu.memory_space<hbm>> -> memref<632x128xf32, #tpu.memory_space<hbm>>
      %dma_start3A_328 = arith.constant 0 : i32
      %dma_start3A_329 = tpu.memref_slice %arg25[%mul3A_322, %dma_start3A_328] : memref<10112x128xf32, #tpu.memory_space<vmem_shared>> -> memref<632x128xf32, #tpu.memory_space<vmem_shared>>
      tpu.enqueue_dma source(%dma_start3A_329 : memref<632x128xf32, #tpu.memory_space<vmem_shared>>) target(%dma_start3A_327 : memref<632x128xf32, #tpu.memory_space<hbm>>) target_semaphore(%run_scoped3A : memref<!tpu.dma_semaphore, #tpu.memory_space<semaphore_mem>>)
      %dma_wait3A_330 = arith.constant 0 : i32
      %dma_wait3A_331 = tpu.memref_slice %arg6[%arg0, %mul3A_324, %dma_wait3A_330] : memref<2x10112x128xf32, #tpu.memory_space<hbm>> -> memref<1x632x128xf32, #tpu.memory_space<hbm>>
      %dma_wait3A_332 = tpu.memref_squeeze %dma_wait3A_331 : memref<1x632x128xf32, #tpu.memory_space<hbm>> -> memref<632x128xf32, #tpu.memory_space<hbm>>
      %dma_wait3A_333 = arith.constant 0 : i32
      %dma_wait3A_334 = tpu.memref_slice %arg25[%mul3A_322, %dma_wait3A_333] : memref<10112x128xf32, #tpu.memory_space<vmem_shared>> -> memref<632x128xf32, #tpu.memory_space<vmem_shared>>
      tpu.wait_dma2 semaphore(%run_scoped3A : memref<!tpu.dma_semaphore, #tpu.memory_space<semaphore_mem>>) src(%dma_wait3A_334 : memref<632x128xf32, #tpu.memory_space<vmem_shared>>) dst(%dma_wait3A_332 : memref<632x128xf32, #tpu.memory_space<hbm>>)
      tpu.yield
    }) : () -> ()
    return
  }
}

#map = affine_map<(d0, d1) -> (0, 0)>
#map1 = affine_map<(d0, d1) -> (0, 0, 0)>
module attributes {stable_mosaic.version = 14 : i64} {
  func.func @_edge_pass(%arg0: i32, %arg1: i32, %arg2: memref<10000x128xf32, #tpu.memory_space<hbm>>, %arg3: memref<5184x64xi32, #tpu.memory_space<hbm>>, %arg4: memref<5184x64xi32, #tpu.memory_space<hbm>>, %arg5: memref<10112x128xf32, #tpu.memory_space<hbm>>, %arg6: memref<2x10112x128xf32, #tpu.memory_space<hbm>>, %arg7: memref<64xi32, #tpu.memory_space<vmem>>, %arg8: memref<64xi32, #tpu.memory_space<vmem>>, %arg9: memref<64xi32, #tpu.memory_space<vmem>>, %arg10: memref<64xi32, #tpu.memory_space<vmem>>, %arg11: memref<64xi32, #tpu.memory_space<vmem>>, %arg12: memref<64xi32, #tpu.memory_space<vmem>>, %arg13: memref<64xi32, #tpu.memory_space<vmem>>, %arg14: memref<64xi32, #tpu.memory_space<vmem>>, %arg15: memref<64xi32, #tpu.memory_space<vmem>>, %arg16: memref<64xi32, #tpu.memory_space<vmem>>, %arg17: memref<64xi32, #tpu.memory_space<vmem>>, %arg18: memref<64xi32, #tpu.memory_space<vmem>>, %arg19: memref<64x128xf32, #tpu.memory_space<vmem>>, %arg20: memref<64x128xf32, #tpu.memory_space<vmem>>, %arg21: memref<64x128xf32, #tpu.memory_space<vmem>>, %arg22: memref<64x128xf32, #tpu.memory_space<vmem>>, %arg23: memref<64x128xf32, #tpu.memory_space<vmem>>, %arg24: memref<64x128xf32, #tpu.memory_space<vmem>>, %arg25: memref<10112x128xf32, #tpu.memory_space<vmem_shared>>, %arg26: memref<!tpu.dma_semaphore, #tpu.memory_space<semaphore_mem>>, %arg27: memref<!tpu.dma_semaphore, #tpu.memory_space<semaphore_mem>>, %arg28: memref<!tpu.dma_semaphore, #tpu.memory_space<semaphore_mem>>, %arg29: memref<!tpu.dma_semaphore, #tpu.memory_space<semaphore_mem>>, %arg30: memref<!tpu.dma_semaphore, #tpu.memory_space<semaphore_mem>>, %arg31: memref<!tpu.dma_semaphore, #tpu.memory_space<semaphore_mem>>, %arg32: memref<!tpu.dma_semaphore, #tpu.memory_space<semaphore_mem>>, %arg33: memref<!tpu.dma_semaphore, #tpu.memory_space<semaphore_mem>>, %arg34: memref<!tpu.dma_semaphore, #tpu.memory_space<semaphore_mem>>, %arg35: memref<!tpu.dma_semaphore, #tpu.memory_space<semaphore_mem>>, %arg36: memref<!tpu.dma_semaphore, #tpu.memory_space<semaphore_mem>>, %arg37: memref<!tpu.dma_semaphore, #tpu.memory_space<semaphore_mem>>, %arg38: memref<!tpu.dma_semaphore, #tpu.memory_space<semaphore_mem>>, %arg39: memref<!tpu.dma_semaphore, #tpu.memory_space<semaphore_mem>>, %arg40: memref<!tpu.dma_semaphore, #tpu.memory_space<semaphore_mem>>, %arg41: memref<!tpu.dma_semaphore, #tpu.memory_space<semaphore_mem>>, %arg42: memref<!tpu.dma_semaphore, #tpu.memory_space<semaphore_mem>>, %arg43: memref<!tpu.dma_semaphore, #tpu.memory_space<semaphore_mem>>, %arg44: memref<!tpu.dma_semaphore, #tpu.memory_space<semaphore_mem>>, %arg45: memref<!tpu.dma_semaphore, #tpu.memory_space<semaphore_mem>>, %arg46: memref<!tpu.dma_semaphore, #tpu.memory_space<semaphore_mem>>, %arg47: memref<!tpu.dma_semaphore, #tpu.memory_space<semaphore_mem>>, %arg48: memref<!tpu.dma_semaphore, #tpu.memory_space<semaphore_mem>>, %arg49: memref<!tpu.dma_semaphore, #tpu.memory_space<semaphore_mem>>) attributes {dimension_semantics = [#tpu.dimension_semantics<core_parallel>, #tpu.dimension_semantics<subcore_parallel>], iteration_bounds = array<i64: 2, 16>, scalar_prefetch = 0 : i64, scratch_operands = 43 : i64, tpu.core_type = #tpu.core_type<sc_vector_subcore>, window_params = [{transform_indices = #map}, {transform_indices = #map}, {transform_indices = #map}, {transform_indices = #map}, {transform_indices = #map1}]} {
    %mul3A = arith.constant 16 : i32
    %mul3A_0 = arith.muli %arg0, %mul3A : i32
    %add3A = arith.addi %mul3A_0, %arg1 : i32
    %mul3A_1 = arith.constant 632 : i32
    %mul3A_2 = arith.muli %arg1, %mul3A_1 : i32
    %mul3A_3 = arith.constant 632 : i32
    %mul3A_4 = arith.muli %arg1, %mul3A_3 : i32
    "tpu.region"() ({
      %run_scoped3A = tpu.sem_alloc : memref<!tpu.dma_semaphore, #tpu.memory_space<semaphore_mem>>
      %dma_start3A_325 = arith.constant 0 : i32
      %dma_start3A_326 = tpu.memref_slice %arg25[%mul3A_4, %dma_start3A_325] : memref<10112x128xf32, #tpu.memory_space<vmem_shared>> -> memref<632x128xf32, #tpu.memory_space<vmem_shared>>
      %dma_start3A_327 = arith.constant 0 : i32
      %dma_start3A_328 = tpu.memref_slice %arg5[%mul3A_2, %dma_start3A_327] : memref<10112x128xf32, #tpu.memory_space<hbm>> -> memref<632x128xf32, #tpu.memory_space<hbm>>
      tpu.enqueue_dma source(%dma_start3A_328 : memref<632x128xf32, #tpu.memory_space<hbm>>) target(%dma_start3A_326 : memref<632x128xf32, #tpu.memory_space<vmem_shared>>) target_semaphore(%run_scoped3A : memref<!tpu.dma_semaphore, #tpu.memory_space<semaphore_mem>>)
      %dma_wait3A_329 = arith.constant 0 : i32
      %dma_wait3A_330 = tpu.memref_slice %arg25[%mul3A_4, %dma_wait3A_329] : memref<10112x128xf32, #tpu.memory_space<vmem_shared>> -> memref<632x128xf32, #tpu.memory_space<vmem_shared>>
      %dma_wait3A_331 = arith.constant 0 : i32
      %dma_wait3A_332 = tpu.memref_slice %arg5[%mul3A_2, %dma_wait3A_331] : memref<10112x128xf32, #tpu.memory_space<hbm>> -> memref<632x128xf32, #tpu.memory_space<hbm>>
      tpu.wait_dma2 semaphore(%run_scoped3A : memref<!tpu.dma_semaphore, #tpu.memory_space<semaphore_mem>>) src(%dma_wait3A_332 : memref<632x128xf32, #tpu.memory_space<hbm>>) dst(%dma_wait3A_330 : memref<632x128xf32, #tpu.memory_space<vmem_shared>>)
      tpu.yield
    }) : () -> ()
    %barrier3A = arith.constant 0 : index
    tpu.barrier barrier_id(%barrier3A)
    %mul3A_5 = arith.constant 162 : i32
    %mul3A_6 = arith.muli %add3A, %mul3A_5 : i32
    %add3A_7 = arith.constant 0 : i32
    %add3A_8 = arith.addi %mul3A_6, %add3A_7 : i32
    %dma_start3A = arith.constant 0 : i32
    %dma_start3A_9 = tpu.memref_slice %arg3[%add3A_8, %dma_start3A] : memref<5184x64xi32, #tpu.memory_space<hbm>> -> memref<1x64xi32, #tpu.memory_space<hbm>>
    %dma_start3A_10 = tpu.memref_squeeze %dma_start3A_9 : memref<1x64xi32, #tpu.memory_space<hbm>> -> memref<64xi32, #tpu.memory_space<hbm>>
    %dma_start3A_11 = arith.constant 0 : i32
    %dma_start3A_12 = tpu.memref_slice %arg3[%add3A_8, %dma_start3A_11] : memref<5184x64xi32, #tpu.memory_space<hbm>> -> memref<1x64xi32, #tpu.memory_space<hbm>>
    %dma_start3A_13 = tpu.memref_squeeze %dma_start3A_12 : memref<1x64xi32, #tpu.memory_space<hbm>> -> memref<64xi32, #tpu.memory_space<hbm>>
    tpu.enqueue_dma source(%dma_start3A_13 : memref<64xi32, #tpu.memory_space<hbm>>) target(%arg7 : memref<64xi32, #tpu.memory_space<vmem>>) target_semaphore(%arg26 : memref<!tpu.dma_semaphore, #tpu.memory_space<semaphore_mem>>)
    %mul3A_14 = arith.constant 162 : i32
    %mul3A_15 = arith.muli %add3A, %mul3A_14 : i32
    %add3A_16 = arith.constant 0 : i32
    %add3A_17 = arith.addi %mul3A_15, %add3A_16 : i32
    %dma_start3A_18 = arith.constant 0 : i32
    %dma_start3A_19 = tpu.memref_slice %arg4[%add3A_17, %dma_start3A_18] : memref<5184x64xi32, #tpu.memory_space<hbm>> -> memref<1x64xi32, #tpu.memory_space<hbm>>
    %dma_start3A_20 = tpu.memref_squeeze %dma_start3A_19 : memref<1x64xi32, #tpu.memory_space<hbm>> -> memref<64xi32, #tpu.memory_space<hbm>>
    %dma_start3A_21 = arith.constant 0 : i32
    %dma_start3A_22 = tpu.memref_slice %arg4[%add3A_17, %dma_start3A_21] : memref<5184x64xi32, #tpu.memory_space<hbm>> -> memref<1x64xi32, #tpu.memory_space<hbm>>
    %dma_start3A_23 = tpu.memref_squeeze %dma_start3A_22 : memref<1x64xi32, #tpu.memory_space<hbm>> -> memref<64xi32, #tpu.memory_space<hbm>>
    tpu.enqueue_dma source(%dma_start3A_23 : memref<64xi32, #tpu.memory_space<hbm>>) target(%arg13 : memref<64xi32, #tpu.memory_space<vmem>>) target_semaphore(%arg32 : memref<!tpu.dma_semaphore, #tpu.memory_space<semaphore_mem>>)
    %mul3A_24 = arith.constant 162 : i32
    %mul3A_25 = arith.muli %add3A, %mul3A_24 : i32
    %add3A_26 = arith.constant 1 : i32
    %add3A_27 = arith.addi %mul3A_25, %add3A_26 : i32
    %dma_start3A_28 = arith.constant 0 : i32
    %dma_start3A_29 = tpu.memref_slice %arg3[%add3A_27, %dma_start3A_28] : memref<5184x64xi32, #tpu.memory_space<hbm>> -> memref<1x64xi32, #tpu.memory_space<hbm>>
    %dma_start3A_30 = tpu.memref_squeeze %dma_start3A_29 : memref<1x64xi32, #tpu.memory_space<hbm>> -> memref<64xi32, #tpu.memory_space<hbm>>
    %dma_start3A_31 = arith.constant 0 : i32
    %dma_start3A_32 = tpu.memref_slice %arg3[%add3A_27, %dma_start3A_31] : memref<5184x64xi32, #tpu.memory_space<hbm>> -> memref<1x64xi32, #tpu.memory_space<hbm>>
    %dma_start3A_33 = tpu.memref_squeeze %dma_start3A_32 : memref<1x64xi32, #tpu.memory_space<hbm>> -> memref<64xi32, #tpu.memory_space<hbm>>
    tpu.enqueue_dma source(%dma_start3A_33 : memref<64xi32, #tpu.memory_space<hbm>>) target(%arg8 : memref<64xi32, #tpu.memory_space<vmem>>) target_semaphore(%arg27 : memref<!tpu.dma_semaphore, #tpu.memory_space<semaphore_mem>>)
    %mul3A_34 = arith.constant 162 : i32
    %mul3A_35 = arith.muli %add3A, %mul3A_34 : i32
    %add3A_36 = arith.constant 1 : i32
    %add3A_37 = arith.addi %mul3A_35, %add3A_36 : i32
    %dma_start3A_38 = arith.constant 0 : i32
    %dma_start3A_39 = tpu.memref_slice %arg4[%add3A_37, %dma_start3A_38] : memref<5184x64xi32, #tpu.memory_space<hbm>> -> memref<1x64xi32, #tpu.memory_space<hbm>>
    %dma_start3A_40 = tpu.memref_squeeze %dma_start3A_39 : memref<1x64xi32, #tpu.memory_space<hbm>> -> memref<64xi32, #tpu.memory_space<hbm>>
    %dma_start3A_41 = arith.constant 0 : i32
    %dma_start3A_42 = tpu.memref_slice %arg4[%add3A_37, %dma_start3A_41] : memref<5184x64xi32, #tpu.memory_space<hbm>> -> memref<1x64xi32, #tpu.memory_space<hbm>>
    %dma_start3A_43 = tpu.memref_squeeze %dma_start3A_42 : memref<1x64xi32, #tpu.memory_space<hbm>> -> memref<64xi32, #tpu.memory_space<hbm>>
    tpu.enqueue_dma source(%dma_start3A_43 : memref<64xi32, #tpu.memory_space<hbm>>) target(%arg14 : memref<64xi32, #tpu.memory_space<vmem>>) target_semaphore(%arg33 : memref<!tpu.dma_semaphore, #tpu.memory_space<semaphore_mem>>)
    %mul3A_44 = arith.constant 162 : i32
    %mul3A_45 = arith.muli %add3A, %mul3A_44 : i32
    %add3A_46 = arith.constant 2 : i32
    %add3A_47 = arith.addi %mul3A_45, %add3A_46 : i32
    %dma_start3A_48 = arith.constant 0 : i32
    %dma_start3A_49 = tpu.memref_slice %arg3[%add3A_47, %dma_start3A_48] : memref<5184x64xi32, #tpu.memory_space<hbm>> -> memref<1x64xi32, #tpu.memory_space<hbm>>
    %dma_start3A_50 = tpu.memref_squeeze %dma_start3A_49 : memref<1x64xi32, #tpu.memory_space<hbm>> -> memref<64xi32, #tpu.memory_space<hbm>>
    %dma_start3A_51 = arith.constant 0 : i32
    %dma_start3A_52 = tpu.memref_slice %arg3[%add3A_47, %dma_start3A_51] : memref<5184x64xi32, #tpu.memory_space<hbm>> -> memref<1x64xi32, #tpu.memory_space<hbm>>
    %dma_start3A_53 = tpu.memref_squeeze %dma_start3A_52 : memref<1x64xi32, #tpu.memory_space<hbm>> -> memref<64xi32, #tpu.memory_space<hbm>>
    tpu.enqueue_dma source(%dma_start3A_53 : memref<64xi32, #tpu.memory_space<hbm>>) target(%arg9 : memref<64xi32, #tpu.memory_space<vmem>>) target_semaphore(%arg28 : memref<!tpu.dma_semaphore, #tpu.memory_space<semaphore_mem>>)
    %mul3A_54 = arith.constant 162 : i32
    %mul3A_55 = arith.muli %add3A, %mul3A_54 : i32
    %add3A_56 = arith.constant 2 : i32
    %add3A_57 = arith.addi %mul3A_55, %add3A_56 : i32
    %dma_start3A_58 = arith.constant 0 : i32
    %dma_start3A_59 = tpu.memref_slice %arg4[%add3A_57, %dma_start3A_58] : memref<5184x64xi32, #tpu.memory_space<hbm>> -> memref<1x64xi32, #tpu.memory_space<hbm>>
    %dma_start3A_60 = tpu.memref_squeeze %dma_start3A_59 : memref<1x64xi32, #tpu.memory_space<hbm>> -> memref<64xi32, #tpu.memory_space<hbm>>
    %dma_start3A_61 = arith.constant 0 : i32
    %dma_start3A_62 = tpu.memref_slice %arg4[%add3A_57, %dma_start3A_61] : memref<5184x64xi32, #tpu.memory_space<hbm>> -> memref<1x64xi32, #tpu.memory_space<hbm>>
    %dma_start3A_63 = tpu.memref_squeeze %dma_start3A_62 : memref<1x64xi32, #tpu.memory_space<hbm>> -> memref<64xi32, #tpu.memory_space<hbm>>
    tpu.enqueue_dma source(%dma_start3A_63 : memref<64xi32, #tpu.memory_space<hbm>>) target(%arg15 : memref<64xi32, #tpu.memory_space<vmem>>) target_semaphore(%arg34 : memref<!tpu.dma_semaphore, #tpu.memory_space<semaphore_mem>>)
    %mul3A_64 = arith.constant 162 : i32
    %mul3A_65 = arith.muli %add3A, %mul3A_64 : i32
    %add3A_66 = arith.constant 3 : i32
    %add3A_67 = arith.addi %mul3A_65, %add3A_66 : i32
    %dma_start3A_68 = arith.constant 0 : i32
    %dma_start3A_69 = tpu.memref_slice %arg3[%add3A_67, %dma_start3A_68] : memref<5184x64xi32, #tpu.memory_space<hbm>> -> memref<1x64xi32, #tpu.memory_space<hbm>>
    %dma_start3A_70 = tpu.memref_squeeze %dma_start3A_69 : memref<1x64xi32, #tpu.memory_space<hbm>> -> memref<64xi32, #tpu.memory_space<hbm>>
    %dma_start3A_71 = arith.constant 0 : i32
    %dma_start3A_72 = tpu.memref_slice %arg3[%add3A_67, %dma_start3A_71] : memref<5184x64xi32, #tpu.memory_space<hbm>> -> memref<1x64xi32, #tpu.memory_space<hbm>>
    %dma_start3A_73 = tpu.memref_squeeze %dma_start3A_72 : memref<1x64xi32, #tpu.memory_space<hbm>> -> memref<64xi32, #tpu.memory_space<hbm>>
    tpu.enqueue_dma source(%dma_start3A_73 : memref<64xi32, #tpu.memory_space<hbm>>) target(%arg10 : memref<64xi32, #tpu.memory_space<vmem>>) target_semaphore(%arg29 : memref<!tpu.dma_semaphore, #tpu.memory_space<semaphore_mem>>)
    %mul3A_74 = arith.constant 162 : i32
    %mul3A_75 = arith.muli %add3A, %mul3A_74 : i32
    %add3A_76 = arith.constant 3 : i32
    %add3A_77 = arith.addi %mul3A_75, %add3A_76 : i32
    %dma_start3A_78 = arith.constant 0 : i32
    %dma_start3A_79 = tpu.memref_slice %arg4[%add3A_77, %dma_start3A_78] : memref<5184x64xi32, #tpu.memory_space<hbm>> -> memref<1x64xi32, #tpu.memory_space<hbm>>
    %dma_start3A_80 = tpu.memref_squeeze %dma_start3A_79 : memref<1x64xi32, #tpu.memory_space<hbm>> -> memref<64xi32, #tpu.memory_space<hbm>>
    %dma_start3A_81 = arith.constant 0 : i32
    %dma_start3A_82 = tpu.memref_slice %arg4[%add3A_77, %dma_start3A_81] : memref<5184x64xi32, #tpu.memory_space<hbm>> -> memref<1x64xi32, #tpu.memory_space<hbm>>
    %dma_start3A_83 = tpu.memref_squeeze %dma_start3A_82 : memref<1x64xi32, #tpu.memory_space<hbm>> -> memref<64xi32, #tpu.memory_space<hbm>>
    tpu.enqueue_dma source(%dma_start3A_83 : memref<64xi32, #tpu.memory_space<hbm>>) target(%arg16 : memref<64xi32, #tpu.memory_space<vmem>>) target_semaphore(%arg35 : memref<!tpu.dma_semaphore, #tpu.memory_space<semaphore_mem>>)
    %mul3A_84 = arith.constant 162 : i32
    %mul3A_85 = arith.muli %add3A, %mul3A_84 : i32
    %add3A_86 = arith.constant 4 : i32
    %add3A_87 = arith.addi %mul3A_85, %add3A_86 : i32
    %dma_start3A_88 = arith.constant 0 : i32
    %dma_start3A_89 = tpu.memref_slice %arg3[%add3A_87, %dma_start3A_88] : memref<5184x64xi32, #tpu.memory_space<hbm>> -> memref<1x64xi32, #tpu.memory_space<hbm>>
    %dma_start3A_90 = tpu.memref_squeeze %dma_start3A_89 : memref<1x64xi32, #tpu.memory_space<hbm>> -> memref<64xi32, #tpu.memory_space<hbm>>
    %dma_start3A_91 = arith.constant 0 : i32
    %dma_start3A_92 = tpu.memref_slice %arg3[%add3A_87, %dma_start3A_91] : memref<5184x64xi32, #tpu.memory_space<hbm>> -> memref<1x64xi32, #tpu.memory_space<hbm>>
    %dma_start3A_93 = tpu.memref_squeeze %dma_start3A_92 : memref<1x64xi32, #tpu.memory_space<hbm>> -> memref<64xi32, #tpu.memory_space<hbm>>
    tpu.enqueue_dma source(%dma_start3A_93 : memref<64xi32, #tpu.memory_space<hbm>>) target(%arg11 : memref<64xi32, #tpu.memory_space<vmem>>) target_semaphore(%arg30 : memref<!tpu.dma_semaphore, #tpu.memory_space<semaphore_mem>>)
    %mul3A_94 = arith.constant 162 : i32
    %mul3A_95 = arith.muli %add3A, %mul3A_94 : i32
    %add3A_96 = arith.constant 4 : i32
    %add3A_97 = arith.addi %mul3A_95, %add3A_96 : i32
    %dma_start3A_98 = arith.constant 0 : i32
    %dma_start3A_99 = tpu.memref_slice %arg4[%add3A_97, %dma_start3A_98] : memref<5184x64xi32, #tpu.memory_space<hbm>> -> memref<1x64xi32, #tpu.memory_space<hbm>>
    %dma_start3A_100 = tpu.memref_squeeze %dma_start3A_99 : memref<1x64xi32, #tpu.memory_space<hbm>> -> memref<64xi32, #tpu.memory_space<hbm>>
    %dma_start3A_101 = arith.constant 0 : i32
    %dma_start3A_102 = tpu.memref_slice %arg4[%add3A_97, %dma_start3A_101] : memref<5184x64xi32, #tpu.memory_space<hbm>> -> memref<1x64xi32, #tpu.memory_space<hbm>>
    %dma_start3A_103 = tpu.memref_squeeze %dma_start3A_102 : memref<1x64xi32, #tpu.memory_space<hbm>> -> memref<64xi32, #tpu.memory_space<hbm>>
    tpu.enqueue_dma source(%dma_start3A_103 : memref<64xi32, #tpu.memory_space<hbm>>) target(%arg17 : memref<64xi32, #tpu.memory_space<vmem>>) target_semaphore(%arg36 : memref<!tpu.dma_semaphore, #tpu.memory_space<semaphore_mem>>)
    %mul3A_104 = arith.constant 162 : i32
    %mul3A_105 = arith.muli %add3A, %mul3A_104 : i32
    %add3A_106 = arith.constant 5 : i32
    %add3A_107 = arith.addi %mul3A_105, %add3A_106 : i32
    %dma_start3A_108 = arith.constant 0 : i32
    %dma_start3A_109 = tpu.memref_slice %arg3[%add3A_107, %dma_start3A_108] : memref<5184x64xi32, #tpu.memory_space<hbm>> -> memref<1x64xi32, #tpu.memory_space<hbm>>
    %dma_start3A_110 = tpu.memref_squeeze %dma_start3A_109 : memref<1x64xi32, #tpu.memory_space<hbm>> -> memref<64xi32, #tpu.memory_space<hbm>>
    %dma_start3A_111 = arith.constant 0 : i32
    %dma_start3A_112 = tpu.memref_slice %arg3[%add3A_107, %dma_start3A_111] : memref<5184x64xi32, #tpu.memory_space<hbm>> -> memref<1x64xi32, #tpu.memory_space<hbm>>
    %dma_start3A_113 = tpu.memref_squeeze %dma_start3A_112 : memref<1x64xi32, #tpu.memory_space<hbm>> -> memref<64xi32, #tpu.memory_space<hbm>>
    tpu.enqueue_dma source(%dma_start3A_113 : memref<64xi32, #tpu.memory_space<hbm>>) target(%arg12 : memref<64xi32, #tpu.memory_space<vmem>>) target_semaphore(%arg31 : memref<!tpu.dma_semaphore, #tpu.memory_space<semaphore_mem>>)
    %mul3A_114 = arith.constant 162 : i32
    %mul3A_115 = arith.muli %add3A, %mul3A_114 : i32
    %add3A_116 = arith.constant 5 : i32
    %add3A_117 = arith.addi %mul3A_115, %add3A_116 : i32
    %dma_start3A_118 = arith.constant 0 : i32
    %dma_start3A_119 = tpu.memref_slice %arg4[%add3A_117, %dma_start3A_118] : memref<5184x64xi32, #tpu.memory_space<hbm>> -> memref<1x64xi32, #tpu.memory_space<hbm>>
    %dma_start3A_120 = tpu.memref_squeeze %dma_start3A_119 : memref<1x64xi32, #tpu.memory_space<hbm>> -> memref<64xi32, #tpu.memory_space<hbm>>
    %dma_start3A_121 = arith.constant 0 : i32
    %dma_start3A_122 = tpu.memref_slice %arg4[%add3A_117, %dma_start3A_121] : memref<5184x64xi32, #tpu.memory_space<hbm>> -> memref<1x64xi32, #tpu.memory_space<hbm>>
    %dma_start3A_123 = tpu.memref_squeeze %dma_start3A_122 : memref<1x64xi32, #tpu.memory_space<hbm>> -> memref<64xi32, #tpu.memory_space<hbm>>
    tpu.enqueue_dma source(%dma_start3A_123 : memref<64xi32, #tpu.memory_space<hbm>>) target(%arg18 : memref<64xi32, #tpu.memory_space<vmem>>) target_semaphore(%arg37 : memref<!tpu.dma_semaphore, #tpu.memory_space<semaphore_mem>>)
    %mul3A_124 = arith.constant 162 : i32
    %mul3A_125 = arith.muli %add3A, %mul3A_124 : i32
    %add3A_126 = arith.constant 0 : i32
    %add3A_127 = arith.addi %mul3A_125, %add3A_126 : i32
    %dma_wait3A = arith.constant 0 : i32
    %dma_wait3A_128 = tpu.memref_slice %arg3[%add3A_127, %dma_wait3A] : memref<5184x64xi32, #tpu.memory_space<hbm>> -> memref<1x64xi32, #tpu.memory_space<hbm>>
    %dma_wait3A_129 = tpu.memref_squeeze %dma_wait3A_128 : memref<1x64xi32, #tpu.memory_space<hbm>> -> memref<64xi32, #tpu.memory_space<hbm>>
    %dma_wait3A_130 = arith.constant 0 : i32
    %dma_wait3A_131 = tpu.memref_slice %arg3[%add3A_127, %dma_wait3A_130] : memref<5184x64xi32, #tpu.memory_space<hbm>> -> memref<1x64xi32, #tpu.memory_space<hbm>>
    %dma_wait3A_132 = tpu.memref_squeeze %dma_wait3A_131 : memref<1x64xi32, #tpu.memory_space<hbm>> -> memref<64xi32, #tpu.memory_space<hbm>>
    tpu.wait_dma2 semaphore(%arg26 : memref<!tpu.dma_semaphore, #tpu.memory_space<semaphore_mem>>) src(%dma_wait3A_132 : memref<64xi32, #tpu.memory_space<hbm>>) dst(%arg7 : memref<64xi32, #tpu.memory_space<vmem>>)
    %dma_start3A_133 = arith.constant 0 : i32
    %dma_start3A_134 = arith.constant 0 : i32
    %dma_start3A_135 = tpu.memref_slice %arg2[%dma_start3A_133, %dma_start3A_134] : memref<10000x128xf32, #tpu.memory_space<hbm>> -> memref<10000x128xf32, #tpu.memory_space<hbm>>
    tpu.enqueue_indirect_dma source(%dma_start3A_135 : memref<10000x128xf32, #tpu.memory_space<hbm>>) target(%arg19 : memref<64x128xf32, #tpu.memory_space<vmem>>) offsets(%arg7 : memref<64xi32, #tpu.memory_space<vmem>>) semaphore(%arg38 : memref<!tpu.dma_semaphore, #tpu.memory_space<semaphore_mem>>)
    %mul3A_136 = arith.constant 162 : i32
    %mul3A_137 = arith.muli %add3A, %mul3A_136 : i32
    %add3A_138 = arith.constant 1 : i32
    %add3A_139 = arith.addi %mul3A_137, %add3A_138 : i32
    %dma_wait3A_140 = arith.constant 0 : i32
    %dma_wait3A_141 = tpu.memref_slice %arg3[%add3A_139, %dma_wait3A_140] : memref<5184x64xi32, #tpu.memory_space<hbm>> -> memref<1x64xi32, #tpu.memory_space<hbm>>
    %dma_wait3A_142 = tpu.memref_squeeze %dma_wait3A_141 : memref<1x64xi32, #tpu.memory_space<hbm>> -> memref<64xi32, #tpu.memory_space<hbm>>
    %dma_wait3A_143 = arith.constant 0 : i32
    %dma_wait3A_144 = tpu.memref_slice %arg3[%add3A_139, %dma_wait3A_143] : memref<5184x64xi32, #tpu.memory_space<hbm>> -> memref<1x64xi32, #tpu.memory_space<hbm>>
    %dma_wait3A_145 = tpu.memref_squeeze %dma_wait3A_144 : memref<1x64xi32, #tpu.memory_space<hbm>> -> memref<64xi32, #tpu.memory_space<hbm>>
    tpu.wait_dma2 semaphore(%arg27 : memref<!tpu.dma_semaphore, #tpu.memory_space<semaphore_mem>>) src(%dma_wait3A_145 : memref<64xi32, #tpu.memory_space<hbm>>) dst(%arg8 : memref<64xi32, #tpu.memory_space<vmem>>)
    %dma_start3A_146 = arith.constant 0 : i32
    %dma_start3A_147 = arith.constant 0 : i32
    %dma_start3A_148 = tpu.memref_slice %arg2[%dma_start3A_146, %dma_start3A_147] : memref<10000x128xf32, #tpu.memory_space<hbm>> -> memref<10000x128xf32, #tpu.memory_space<hbm>>
    tpu.enqueue_indirect_dma source(%dma_start3A_148 : memref<10000x128xf32, #tpu.memory_space<hbm>>) target(%arg20 : memref<64x128xf32, #tpu.memory_space<vmem>>) offsets(%arg8 : memref<64xi32, #tpu.memory_space<vmem>>) semaphore(%arg39 : memref<!tpu.dma_semaphore, #tpu.memory_space<semaphore_mem>>)
    %mul3A_149 = arith.constant 162 : i32
    %mul3A_150 = arith.muli %add3A, %mul3A_149 : i32
    %add3A_151 = arith.constant 2 : i32
    %add3A_152 = arith.addi %mul3A_150, %add3A_151 : i32
    %dma_wait3A_153 = arith.constant 0 : i32
    %dma_wait3A_154 = tpu.memref_slice %arg3[%add3A_152, %dma_wait3A_153] : memref<5184x64xi32, #tpu.memory_space<hbm>> -> memref<1x64xi32, #tpu.memory_space<hbm>>
    %dma_wait3A_155 = tpu.memref_squeeze %dma_wait3A_154 : memref<1x64xi32, #tpu.memory_space<hbm>> -> memref<64xi32, #tpu.memory_space<hbm>>
    %dma_wait3A_156 = arith.constant 0 : i32
    %dma_wait3A_157 = tpu.memref_slice %arg3[%add3A_152, %dma_wait3A_156] : memref<5184x64xi32, #tpu.memory_space<hbm>> -> memref<1x64xi32, #tpu.memory_space<hbm>>
    %dma_wait3A_158 = tpu.memref_squeeze %dma_wait3A_157 : memref<1x64xi32, #tpu.memory_space<hbm>> -> memref<64xi32, #tpu.memory_space<hbm>>
    tpu.wait_dma2 semaphore(%arg28 : memref<!tpu.dma_semaphore, #tpu.memory_space<semaphore_mem>>) src(%dma_wait3A_158 : memref<64xi32, #tpu.memory_space<hbm>>) dst(%arg9 : memref<64xi32, #tpu.memory_space<vmem>>)
    %dma_start3A_159 = arith.constant 0 : i32
    %dma_start3A_160 = arith.constant 0 : i32
    %dma_start3A_161 = tpu.memref_slice %arg2[%dma_start3A_159, %dma_start3A_160] : memref<10000x128xf32, #tpu.memory_space<hbm>> -> memref<10000x128xf32, #tpu.memory_space<hbm>>
    tpu.enqueue_indirect_dma source(%dma_start3A_161 : memref<10000x128xf32, #tpu.memory_space<hbm>>) target(%arg21 : memref<64x128xf32, #tpu.memory_space<vmem>>) offsets(%arg9 : memref<64xi32, #tpu.memory_space<vmem>>) semaphore(%arg40 : memref<!tpu.dma_semaphore, #tpu.memory_space<semaphore_mem>>)
    %mul3A_162 = arith.constant 162 : i32
    %mul3A_163 = arith.muli %add3A, %mul3A_162 : i32
    %add3A_164 = arith.constant 3 : i32
    %add3A_165 = arith.addi %mul3A_163, %add3A_164 : i32
    %dma_wait3A_166 = arith.constant 0 : i32
    %dma_wait3A_167 = tpu.memref_slice %arg3[%add3A_165, %dma_wait3A_166] : memref<5184x64xi32, #tpu.memory_space<hbm>> -> memref<1x64xi32, #tpu.memory_space<hbm>>
    %dma_wait3A_168 = tpu.memref_squeeze %dma_wait3A_167 : memref<1x64xi32, #tpu.memory_space<hbm>> -> memref<64xi32, #tpu.memory_space<hbm>>
    %dma_wait3A_169 = arith.constant 0 : i32
    %dma_wait3A_170 = tpu.memref_slice %arg3[%add3A_165, %dma_wait3A_169] : memref<5184x64xi32, #tpu.memory_space<hbm>> -> memref<1x64xi32, #tpu.memory_space<hbm>>
    %dma_wait3A_171 = tpu.memref_squeeze %dma_wait3A_170 : memref<1x64xi32, #tpu.memory_space<hbm>> -> memref<64xi32, #tpu.memory_space<hbm>>
    tpu.wait_dma2 semaphore(%arg29 : memref<!tpu.dma_semaphore, #tpu.memory_space<semaphore_mem>>) src(%dma_wait3A_171 : memref<64xi32, #tpu.memory_space<hbm>>) dst(%arg10 : memref<64xi32, #tpu.memory_space<vmem>>)
    %dma_start3A_172 = arith.constant 0 : i32
    %dma_start3A_173 = arith.constant 0 : i32
    %dma_start3A_174 = tpu.memref_slice %arg2[%dma_start3A_172, %dma_start3A_173] : memref<10000x128xf32, #tpu.memory_space<hbm>> -> memref<10000x128xf32, #tpu.memory_space<hbm>>
    tpu.enqueue_indirect_dma source(%dma_start3A_174 : memref<10000x128xf32, #tpu.memory_space<hbm>>) target(%arg22 : memref<64x128xf32, #tpu.memory_space<vmem>>) offsets(%arg10 : memref<64xi32, #tpu.memory_space<vmem>>) semaphore(%arg41 : memref<!tpu.dma_semaphore, #tpu.memory_space<semaphore_mem>>)
    %mul3A_175 = arith.constant 162 : i32
    %mul3A_176 = arith.muli %add3A, %mul3A_175 : i32
    %add3A_177 = arith.constant 4 : i32
    %add3A_178 = arith.addi %mul3A_176, %add3A_177 : i32
    %dma_wait3A_179 = arith.constant 0 : i32
    %dma_wait3A_180 = tpu.memref_slice %arg3[%add3A_178, %dma_wait3A_179] : memref<5184x64xi32, #tpu.memory_space<hbm>> -> memref<1x64xi32, #tpu.memory_space<hbm>>
    %dma_wait3A_181 = tpu.memref_squeeze %dma_wait3A_180 : memref<1x64xi32, #tpu.memory_space<hbm>> -> memref<64xi32, #tpu.memory_space<hbm>>
    %dma_wait3A_182 = arith.constant 0 : i32
    %dma_wait3A_183 = tpu.memref_slice %arg3[%add3A_178, %dma_wait3A_182] : memref<5184x64xi32, #tpu.memory_space<hbm>> -> memref<1x64xi32, #tpu.memory_space<hbm>>
    %dma_wait3A_184 = tpu.memref_squeeze %dma_wait3A_183 : memref<1x64xi32, #tpu.memory_space<hbm>> -> memref<64xi32, #tpu.memory_space<hbm>>
    tpu.wait_dma2 semaphore(%arg30 : memref<!tpu.dma_semaphore, #tpu.memory_space<semaphore_mem>>) src(%dma_wait3A_184 : memref<64xi32, #tpu.memory_space<hbm>>) dst(%arg11 : memref<64xi32, #tpu.memory_space<vmem>>)
    %dma_start3A_185 = arith.constant 0 : i32
    %dma_start3A_186 = arith.constant 0 : i32
    %dma_start3A_187 = tpu.memref_slice %arg2[%dma_start3A_185, %dma_start3A_186] : memref<10000x128xf32, #tpu.memory_space<hbm>> -> memref<10000x128xf32, #tpu.memory_space<hbm>>
    tpu.enqueue_indirect_dma source(%dma_start3A_187 : memref<10000x128xf32, #tpu.memory_space<hbm>>) target(%arg23 : memref<64x128xf32, #tpu.memory_space<vmem>>) offsets(%arg11 : memref<64xi32, #tpu.memory_space<vmem>>) semaphore(%arg42 : memref<!tpu.dma_semaphore, #tpu.memory_space<semaphore_mem>>)
    %mul3A_188 = arith.constant 162 : i32
    %mul3A_189 = arith.muli %add3A, %mul3A_188 : i32
    %add3A_190 = arith.constant 5 : i32
    %add3A_191 = arith.addi %mul3A_189, %add3A_190 : i32
    %dma_wait3A_192 = arith.constant 0 : i32
    %dma_wait3A_193 = tpu.memref_slice %arg3[%add3A_191, %dma_wait3A_192] : memref<5184x64xi32, #tpu.memory_space<hbm>> -> memref<1x64xi32, #tpu.memory_space<hbm>>
    %dma_wait3A_194 = tpu.memref_squeeze %dma_wait3A_193 : memref<1x64xi32, #tpu.memory_space<hbm>> -> memref<64xi32, #tpu.memory_space<hbm>>
    %dma_wait3A_195 = arith.constant 0 : i32
    %dma_wait3A_196 = tpu.memref_slice %arg3[%add3A_191, %dma_wait3A_195] : memref<5184x64xi32, #tpu.memory_space<hbm>> -> memref<1x64xi32, #tpu.memory_space<hbm>>
    %dma_wait3A_197 = tpu.memref_squeeze %dma_wait3A_196 : memref<1x64xi32, #tpu.memory_space<hbm>> -> memref<64xi32, #tpu.memory_space<hbm>>
    tpu.wait_dma2 semaphore(%arg31 : memref<!tpu.dma_semaphore, #tpu.memory_space<semaphore_mem>>) src(%dma_wait3A_197 : memref<64xi32, #tpu.memory_space<hbm>>) dst(%arg12 : memref<64xi32, #tpu.memory_space<vmem>>)
    %dma_start3A_198 = arith.constant 0 : i32
    %dma_start3A_199 = arith.constant 0 : i32
    %dma_start3A_200 = tpu.memref_slice %arg2[%dma_start3A_198, %dma_start3A_199] : memref<10000x128xf32, #tpu.memory_space<hbm>> -> memref<10000x128xf32, #tpu.memory_space<hbm>>
    tpu.enqueue_indirect_dma source(%dma_start3A_200 : memref<10000x128xf32, #tpu.memory_space<hbm>>) target(%arg24 : memref<64x128xf32, #tpu.memory_space<vmem>>) offsets(%arg12 : memref<64xi32, #tpu.memory_space<vmem>>) semaphore(%arg43 : memref<!tpu.dma_semaphore, #tpu.memory_space<semaphore_mem>>)
    %scan3A = arith.constant 0 : i32
    %scan3A_201 = arith.constant 0 : i32
    %scan3A_202 = arith.constant 26 : i32
    %scan3A_203 = arith.addi %scan3A_201, %scan3A_202 : i32
    %scan3A_204 = arith.constant 1 : i32
    scf.for %scan3A_325 = %scan3A_201 to %scan3A_203 step %scan3A_204  : i32 {
      %mul3A_326 = arith.constant 6 : i32
      %mul3A_327 = arith.muli %scan3A_325, %mul3A_326 : i32
      %dma_wait3A_328 = arith.constant 0 : i32
      %dma_wait3A_329 = arith.constant 0 : i32
      %dma_wait3A_330 = tpu.memref_slice %arg2[%dma_wait3A_328, %dma_wait3A_329] : memref<10000x128xf32, #tpu.memory_space<hbm>> -> memref<10000x128xf32, #tpu.memory_space<hbm>>
      tpu.wait_indirect_dma semaphore(%arg38 : memref<!tpu.dma_semaphore, #tpu.memory_space<semaphore_mem>>) src(%dma_wait3A_330 : memref<10000x128xf32, #tpu.memory_space<hbm>>) dst(%arg19 : memref<64x128xf32, #tpu.memory_space<vmem>>)
      %add3A_331 = arith.constant 0 : i32
      %add3A_332 = arith.addi %mul3A_327, %add3A_331 : i32
      %mul3A_333 = arith.constant 162 : i32
      %mul3A_334 = arith.muli %add3A, %mul3A_333 : i32
      %add3A_335 = arith.addi %mul3A_334, %add3A_332 : i32
      %dma_wait3A_336 = arith.constant 0 : i32
      %dma_wait3A_337 = tpu.memref_slice %arg4[%add3A_335, %dma_wait3A_336] : memref<5184x64xi32, #tpu.memory_space<hbm>> -> memref<1x64xi32, #tpu.memory_space<hbm>>
      %dma_wait3A_338 = tpu.memref_squeeze %dma_wait3A_337 : memref<1x64xi32, #tpu.memory_space<hbm>> -> memref<64xi32, #tpu.memory_space<hbm>>
      %dma_wait3A_339 = arith.constant 0 : i32
      %dma_wait3A_340 = tpu.memref_slice %arg4[%add3A_335, %dma_wait3A_339] : memref<5184x64xi32, #tpu.memory_space<hbm>> -> memref<1x64xi32, #tpu.memory_space<hbm>>
      %dma_wait3A_341 = tpu.memref_squeeze %dma_wait3A_340 : memref<1x64xi32, #tpu.memory_space<hbm>> -> memref<64xi32, #tpu.memory_space<hbm>>
      tpu.wait_dma2 semaphore(%arg32 : memref<!tpu.dma_semaphore, #tpu.memory_space<semaphore_mem>>) src(%dma_wait3A_341 : memref<64xi32, #tpu.memory_space<hbm>>) dst(%arg13 : memref<64xi32, #tpu.memory_space<vmem>>)
      %dma_start3A_342 = arith.constant 0 : i32
      %dma_start3A_343 = arith.constant 0 : i32
      %dma_start3A_344 = tpu.memref_slice %arg25[%dma_start3A_342, %dma_start3A_343] : memref<10112x128xf32, #tpu.memory_space<vmem_shared>> -> memref<10112x128xf32, #tpu.memory_space<vmem_shared>>
      tpu.enqueue_indirect_dma source(%arg19 : memref<64x128xf32, #tpu.memory_space<vmem>>) target(%dma_start3A_344 : memref<10112x128xf32, #tpu.memory_space<vmem_shared>>) offsets(%arg13 : memref<64xi32, #tpu.memory_space<vmem>>) semaphore(%arg44 : memref<!tpu.dma_semaphore, #tpu.memory_space<semaphore_mem>>) {add = true}
      %add3A_345 = arith.constant 6 : i32
      %add3A_346 = arith.addi %mul3A_327, %add3A_345 : i32
      %add3A_347 = arith.constant 0 : i32
      %add3A_348 = arith.addi %add3A_346, %add3A_347 : i32
      %mul3A_349 = arith.constant 162 : i32
      %mul3A_350 = arith.muli %add3A, %mul3A_349 : i32
      %add3A_351 = arith.addi %mul3A_350, %add3A_348 : i32
      %dma_start3A_352 = arith.constant 0 : i32
      %dma_start3A_353 = tpu.memref_slice %arg3[%add3A_351, %dma_start3A_352] : memref<5184x64xi32, #tpu.memory_space<hbm>> -> memref<1x64xi32, #tpu.memory_space<hbm>>
      %dma_start3A_354 = tpu.memref_squeeze %dma_start3A_353 : memref<1x64xi32, #tpu.memory_space<hbm>> -> memref<64xi32, #tpu.memory_space<hbm>>
      %dma_start3A_355 = arith.constant 0 : i32
      %dma_start3A_356 = tpu.memref_slice %arg3[%add3A_351, %dma_start3A_355] : memref<5184x64xi32, #tpu.memory_space<hbm>> -> memref<1x64xi32, #tpu.memory_space<hbm>>
      %dma_start3A_357 = tpu.memref_squeeze %dma_start3A_356 : memref<1x64xi32, #tpu.memory_space<hbm>> -> memref<64xi32, #tpu.memory_space<hbm>>
      tpu.enqueue_dma source(%dma_start3A_357 : memref<64xi32, #tpu.memory_space<hbm>>) target(%arg7 : memref<64xi32, #tpu.memory_space<vmem>>) target_semaphore(%arg26 : memref<!tpu.dma_semaphore, #tpu.memory_space<semaphore_mem>>)
      %dma_wait3A_358 = arith.constant 0 : i32
      %dma_wait3A_359 = arith.constant 0 : i32
      %dma_wait3A_360 = tpu.memref_slice %arg2[%dma_wait3A_358, %dma_wait3A_359] : memref<10000x128xf32, #tpu.memory_space<hbm>> -> memref<10000x128xf32, #tpu.memory_space<hbm>>
      tpu.wait_indirect_dma semaphore(%arg39 : memref<!tpu.dma_semaphore, #tpu.memory_space<semaphore_mem>>) src(%dma_wait3A_360 : memref<10000x128xf32, #tpu.memory_space<hbm>>) dst(%arg20 : memref<64x128xf32, #tpu.memory_space<vmem>>)
      %add3A_361 = arith.constant 1 : i32
      %add3A_362 = arith.addi %mul3A_327, %add3A_361 : i32
      %mul3A_363 = arith.constant 162 : i32
      %mul3A_364 = arith.muli %add3A, %mul3A_363 : i32
      %add3A_365 = arith.addi %mul3A_364, %add3A_362 : i32
      %dma_wait3A_366 = arith.constant 0 : i32
      %dma_wait3A_367 = tpu.memref_slice %arg4[%add3A_365, %dma_wait3A_366] : memref<5184x64xi32, #tpu.memory_space<hbm>> -> memref<1x64xi32, #tpu.memory_space<hbm>>
      %dma_wait3A_368 = tpu.memref_squeeze %dma_wait3A_367 : memref<1x64xi32, #tpu.memory_space<hbm>> -> memref<64xi32, #tpu.memory_space<hbm>>
      %dma_wait3A_369 = arith.constant 0 : i32
      %dma_wait3A_370 = tpu.memref_slice %arg4[%add3A_365, %dma_wait3A_369] : memref<5184x64xi32, #tpu.memory_space<hbm>> -> memref<1x64xi32, #tpu.memory_space<hbm>>
      %dma_wait3A_371 = tpu.memref_squeeze %dma_wait3A_370 : memref<1x64xi32, #tpu.memory_space<hbm>> -> memref<64xi32, #tpu.memory_space<hbm>>
      tpu.wait_dma2 semaphore(%arg33 : memref<!tpu.dma_semaphore, #tpu.memory_space<semaphore_mem>>) src(%dma_wait3A_371 : memref<64xi32, #tpu.memory_space<hbm>>) dst(%arg14 : memref<64xi32, #tpu.memory_space<vmem>>)
      %dma_start3A_372 = arith.constant 0 : i32
      %dma_start3A_373 = arith.constant 0 : i32
      %dma_start3A_374 = tpu.memref_slice %arg25[%dma_start3A_372, %dma_start3A_373] : memref<10112x128xf32, #tpu.memory_space<vmem_shared>> -> memref<10112x128xf32, #tpu.memory_space<vmem_shared>>
      tpu.enqueue_indirect_dma source(%arg20 : memref<64x128xf32, #tpu.memory_space<vmem>>) target(%dma_start3A_374 : memref<10112x128xf32, #tpu.memory_space<vmem_shared>>) offsets(%arg14 : memref<64xi32, #tpu.memory_space<vmem>>) semaphore(%arg45 : memref<!tpu.dma_semaphore, #tpu.memory_space<semaphore_mem>>) {add = true}
      %add3A_375 = arith.constant 6 : i32
      %add3A_376 = arith.addi %mul3A_327, %add3A_375 : i32
      %add3A_377 = arith.constant 1 : i32
      %add3A_378 = arith.addi %add3A_376, %add3A_377 : i32
      %mul3A_379 = arith.constant 162 : i32
      %mul3A_380 = arith.muli %add3A, %mul3A_379 : i32
      %add3A_381 = arith.addi %mul3A_380, %add3A_378 : i32
      %dma_start3A_382 = arith.constant 0 : i32
      %dma_start3A_383 = tpu.memref_slice %arg3[%add3A_381, %dma_start3A_382] : memref<5184x64xi32, #tpu.memory_space<hbm>> -> memref<1x64xi32, #tpu.memory_space<hbm>>
      %dma_start3A_384 = tpu.memref_squeeze %dma_start3A_383 : memref<1x64xi32, #tpu.memory_space<hbm>> -> memref<64xi32, #tpu.memory_space<hbm>>
      %dma_start3A_385 = arith.constant 0 : i32
      %dma_start3A_386 = tpu.memref_slice %arg3[%add3A_381, %dma_start3A_385] : memref<5184x64xi32, #tpu.memory_space<hbm>> -> memref<1x64xi32, #tpu.memory_space<hbm>>
      %dma_start3A_387 = tpu.memref_squeeze %dma_start3A_386 : memref<1x64xi32, #tpu.memory_space<hbm>> -> memref<64xi32, #tpu.memory_space<hbm>>
      tpu.enqueue_dma source(%dma_start3A_387 : memref<64xi32, #tpu.memory_space<hbm>>) target(%arg8 : memref<64xi32, #tpu.memory_space<vmem>>) target_semaphore(%arg27 : memref<!tpu.dma_semaphore, #tpu.memory_space<semaphore_mem>>)
      %dma_wait3A_388 = arith.constant 0 : i32
      %dma_wait3A_389 = arith.constant 0 : i32
      %dma_wait3A_390 = tpu.memref_slice %arg2[%dma_wait3A_388, %dma_wait3A_389] : memref<10000x128xf32, #tpu.memory_space<hbm>> -> memref<10000x128xf32, #tpu.memory_space<hbm>>
      tpu.wait_indirect_dma semaphore(%arg40 : memref<!tpu.dma_semaphore, #tpu.memory_space<semaphore_mem>>) src(%dma_wait3A_390 : memref<10000x128xf32, #tpu.memory_space<hbm>>) dst(%arg21 : memref<64x128xf32, #tpu.memory_space<vmem>>)
      %add3A_391 = arith.constant 2 : i32
      %add3A_392 = arith.addi %mul3A_327, %add3A_391 : i32
      %mul3A_393 = arith.constant 162 : i32
      %mul3A_394 = arith.muli %add3A, %mul3A_393 : i32
      %add3A_395 = arith.addi %mul3A_394, %add3A_392 : i32
      %dma_wait3A_396 = arith.constant 0 : i32
      %dma_wait3A_397 = tpu.memref_slice %arg4[%add3A_395, %dma_wait3A_396] : memref<5184x64xi32, #tpu.memory_space<hbm>> -> memref<1x64xi32, #tpu.memory_space<hbm>>
      %dma_wait3A_398 = tpu.memref_squeeze %dma_wait3A_397 : memref<1x64xi32, #tpu.memory_space<hbm>> -> memref<64xi32, #tpu.memory_space<hbm>>
      %dma_wait3A_399 = arith.constant 0 : i32
      %dma_wait3A_400 = tpu.memref_slice %arg4[%add3A_395, %dma_wait3A_399] : memref<5184x64xi32, #tpu.memory_space<hbm>> -> memref<1x64xi32, #tpu.memory_space<hbm>>
      %dma_wait3A_401 = tpu.memref_squeeze %dma_wait3A_400 : memref<1x64xi32, #tpu.memory_space<hbm>> -> memref<64xi32, #tpu.memory_space<hbm>>
      tpu.wait_dma2 semaphore(%arg34 : memref<!tpu.dma_semaphore, #tpu.memory_space<semaphore_mem>>) src(%dma_wait3A_401 : memref<64xi32, #tpu.memory_space<hbm>>) dst(%arg15 : memref<64xi32, #tpu.memory_space<vmem>>)
      %dma_start3A_402 = arith.constant 0 : i32
      %dma_start3A_403 = arith.constant 0 : i32
      %dma_start3A_404 = tpu.memref_slice %arg25[%dma_start3A_402, %dma_start3A_403] : memref<10112x128xf32, #tpu.memory_space<vmem_shared>> -> memref<10112x128xf32, #tpu.memory_space<vmem_shared>>
      tpu.enqueue_indirect_dma source(%arg21 : memref<64x128xf32, #tpu.memory_space<vmem>>) target(%dma_start3A_404 : memref<10112x128xf32, #tpu.memory_space<vmem_shared>>) offsets(%arg15 : memref<64xi32, #tpu.memory_space<vmem>>) semaphore(%arg46 : memref<!tpu.dma_semaphore, #tpu.memory_space<semaphore_mem>>) {add = true}
      %add3A_405 = arith.constant 6 : i32
      %add3A_406 = arith.addi %mul3A_327, %add3A_405 : i32
      %add3A_407 = arith.constant 2 : i32
      %add3A_408 = arith.addi %add3A_406, %add3A_407 : i32
      %mul3A_409 = arith.constant 162 : i32
      %mul3A_410 = arith.muli %add3A, %mul3A_409 : i32
      %add3A_411 = arith.addi %mul3A_410, %add3A_408 : i32
      %dma_start3A_412 = arith.constant 0 : i32
      %dma_start3A_413 = tpu.memref_slice %arg3[%add3A_411, %dma_start3A_412] : memref<5184x64xi32, #tpu.memory_space<hbm>> -> memref<1x64xi32, #tpu.memory_space<hbm>>
      %dma_start3A_414 = tpu.memref_squeeze %dma_start3A_413 : memref<1x64xi32, #tpu.memory_space<hbm>> -> memref<64xi32, #tpu.memory_space<hbm>>
      %dma_start3A_415 = arith.constant 0 : i32
      %dma_start3A_416 = tpu.memref_slice %arg3[%add3A_411, %dma_start3A_415] : memref<5184x64xi32, #tpu.memory_space<hbm>> -> memref<1x64xi32, #tpu.memory_space<hbm>>
      %dma_start3A_417 = tpu.memref_squeeze %dma_start3A_416 : memref<1x64xi32, #tpu.memory_space<hbm>> -> memref<64xi32, #tpu.memory_space<hbm>>
      tpu.enqueue_dma source(%dma_start3A_417 : memref<64xi32, #tpu.memory_space<hbm>>) target(%arg9 : memref<64xi32, #tpu.memory_space<vmem>>) target_semaphore(%arg28 : memref<!tpu.dma_semaphore, #tpu.memory_space<semaphore_mem>>)
      %dma_wait3A_418 = arith.constant 0 : i32
      %dma_wait3A_419 = arith.constant 0 : i32
      %dma_wait3A_420 = tpu.memref_slice %arg2[%dma_wait3A_418, %dma_wait3A_419] : memref<10000x128xf32, #tpu.memory_space<hbm>> -> memref<10000x128xf32, #tpu.memory_space<hbm>>
      tpu.wait_indirect_dma semaphore(%arg41 : memref<!tpu.dma_semaphore, #tpu.memory_space<semaphore_mem>>) src(%dma_wait3A_420 : memref<10000x128xf32, #tpu.memory_space<hbm>>) dst(%arg22 : memref<64x128xf32, #tpu.memory_space<vmem>>)
      %add3A_421 = arith.constant 3 : i32
      %add3A_422 = arith.addi %mul3A_327, %add3A_421 : i32
      %mul3A_423 = arith.constant 162 : i32
      %mul3A_424 = arith.muli %add3A, %mul3A_423 : i32
      %add3A_425 = arith.addi %mul3A_424, %add3A_422 : i32
      %dma_wait3A_426 = arith.constant 0 : i32
      %dma_wait3A_427 = tpu.memref_slice %arg4[%add3A_425, %dma_wait3A_426] : memref<5184x64xi32, #tpu.memory_space<hbm>> -> memref<1x64xi32, #tpu.memory_space<hbm>>
      %dma_wait3A_428 = tpu.memref_squeeze %dma_wait3A_427 : memref<1x64xi32, #tpu.memory_space<hbm>> -> memref<64xi32, #tpu.memory_space<hbm>>
      %dma_wait3A_429 = arith.constant 0 : i32
      %dma_wait3A_430 = tpu.memref_slice %arg4[%add3A_425, %dma_wait3A_429] : memref<5184x64xi32, #tpu.memory_space<hbm>> -> memref<1x64xi32, #tpu.memory_space<hbm>>
      %dma_wait3A_431 = tpu.memref_squeeze %dma_wait3A_430 : memref<1x64xi32, #tpu.memory_space<hbm>> -> memref<64xi32, #tpu.memory_space<hbm>>
      tpu.wait_dma2 semaphore(%arg35 : memref<!tpu.dma_semaphore, #tpu.memory_space<semaphore_mem>>) src(%dma_wait3A_431 : memref<64xi32, #tpu.memory_space<hbm>>) dst(%arg16 : memref<64xi32, #tpu.memory_space<vmem>>)
      %dma_start3A_432 = arith.constant 0 : i32
      %dma_start3A_433 = arith.constant 0 : i32
      %dma_start3A_434 = tpu.memref_slice %arg25[%dma_start3A_432, %dma_start3A_433] : memref<10112x128xf32, #tpu.memory_space<vmem_shared>> -> memref<10112x128xf32, #tpu.memory_space<vmem_shared>>
      tpu.enqueue_indirect_dma source(%arg22 : memref<64x128xf32, #tpu.memory_space<vmem>>) target(%dma_start3A_434 : memref<10112x128xf32, #tpu.memory_space<vmem_shared>>) offsets(%arg16 : memref<64xi32, #tpu.memory_space<vmem>>) semaphore(%arg47 : memref<!tpu.dma_semaphore, #tpu.memory_space<semaphore_mem>>) {add = true}
      %add3A_435 = arith.constant 6 : i32
      %add3A_436 = arith.addi %mul3A_327, %add3A_435 : i32
      %add3A_437 = arith.constant 3 : i32
      %add3A_438 = arith.addi %add3A_436, %add3A_437 : i32
      %mul3A_439 = arith.constant 162 : i32
      %mul3A_440 = arith.muli %add3A, %mul3A_439 : i32
      %add3A_441 = arith.addi %mul3A_440, %add3A_438 : i32
      %dma_start3A_442 = arith.constant 0 : i32
      %dma_start3A_443 = tpu.memref_slice %arg3[%add3A_441, %dma_start3A_442] : memref<5184x64xi32, #tpu.memory_space<hbm>> -> memref<1x64xi32, #tpu.memory_space<hbm>>
      %dma_start3A_444 = tpu.memref_squeeze %dma_start3A_443 : memref<1x64xi32, #tpu.memory_space<hbm>> -> memref<64xi32, #tpu.memory_space<hbm>>
      %dma_start3A_445 = arith.constant 0 : i32
      %dma_start3A_446 = tpu.memref_slice %arg3[%add3A_441, %dma_start3A_445] : memref<5184x64xi32, #tpu.memory_space<hbm>> -> memref<1x64xi32, #tpu.memory_space<hbm>>
      %dma_start3A_447 = tpu.memref_squeeze %dma_start3A_446 : memref<1x64xi32, #tpu.memory_space<hbm>> -> memref<64xi32, #tpu.memory_space<hbm>>
      tpu.enqueue_dma source(%dma_start3A_447 : memref<64xi32, #tpu.memory_space<hbm>>) target(%arg10 : memref<64xi32, #tpu.memory_space<vmem>>) target_semaphore(%arg29 : memref<!tpu.dma_semaphore, #tpu.memory_space<semaphore_mem>>)
      %dma_wait3A_448 = arith.constant 0 : i32
      %dma_wait3A_449 = arith.constant 0 : i32
      %dma_wait3A_450 = tpu.memref_slice %arg2[%dma_wait3A_448, %dma_wait3A_449] : memref<10000x128xf32, #tpu.memory_space<hbm>> -> memref<10000x128xf32, #tpu.memory_space<hbm>>
      tpu.wait_indirect_dma semaphore(%arg42 : memref<!tpu.dma_semaphore, #tpu.memory_space<semaphore_mem>>) src(%dma_wait3A_450 : memref<10000x128xf32, #tpu.memory_space<hbm>>) dst(%arg23 : memref<64x128xf32, #tpu.memory_space<vmem>>)
      %add3A_451 = arith.constant 4 : i32
      %add3A_452 = arith.addi %mul3A_327, %add3A_451 : i32
      %mul3A_453 = arith.constant 162 : i32
      %mul3A_454 = arith.muli %add3A, %mul3A_453 : i32
      %add3A_455 = arith.addi %mul3A_454, %add3A_452 : i32
      %dma_wait3A_456 = arith.constant 0 : i32
      %dma_wait3A_457 = tpu.memref_slice %arg4[%add3A_455, %dma_wait3A_456] : memref<5184x64xi32, #tpu.memory_space<hbm>> -> memref<1x64xi32, #tpu.memory_space<hbm>>
      %dma_wait3A_458 = tpu.memref_squeeze %dma_wait3A_457 : memref<1x64xi32, #tpu.memory_space<hbm>> -> memref<64xi32, #tpu.memory_space<hbm>>
      %dma_wait3A_459 = arith.constant 0 : i32
      %dma_wait3A_460 = tpu.memref_slice %arg4[%add3A_455, %dma_wait3A_459] : memref<5184x64xi32, #tpu.memory_space<hbm>> -> memref<1x64xi32, #tpu.memory_space<hbm>>
      %dma_wait3A_461 = tpu.memref_squeeze %dma_wait3A_460 : memref<1x64xi32, #tpu.memory_space<hbm>> -> memref<64xi32, #tpu.memory_space<hbm>>
      tpu.wait_dma2 semaphore(%arg36 : memref<!tpu.dma_semaphore, #tpu.memory_space<semaphore_mem>>) src(%dma_wait3A_461 : memref<64xi32, #tpu.memory_space<hbm>>) dst(%arg17 : memref<64xi32, #tpu.memory_space<vmem>>)
      %dma_start3A_462 = arith.constant 0 : i32
      %dma_start3A_463 = arith.constant 0 : i32
      %dma_start3A_464 = tpu.memref_slice %arg25[%dma_start3A_462, %dma_start3A_463] : memref<10112x128xf32, #tpu.memory_space<vmem_shared>> -> memref<10112x128xf32, #tpu.memory_space<vmem_shared>>
      tpu.enqueue_indirect_dma source(%arg23 : memref<64x128xf32, #tpu.memory_space<vmem>>) target(%dma_start3A_464 : memref<10112x128xf32, #tpu.memory_space<vmem_shared>>) offsets(%arg17 : memref<64xi32, #tpu.memory_space<vmem>>) semaphore(%arg48 : memref<!tpu.dma_semaphore, #tpu.memory_space<semaphore_mem>>) {add = true}
      %add3A_465 = arith.constant 6 : i32
      %add3A_466 = arith.addi %mul3A_327, %add3A_465 : i32
      %add3A_467 = arith.constant 4 : i32
      %add3A_468 = arith.addi %add3A_466, %add3A_467 : i32
      %mul3A_469 = arith.constant 162 : i32
      %mul3A_470 = arith.muli %add3A, %mul3A_469 : i32
      %add3A_471 = arith.addi %mul3A_470, %add3A_468 : i32
      %dma_start3A_472 = arith.constant 0 : i32
      %dma_start3A_473 = tpu.memref_slice %arg3[%add3A_471, %dma_start3A_472] : memref<5184x64xi32, #tpu.memory_space<hbm>> -> memref<1x64xi32, #tpu.memory_space<hbm>>
      %dma_start3A_474 = tpu.memref_squeeze %dma_start3A_473 : memref<1x64xi32, #tpu.memory_space<hbm>> -> memref<64xi32, #tpu.memory_space<hbm>>
      %dma_start3A_475 = arith.constant 0 : i32
      %dma_start3A_476 = tpu.memref_slice %arg3[%add3A_471, %dma_start3A_475] : memref<5184x64xi32, #tpu.memory_space<hbm>> -> memref<1x64xi32, #tpu.memory_space<hbm>>
      %dma_start3A_477 = tpu.memref_squeeze %dma_start3A_476 : memref<1x64xi32, #tpu.memory_space<hbm>> -> memref<64xi32, #tpu.memory_space<hbm>>
      tpu.enqueue_dma source(%dma_start3A_477 : memref<64xi32, #tpu.memory_space<hbm>>) target(%arg11 : memref<64xi32, #tpu.memory_space<vmem>>) target_semaphore(%arg30 : memref<!tpu.dma_semaphore, #tpu.memory_space<semaphore_mem>>)
      %dma_wait3A_478 = arith.constant 0 : i32
      %dma_wait3A_479 = arith.constant 0 : i32
      %dma_wait3A_480 = tpu.memref_slice %arg2[%dma_wait3A_478, %dma_wait3A_479] : memref<10000x128xf32, #tpu.memory_space<hbm>> -> memref<10000x128xf32, #tpu.memory_space<hbm>>
      tpu.wait_indirect_dma semaphore(%arg43 : memref<!tpu.dma_semaphore, #tpu.memory_space<semaphore_mem>>) src(%dma_wait3A_480 : memref<10000x128xf32, #tpu.memory_space<hbm>>) dst(%arg24 : memref<64x128xf32, #tpu.memory_space<vmem>>)
      %add3A_481 = arith.constant 5 : i32
      %add3A_482 = arith.addi %mul3A_327, %add3A_481 : i32
      %mul3A_483 = arith.constant 162 : i32
      %mul3A_484 = arith.muli %add3A, %mul3A_483 : i32
      %add3A_485 = arith.addi %mul3A_484, %add3A_482 : i32
      %dma_wait3A_486 = arith.constant 0 : i32
      %dma_wait3A_487 = tpu.memref_slice %arg4[%add3A_485, %dma_wait3A_486] : memref<5184x64xi32, #tpu.memory_space<hbm>> -> memref<1x64xi32, #tpu.memory_space<hbm>>
      %dma_wait3A_488 = tpu.memref_squeeze %dma_wait3A_487 : memref<1x64xi32, #tpu.memory_space<hbm>> -> memref<64xi32, #tpu.memory_space<hbm>>
      %dma_wait3A_489 = arith.constant 0 : i32
      %dma_wait3A_490 = tpu.memref_slice %arg4[%add3A_485, %dma_wait3A_489] : memref<5184x64xi32, #tpu.memory_space<hbm>> -> memref<1x64xi32, #tpu.memory_space<hbm>>
      %dma_wait3A_491 = tpu.memref_squeeze %dma_wait3A_490 : memref<1x64xi32, #tpu.memory_space<hbm>> -> memref<64xi32, #tpu.memory_space<hbm>>
      tpu.wait_dma2 semaphore(%arg37 : memref<!tpu.dma_semaphore, #tpu.memory_space<semaphore_mem>>) src(%dma_wait3A_491 : memref<64xi32, #tpu.memory_space<hbm>>) dst(%arg18 : memref<64xi32, #tpu.memory_space<vmem>>)
      %dma_start3A_492 = arith.constant 0 : i32
      %dma_start3A_493 = arith.constant 0 : i32
      %dma_start3A_494 = tpu.memref_slice %arg25[%dma_start3A_492, %dma_start3A_493] : memref<10112x128xf32, #tpu.memory_space<vmem_shared>> -> memref<10112x128xf32, #tpu.memory_space<vmem_shared>>
      tpu.enqueue_indirect_dma source(%arg24 : memref<64x128xf32, #tpu.memory_space<vmem>>) target(%dma_start3A_494 : memref<10112x128xf32, #tpu.memory_space<vmem_shared>>) offsets(%arg18 : memref<64xi32, #tpu.memory_space<vmem>>) semaphore(%arg49 : memref<!tpu.dma_semaphore, #tpu.memory_space<semaphore_mem>>) {add = true}
      %add3A_495 = arith.constant 6 : i32
      %add3A_496 = arith.addi %mul3A_327, %add3A_495 : i32
      %add3A_497 = arith.constant 5 : i32
      %add3A_498 = arith.addi %add3A_496, %add3A_497 : i32
      %mul3A_499 = arith.constant 162 : i32
      %mul3A_500 = arith.muli %add3A, %mul3A_499 : i32
      %add3A_501 = arith.addi %mul3A_500, %add3A_498 : i32
      %dma_start3A_502 = arith.constant 0 : i32
      %dma_start3A_503 = tpu.memref_slice %arg3[%add3A_501, %dma_start3A_502] : memref<5184x64xi32, #tpu.memory_space<hbm>> -> memref<1x64xi32, #tpu.memory_space<hbm>>
      %dma_start3A_504 = tpu.memref_squeeze %dma_start3A_503 : memref<1x64xi32, #tpu.memory_space<hbm>> -> memref<64xi32, #tpu.memory_space<hbm>>
      %dma_start3A_505 = arith.constant 0 : i32
      %dma_start3A_506 = tpu.memref_slice %arg3[%add3A_501, %dma_start3A_505] : memref<5184x64xi32, #tpu.memory_space<hbm>> -> memref<1x64xi32, #tpu.memory_space<hbm>>
      %dma_start3A_507 = tpu.memref_squeeze %dma_start3A_506 : memref<1x64xi32, #tpu.memory_space<hbm>> -> memref<64xi32, #tpu.memory_space<hbm>>
      tpu.enqueue_dma source(%dma_start3A_507 : memref<64xi32, #tpu.memory_space<hbm>>) target(%arg12 : memref<64xi32, #tpu.memory_space<vmem>>) target_semaphore(%arg31 : memref<!tpu.dma_semaphore, #tpu.memory_space<semaphore_mem>>)
      %dma_wait3A_508 = arith.constant 0 : i32
      %dma_wait3A_509 = arith.constant 0 : i32
      %dma_wait3A_510 = tpu.memref_slice %arg25[%dma_wait3A_508, %dma_wait3A_509] : memref<10112x128xf32, #tpu.memory_space<vmem_shared>> -> memref<10112x128xf32, #tpu.memory_space<vmem_shared>>
      tpu.wait_indirect_dma semaphore(%arg44 : memref<!tpu.dma_semaphore, #tpu.memory_space<semaphore_mem>>) src(%arg19 : memref<64x128xf32, #tpu.memory_space<vmem>>) dst(%dma_wait3A_510 : memref<10112x128xf32, #tpu.memory_space<vmem_shared>>)
      %add3A_511 = arith.constant 6 : i32
      %add3A_512 = arith.addi %mul3A_327, %add3A_511 : i32
      %add3A_513 = arith.constant 0 : i32
      %add3A_514 = arith.addi %add3A_512, %add3A_513 : i32
      %mul3A_515 = arith.constant 162 : i32
      %mul3A_516 = arith.muli %add3A, %mul3A_515 : i32
      %add3A_517 = arith.addi %mul3A_516, %add3A_514 : i32
      %dma_start3A_518 = arith.constant 0 : i32
      %dma_start3A_519 = tpu.memref_slice %arg4[%add3A_517, %dma_start3A_518] : memref<5184x64xi32, #tpu.memory_space<hbm>> -> memref<1x64xi32, #tpu.memory_space<hbm>>
      %dma_start3A_520 = tpu.memref_squeeze %dma_start3A_519 : memref<1x64xi32, #tpu.memory_space<hbm>> -> memref<64xi32, #tpu.memory_space<hbm>>
      %dma_start3A_521 = arith.constant 0 : i32
      %dma_start3A_522 = tpu.memref_slice %arg4[%add3A_517, %dma_start3A_521] : memref<5184x64xi32, #tpu.memory_space<hbm>> -> memref<1x64xi32, #tpu.memory_space<hbm>>
      %dma_start3A_523 = tpu.memref_squeeze %dma_start3A_522 : memref<1x64xi32, #tpu.memory_space<hbm>> -> memref<64xi32, #tpu.memory_space<hbm>>
      tpu.enqueue_dma source(%dma_start3A_523 : memref<64xi32, #tpu.memory_space<hbm>>) target(%arg13 : memref<64xi32, #tpu.memory_space<vmem>>) target_semaphore(%arg32 : memref<!tpu.dma_semaphore, #tpu.memory_space<semaphore_mem>>)
      %add3A_524 = arith.constant 6 : i32
      %add3A_525 = arith.addi %mul3A_327, %add3A_524 : i32
      %add3A_526 = arith.constant 0 : i32
      %add3A_527 = arith.addi %add3A_525, %add3A_526 : i32
      %mul3A_528 = arith.constant 162 : i32
      %mul3A_529 = arith.muli %add3A, %mul3A_528 : i32
      %add3A_530 = arith.addi %mul3A_529, %add3A_527 : i32
      %dma_wait3A_531 = arith.constant 0 : i32
      %dma_wait3A_532 = tpu.memref_slice %arg3[%add3A_530, %dma_wait3A_531] : memref<5184x64xi32, #tpu.memory_space<hbm>> -> memref<1x64xi32, #tpu.memory_space<hbm>>
      %dma_wait3A_533 = tpu.memref_squeeze %dma_wait3A_532 : memref<1x64xi32, #tpu.memory_space<hbm>> -> memref<64xi32, #tpu.memory_space<hbm>>
      %dma_wait3A_534 = arith.constant 0 : i32
      %dma_wait3A_535 = tpu.memref_slice %arg3[%add3A_530, %dma_wait3A_534] : memref<5184x64xi32, #tpu.memory_space<hbm>> -> memref<1x64xi32, #tpu.memory_space<hbm>>
      %dma_wait3A_536 = tpu.memref_squeeze %dma_wait3A_535 : memref<1x64xi32, #tpu.memory_space<hbm>> -> memref<64xi32, #tpu.memory_space<hbm>>
      tpu.wait_dma2 semaphore(%arg26 : memref<!tpu.dma_semaphore, #tpu.memory_space<semaphore_mem>>) src(%dma_wait3A_536 : memref<64xi32, #tpu.memory_space<hbm>>) dst(%arg7 : memref<64xi32, #tpu.memory_space<vmem>>)
      %dma_start3A_537 = arith.constant 0 : i32
      %dma_start3A_538 = arith.constant 0 : i32
      %dma_start3A_539 = tpu.memref_slice %arg2[%dma_start3A_537, %dma_start3A_538] : memref<10000x128xf32, #tpu.memory_space<hbm>> -> memref<10000x128xf32, #tpu.memory_space<hbm>>
      tpu.enqueue_indirect_dma source(%dma_start3A_539 : memref<10000x128xf32, #tpu.memory_space<hbm>>) target(%arg19 : memref<64x128xf32, #tpu.memory_space<vmem>>) offsets(%arg7 : memref<64xi32, #tpu.memory_space<vmem>>) semaphore(%arg38 : memref<!tpu.dma_semaphore, #tpu.memory_space<semaphore_mem>>)
      %dma_wait3A_540 = arith.constant 0 : i32
      %dma_wait3A_541 = arith.constant 0 : i32
      %dma_wait3A_542 = tpu.memref_slice %arg25[%dma_wait3A_540, %dma_wait3A_541] : memref<10112x128xf32, #tpu.memory_space<vmem_shared>> -> memref<10112x128xf32, #tpu.memory_space<vmem_shared>>
      tpu.wait_indirect_dma semaphore(%arg45 : memref<!tpu.dma_semaphore, #tpu.memory_space<semaphore_mem>>) src(%arg20 : memref<64x128xf32, #tpu.memory_space<vmem>>) dst(%dma_wait3A_542 : memref<10112x128xf32, #tpu.memory_space<vmem_shared>>)
      %add3A_543 = arith.constant 6 : i32
      %add3A_544 = arith.addi %mul3A_327, %add3A_543 : i32
      %add3A_545 = arith.constant 1 : i32
      %add3A_546 = arith.addi %add3A_544, %add3A_545 : i32
      %mul3A_547 = arith.constant 162 : i32
      %mul3A_548 = arith.muli %add3A, %mul3A_547 : i32
      %add3A_549 = arith.addi %mul3A_548, %add3A_546 : i32
      %dma_start3A_550 = arith.constant 0 : i32
      %dma_start3A_551 = tpu.memref_slice %arg4[%add3A_549, %dma_start3A_550] : memref<5184x64xi32, #tpu.memory_space<hbm>> -> memref<1x64xi32, #tpu.memory_space<hbm>>
      %dma_start3A_552 = tpu.memref_squeeze %dma_start3A_551 : memref<1x64xi32, #tpu.memory_space<hbm>> -> memref<64xi32, #tpu.memory_space<hbm>>
      %dma_start3A_553 = arith.constant 0 : i32
      %dma_start3A_554 = tpu.memref_slice %arg4[%add3A_549, %dma_start3A_553] : memref<5184x64xi32, #tpu.memory_space<hbm>> -> memref<1x64xi32, #tpu.memory_space<hbm>>
      %dma_start3A_555 = tpu.memref_squeeze %dma_start3A_554 : memref<1x64xi32, #tpu.memory_space<hbm>> -> memref<64xi32, #tpu.memory_space<hbm>>
      tpu.enqueue_dma source(%dma_start3A_555 : memref<64xi32, #tpu.memory_space<hbm>>) target(%arg14 : memref<64xi32, #tpu.memory_space<vmem>>) target_semaphore(%arg33 : memref<!tpu.dma_semaphore, #tpu.memory_space<semaphore_mem>>)
      %add3A_556 = arith.constant 6 : i32
      %add3A_557 = arith.addi %mul3A_327, %add3A_556 : i32
      %add3A_558 = arith.constant 1 : i32
      %add3A_559 = arith.addi %add3A_557, %add3A_558 : i32
      %mul3A_560 = arith.constant 162 : i32
      %mul3A_561 = arith.muli %add3A, %mul3A_560 : i32
      %add3A_562 = arith.addi %mul3A_561, %add3A_559 : i32
      %dma_wait3A_563 = arith.constant 0 : i32
      %dma_wait3A_564 = tpu.memref_slice %arg3[%add3A_562, %dma_wait3A_563] : memref<5184x64xi32, #tpu.memory_space<hbm>> -> memref<1x64xi32, #tpu.memory_space<hbm>>
      %dma_wait3A_565 = tpu.memref_squeeze %dma_wait3A_564 : memref<1x64xi32, #tpu.memory_space<hbm>> -> memref<64xi32, #tpu.memory_space<hbm>>
      %dma_wait3A_566 = arith.constant 0 : i32
      %dma_wait3A_567 = tpu.memref_slice %arg3[%add3A_562, %dma_wait3A_566] : memref<5184x64xi32, #tpu.memory_space<hbm>> -> memref<1x64xi32, #tpu.memory_space<hbm>>
      %dma_wait3A_568 = tpu.memref_squeeze %dma_wait3A_567 : memref<1x64xi32, #tpu.memory_space<hbm>> -> memref<64xi32, #tpu.memory_space<hbm>>
      tpu.wait_dma2 semaphore(%arg27 : memref<!tpu.dma_semaphore, #tpu.memory_space<semaphore_mem>>) src(%dma_wait3A_568 : memref<64xi32, #tpu.memory_space<hbm>>) dst(%arg8 : memref<64xi32, #tpu.memory_space<vmem>>)
      %dma_start3A_569 = arith.constant 0 : i32
      %dma_start3A_570 = arith.constant 0 : i32
      %dma_start3A_571 = tpu.memref_slice %arg2[%dma_start3A_569, %dma_start3A_570] : memref<10000x128xf32, #tpu.memory_space<hbm>> -> memref<10000x128xf32, #tpu.memory_space<hbm>>
      tpu.enqueue_indirect_dma source(%dma_start3A_571 : memref<10000x128xf32, #tpu.memory_space<hbm>>) target(%arg20 : memref<64x128xf32, #tpu.memory_space<vmem>>) offsets(%arg8 : memref<64xi32, #tpu.memory_space<vmem>>) semaphore(%arg39 : memref<!tpu.dma_semaphore, #tpu.memory_space<semaphore_mem>>)
      %dma_wait3A_572 = arith.constant 0 : i32
      %dma_wait3A_573 = arith.constant 0 : i32
      %dma_wait3A_574 = tpu.memref_slice %arg25[%dma_wait3A_572, %dma_wait3A_573] : memref<10112x128xf32, #tpu.memory_space<vmem_shared>> -> memref<10112x128xf32, #tpu.memory_space<vmem_shared>>
      tpu.wait_indirect_dma semaphore(%arg46 : memref<!tpu.dma_semaphore, #tpu.memory_space<semaphore_mem>>) src(%arg21 : memref<64x128xf32, #tpu.memory_space<vmem>>) dst(%dma_wait3A_574 : memref<10112x128xf32, #tpu.memory_space<vmem_shared>>)
      %add3A_575 = arith.constant 6 : i32
      %add3A_576 = arith.addi %mul3A_327, %add3A_575 : i32
      %add3A_577 = arith.constant 2 : i32
      %add3A_578 = arith.addi %add3A_576, %add3A_577 : i32
      %mul3A_579 = arith.constant 162 : i32
      %mul3A_580 = arith.muli %add3A, %mul3A_579 : i32
      %add3A_581 = arith.addi %mul3A_580, %add3A_578 : i32
      %dma_start3A_582 = arith.constant 0 : i32
      %dma_start3A_583 = tpu.memref_slice %arg4[%add3A_581, %dma_start3A_582] : memref<5184x64xi32, #tpu.memory_space<hbm>> -> memref<1x64xi32, #tpu.memory_space<hbm>>
      %dma_start3A_584 = tpu.memref_squeeze %dma_start3A_583 : memref<1x64xi32, #tpu.memory_space<hbm>> -> memref<64xi32, #tpu.memory_space<hbm>>
      %dma_start3A_585 = arith.constant 0 : i32
      %dma_start3A_586 = tpu.memref_slice %arg4[%add3A_581, %dma_start3A_585] : memref<5184x64xi32, #tpu.memory_space<hbm>> -> memref<1x64xi32, #tpu.memory_space<hbm>>
      %dma_start3A_587 = tpu.memref_squeeze %dma_start3A_586 : memref<1x64xi32, #tpu.memory_space<hbm>> -> memref<64xi32, #tpu.memory_space<hbm>>
      tpu.enqueue_dma source(%dma_start3A_587 : memref<64xi32, #tpu.memory_space<hbm>>) target(%arg15 : memref<64xi32, #tpu.memory_space<vmem>>) target_semaphore(%arg34 : memref<!tpu.dma_semaphore, #tpu.memory_space<semaphore_mem>>)
      %add3A_588 = arith.constant 6 : i32
      %add3A_589 = arith.addi %mul3A_327, %add3A_588 : i32
      %add3A_590 = arith.constant 2 : i32
      %add3A_591 = arith.addi %add3A_589, %add3A_590 : i32
      %mul3A_592 = arith.constant 162 : i32
      %mul3A_593 = arith.muli %add3A, %mul3A_592 : i32
      %add3A_594 = arith.addi %mul3A_593, %add3A_591 : i32
      %dma_wait3A_595 = arith.constant 0 : i32
      %dma_wait3A_596 = tpu.memref_slice %arg3[%add3A_594, %dma_wait3A_595] : memref<5184x64xi32, #tpu.memory_space<hbm>> -> memref<1x64xi32, #tpu.memory_space<hbm>>
      %dma_wait3A_597 = tpu.memref_squeeze %dma_wait3A_596 : memref<1x64xi32, #tpu.memory_space<hbm>> -> memref<64xi32, #tpu.memory_space<hbm>>
      %dma_wait3A_598 = arith.constant 0 : i32
      %dma_wait3A_599 = tpu.memref_slice %arg3[%add3A_594, %dma_wait3A_598] : memref<5184x64xi32, #tpu.memory_space<hbm>> -> memref<1x64xi32, #tpu.memory_space<hbm>>
      %dma_wait3A_600 = tpu.memref_squeeze %dma_wait3A_599 : memref<1x64xi32, #tpu.memory_space<hbm>> -> memref<64xi32, #tpu.memory_space<hbm>>
      tpu.wait_dma2 semaphore(%arg28 : memref<!tpu.dma_semaphore, #tpu.memory_space<semaphore_mem>>) src(%dma_wait3A_600 : memref<64xi32, #tpu.memory_space<hbm>>) dst(%arg9 : memref<64xi32, #tpu.memory_space<vmem>>)
      %dma_start3A_601 = arith.constant 0 : i32
      %dma_start3A_602 = arith.constant 0 : i32
      %dma_start3A_603 = tpu.memref_slice %arg2[%dma_start3A_601, %dma_start3A_602] : memref<10000x128xf32, #tpu.memory_space<hbm>> -> memref<10000x128xf32, #tpu.memory_space<hbm>>
      tpu.enqueue_indirect_dma source(%dma_start3A_603 : memref<10000x128xf32, #tpu.memory_space<hbm>>) target(%arg21 : memref<64x128xf32, #tpu.memory_space<vmem>>) offsets(%arg9 : memref<64xi32, #tpu.memory_space<vmem>>) semaphore(%arg40 : memref<!tpu.dma_semaphore, #tpu.memory_space<semaphore_mem>>)
      %dma_wait3A_604 = arith.constant 0 : i32
      %dma_wait3A_605 = arith.constant 0 : i32
      %dma_wait3A_606 = tpu.memref_slice %arg25[%dma_wait3A_604, %dma_wait3A_605] : memref<10112x128xf32, #tpu.memory_space<vmem_shared>> -> memref<10112x128xf32, #tpu.memory_space<vmem_shared>>
      tpu.wait_indirect_dma semaphore(%arg47 : memref<!tpu.dma_semaphore, #tpu.memory_space<semaphore_mem>>) src(%arg22 : memref<64x128xf32, #tpu.memory_space<vmem>>) dst(%dma_wait3A_606 : memref<10112x128xf32, #tpu.memory_space<vmem_shared>>)
      %add3A_607 = arith.constant 6 : i32
      %add3A_608 = arith.addi %mul3A_327, %add3A_607 : i32
      %add3A_609 = arith.constant 3 : i32
      %add3A_610 = arith.addi %add3A_608, %add3A_609 : i32
      %mul3A_611 = arith.constant 162 : i32
      %mul3A_612 = arith.muli %add3A, %mul3A_611 : i32
      %add3A_613 = arith.addi %mul3A_612, %add3A_610 : i32
      %dma_start3A_614 = arith.constant 0 : i32
      %dma_start3A_615 = tpu.memref_slice %arg4[%add3A_613, %dma_start3A_614] : memref<5184x64xi32, #tpu.memory_space<hbm>> -> memref<1x64xi32, #tpu.memory_space<hbm>>
      %dma_start3A_616 = tpu.memref_squeeze %dma_start3A_615 : memref<1x64xi32, #tpu.memory_space<hbm>> -> memref<64xi32, #tpu.memory_space<hbm>>
      %dma_start3A_617 = arith.constant 0 : i32
      %dma_start3A_618 = tpu.memref_slice %arg4[%add3A_613, %dma_start3A_617] : memref<5184x64xi32, #tpu.memory_space<hbm>> -> memref<1x64xi32, #tpu.memory_space<hbm>>
      %dma_start3A_619 = tpu.memref_squeeze %dma_start3A_618 : memref<1x64xi32, #tpu.memory_space<hbm>> -> memref<64xi32, #tpu.memory_space<hbm>>
      tpu.enqueue_dma source(%dma_start3A_619 : memref<64xi32, #tpu.memory_space<hbm>>) target(%arg16 : memref<64xi32, #tpu.memory_space<vmem>>) target_semaphore(%arg35 : memref<!tpu.dma_semaphore, #tpu.memory_space<semaphore_mem>>)
      %add3A_620 = arith.constant 6 : i32
      %add3A_621 = arith.addi %mul3A_327, %add3A_620 : i32
      %add3A_622 = arith.constant 3 : i32
      %add3A_623 = arith.addi %add3A_621, %add3A_622 : i32
      %mul3A_624 = arith.constant 162 : i32
      %mul3A_625 = arith.muli %add3A, %mul3A_624 : i32
      %add3A_626 = arith.addi %mul3A_625, %add3A_623 : i32
      %dma_wait3A_627 = arith.constant 0 : i32
      %dma_wait3A_628 = tpu.memref_slice %arg3[%add3A_626, %dma_wait3A_627] : memref<5184x64xi32, #tpu.memory_space<hbm>> -> memref<1x64xi32, #tpu.memory_space<hbm>>
      %dma_wait3A_629 = tpu.memref_squeeze %dma_wait3A_628 : memref<1x64xi32, #tpu.memory_space<hbm>> -> memref<64xi32, #tpu.memory_space<hbm>>
      %dma_wait3A_630 = arith.constant 0 : i32
      %dma_wait3A_631 = tpu.memref_slice %arg3[%add3A_626, %dma_wait3A_630] : memref<5184x64xi32, #tpu.memory_space<hbm>> -> memref<1x64xi32, #tpu.memory_space<hbm>>
      %dma_wait3A_632 = tpu.memref_squeeze %dma_wait3A_631 : memref<1x64xi32, #tpu.memory_space<hbm>> -> memref<64xi32, #tpu.memory_space<hbm>>
      tpu.wait_dma2 semaphore(%arg29 : memref<!tpu.dma_semaphore, #tpu.memory_space<semaphore_mem>>) src(%dma_wait3A_632 : memref<64xi32, #tpu.memory_space<hbm>>) dst(%arg10 : memref<64xi32, #tpu.memory_space<vmem>>)
      %dma_start3A_633 = arith.constant 0 : i32
      %dma_start3A_634 = arith.constant 0 : i32
      %dma_start3A_635 = tpu.memref_slice %arg2[%dma_start3A_633, %dma_start3A_634] : memref<10000x128xf32, #tpu.memory_space<hbm>> -> memref<10000x128xf32, #tpu.memory_space<hbm>>
      tpu.enqueue_indirect_dma source(%dma_start3A_635 : memref<10000x128xf32, #tpu.memory_space<hbm>>) target(%arg22 : memref<64x128xf32, #tpu.memory_space<vmem>>) offsets(%arg10 : memref<64xi32, #tpu.memory_space<vmem>>) semaphore(%arg41 : memref<!tpu.dma_semaphore, #tpu.memory_space<semaphore_mem>>)
      %dma_wait3A_636 = arith.constant 0 : i32
      %dma_wait3A_637 = arith.constant 0 : i32
      %dma_wait3A_638 = tpu.memref_slice %arg25[%dma_wait3A_636, %dma_wait3A_637] : memref<10112x128xf32, #tpu.memory_space<vmem_shared>> -> memref<10112x128xf32, #tpu.memory_space<vmem_shared>>
      tpu.wait_indirect_dma semaphore(%arg48 : memref<!tpu.dma_semaphore, #tpu.memory_space<semaphore_mem>>) src(%arg23 : memref<64x128xf32, #tpu.memory_space<vmem>>) dst(%dma_wait3A_638 : memref<10112x128xf32, #tpu.memory_space<vmem_shared>>)
      %add3A_639 = arith.constant 6 : i32
      %add3A_640 = arith.addi %mul3A_327, %add3A_639 : i32
      %add3A_641 = arith.constant 4 : i32
      %add3A_642 = arith.addi %add3A_640, %add3A_641 : i32
      %mul3A_643 = arith.constant 162 : i32
      %mul3A_644 = arith.muli %add3A, %mul3A_643 : i32
      %add3A_645 = arith.addi %mul3A_644, %add3A_642 : i32
      %dma_start3A_646 = arith.constant 0 : i32
      %dma_start3A_647 = tpu.memref_slice %arg4[%add3A_645, %dma_start3A_646] : memref<5184x64xi32, #tpu.memory_space<hbm>> -> memref<1x64xi32, #tpu.memory_space<hbm>>
      %dma_start3A_648 = tpu.memref_squeeze %dma_start3A_647 : memref<1x64xi32, #tpu.memory_space<hbm>> -> memref<64xi32, #tpu.memory_space<hbm>>
      %dma_start3A_649 = arith.constant 0 : i32
      %dma_start3A_650 = tpu.memref_slice %arg4[%add3A_645, %dma_start3A_649] : memref<5184x64xi32, #tpu.memory_space<hbm>> -> memref<1x64xi32, #tpu.memory_space<hbm>>
      %dma_start3A_651 = tpu.memref_squeeze %dma_start3A_650 : memref<1x64xi32, #tpu.memory_space<hbm>> -> memref<64xi32, #tpu.memory_space<hbm>>
      tpu.enqueue_dma source(%dma_start3A_651 : memref<64xi32, #tpu.memory_space<hbm>>) target(%arg17 : memref<64xi32, #tpu.memory_space<vmem>>) target_semaphore(%arg36 : memref<!tpu.dma_semaphore, #tpu.memory_space<semaphore_mem>>)
      %add3A_652 = arith.constant 6 : i32
      %add3A_653 = arith.addi %mul3A_327, %add3A_652 : i32
      %add3A_654 = arith.constant 4 : i32
      %add3A_655 = arith.addi %add3A_653, %add3A_654 : i32
      %mul3A_656 = arith.constant 162 : i32
      %mul3A_657 = arith.muli %add3A, %mul3A_656 : i32
      %add3A_658 = arith.addi %mul3A_657, %add3A_655 : i32
      %dma_wait3A_659 = arith.constant 0 : i32
      %dma_wait3A_660 = tpu.memref_slice %arg3[%add3A_658, %dma_wait3A_659] : memref<5184x64xi32, #tpu.memory_space<hbm>> -> memref<1x64xi32, #tpu.memory_space<hbm>>
      %dma_wait3A_661 = tpu.memref_squeeze %dma_wait3A_660 : memref<1x64xi32, #tpu.memory_space<hbm>> -> memref<64xi32, #tpu.memory_space<hbm>>
      %dma_wait3A_662 = arith.constant 0 : i32
      %dma_wait3A_663 = tpu.memref_slice %arg3[%add3A_658, %dma_wait3A_662] : memref<5184x64xi32, #tpu.memory_space<hbm>> -> memref<1x64xi32, #tpu.memory_space<hbm>>
      %dma_wait3A_664 = tpu.memref_squeeze %dma_wait3A_663 : memref<1x64xi32, #tpu.memory_space<hbm>> -> memref<64xi32, #tpu.memory_space<hbm>>
      tpu.wait_dma2 semaphore(%arg30 : memref<!tpu.dma_semaphore, #tpu.memory_space<semaphore_mem>>) src(%dma_wait3A_664 : memref<64xi32, #tpu.memory_space<hbm>>) dst(%arg11 : memref<64xi32, #tpu.memory_space<vmem>>)
      %dma_start3A_665 = arith.constant 0 : i32
      %dma_start3A_666 = arith.constant 0 : i32
      %dma_start3A_667 = tpu.memref_slice %arg2[%dma_start3A_665, %dma_start3A_666] : memref<10000x128xf32, #tpu.memory_space<hbm>> -> memref<10000x128xf32, #tpu.memory_space<hbm>>
      tpu.enqueue_indirect_dma source(%dma_start3A_667 : memref<10000x128xf32, #tpu.memory_space<hbm>>) target(%arg23 : memref<64x128xf32, #tpu.memory_space<vmem>>) offsets(%arg11 : memref<64xi32, #tpu.memory_space<vmem>>) semaphore(%arg42 : memref<!tpu.dma_semaphore, #tpu.memory_space<semaphore_mem>>)
      %dma_wait3A_668 = arith.constant 0 : i32
      %dma_wait3A_669 = arith.constant 0 : i32
      %dma_wait3A_670 = tpu.memref_slice %arg25[%dma_wait3A_668, %dma_wait3A_669] : memref<10112x128xf32, #tpu.memory_space<vmem_shared>> -> memref<10112x128xf32, #tpu.memory_space<vmem_shared>>
      tpu.wait_indirect_dma semaphore(%arg49 : memref<!tpu.dma_semaphore, #tpu.memory_space<semaphore_mem>>) src(%arg24 : memref<64x128xf32, #tpu.memory_space<vmem>>) dst(%dma_wait3A_670 : memref<10112x128xf32, #tpu.memory_space<vmem_shared>>)
      %add3A_671 = arith.constant 6 : i32
      %add3A_672 = arith.addi %mul3A_327, %add3A_671 : i32
      %add3A_673 = arith.constant 5 : i32
      %add3A_674 = arith.addi %add3A_672, %add3A_673 : i32
      %mul3A_675 = arith.constant 162 : i32
      %mul3A_676 = arith.muli %add3A, %mul3A_675 : i32
      %add3A_677 = arith.addi %mul3A_676, %add3A_674 : i32
      %dma_start3A_678 = arith.constant 0 : i32
      %dma_start3A_679 = tpu.memref_slice %arg4[%add3A_677, %dma_start3A_678] : memref<5184x64xi32, #tpu.memory_space<hbm>> -> memref<1x64xi32, #tpu.memory_space<hbm>>
      %dma_start3A_680 = tpu.memref_squeeze %dma_start3A_679 : memref<1x64xi32, #tpu.memory_space<hbm>> -> memref<64xi32, #tpu.memory_space<hbm>>
      %dma_start3A_681 = arith.constant 0 : i32
      %dma_start3A_682 = tpu.memref_slice %arg4[%add3A_677, %dma_start3A_681] : memref<5184x64xi32, #tpu.memory_space<hbm>> -> memref<1x64xi32, #tpu.memory_space<hbm>>
      %dma_start3A_683 = tpu.memref_squeeze %dma_start3A_682 : memref<1x64xi32, #tpu.memory_space<hbm>> -> memref<64xi32, #tpu.memory_space<hbm>>
      tpu.enqueue_dma source(%dma_start3A_683 : memref<64xi32, #tpu.memory_space<hbm>>) target(%arg18 : memref<64xi32, #tpu.memory_space<vmem>>) target_semaphore(%arg37 : memref<!tpu.dma_semaphore, #tpu.memory_space<semaphore_mem>>)
      %add3A_684 = arith.constant 6 : i32
      %add3A_685 = arith.addi %mul3A_327, %add3A_684 : i32
      %add3A_686 = arith.constant 5 : i32
      %add3A_687 = arith.addi %add3A_685, %add3A_686 : i32
      %mul3A_688 = arith.constant 162 : i32
      %mul3A_689 = arith.muli %add3A, %mul3A_688 : i32
      %add3A_690 = arith.addi %mul3A_689, %add3A_687 : i32
      %dma_wait3A_691 = arith.constant 0 : i32
      %dma_wait3A_692 = tpu.memref_slice %arg3[%add3A_690, %dma_wait3A_691] : memref<5184x64xi32, #tpu.memory_space<hbm>> -> memref<1x64xi32, #tpu.memory_space<hbm>>
      %dma_wait3A_693 = tpu.memref_squeeze %dma_wait3A_692 : memref<1x64xi32, #tpu.memory_space<hbm>> -> memref<64xi32, #tpu.memory_space<hbm>>
      %dma_wait3A_694 = arith.constant 0 : i32
      %dma_wait3A_695 = tpu.memref_slice %arg3[%add3A_690, %dma_wait3A_694] : memref<5184x64xi32, #tpu.memory_space<hbm>> -> memref<1x64xi32, #tpu.memory_space<hbm>>
      %dma_wait3A_696 = tpu.memref_squeeze %dma_wait3A_695 : memref<1x64xi32, #tpu.memory_space<hbm>> -> memref<64xi32, #tpu.memory_space<hbm>>
      tpu.wait_dma2 semaphore(%arg31 : memref<!tpu.dma_semaphore, #tpu.memory_space<semaphore_mem>>) src(%dma_wait3A_696 : memref<64xi32, #tpu.memory_space<hbm>>) dst(%arg12 : memref<64xi32, #tpu.memory_space<vmem>>)
      %dma_start3A_697 = arith.constant 0 : i32
      %dma_start3A_698 = arith.constant 0 : i32
      %dma_start3A_699 = tpu.memref_slice %arg2[%dma_start3A_697, %dma_start3A_698] : memref<10000x128xf32, #tpu.memory_space<hbm>> -> memref<10000x128xf32, #tpu.memory_space<hbm>>
      tpu.enqueue_indirect_dma source(%dma_start3A_699 : memref<10000x128xf32, #tpu.memory_space<hbm>>) target(%arg24 : memref<64x128xf32, #tpu.memory_space<vmem>>) offsets(%arg12 : memref<64xi32, #tpu.memory_space<vmem>>) semaphore(%arg43 : memref<!tpu.dma_semaphore, #tpu.memory_space<semaphore_mem>>)
    }
    %scan3A_205 = arith.constant 26 : i32
    %dma_wait3A_206 = arith.constant 0 : i32
    %dma_wait3A_207 = arith.constant 0 : i32
    %dma_wait3A_208 = tpu.memref_slice %arg2[%dma_wait3A_206, %dma_wait3A_207] : memref<10000x128xf32, #tpu.memory_space<hbm>> -> memref<10000x128xf32, #tpu.memory_space<hbm>>
    tpu.wait_indirect_dma semaphore(%arg38 : memref<!tpu.dma_semaphore, #tpu.memory_space<semaphore_mem>>) src(%dma_wait3A_208 : memref<10000x128xf32, #tpu.memory_space<hbm>>) dst(%arg19 : memref<64x128xf32, #tpu.memory_space<vmem>>)
    %mul3A_209 = arith.constant 162 : i32
    %mul3A_210 = arith.muli %add3A, %mul3A_209 : i32
    %add3A_211 = arith.constant 156 : i32
    %add3A_212 = arith.addi %mul3A_210, %add3A_211 : i32
    %dma_wait3A_213 = arith.constant 0 : i32
    %dma_wait3A_214 = tpu.memref_slice %arg4[%add3A_212, %dma_wait3A_213] : memref<5184x64xi32, #tpu.memory_space<hbm>> -> memref<1x64xi32, #tpu.memory_space<hbm>>
    %dma_wait3A_215 = tpu.memref_squeeze %dma_wait3A_214 : memref<1x64xi32, #tpu.memory_space<hbm>> -> memref<64xi32, #tpu.memory_space<hbm>>
    %dma_wait3A_216 = arith.constant 0 : i32
    %dma_wait3A_217 = tpu.memref_slice %arg4[%add3A_212, %dma_wait3A_216] : memref<5184x64xi32, #tpu.memory_space<hbm>> -> memref<1x64xi32, #tpu.memory_space<hbm>>
    %dma_wait3A_218 = tpu.memref_squeeze %dma_wait3A_217 : memref<1x64xi32, #tpu.memory_space<hbm>> -> memref<64xi32, #tpu.memory_space<hbm>>
    tpu.wait_dma2 semaphore(%arg32 : memref<!tpu.dma_semaphore, #tpu.memory_space<semaphore_mem>>) src(%dma_wait3A_218 : memref<64xi32, #tpu.memory_space<hbm>>) dst(%arg13 : memref<64xi32, #tpu.memory_space<vmem>>)
    %dma_start3A_219 = arith.constant 0 : i32
    %dma_start3A_220 = arith.constant 0 : i32
    %dma_start3A_221 = tpu.memref_slice %arg25[%dma_start3A_219, %dma_start3A_220] : memref<10112x128xf32, #tpu.memory_space<vmem_shared>> -> memref<10112x128xf32, #tpu.memory_space<vmem_shared>>
    tpu.enqueue_indirect_dma source(%arg19 : memref<64x128xf32, #tpu.memory_space<vmem>>) target(%dma_start3A_221 : memref<10112x128xf32, #tpu.memory_space<vmem_shared>>) offsets(%arg13 : memref<64xi32, #tpu.memory_space<vmem>>) semaphore(%arg44 : memref<!tpu.dma_semaphore, #tpu.memory_space<semaphore_mem>>) {add = true}
    %dma_wait3A_222 = arith.constant 0 : i32
    %dma_wait3A_223 = arith.constant 0 : i32
    %dma_wait3A_224 = tpu.memref_slice %arg2[%dma_wait3A_222, %dma_wait3A_223] : memref<10000x128xf32, #tpu.memory_space<hbm>> -> memref<10000x128xf32, #tpu.memory_space<hbm>>
    tpu.wait_indirect_dma semaphore(%arg39 : memref<!tpu.dma_semaphore, #tpu.memory_space<semaphore_mem>>) src(%dma_wait3A_224 : memref<10000x128xf32, #tpu.memory_space<hbm>>) dst(%arg20 : memref<64x128xf32, #tpu.memory_space<vmem>>)
    %mul3A_225 = arith.constant 162 : i32
    %mul3A_226 = arith.muli %add3A, %mul3A_225 : i32
    %add3A_227 = arith.constant 157 : i32
    %add3A_228 = arith.addi %mul3A_226, %add3A_227 : i32
    %dma_wait3A_229 = arith.constant 0 : i32
    %dma_wait3A_230 = tpu.memref_slice %arg4[%add3A_228, %dma_wait3A_229] : memref<5184x64xi32, #tpu.memory_space<hbm>> -> memref<1x64xi32, #tpu.memory_space<hbm>>
    %dma_wait3A_231 = tpu.memref_squeeze %dma_wait3A_230 : memref<1x64xi32, #tpu.memory_space<hbm>> -> memref<64xi32, #tpu.memory_space<hbm>>
    %dma_wait3A_232 = arith.constant 0 : i32
    %dma_wait3A_233 = tpu.memref_slice %arg4[%add3A_228, %dma_wait3A_232] : memref<5184x64xi32, #tpu.memory_space<hbm>> -> memref<1x64xi32, #tpu.memory_space<hbm>>
    %dma_wait3A_234 = tpu.memref_squeeze %dma_wait3A_233 : memref<1x64xi32, #tpu.memory_space<hbm>> -> memref<64xi32, #tpu.memory_space<hbm>>
    tpu.wait_dma2 semaphore(%arg33 : memref<!tpu.dma_semaphore, #tpu.memory_space<semaphore_mem>>) src(%dma_wait3A_234 : memref<64xi32, #tpu.memory_space<hbm>>) dst(%arg14 : memref<64xi32, #tpu.memory_space<vmem>>)
    %dma_start3A_235 = arith.constant 0 : i32
    %dma_start3A_236 = arith.constant 0 : i32
    %dma_start3A_237 = tpu.memref_slice %arg25[%dma_start3A_235, %dma_start3A_236] : memref<10112x128xf32, #tpu.memory_space<vmem_shared>> -> memref<10112x128xf32, #tpu.memory_space<vmem_shared>>
    tpu.enqueue_indirect_dma source(%arg20 : memref<64x128xf32, #tpu.memory_space<vmem>>) target(%dma_start3A_237 : memref<10112x128xf32, #tpu.memory_space<vmem_shared>>) offsets(%arg14 : memref<64xi32, #tpu.memory_space<vmem>>) semaphore(%arg45 : memref<!tpu.dma_semaphore, #tpu.memory_space<semaphore_mem>>) {add = true}
    %dma_wait3A_238 = arith.constant 0 : i32
    %dma_wait3A_239 = arith.constant 0 : i32
    %dma_wait3A_240 = tpu.memref_slice %arg2[%dma_wait3A_238, %dma_wait3A_239] : memref<10000x128xf32, #tpu.memory_space<hbm>> -> memref<10000x128xf32, #tpu.memory_space<hbm>>
    tpu.wait_indirect_dma semaphore(%arg40 : memref<!tpu.dma_semaphore, #tpu.memory_space<semaphore_mem>>) src(%dma_wait3A_240 : memref<10000x128xf32, #tpu.memory_space<hbm>>) dst(%arg21 : memref<64x128xf32, #tpu.memory_space<vmem>>)
    %mul3A_241 = arith.constant 162 : i32
    %mul3A_242 = arith.muli %add3A, %mul3A_241 : i32
    %add3A_243 = arith.constant 158 : i32
    %add3A_244 = arith.addi %mul3A_242, %add3A_243 : i32
    %dma_wait3A_245 = arith.constant 0 : i32
    %dma_wait3A_246 = tpu.memref_slice %arg4[%add3A_244, %dma_wait3A_245] : memref<5184x64xi32, #tpu.memory_space<hbm>> -> memref<1x64xi32, #tpu.memory_space<hbm>>
    %dma_wait3A_247 = tpu.memref_squeeze %dma_wait3A_246 : memref<1x64xi32, #tpu.memory_space<hbm>> -> memref<64xi32, #tpu.memory_space<hbm>>
    %dma_wait3A_248 = arith.constant 0 : i32
    %dma_wait3A_249 = tpu.memref_slice %arg4[%add3A_244, %dma_wait3A_248] : memref<5184x64xi32, #tpu.memory_space<hbm>> -> memref<1x64xi32, #tpu.memory_space<hbm>>
    %dma_wait3A_250 = tpu.memref_squeeze %dma_wait3A_249 : memref<1x64xi32, #tpu.memory_space<hbm>> -> memref<64xi32, #tpu.memory_space<hbm>>
    tpu.wait_dma2 semaphore(%arg34 : memref<!tpu.dma_semaphore, #tpu.memory_space<semaphore_mem>>) src(%dma_wait3A_250 : memref<64xi32, #tpu.memory_space<hbm>>) dst(%arg15 : memref<64xi32, #tpu.memory_space<vmem>>)
    %dma_start3A_251 = arith.constant 0 : i32
    %dma_start3A_252 = arith.constant 0 : i32
    %dma_start3A_253 = tpu.memref_slice %arg25[%dma_start3A_251, %dma_start3A_252] : memref<10112x128xf32, #tpu.memory_space<vmem_shared>> -> memref<10112x128xf32, #tpu.memory_space<vmem_shared>>
    tpu.enqueue_indirect_dma source(%arg21 : memref<64x128xf32, #tpu.memory_space<vmem>>) target(%dma_start3A_253 : memref<10112x128xf32, #tpu.memory_space<vmem_shared>>) offsets(%arg15 : memref<64xi32, #tpu.memory_space<vmem>>) semaphore(%arg46 : memref<!tpu.dma_semaphore, #tpu.memory_space<semaphore_mem>>) {add = true}
    %dma_wait3A_254 = arith.constant 0 : i32
    %dma_wait3A_255 = arith.constant 0 : i32
    %dma_wait3A_256 = tpu.memref_slice %arg2[%dma_wait3A_254, %dma_wait3A_255] : memref<10000x128xf32, #tpu.memory_space<hbm>> -> memref<10000x128xf32, #tpu.memory_space<hbm>>
    tpu.wait_indirect_dma semaphore(%arg41 : memref<!tpu.dma_semaphore, #tpu.memory_space<semaphore_mem>>) src(%dma_wait3A_256 : memref<10000x128xf32, #tpu.memory_space<hbm>>) dst(%arg22 : memref<64x128xf32, #tpu.memory_space<vmem>>)
    %mul3A_257 = arith.constant 162 : i32
    %mul3A_258 = arith.muli %add3A, %mul3A_257 : i32
    %add3A_259 = arith.constant 159 : i32
    %add3A_260 = arith.addi %mul3A_258, %add3A_259 : i32
    %dma_wait3A_261 = arith.constant 0 : i32
    %dma_wait3A_262 = tpu.memref_slice %arg4[%add3A_260, %dma_wait3A_261] : memref<5184x64xi32, #tpu.memory_space<hbm>> -> memref<1x64xi32, #tpu.memory_space<hbm>>
    %dma_wait3A_263 = tpu.memref_squeeze %dma_wait3A_262 : memref<1x64xi32, #tpu.memory_space<hbm>> -> memref<64xi32, #tpu.memory_space<hbm>>
    %dma_wait3A_264 = arith.constant 0 : i32
    %dma_wait3A_265 = tpu.memref_slice %arg4[%add3A_260, %dma_wait3A_264] : memref<5184x64xi32, #tpu.memory_space<hbm>> -> memref<1x64xi32, #tpu.memory_space<hbm>>
    %dma_wait3A_266 = tpu.memref_squeeze %dma_wait3A_265 : memref<1x64xi32, #tpu.memory_space<hbm>> -> memref<64xi32, #tpu.memory_space<hbm>>
    tpu.wait_dma2 semaphore(%arg35 : memref<!tpu.dma_semaphore, #tpu.memory_space<semaphore_mem>>) src(%dma_wait3A_266 : memref<64xi32, #tpu.memory_space<hbm>>) dst(%arg16 : memref<64xi32, #tpu.memory_space<vmem>>)
    %dma_start3A_267 = arith.constant 0 : i32
    %dma_start3A_268 = arith.constant 0 : i32
    %dma_start3A_269 = tpu.memref_slice %arg25[%dma_start3A_267, %dma_start3A_268] : memref<10112x128xf32, #tpu.memory_space<vmem_shared>> -> memref<10112x128xf32, #tpu.memory_space<vmem_shared>>
    tpu.enqueue_indirect_dma source(%arg22 : memref<64x128xf32, #tpu.memory_space<vmem>>) target(%dma_start3A_269 : memref<10112x128xf32, #tpu.memory_space<vmem_shared>>) offsets(%arg16 : memref<64xi32, #tpu.memory_space<vmem>>) semaphore(%arg47 : memref<!tpu.dma_semaphore, #tpu.memory_space<semaphore_mem>>) {add = true}
    %dma_wait3A_270 = arith.constant 0 : i32
    %dma_wait3A_271 = arith.constant 0 : i32
    %dma_wait3A_272 = tpu.memref_slice %arg2[%dma_wait3A_270, %dma_wait3A_271] : memref<10000x128xf32, #tpu.memory_space<hbm>> -> memref<10000x128xf32, #tpu.memory_space<hbm>>
    tpu.wait_indirect_dma semaphore(%arg42 : memref<!tpu.dma_semaphore, #tpu.memory_space<semaphore_mem>>) src(%dma_wait3A_272 : memref<10000x128xf32, #tpu.memory_space<hbm>>) dst(%arg23 : memref<64x128xf32, #tpu.memory_space<vmem>>)
    %mul3A_273 = arith.constant 162 : i32
    %mul3A_274 = arith.muli %add3A, %mul3A_273 : i32
    %add3A_275 = arith.constant 160 : i32
    %add3A_276 = arith.addi %mul3A_274, %add3A_275 : i32
    %dma_wait3A_277 = arith.constant 0 : i32
    %dma_wait3A_278 = tpu.memref_slice %arg4[%add3A_276, %dma_wait3A_277] : memref<5184x64xi32, #tpu.memory_space<hbm>> -> memref<1x64xi32, #tpu.memory_space<hbm>>
    %dma_wait3A_279 = tpu.memref_squeeze %dma_wait3A_278 : memref<1x64xi32, #tpu.memory_space<hbm>> -> memref<64xi32, #tpu.memory_space<hbm>>
    %dma_wait3A_280 = arith.constant 0 : i32
    %dma_wait3A_281 = tpu.memref_slice %arg4[%add3A_276, %dma_wait3A_280] : memref<5184x64xi32, #tpu.memory_space<hbm>> -> memref<1x64xi32, #tpu.memory_space<hbm>>
    %dma_wait3A_282 = tpu.memref_squeeze %dma_wait3A_281 : memref<1x64xi32, #tpu.memory_space<hbm>> -> memref<64xi32, #tpu.memory_space<hbm>>
    tpu.wait_dma2 semaphore(%arg36 : memref<!tpu.dma_semaphore, #tpu.memory_space<semaphore_mem>>) src(%dma_wait3A_282 : memref<64xi32, #tpu.memory_space<hbm>>) dst(%arg17 : memref<64xi32, #tpu.memory_space<vmem>>)
    %dma_start3A_283 = arith.constant 0 : i32
    %dma_start3A_284 = arith.constant 0 : i32
    %dma_start3A_285 = tpu.memref_slice %arg25[%dma_start3A_283, %dma_start3A_284] : memref<10112x128xf32, #tpu.memory_space<vmem_shared>> -> memref<10112x128xf32, #tpu.memory_space<vmem_shared>>
    tpu.enqueue_indirect_dma source(%arg23 : memref<64x128xf32, #tpu.memory_space<vmem>>) target(%dma_start3A_285 : memref<10112x128xf32, #tpu.memory_space<vmem_shared>>) offsets(%arg17 : memref<64xi32, #tpu.memory_space<vmem>>) semaphore(%arg48 : memref<!tpu.dma_semaphore, #tpu.memory_space<semaphore_mem>>) {add = true}
    %dma_wait3A_286 = arith.constant 0 : i32
    %dma_wait3A_287 = arith.constant 0 : i32
    %dma_wait3A_288 = tpu.memref_slice %arg2[%dma_wait3A_286, %dma_wait3A_287] : memref<10000x128xf32, #tpu.memory_space<hbm>> -> memref<10000x128xf32, #tpu.memory_space<hbm>>
    tpu.wait_indirect_dma semaphore(%arg43 : memref<!tpu.dma_semaphore, #tpu.memory_space<semaphore_mem>>) src(%dma_wait3A_288 : memref<10000x128xf32, #tpu.memory_space<hbm>>) dst(%arg24 : memref<64x128xf32, #tpu.memory_space<vmem>>)
    %mul3A_289 = arith.constant 162 : i32
    %mul3A_290 = arith.muli %add3A, %mul3A_289 : i32
    %add3A_291 = arith.constant 161 : i32
    %add3A_292 = arith.addi %mul3A_290, %add3A_291 : i32
    %dma_wait3A_293 = arith.constant 0 : i32
    %dma_wait3A_294 = tpu.memref_slice %arg4[%add3A_292, %dma_wait3A_293] : memref<5184x64xi32, #tpu.memory_space<hbm>> -> memref<1x64xi32, #tpu.memory_space<hbm>>
    %dma_wait3A_295 = tpu.memref_squeeze %dma_wait3A_294 : memref<1x64xi32, #tpu.memory_space<hbm>> -> memref<64xi32, #tpu.memory_space<hbm>>
    %dma_wait3A_296 = arith.constant 0 : i32
    %dma_wait3A_297 = tpu.memref_slice %arg4[%add3A_292, %dma_wait3A_296] : memref<5184x64xi32, #tpu.memory_space<hbm>> -> memref<1x64xi32, #tpu.memory_space<hbm>>
    %dma_wait3A_298 = tpu.memref_squeeze %dma_wait3A_297 : memref<1x64xi32, #tpu.memory_space<hbm>> -> memref<64xi32, #tpu.memory_space<hbm>>
    tpu.wait_dma2 semaphore(%arg37 : memref<!tpu.dma_semaphore, #tpu.memory_space<semaphore_mem>>) src(%dma_wait3A_298 : memref<64xi32, #tpu.memory_space<hbm>>) dst(%arg18 : memref<64xi32, #tpu.memory_space<vmem>>)
    %dma_start3A_299 = arith.constant 0 : i32
    %dma_start3A_300 = arith.constant 0 : i32
    %dma_start3A_301 = tpu.memref_slice %arg25[%dma_start3A_299, %dma_start3A_300] : memref<10112x128xf32, #tpu.memory_space<vmem_shared>> -> memref<10112x128xf32, #tpu.memory_space<vmem_shared>>
    tpu.enqueue_indirect_dma source(%arg24 : memref<64x128xf32, #tpu.memory_space<vmem>>) target(%dma_start3A_301 : memref<10112x128xf32, #tpu.memory_space<vmem_shared>>) offsets(%arg18 : memref<64xi32, #tpu.memory_space<vmem>>) semaphore(%arg49 : memref<!tpu.dma_semaphore, #tpu.memory_space<semaphore_mem>>) {add = true}
    %dma_wait3A_302 = arith.constant 0 : i32
    %dma_wait3A_303 = arith.constant 0 : i32
    %dma_wait3A_304 = tpu.memref_slice %arg25[%dma_wait3A_302, %dma_wait3A_303] : memref<10112x128xf32, #tpu.memory_space<vmem_shared>> -> memref<10112x128xf32, #tpu.memory_space<vmem_shared>>
    tpu.wait_indirect_dma semaphore(%arg44 : memref<!tpu.dma_semaphore, #tpu.memory_space<semaphore_mem>>) src(%arg19 : memref<64x128xf32, #tpu.memory_space<vmem>>) dst(%dma_wait3A_304 : memref<10112x128xf32, #tpu.memory_space<vmem_shared>>)
    %dma_wait3A_305 = arith.constant 0 : i32
    %dma_wait3A_306 = arith.constant 0 : i32
    %dma_wait3A_307 = tpu.memref_slice %arg25[%dma_wait3A_305, %dma_wait3A_306] : memref<10112x128xf32, #tpu.memory_space<vmem_shared>> -> memref<10112x128xf32, #tpu.memory_space<vmem_shared>>
    tpu.wait_indirect_dma semaphore(%arg45 : memref<!tpu.dma_semaphore, #tpu.memory_space<semaphore_mem>>) src(%arg20 : memref<64x128xf32, #tpu.memory_space<vmem>>) dst(%dma_wait3A_307 : memref<10112x128xf32, #tpu.memory_space<vmem_shared>>)
    %dma_wait3A_308 = arith.constant 0 : i32
    %dma_wait3A_309 = arith.constant 0 : i32
    %dma_wait3A_310 = tpu.memref_slice %arg25[%dma_wait3A_308, %dma_wait3A_309] : memref<10112x128xf32, #tpu.memory_space<vmem_shared>> -> memref<10112x128xf32, #tpu.memory_space<vmem_shared>>
    tpu.wait_indirect_dma semaphore(%arg46 : memref<!tpu.dma_semaphore, #tpu.memory_space<semaphore_mem>>) src(%arg21 : memref<64x128xf32, #tpu.memory_space<vmem>>) dst(%dma_wait3A_310 : memref<10112x128xf32, #tpu.memory_space<vmem_shared>>)
    %dma_wait3A_311 = arith.constant 0 : i32
    %dma_wait3A_312 = arith.constant 0 : i32
    %dma_wait3A_313 = tpu.memref_slice %arg25[%dma_wait3A_311, %dma_wait3A_312] : memref<10112x128xf32, #tpu.memory_space<vmem_shared>> -> memref<10112x128xf32, #tpu.memory_space<vmem_shared>>
    tpu.wait_indirect_dma semaphore(%arg47 : memref<!tpu.dma_semaphore, #tpu.memory_space<semaphore_mem>>) src(%arg22 : memref<64x128xf32, #tpu.memory_space<vmem>>) dst(%dma_wait3A_313 : memref<10112x128xf32, #tpu.memory_space<vmem_shared>>)
    %dma_wait3A_314 = arith.constant 0 : i32
    %dma_wait3A_315 = arith.constant 0 : i32
    %dma_wait3A_316 = tpu.memref_slice %arg25[%dma_wait3A_314, %dma_wait3A_315] : memref<10112x128xf32, #tpu.memory_space<vmem_shared>> -> memref<10112x128xf32, #tpu.memory_space<vmem_shared>>
    tpu.wait_indirect_dma semaphore(%arg48 : memref<!tpu.dma_semaphore, #tpu.memory_space<semaphore_mem>>) src(%arg23 : memref<64x128xf32, #tpu.memory_space<vmem>>) dst(%dma_wait3A_316 : memref<10112x128xf32, #tpu.memory_space<vmem_shared>>)
    %dma_wait3A_317 = arith.constant 0 : i32
    %dma_wait3A_318 = arith.constant 0 : i32
    %dma_wait3A_319 = tpu.memref_slice %arg25[%dma_wait3A_317, %dma_wait3A_318] : memref<10112x128xf32, #tpu.memory_space<vmem_shared>> -> memref<10112x128xf32, #tpu.memory_space<vmem_shared>>
    tpu.wait_indirect_dma semaphore(%arg49 : memref<!tpu.dma_semaphore, #tpu.memory_space<semaphore_mem>>) src(%arg24 : memref<64x128xf32, #tpu.memory_space<vmem>>) dst(%dma_wait3A_319 : memref<10112x128xf32, #tpu.memory_space<vmem_shared>>)
    %barrier3A_320 = arith.constant 0 : index
    tpu.barrier barrier_id(%barrier3A_320)
    %mul3A_321 = arith.constant 632 : i32
    %mul3A_322 = arith.muli %arg1, %mul3A_321 : i32
    %mul3A_323 = arith.constant 632 : i32
    %mul3A_324 = arith.muli %arg1, %mul3A_323 : i32
    "tpu.region"() ({
      %run_scoped3A = tpu.sem_alloc : memref<!tpu.dma_semaphore, #tpu.memory_space<semaphore_mem>>
      %dma_start3A_325 = arith.constant 0 : i32
      %dma_start3A_326 = tpu.memref_slice %arg6[%arg0, %mul3A_324, %dma_start3A_325] : memref<2x10112x128xf32, #tpu.memory_space<hbm>> -> memref<1x632x128xf32, #tpu.memory_space<hbm>>
      %dma_start3A_327 = tpu.memref_squeeze %dma_start3A_326 : memref<1x632x128xf32, #tpu.memory_space<hbm>> -> memref<632x128xf32, #tpu.memory_space<hbm>>
      %dma_start3A_328 = arith.constant 0 : i32
      %dma_start3A_329 = tpu.memref_slice %arg25[%mul3A_322, %dma_start3A_328] : memref<10112x128xf32, #tpu.memory_space<vmem_shared>> -> memref<632x128xf32, #tpu.memory_space<vmem_shared>>
      tpu.enqueue_dma source(%dma_start3A_329 : memref<632x128xf32, #tpu.memory_space<vmem_shared>>) target(%dma_start3A_327 : memref<632x128xf32, #tpu.memory_space<hbm>>) target_semaphore(%run_scoped3A : memref<!tpu.dma_semaphore, #tpu.memory_space<semaphore_mem>>)
      %dma_wait3A_330 = arith.constant 0 : i32
      %dma_wait3A_331 = tpu.memref_slice %arg6[%arg0, %mul3A_324, %dma_wait3A_330] : memref<2x10112x128xf32, #tpu.memory_space<hbm>> -> memref<1x632x128xf32, #tpu.memory_space<hbm>>
      %dma_wait3A_332 = tpu.memref_squeeze %dma_wait3A_331 : memref<1x632x128xf32, #tpu.memory_space<hbm>> -> memref<632x128xf32, #tpu.memory_space<hbm>>
      %dma_wait3A_333 = arith.constant 0 : i32
      %dma_wait3A_334 = tpu.memref_slice %arg25[%mul3A_322, %dma_wait3A_333] : memref<10112x128xf32, #tpu.memory_space<vmem_shared>> -> memref<632x128xf32, #tpu.memory_space<vmem_shared>>
      tpu.wait_dma2 semaphore(%run_scoped3A : memref<!tpu.dma_semaphore, #tpu.memory_space<semaphore_mem>>) src(%dma_wait3A_334 : memref<632x128xf32, #tpu.memory_space<vmem_shared>>) dst(%dma_wait3A_332 : memref<632x128xf32, #tpu.memory_space<hbm>>)
      tpu.yield
    }) : () -> ()
    return
  }
}

module attributes {stable_mosaic.version = 14 : i64} {
  func.func @_mm_scale_body(%arg0: i32, %arg1: memref<1000x128xf32, #tpu.memory_space<vmem>>, %arg2: memref<128x128xf32, #tpu.memory_space<vmem>>, %arg3: memref<1000x1xf32, #tpu.memory_space<vmem>>, %arg4: memref<1000x1xf32, #tpu.memory_space<vmem>>, %arg5: memref<1000x128xf32, #tpu.memory_space<vmem>>) attributes {dimension_semantics = [#tpu.dimension_semantics<arbitrary>], iteration_bounds = array<i64: 10>, scalar_prefetch = 0 : i64, scratch_operands = 0 : i64, tpu.core_type = #tpu.core_type<tc>, window_params = [{transform_indices = @transform_0, window_bounds = array<i64: 1000, 128>}, {pipeline_mode = #tpu.pipeline_mode<synchronous>, transform_indices = @transform_1, window_bounds = array<i64: 128, 128>}, {transform_indices = @transform_2, window_bounds = array<i64: 1000, 1>}, {transform_indices = @transform_3, window_bounds = array<i64: 1000, 1>}, {transform_indices = @transform_4, window_bounds = array<i64: 1000, 128>}]} {
    %get3A = arith.constant 0 : index
    %get3A_0 = arith.constant 0 : index
    %get3A_1 = vector.load %arg1[%get3A, %get3A_0] : memref<1000x128xf32, #tpu.memory_space<vmem>>, vector<1000x128xf32>
    %get3A_2 = arith.constant 0 : index
    %get3A_3 = arith.constant 0 : index
    %get3A_4 = vector.load %arg2[%get3A_2, %get3A_3] : memref<128x128xf32, #tpu.memory_space<vmem>>, vector<128x128xf32>
    %dot_general3A = arith.constant dense<0.000000e+00> : vector<1000x128xf32>
    %dot_general3A_5 = tpu.matmul %get3A_1, %get3A_4, %dot_general3A {dimension_numbers = #tpu.dot_dimension_numbers<[1], [0], [0], [1], [0, 0, 1, 1], [], []>, transpose_lhs_hint = false} : vector<1000x128xf32>, vector<128x128xf32>, vector<1000x128xf32> -> vector<1000x128xf32>
    %get3A_6 = arith.constant 0 : index
    %get3A_7 = arith.constant 0 : index
    %get3A_8 = vector.load %arg3[%get3A_6, %get3A_7] : memref<1000x1xf32, #tpu.memory_space<vmem>>, vector<1000x1xf32>
    %get3A_9 = arith.constant 0 : index
    %get3A_10 = arith.constant 0 : index
    %get3A_11 = vector.load %arg4[%get3A_9, %get3A_10] : memref<1000x1xf32, #tpu.memory_space<vmem>>, vector<1000x1xf32>
    %add3A = arith.addf %get3A_8, %get3A_11 : vector<1000x1xf32>
    %add3A_12 = arith.constant 1.000000e+00 : f32
    %add3A_13 = vector.broadcast %add3A_12 : f32 to vector<1000x1xf32>
    %add3A_14 = arith.addf %add3A, %add3A_13 : vector<1000x1xf32>
    %rsqrt3A = math.rsqrt %add3A_14 : vector<1000x1xf32>
    %mul3A = vector.broadcast %rsqrt3A : vector<1000x1xf32> to vector<1000x128xf32>
    %mul3A_15 = arith.mulf %dot_general3A_5, %mul3A : vector<1000x128xf32>
    %swap3A = arith.constant 0 : index
    %swap3A_16 = arith.constant 0 : index
    %swap3A_17 = vector.load %arg5[%swap3A, %swap3A_16] : memref<1000x128xf32, #tpu.memory_space<vmem>>, vector<1000x128xf32>
    tpu.vector_store %arg5[%swap3A, %swap3A_16], %mul3A_15 {strides = array<i32>} : memref<1000x128xf32, #tpu.memory_space<vmem>>, vector<1000x128xf32>,
    return
  }
  func.func @transform_0(%arg0: i32) -> (i32, i32) {
    %c0_i32 = arith.constant 0 : i32
    %c0_i32_0 = arith.constant 0 : i32
    return %arg0, %c0_i32 : i32, i32
  }
  func.func @transform_1(%arg0: i32) -> (i32, i32) {
    %c0_i32 = arith.constant 0 : i32
    %c0_i32_0 = arith.constant 0 : i32
    %c0_i32_1 = arith.constant 0 : i32
    return %c0_i32, %c0_i32_0 : i32, i32
  }
  func.func @transform_2(%arg0: i32) -> (i32, i32) {
    %c0_i32 = arith.constant 0 : i32
    %c0_i32_0 = arith.constant 0 : i32
    return %arg0, %c0_i32 : i32, i32
  }
  func.func @transform_3(%arg0: i32) -> (i32, i32) {
    %c0_i32 = arith.constant 0 : i32
    %c0_i32_0 = arith.constant 0 : i32
    return %arg0, %c0_i32 : i32, i32
  }
  func.func @transform_4(%arg0: i32) -> (i32, i32) {
    %c0_i32 = arith.constant 0 : i32
    %c0_i32_0 = arith.constant 0 : i32
    return %arg0, %c0_i32 : i32, i32
  }
}

module attributes {stable_mosaic.version = 14 : i64} {
  func.func @_mid_body(%arg0: i32, %arg1: memref<1x1000x128xf32, #tpu.memory_space<vmem>>, %arg2: memref<1x1000x128xf32, #tpu.memory_space<vmem>>, %arg3: memref<1000x128xf32, #tpu.memory_space<vmem>>, %arg4: memref<1000x1xf32, #tpu.memory_space<vmem>>, %arg5: memref<1000x1xf32, #tpu.memory_space<vmem>>, %arg6: memref<1x128xf32, #tpu.memory_space<vmem>>, %arg7: memref<1x128xf32, #tpu.memory_space<vmem>>, %arg8: memref<1x128xf32, #tpu.memory_space<vmem>>, %arg9: memref<128x128xf32, #tpu.memory_space<vmem>>, %arg10: memref<1000x128xf32, #tpu.memory_space<vmem>>) attributes {dimension_semantics = [#tpu.dimension_semantics<arbitrary>], iteration_bounds = array<i64: 10>, scalar_prefetch = 0 : i64, scratch_operands = 0 : i64, tpu.core_type = #tpu.core_type<tc>, window_params = [{transform_indices = @transform_0, window_bounds = array<i64: 1, 1000, 128>}, {transform_indices = @transform_1, window_bounds = array<i64: 1, 1000, 128>}, {transform_indices = @transform_2, window_bounds = array<i64: 1000, 128>}, {transform_indices = @transform_3, window_bounds = array<i64: 1000, 1>}, {transform_indices = @transform_4, window_bounds = array<i64: 1000, 1>}, {pipeline_mode = #tpu.pipeline_mode<synchronous>, transform_indices = @transform_5, window_bounds = array<i64: 1, 128>}, {pipeline_mode = #tpu.pipeline_mode<synchronous>, transform_indices = @transform_6, window_bounds = array<i64: 1, 128>}, {pipeline_mode = #tpu.pipeline_mode<synchronous>, transform_indices = @transform_7, window_bounds = array<i64: 1, 128>}, {pipeline_mode = #tpu.pipeline_mode<synchronous>, transform_indices = @transform_8, window_bounds = array<i64: 128, 128>}, {transform_indices = @transform_9, window_bounds = array<i64: 1000, 128>}]} {
    %get3A = arith.constant 0 : index
    %get3A_0 = arith.constant 0 : index
    %get3A_1 = arith.constant 0 : index
    %get3A_2 = vector.load %arg1[%get3A, %get3A_0, %get3A_1] : memref<1x1000x128xf32, #tpu.memory_space<vmem>>, vector<1x1000x128xf32>
    %get3A_3 = vector.shape_cast %get3A_2 : vector<1x1000x128xf32> to vector<1000x128xf32>
    %get3A_4 = arith.constant 0 : index
    %get3A_5 = arith.constant 0 : index
    %get3A_6 = arith.constant 0 : index
    %get3A_7 = vector.load %arg2[%get3A_4, %get3A_5, %get3A_6] : memref<1x1000x128xf32, #tpu.memory_space<vmem>>, vector<1x1000x128xf32>
    %get3A_8 = vector.shape_cast %get3A_7 : vector<1x1000x128xf32> to vector<1000x128xf32>
    %get3A_9 = arith.constant 0 : index
    %get3A_10 = arith.constant 0 : index
    %get3A_11 = vector.load %arg3[%get3A_9, %get3A_10] : memref<1000x128xf32, #tpu.memory_space<vmem>>, vector<1000x128xf32>
    %get3A_12 = arith.constant 0 : index
    %get3A_13 = arith.constant 0 : index
    %get3A_14 = vector.load %arg4[%get3A_12, %get3A_13] : memref<1000x1xf32, #tpu.memory_space<vmem>>, vector<1000x1xf32>
    %get3A_15 = arith.constant 0 : index
    %get3A_16 = arith.constant 0 : index
    %get3A_17 = vector.load %arg5[%get3A_15, %get3A_16] : memref<1000x1xf32, #tpu.memory_space<vmem>>, vector<1000x1xf32>
    %get3A_18 = arith.constant 0 : index
    %get3A_19 = arith.constant 0 : index
    %get3A_20 = vector.load %arg6[%get3A_18, %get3A_19] : memref<1x128xf32, #tpu.memory_space<vmem>>, vector<1x128xf32>
    %get3A_21 = arith.constant 0 : index
    %get3A_22 = arith.constant 0 : index
    %get3A_23 = vector.load %arg7[%get3A_21, %get3A_22] : memref<1x128xf32, #tpu.memory_space<vmem>>, vector<1x128xf32>
    %get3A_24 = arith.constant 0 : index
    %get3A_25 = arith.constant 0 : index
    %get3A_26 = vector.load %arg8[%get3A_24, %get3A_25] : memref<1x128xf32, #tpu.memory_space<vmem>>, vector<1x128xf32>
    %add3A = arith.addf %get3A_14, %get3A_17 : vector<1000x1xf32>
    %add3A_27 = arith.constant 1.000000e+00 : f32
    %add3A_28 = vector.broadcast %add3A_27 : f32 to vector<1000x1xf32>
    %add3A_29 = arith.addf %add3A, %add3A_28 : vector<1000x1xf32>
    %rsqrt3A = math.rsqrt %add3A_29 : vector<1000x1xf32>
    %add3A_30 = arith.addf %get3A_3, %get3A_8 : vector<1000x128xf32>
    %add3A_31 = arith.addf %add3A_30, %get3A_11 : vector<1000x128xf32>
    %mul3A = vector.broadcast %rsqrt3A : vector<1000x1xf32> to vector<1000x128xf32>
    %mul3A_32 = arith.mulf %mul3A, %add3A_31 : vector<1000x128xf32>
    %add3A_33 = vector.broadcast %get3A_20 : vector<1x128xf32> to vector<1000x128xf32>
    %add3A_34 = arith.addf %mul3A_32, %add3A_33 : vector<1000x128xf32>
    %reduce_sum3A = arith.constant dense<0.000000e+00> : vector<1000xf32>
    %reduce_sum3A_35 = vector.multi_reduction <add>, %add3A_34, %reduce_sum3A [1] : vector<1000x128xf32> to vector<1000xf32>
    %broadcast_in_dim3A = vector.shape_cast %reduce_sum3A_35 : vector<1000xf32> to vector<1000x1xf32>
    %div3A = arith.constant 1.280000e+02 : f32
    %div3A_36 = vector.broadcast %div3A : f32 to vector<1000x1xf32>
    %div3A_37 = arith.divf %broadcast_in_dim3A, %div3A_36 : vector<1000x1xf32>
    %sub3A = vector.broadcast %div3A_37 : vector<1000x1xf32> to vector<1000x128xf32>
    %sub3A_38 = arith.subf %add3A_34, %sub3A : vector<1000x128xf32>
    %integer_pow3A = arith.mulf %sub3A_38, %sub3A_38 : vector<1000x128xf32>
    %reduce_sum3A_39 = arith.constant dense<0.000000e+00> : vector<1000xf32>
    %reduce_sum3A_40 = vector.multi_reduction <add>, %integer_pow3A, %reduce_sum3A_39 [1] : vector<1000x128xf32> to vector<1000xf32>
    %broadcast_in_dim3A_41 = vector.shape_cast %reduce_sum3A_40 : vector<1000xf32> to vector<1000x1xf32>
    %div3A_42 = arith.constant 1.280000e+02 : f32
    %div3A_43 = vector.broadcast %div3A_42 : f32 to vector<1000x1xf32>
    %div3A_44 = arith.divf %broadcast_in_dim3A_41, %div3A_43 : vector<1000x1xf32>
    %sub3A_45 = vector.broadcast %div3A_37 : vector<1000x1xf32> to vector<1000x128xf32>
    %sub3A_46 = arith.subf %add3A_34, %sub3A_45 : vector<1000x128xf32>
    %add3A_47 = arith.constant 9.99999974E-6 : f32
    %add3A_48 = vector.broadcast %add3A_47 : f32 to vector<1000x1xf32>
    %add3A_49 = arith.addf %div3A_44, %add3A_48 : vector<1000x1xf32>
    %rsqrt3A_50 = math.rsqrt %add3A_49 : vector<1000x1xf32>
    %mul3A_51 = vector.broadcast %rsqrt3A_50 : vector<1000x1xf32> to vector<1000x128xf32>
    %mul3A_52 = arith.mulf %sub3A_46, %mul3A_51 : vector<1000x128xf32>
    %mul3A_53 = vector.broadcast %get3A_23 : vector<1x128xf32> to vector<1000x128xf32>
    %mul3A_54 = arith.mulf %mul3A_52, %mul3A_53 : vector<1000x128xf32>
    %add3A_55 = vector.broadcast %get3A_26 : vector<1x128xf32> to vector<1000x128xf32>
    %add3A_56 = arith.addf %mul3A_54, %add3A_55 : vector<1000x128xf32>
    %max3A = arith.constant 0.000000e+00 : f32
    %max3A_57 = vector.broadcast %max3A : f32 to vector<1000x128xf32>
    %max3A_58 = arith.maximumf %add3A_56, %max3A_57 : vector<1000x128xf32>
    %get3A_59 = arith.constant 0 : index
    %get3A_60 = arith.constant 0 : index
    %get3A_61 = vector.load %arg4[%get3A_59, %get3A_60] : memref<1000x1xf32, #tpu.memory_space<vmem>>, vector<1000x1xf32>
    %get3A_62 = arith.constant 0 : index
    %get3A_63 = arith.constant 0 : index
    %get3A_64 = vector.load %arg5[%get3A_62, %get3A_63] : memref<1000x1xf32, #tpu.memory_space<vmem>>, vector<1000x1xf32>
    %add3A_65 = arith.addf %get3A_61, %get3A_64 : vector<1000x1xf32>
    %add3A_66 = arith.constant 1.000000e+00 : f32
    %add3A_67 = vector.broadcast %add3A_66 : f32 to vector<1000x1xf32>
    %add3A_68 = arith.addf %add3A_65, %add3A_67 : vector<1000x1xf32>
    %rsqrt3A_69 = math.rsqrt %add3A_68 : vector<1000x1xf32>
    %get3A_70 = arith.constant 0 : index
    %get3A_71 = arith.constant 0 : index
    %get3A_72 = vector.load %arg9[%get3A_70, %get3A_71] : memref<128x128xf32, #tpu.memory_space<vmem>>, vector<128x128xf32>
    %dot_general3A = arith.constant dense<0.000000e+00> : vector<1000x128xf32>
    %dot_general3A_73 = tpu.matmul %max3A_58, %get3A_72, %dot_general3A {dimension_numbers = #tpu.dot_dimension_numbers<[1], [0], [0], [1], [0, 0, 1, 1], [], []>, transpose_lhs_hint = false} : vector<1000x128xf32>, vector<128x128xf32>, vector<1000x128xf32> -> vector<1000x128xf32>
    %mul3A_74 = vector.broadcast %rsqrt3A_69 : vector<1000x1xf32> to vector<1000x128xf32>
    %mul3A_75 = arith.mulf %dot_general3A_73, %mul3A_74 : vector<1000x128xf32>
    %swap3A = arith.constant 0 : index
    %swap3A_76 = arith.constant 0 : index
    %swap3A_77 = vector.load %arg10[%swap3A, %swap3A_76] : memref<1000x128xf32, #tpu.memory_space<vmem>>, vector<1000x128xf32>
    tpu.vector_store %arg10[%swap3A, %swap3A_76], %mul3A_75 {strides = array<i32>} : memref<1000x128xf32, #tpu.memory_space<vmem>>, vector<1000x128xf32>,
    return
  }
  func.func @transform_0(%arg0: i32) -> (i32, i32, i32) {
    %c0_i32 = arith.constant 0 : i32
    %c0_i32_0 = arith.constant 0 : i32
    %c0_i32_1 = arith.constant 0 : i32
    return %c0_i32, %arg0, %c0_i32_0 : i32, i32, i32
  }
  func.func @transform_1(%arg0: i32) -> (i32, i32, i32) {
    %c1_i32 = arith.constant 1 : i32
    %c0_i32 = arith.constant 0 : i32
    %c0_i32_0 = arith.constant 0 : i32
    return %c1_i32, %arg0, %c0_i32 : i32, i32, i32
  }
  func.func @transform_2(%arg0: i32) -> (i32, i32) {
    %c0_i32 = arith.constant 0 : i32
    %c0_i32_0 = arith.constant 0 : i32
    return %arg0, %c0_i32 : i32, i32
  }
  func.func @transform_3(%arg0: i32) -> (i32, i32) {
    %c0_i32 = arith.constant 0 : i32
    %c0_i32_0 = arith.constant 0 : i32
    return %arg0, %c0_i32 : i32, i32
  }
  func.func @transform_4(%arg0: i32) -> (i32, i32) {
    %c0_i32 = arith.constant 0 : i32
    %c0_i32_0 = arith.constant 0 : i32
    return %arg0, %c0_i32 : i32, i32
  }
  func.func @transform_5(%arg0: i32) -> (i32, i32) {
    %c0_i32 = arith.constant 0 : i32
    %c0_i32_0 = arith.constant 0 : i32
    %c0_i32_1 = arith.constant 0 : i32
    return %c0_i32, %c0_i32_0 : i32, i32
  }
  func.func @transform_6(%arg0: i32) -> (i32, i32) {
    %c0_i32 = arith.constant 0 : i32
    %c0_i32_0 = arith.constant 0 : i32
    %c0_i32_1 = arith.constant 0 : i32
    return %c0_i32, %c0_i32_0 : i32, i32
  }
  func.func @transform_7(%arg0: i32) -> (i32, i32) {
    %c0_i32 = arith.constant 0 : i32
    %c0_i32_0 = arith.constant 0 : i32
    %c0_i32_1 = arith.constant 0 : i32
    return %c0_i32, %c0_i32_0 : i32, i32
  }
  func.func @transform_8(%arg0: i32) -> (i32, i32) {
    %c0_i32 = arith.constant 0 : i32
    %c0_i32_0 = arith.constant 0 : i32
    %c0_i32_1 = arith.constant 0 : i32
    return %c0_i32, %c0_i32_0 : i32, i32
  }
  func.func @transform_9(%arg0: i32) -> (i32, i32) {
    %c0_i32 = arith.constant 0 : i32
    %c0_i32_0 = arith.constant 0 : i32
    return %arg0, %c0_i32 : i32, i32
  }
}

module attributes {stable_mosaic.version = 14 : i64} {
  func.func @_final_body(%arg0: i32, %arg1: memref<1x1000x128xf32, #tpu.memory_space<vmem>>, %arg2: memref<1x1000x128xf32, #tpu.memory_space<vmem>>, %arg3: memref<1000x128xf32, #tpu.memory_space<vmem>>, %arg4: memref<1000x1xf32, #tpu.memory_space<vmem>>, %arg5: memref<1000x1xf32, #tpu.memory_space<vmem>>, %arg6: memref<1x128xf32, #tpu.memory_space<vmem>>, %arg7: memref<1x128xf32, #tpu.memory_space<vmem>>, %arg8: memref<1x128xf32, #tpu.memory_space<vmem>>, %arg9: memref<1000x128xf32, #tpu.memory_space<vmem>>) attributes {dimension_semantics = [#tpu.dimension_semantics<arbitrary>], iteration_bounds = array<i64: 10>, scalar_prefetch = 0 : i64, scratch_operands = 0 : i64, tpu.core_type = #tpu.core_type<tc>, window_params = [{transform_indices = @transform_0, window_bounds = array<i64: 1, 1000, 128>}, {transform_indices = @transform_1, window_bounds = array<i64: 1, 1000, 128>}, {transform_indices = @transform_2, window_bounds = array<i64: 1000, 128>}, {transform_indices = @transform_3, window_bounds = array<i64: 1000, 1>}, {transform_indices = @transform_4, window_bounds = array<i64: 1000, 1>}, {pipeline_mode = #tpu.pipeline_mode<synchronous>, transform_indices = @transform_5, window_bounds = array<i64: 1, 128>}, {pipeline_mode = #tpu.pipeline_mode<synchronous>, transform_indices = @transform_6, window_bounds = array<i64: 1, 128>}, {pipeline_mode = #tpu.pipeline_mode<synchronous>, transform_indices = @transform_7, window_bounds = array<i64: 1, 128>}, {transform_indices = @transform_8, window_bounds = array<i64: 1000, 128>}]} {
    %get3A = arith.constant 0 : index
    %get3A_0 = arith.constant 0 : index
    %get3A_1 = arith.constant 0 : index
    %get3A_2 = vector.load %arg1[%get3A, %get3A_0, %get3A_1] : memref<1x1000x128xf32, #tpu.memory_space<vmem>>, vector<1x1000x128xf32>
    %get3A_3 = vector.shape_cast %get3A_2 : vector<1x1000x128xf32> to vector<1000x128xf32>
    %get3A_4 = arith.constant 0 : index
    %get3A_5 = arith.constant 0 : index
    %get3A_6 = arith.constant 0 : index
    %get3A_7 = vector.load %arg2[%get3A_4, %get3A_5, %get3A_6] : memref<1x1000x128xf32, #tpu.memory_space<vmem>>, vector<1x1000x128xf32>
    %get3A_8 = vector.shape_cast %get3A_7 : vector<1x1000x128xf32> to vector<1000x128xf32>
    %get3A_9 = arith.constant 0 : index
    %get3A_10 = arith.constant 0 : index
    %get3A_11 = vector.load %arg3[%get3A_9, %get3A_10] : memref<1000x128xf32, #tpu.memory_space<vmem>>, vector<1000x128xf32>
    %get3A_12 = arith.constant 0 : index
    %get3A_13 = arith.constant 0 : index
    %get3A_14 = vector.load %arg4[%get3A_12, %get3A_13] : memref<1000x1xf32, #tpu.memory_space<vmem>>, vector<1000x1xf32>
    %get3A_15 = arith.constant 0 : index
    %get3A_16 = arith.constant 0 : index
    %get3A_17 = vector.load %arg5[%get3A_15, %get3A_16] : memref<1000x1xf32, #tpu.memory_space<vmem>>, vector<1000x1xf32>
    %get3A_18 = arith.constant 0 : index
    %get3A_19 = arith.constant 0 : index
    %get3A_20 = vector.load %arg6[%get3A_18, %get3A_19] : memref<1x128xf32, #tpu.memory_space<vmem>>, vector<1x128xf32>
    %get3A_21 = arith.constant 0 : index
    %get3A_22 = arith.constant 0 : index
    %get3A_23 = vector.load %arg7[%get3A_21, %get3A_22] : memref<1x128xf32, #tpu.memory_space<vmem>>, vector<1x128xf32>
    %get3A_24 = arith.constant 0 : index
    %get3A_25 = arith.constant 0 : index
    %get3A_26 = vector.load %arg8[%get3A_24, %get3A_25] : memref<1x128xf32, #tpu.memory_space<vmem>>, vector<1x128xf32>
    %add3A = arith.addf %get3A_14, %get3A_17 : vector<1000x1xf32>
    %add3A_27 = arith.constant 1.000000e+00 : f32
    %add3A_28 = vector.broadcast %add3A_27 : f32 to vector<1000x1xf32>
    %add3A_29 = arith.addf %add3A, %add3A_28 : vector<1000x1xf32>
    %rsqrt3A = math.rsqrt %add3A_29 : vector<1000x1xf32>
    %add3A_30 = arith.addf %get3A_3, %get3A_8 : vector<1000x128xf32>
    %add3A_31 = arith.addf %add3A_30, %get3A_11 : vector<1000x128xf32>
    %mul3A = vector.broadcast %rsqrt3A : vector<1000x1xf32> to vector<1000x128xf32>
    %mul3A_32 = arith.mulf %mul3A, %add3A_31 : vector<1000x128xf32>
    %add3A_33 = vector.broadcast %get3A_20 : vector<1x128xf32> to vector<1000x128xf32>
    %add3A_34 = arith.addf %mul3A_32, %add3A_33 : vector<1000x128xf32>
    %reduce_sum3A = arith.constant dense<0.000000e+00> : vector<1000xf32>
    %reduce_sum3A_35 = vector.multi_reduction <add>, %add3A_34, %reduce_sum3A [1] : vector<1000x128xf32> to vector<1000xf32>
    %broadcast_in_dim3A = vector.shape_cast %reduce_sum3A_35 : vector<1000xf32> to vector<1000x1xf32>
    %div3A = arith.constant 1.280000e+02 : f32
    %div3A_36 = vector.broadcast %div3A : f32 to vector<1000x1xf32>
    %div3A_37 = arith.divf %broadcast_in_dim3A, %div3A_36 : vector<1000x1xf32>
    %sub3A = vector.broadcast %div3A_37 : vector<1000x1xf32> to vector<1000x128xf32>
    %sub3A_38 = arith.subf %add3A_34, %sub3A : vector<1000x128xf32>
    %integer_pow3A = arith.mulf %sub3A_38, %sub3A_38 : vector<1000x128xf32>
    %reduce_sum3A_39 = arith.constant dense<0.000000e+00> : vector<1000xf32>
    %reduce_sum3A_40 = vector.multi_reduction <add>, %integer_pow3A, %reduce_sum3A_39 [1] : vector<1000x128xf32> to vector<1000xf32>
    %broadcast_in_dim3A_41 = vector.shape_cast %reduce_sum3A_40 : vector<1000xf32> to vector<1000x1xf32>
    %div3A_42 = arith.constant 1.280000e+02 : f32
    %div3A_43 = vector.broadcast %div3A_42 : f32 to vector<1000x1xf32>
    %div3A_44 = arith.divf %broadcast_in_dim3A_41, %div3A_43 : vector<1000x1xf32>
    %sub3A_45 = vector.broadcast %div3A_37 : vector<1000x1xf32> to vector<1000x128xf32>
    %sub3A_46 = arith.subf %add3A_34, %sub3A_45 : vector<1000x128xf32>
    %add3A_47 = arith.constant 9.99999974E-6 : f32
    %add3A_48 = vector.broadcast %add3A_47 : f32 to vector<1000x1xf32>
    %add3A_49 = arith.addf %div3A_44, %add3A_48 : vector<1000x1xf32>
    %rsqrt3A_50 = math.rsqrt %add3A_49 : vector<1000x1xf32>
    %mul3A_51 = vector.broadcast %rsqrt3A_50 : vector<1000x1xf32> to vector<1000x128xf32>
    %mul3A_52 = arith.mulf %sub3A_46, %mul3A_51 : vector<1000x128xf32>
    %mul3A_53 = vector.broadcast %get3A_23 : vector<1x128xf32> to vector<1000x128xf32>
    %mul3A_54 = arith.mulf %mul3A_52, %mul3A_53 : vector<1000x128xf32>
    %add3A_55 = vector.broadcast %get3A_26 : vector<1x128xf32> to vector<1000x128xf32>
    %add3A_56 = arith.addf %mul3A_54, %add3A_55 : vector<1000x128xf32>
    %max3A = arith.constant 0.000000e+00 : f32
    %max3A_57 = vector.broadcast %max3A : f32 to vector<1000x128xf32>
    %max3A_58 = arith.maximumf %add3A_56, %max3A_57 : vector<1000x128xf32>
    %swap3A = arith.constant 0 : index
    %swap3A_59 = arith.constant 0 : index
    %swap3A_60 = vector.load %arg9[%swap3A, %swap3A_59] : memref<1000x128xf32, #tpu.memory_space<vmem>>, vector<1000x128xf32>
    tpu.vector_store %arg9[%swap3A, %swap3A_59], %max3A_58 {strides = array<i32>} : memref<1000x128xf32, #tpu.memory_space<vmem>>, vector<1000x128xf32>,
    return
  }
  func.func @transform_0(%arg0: i32) -> (i32, i32, i32) {
    %c0_i32 = arith.constant 0 : i32
    %c0_i32_0 = arith.constant 0 : i32
    %c0_i32_1 = arith.constant 0 : i32
    return %c0_i32, %arg0, %c0_i32_0 : i32, i32, i32
  }
  func.func @transform_1(%arg0: i32) -> (i32, i32, i32) {
    %c1_i32 = arith.constant 1 : i32
    %c0_i32 = arith.constant 0 : i32
    %c0_i32_0 = arith.constant 0 : i32
    return %c1_i32, %arg0, %c0_i32 : i32, i32, i32
  }
  func.func @transform_2(%arg0: i32) -> (i32, i32) {
    %c0_i32 = arith.constant 0 : i32
    %c0_i32_0 = arith.constant 0 : i32
    return %arg0, %c0_i32 : i32, i32
  }
  func.func @transform_3(%arg0: i32) -> (i32, i32) {
    %c0_i32 = arith.constant 0 : i32
    %c0_i32_0 = arith.constant 0 : i32
    return %arg0, %c0_i32 : i32, i32
  }
  func.func @transform_4(%arg0: i32) -> (i32, i32) {
    %c0_i32 = arith.constant 0 : i32
    %c0_i32_0 = arith.constant 0 : i32
    return %arg0, %c0_i32 : i32, i32
  }
  func.func @transform_5(%arg0: i32) -> (i32, i32) {
    %c0_i32 = arith.constant 0 : i32
    %c0_i32_0 = arith.constant 0 : i32
    %c0_i32_1 = arith.constant 0 : i32
    return %c0_i32, %c0_i32_0 : i32, i32
  }
  func.func @transform_6(%arg0: i32) -> (i32, i32) {
    %c0_i32 = arith.constant 0 : i32
    %c0_i32_0 = arith.constant 0 : i32
    %c0_i32_1 = arith.constant 0 : i32
    return %c0_i32, %c0_i32_0 : i32, i32
  }
  func.func @transform_7(%arg0: i32) -> (i32, i32) {
    %c0_i32 = arith.constant 0 : i32
    %c0_i32_0 = arith.constant 0 : i32
    %c0_i32_1 = arith.constant 0 : i32
    return %c0_i32, %c0_i32_0 : i32, i32
  }
  func.func @transform_8(%arg0: i32) -> (i32, i32) {
    %c0_i32 = arith.constant 0 : i32
    %c0_i32_0 = arith.constant 0 : i32
    return %arg0, %c0_i32 : i32, i32
  }
}

</mosaic_0001>

<sc_bundles>
// kernel: kernel.11.cloned.1.call-start
scs
__scs_entry_jumppad:
0x0: {  	(pc) =	sbr.rel $0x88, $3  }
0x1: {  	(tag) =	ssettag $0x0;
	lr =	simm.s32 $0x1  }
0x2: {  	[smem:$0x3F97] =	sst lr;
	_ =	strace $0xD0000000  }
0x3: {  	_ = 	snop  }
0x4: {  	_ = 	snop  }
0x5: {  	_ = 	snop  }
0x6: {  	_ = 	snop  }
0x7: {  	_ = 	snop  }
__scs_overlays_trampoline_lowered:
0x8: {  	[smem:$0x3FA6] =	sst s0  }
0x9: {  	[smem:$0x3FA7] =	sst s1  }
0xa: {  	[smem:$0x3FA8] =	sst s2  }
0xb: {  	[smem:$0x3FA9] =	sst s3  }
0xc: {  	[smem:$0x3FAA] =	sst s4  }
0xd: {  	[smem:$0x3FAB] =	sst s5  }
0xe: {  	[smem:$0x3FAC] =	sst s6  }
0xf: {  	[smem:$0x3FAD] =	sst s7  }
0x10: {  	[smem:$0x3FAE] =	sst s8  }
0x11: {  	[smem:$0x3FAF] =	sst s9;
	s0 =	simm.s32 @!p0 $0x0  }
0x12: {  	s1 =	sld [smem:$0x3F95];
	s0 =	simm.s32 @p0 $0x1  }
0x13: {  	[smem:$0x3FB0] =	sst s0;
	s0 =	simm.s32 @!p1 $0x0  }
0x14: {  	s2 =	sld [smem:$0x3F94];
	s0 =	simm.s32 @p1 $0x1  }
0x15: {  	[smem:$0x3FB1] =	sst s0;
	s0 =	simm.s32 @!p2 $0x0  }
0x16: {  	s3 =	sld [smem:$0x3FDB];
	s0 =	simm.s32 @p2 $0x1  }
0x17: {  	s4 =	simm.s32 $0x1BF5;
	[smem:$0x3FB3] =	sst s0  }
0x18: {  	s0 =	sld [smem:$0x3F96];
	_ =	swait.ge [sflag:s4], $0x0  }
0x19: {  	s7 =	sld [smem:$0x3F97]  }
0x1a: {  	s8 =	sadd.s32 $0xFFFFE003, lr  }
0x1b: {  	s9 =	sadd.s32 $0xFFFFFEF7, lr;
	s5 =	simm.s32 $0xFFFFFFFF;
	p2 =	slt.u32 s8, $0xFFFFF086  }
0x1c: {  	p1 =	slt.u32 s9, $0xF7A;
	s5 =	simm.s32 @!p2 $0x0  }
0x1d: {  	s5 =	simm.s32 @p1 $0x1;
	p0 =	seq.s32 s7, s2  }
0x1e: {  	s7 =	smul.u32 @!p0 $0xF7A, s2;
	p2 =	seq.s32 @!p0 s5, $0x0  }
0x1f: {  	s9 =	smul.u32 $0xF7A, s1;
	s8 =	simm.s32 @!p0 $0x1BF5;
	p2 =	por !p2, p0  }
0x20: {  	[sflag:s8] =	ssyncset.s32 @!p0 $0xFFFFF086;
	s6 =	sadd.s32 @!p0 s3, s7;
	s7 =	simm.s32 @!p0 $0x108  }
0x21: {  	s3 =	sadd.s32 s3, s9;
	s6 =	sadd.s32 @!p0 $0x88, s6;
	s7 =	simm.s32 @p2 $0x1082  }
0x22: {  	[simem:s7], [sflag:s8] =	dma.local @!p0 [hbm:s6], $0xF7A  }
0x23: {  	s9 =	sor.u32 $0xD0000000, s2;
	s6 =	simm.s32 $0x108;
	_ =	swait.ge @!p0 [sflag:s8], $0x0  }
0x24: {  	s3 =	sadd.s32 $0x88, s3;
	s6 =	simm.s32 @!p1 $0x1082;
	[sflag:s4] =	ssyncset.s32 $0xFFFFF086  }
0x25: {  	[simem:s6], [sflag:s4] =	dma.local [hbm:s3], $0xF7A  }
0x26: {  	[smem:$0x3F97] =	sst s1;
	(tag) =	ssettag s2;
	_ =	strace s9  }
0x27: {  	s1 =	sld [smem:$0x3FA7]  }
0x28: {  	s2 =	sld [smem:$0x3FA8]  }
0x29: {  	s4 =	sld [smem:$0x3FAA]  }
0x2a: {  	p0 =	seq.s32 s5, $0x0;
	s5 =	sld [smem:$0x3FAB]  }
0x2b: {  	s6 =	sld [smem:$0x3FAC]  }
0x2c: {  	s7 =	sld [smem:$0x3FAD]  }
0x2d: {  	s3 =	simm.s32 $0x108;
	s8 =	sld [smem:$0x3FAE]  }
0x2e: {  	s3 =	simm.s32 @!p0 $0x1082;
	s9 =	sld [smem:$0x3FAF]  }
0x2f: {  	lr =	sadd.s32 s0, s3;
	s0 =	sld [smem:$0x3FA6]  }
0x30: {  	s3 =	sld [smem:$0x3FA9]  }
0x31: {  	[smem:$0x3FB2] =	sst s10  }
0x32: {  	s10 =	sld [smem:$0x3FB0];
	_ =	sdelay $0x3  }
0x33: {  	p0 =	seq.s32 s10, $0x1;
	s10 =	sld [smem:$0x3FB2];
	_ =	sdelay $0x3  }
0x34: {  	[smem:$0x3FB2] =	sst s10  }
0x35: {  	s10 =	sld [smem:$0x3FB1];
	_ =	sdelay $0x3  }
0x36: {  	p1 =	seq.s32 s10, $0x1;
	s10 =	sld [smem:$0x3FB2];
	_ =	sdelay $0x3  }
0x37: {  	[smem:$0x3FB2] =	sst s10  }
0x38: {  	s10 =	sld [smem:$0x3FB3]  }
0x39: {  	_ = 	snop;
	(pc) =	sbr.ind lr, $3  }
0x3a: {  	_ = 	snop  }
0x3b: {  	_ = 	snop  }
0x3c: {  	p2 =	seq.s32 s10, $0x1;
	s10 =	sld [smem:$0x3FB2]  }
0x3d: {  	_ =	shalt  }
0x3e: {  	_ =	shalt  }
0x3f: {  	_ =	shalt  }
0x40: {  	_ =	shalt  }
0x41: {  	_ =	shalt  }
0x42: {  	_ =	shalt  }
0x43: {  	_ =	shalt  }
0x44: {  	_ =	shalt  }
0x45: {  	_ =	shalt  }
0x46: {  	_ =	shalt  }
0x47: {  	_ =	shalt  }
0x48: {  	_ =	shalt  }
0x49: {  	_ =	shalt  }
0x4a: {  	_ =	shalt  }
0x4b: {  	_ =	shalt  }
0x4c: {  	_ =	shalt  }
0x4d: {  	_ =	shalt  }
0x4e: {  	_ =	shalt  }
0x4f: {  	_ =	shalt  }
0x50: {  	_ =	shalt  }
0x51: {  	_ =	shalt  }
0x52: {  	_ =	shalt  }
0x53: {  	_ =	shalt  }
0x54: {  	_ =	shalt  }
0x55: {  	_ =	shalt  }
0x56: {  	_ =	shalt  }
0x57: {  	_ =	shalt  }
0x58: {  	_ =	shalt  }
0x59: {  	_ =	shalt  }
0x5a: {  	_ =	shalt  }
0x5b: {  	_ =	shalt  }
0x5c: {  	_ =	shalt  }
0x5d: {  	_ =	shalt  }
0x5e: {  	_ =	shalt  }
0x5f: {  	_ =	shalt  }
0x60: {  	_ =	shalt  }
0x61: {  	_ =	shalt  }
0x62: {  	_ =	shalt  }
0x63: {  	_ =	shalt  }
0x64: {  	_ =	shalt  }
0x65: {  	_ =	shalt  }
0x66: {  	_ =	shalt  }
0x67: {  	_ =	shalt  }
0x68: {  	_ =	shalt  }
0x69: {  	_ =	shalt  }
0x6a: {  	_ =	shalt  }
0x6b: {  	_ =	shalt  }
0x6c: {  	_ =	shalt  }
0x6d: {  	_ =	shalt  }
0x6e: {  	_ =	shalt  }
0x6f: {  	_ =	shalt  }
0x70: {  	_ =	shalt  }
0x71: {  	_ =	shalt  }
0x72: {  	_ =	shalt  }
0x73: {  	_ =	shalt  }
0x74: {  	_ =	shalt  }
0x75: {  	_ =	shalt  }
0x76: {  	_ =	shalt  }
0x77: {  	_ =	shalt  }
0x78: {  	_ =	shalt  }
0x79: {  	_ =	shalt  }
0x7a: {  	_ =	shalt  }
0x7b: {  	_ =	shalt  }
0x7c: {  	_ =	shalt  }
0x7d: {  	_ =	shalt  }
0x7e: {  	_ =	shalt  }
0x7f: {  	_ =	shalt  }
0x80: {  	_ =	shalt  }
0x81: {  	_ =	shalt  }
0x82: {  	_ =	shalt  }
0x83: {  	_ =	shalt  }
0x84: {  	_ =	shalt  }
0x85: {  	_ =	shalt  }
0x86: {  	_ =	shalt  }
0x87: {  	_ =	shalt  }
.Lfunc_end0:
.L_simem_size_0:
called_computation.1_lowered:
.L_overlay_start_0:
0x88: {  	s2 =	sld [smem:$0x3FD9]  }
0x89: {  	s3 =	sld [smem:$0x3FFE];
	_ =	sdelay $0x1  }
0x8a: {  	s1 =	srdreg.scid  }
0x8b: {  	s0 =	sand.u32 $0x1, s1  }
0x8c: {  	s17 =	sshll.u32 s0, $0xA;
	s2 =	sadd.s32 s3, s2  }
0x8d: {  	s2 =	sadd.s32 s2, s17  }
0x8e: {  	[smem:$0x3FBE] =	sst s2  }
0x8f: {  	_ = 	snop  }
0x90: {  	s2 =	sld [smem:$0x3FD0];
	(tm) =	ssettm $0x1  }
0x91: {  	s18 =	sld [smem:$0x3FFB];
	_ =	sdelay $0x3  }
0x92: {  	_ =	strace s18  }
0x93: {  	s3 =	sld [smem:$0x3FFC];
	_ =	sdelay $0x3  }
0x94: {  	_ =	strace s3  }
0x95: {  	s3 =	sld [smem:$0x3FFD];
	_ =	sdelay $0x3  }
0x96: {  	_ =	strace s3  }
0x97: {  	_ =	strace $0x8FFFFFFF  }
0x98: {  	s19 =	sld [smem:$0x3FDB];
	_ =	sdelay $0x1  }
0x99: {  	s4 =	simm.s32 $_scs_section_size  }
0x9a: {  	s5 =	simm.s32 $_size__tile_overlayer_lowered;
	s6 =	simm.s32 $_tile_overlayer_lowered  }
0x9b: {  	s22 =	simm.s32 $0x1BFF;
	s21 =	sshll.u32 s6, $0x1;
	s3 =	sadd.s32 s4, s19  }
0x9c: {  	s7 =	simm.s32 $0x0;
	s20 =	sshll.u32 s5, $0x1;
	s5 =	sadd.s32 s21, s3  }
0x9d: {  	[timem:s7], [sflag:s22] =	dma.local [hbm:s5], s20  }
0x9e: {  	_ =	swait.ge [sflag:s22], s20  }
0x9f: {  	s4 =	ssub.s32 $0x0, s20;
	[sflag:s22] =	ssyncset.done $0x0  }
0xa0: {  	[sflag:s22] =	ssyncadd.s32 s4;
	_ =	sdelay $0x1  }
0xa1: {  	s23 =	simm.s32 $0x1B8B  }
0xa2: {  	_ =	swait.ge [sflag:s23], $0x1  }
0xa3: {  	[sflag:s23] =	ssyncset.done $0x0  }
0xa4: {  	s25 =	simm.s32 $0x1B8E;
	s24 =	sld [smem:$0x3FFE];
	[sflag:s23] =	ssyncadd.s32 $0xFFFFFFFF  }
0xa5: {  	s26 =	simm.s32 $execute0_lowered;
	[smem:$0x3FD2] =	sst s25  }
0xa6: {  	s5 =	sshll.u32 s26, $0x1;
	_ =	strace $0x80000049;
	[dreg:$0x1] =	wrdreg $0xFFFFFFFF  }
0xa7: {  	s28 =	simm.s32 $_size_execute0_lowered;
	s3 =	sadd.s32 s3, s5;
	[dreg:$0x0] =	wrdreg $0x0  }
0xa8: {  	s5 =	sshll.u32 s28, $0x1;
	[dreg:$0x2] =	wrdreg s3  }
0xa9: {  	[dreg:$0x3] =	wrdreg s5  }
0xaa: {  	[dreg:$0x4] =	wrdreg $0xC0  }
0xab: {  	_ =	task [dreg:s7], $0x5FFFF  }
0xac: {  	[dreg:$0x1] =	wrdreg $0xFFFFFFFF  }
0xad: {  	[dreg:$0x0] =	wrdreg $0x60  }
0xae: {  	[dreg:$0x2] =	wrdreg s2  }
0xaf: {  	[dreg:$0x3] =	wrdreg s24  }
0xb0: {  	[dreg:$0x4] =	wrdreg $0xC3000  }
0xb1: {  	[dreg:$0x5] =	wrdreg $0x9  }
0xb2: {  	_ =	task.clear_ibuf [dreg:s7], $0x6FFFF;
	_ =	strace $0x90000049  }
0xb3: {  	s29 =	simm.s32 $0x9;
	_ =	strace $0x8000004B  }
0xb4: {  	_ =	swait.ge [sflag:s29], $0x1  }
0xb5: {  	[sflag:s29] =	ssyncadd.s32 $0xFFFFFFFF  }
0xb6: {  	_ =	strace $0x9000004B  }
0xb7: {  	_ =	sfence  }
0xb8: {  	s30 =	sld [smem:$0x0];
	_ =	sdelay $0x2  }
0xb9: {  	s31 =	sshll.u32 s1, $0xD;
	s1 =	sshrl.u32 s1, $0x2  }
0xba: {  	s3 =	sand.u32 $0x4000, s31;
	s1 =	sadd.s32 s1, s30  }
0xbb: {  	s0 =	sor.u32 s3, s0;
	s1 =	sshll.u32 s1, $0x11  }
0xbc: {  	s0 =	sor.u32 s1, s0  }
0xbd: {  	s0 =	sadd.s32 $0x8F2B, s0  }
0xbe: {  	[sflag:s0] =	ssyncadd.remote.s32 $0x1  }
0xbf: {  	_ =	sfence.sel $0xFFFF  }
0xc0: {  	[dreg:$0x0] =	wrdreg $0xFFFFFFFF;
	(pc) =	sbr.abs _section_cstart, $3  }
0xc1: {  	[dreg:$0x1] =	wrdreg $0xFFFFFFFF  }
0xc2: {  	_ =	task.clear_ibuf [dreg:s7], $0x2FFFF;
	_ =	strace $0x9FFFFFFF  }
0xc3: {  	(tm) =	ssettm $0x7FFFFFFF  }
tec
execute0_lowered:
.L_overlay_start_1:
0x0: {  	(tag) =	ssettag $0x1  }
0x1: {  	s2 =	rddreg [dreg:$0x0]  }
0x2: {  	s1 =	rddreg [dreg:$0x1]  }
0x3: {  	s3 =	rddreg [dreg:$0x2]  }
0x4: {  	s15 =	stileid.u32;
	s4 =	simm.s32 $0x0;
	s5 =	srdreg.scid  }
0x5: {  	s0 =	smul.u32 $0x13C00, s15;
	[smem:$0x7FF] =	sst s4;
	s5 =	sand.u32 $0x1, s5  }
0x6: {  	s8 =	sadd.s32 $0xD600, s1;
	s9 =	sadd.s32 $0x3400, s1;
	s12 =	smul.u32 $0xA2, s15  }
0x7: {  	_ =	strace $0x8000004A;
	s7 =	smul.u32 $0x13C000, s5;
	s10 =	sshll.u32 s5, $0x4  }
0x8: {  	s11 =	smul.u32 $0xA20, s5;
	s5 =	ssub.s32 $0x2, s5;
	s6 =	sshrl.u32 s0, $0x3  }
0x9: {  	s10 =	sor.u32 s15, s10;
	s13 =	sshrl.u32 s5, $0x1;
	s6 =	sadd.s32 s6, s1  }
0xa: {  	s7 =	sadd.s32 s0, s7;
	s14 =	smul.u32 $0x510, s10;
	s5 =	ssub.s32 s5, s13  }
0xb: {  	s22 =	sadd.s32 s12, s11;
	s0 =	sadd.s32 s0, s3;
	s7 =	sshrl.u32 s7, $0x3  }
0xc: {  	s10 =	smul.u32 $0x2880, s10;
	[dreg:$0x1a] =	wrdreg s0;
	s1 =	sadd.s32 s7, s1  }
0xd: {  	s23 =	sadd.s32 s8, s14;
	s24 =	sadd.s32 s9, s14;
	s7 =	sshll.u32 s22, $0x3  }
0xe: {  	s25 =	sor.u32 $0x8, s14;
	s10 =	sshrl.u32 s10, $0x3;
	[dreg:$0xe] =	wrdreg s23  }
0xf: {  	[dreg:$0xf] =	wrdreg s24;
	s26 =	sadd.s32 $0x50, s7;
	s29 =	sadd.s32 s8, s25  }
0x10: {  	s11 =	sadd.s32 s9, s25;
	s16 =	sadd.s32 $0x10, s10;
	[dreg:$0x10] =	wrdreg s29  }
0x11: {  	s13 =	sadd.s32 $0x40, s7;
	[dreg:$0x11] =	wrdreg s11;
	s21 =	sadd.s32 s8, s16  }
0x12: {  	s7 =	sadd.s32 $0x30, s7;
	s25 =	sadd.s32 s9, s16;
	[dreg:$0x12] =	wrdreg s21  }
0x13: {  	s17 =	sadd.s32 s7, s8;
	[dreg:$0x13] =	wrdreg s25  }
0x14: {  	s16 =	sadd.s32 s7, s9;
	[dreg:$0xa] =	wrdreg s17  }
0x15: {  	s14 =	sadd.s32 s26, s8;
	[dreg:$0xb] =	wrdreg s16  }
0x16: {  	s20 =	sadd.s32 s26, s9;
	[dreg:$0xc] =	wrdreg s14  }
0x17: {  	s30 =	sadd.s32 $0x8, s14;
	[dreg:$0xd] =	wrdreg s20  }
0x18: {  	s22 =	sadd.s32 s13, s8;
	s12 =	sadd.s32 $0x8, s20;
	[dreg:$0x4] =	wrdreg s30  }
0x19: {  	s24 =	sadd.s32 s13, s9;
	s18 =	sadd.s32 $0x8, s22;
	[dreg:$0x5] =	wrdreg s12  }
0x1a: {  	s31 =	simm.s32 $0x40;
	s19 =	sadd.s32 $0x8, s24;
	[dreg:$0x6] =	wrdreg s18  }
0x1b: {  	s26 =	sadd.s32 $0x18, s10;
	s23 =	sadd.s32 $0x8, s17;
	[dreg:$0x7] =	wrdreg s19  }
0x1c: {  	s28 =	simm.s32 $0x6;
	s29 =	sadd.s32 s8, s26;
	[dreg:$0x8] =	wrdreg s23  }
0x1d: {  	s0 =	simm.s32 $0x0;
	s21 =	sadd.s32 $0x8, s16;
	[dreg:$0x14] =	wrdreg s29  }
0x1e: {  	s25 =	sshll.u32 s15, $0x6;
	s30 =	sadd.s32 s9, s26;
	[dreg:$0x9] =	wrdreg s21  }
0x1f: {  	s15 =	simm.s32 $0x3;
	s26 =	sadd.s32 $0x17800, s6;
	[dreg:$0x15] =	wrdreg s30  }
0x20: {  	s12 =	sadd.s32 $0x20, s10;
	s29 =	sadd.s32 $0x3F000, s1;
	[dreg:$0x1b] =	wrdreg s26  }
0x21: {  	s10 =	sadd.s32 $0x28, s10;
	s13 =	sadd.s32 s8, s12;
	[dreg:$0x1d] =	wrdreg s29  }
0x22: {  	s18 =	sadd.s32 s9, s12;
	s19 =	sadd.s32 s8, s10;
	[dreg:$0x16] =	wrdreg s13  }
0x23: {  	s23 =	sadd.s32 s9, s10;
	s26 =	sor.u32 $0x1C19, s25;
	[dreg:$0x17] =	wrdreg s18  }
0x24: {  	s30 =	smax.u32 s5, $0x1;
	s12 =	simm.s32 $0x80;
	[dreg:$0x18] =	wrdreg s19  }
0x25: {  	s5 =	simm.s32 $0x1;
	s8 =	simm.s32 $0x2;
	[dreg:$0x19] =	wrdreg s23  }
0x26: {  	[dreg:$0x1e] =	wrdreg s30;
	s13 =	simm.s32 $0xC0;
	s18 =	simm.s32 $0x100  }
0x27: {  	s19 =	simm.s32 $0x4;
	s23 =	simm.s32 $0x5;
	[dreg:$0x1c] =	wrdreg s26  }
.LBB2_1:
0x28: {  	[dreg:$0x1f] =	wrdreg s0  }
0x29: {  	s9 =	rddreg [dreg:$0x1a]  }
0x2a: {  	s21 =	rddreg [dreg:$0x1b];
	s11 =	sshrl.u32 s9, $0x3  }
0x2b: {  	s25 =	simm.s32 $0x19;
	[smem:$0x7FD] =	sst s11  }
0x2c: {  	[spmem:s11], [sflag:s26] =	dma.local [hbm:s21], $0x2780  }
0x2d: {  	_ =	swait.ge [sflag:s25], $0x2780  }
0x2e: {  	[sflag:s25] =	ssyncset.done $0x0  }
0x2f: {  	[sflag:s25] =	ssyncadd.s32 $0xFFFFD880  }
0x30: {  	[bflag:$0x0] =	sbarrier.arrive $0xFFFF  }
0x31: {  	s29 =	rddreg [dreg:$0xe]  }
0x32: {  	[tilespmem:s4], [sflag:$0x1] =	stream.linear.gather [hbm4b:s29+s4], $0x40, $0x38;
	[tilespmem:$0x1FF00] =	vst v63  }
0x33: {  	s10 =	simm.s32 $0x180;
	s30 =	rddreg [dreg:$0xf]  }
0x34: {  	[tilespmem:s10], [sflag:$0x7] =	stream.linear.gather [hbm4b:s30+s4], $0x40, $0x38;
	[tilespmem:$0x1FF00] =	vst v63  }
0x35: {  	s0 =	rddreg [dreg:$0x10]  }
0x36: {  	[tilespmem:s31], [sflag:$0x2] =	stream.linear.gather [hbm4b:s0+s4], $0x40, $0x38;
	[tilespmem:$0x1FF00] =	vst v63  }
0x37: {  	s26 =	simm.s32 $0x1C0;
	s1 =	rddreg [dreg:$0x11]  }
0x38: {  	[tilespmem:s26], [sflag:$0x8] =	stream.linear.gather [hbm4b:s1+s4], $0x40, $0x38;
	[tilespmem:$0x1FF00] =	vst v63  }
0x39: {  	s6 =	rddreg [dreg:$0x12]  }
0x3a: {  	[tilespmem:s12], [sflag:$0x3] =	stream.linear.gather [hbm4b:s6+s4], $0x40, $0x38;
	[tilespmem:$0x1FF00] =	vst v63  }
0x3b: {  	s7 =	rddreg [dreg:$0x13];
	s30 =	simm.s32 $0x200  }
0x3c: {  	[tilespmem:s30], [sflag:$0x9] =	stream.linear.gather [hbm4b:s7+s4], $0x40, $0x38;
	[tilespmem:$0x1FF00] =	vst v63  }
0x3d: {  	s11 =	rddreg [dreg:$0x14]  }
0x3e: {  	[tilespmem:s13], [sflag:$0x4] =	stream.linear.gather [hbm4b:s11+s4], $0x40, $0x38;
	[tilespmem:$0x1FF00] =	vst v63  }
0x3f: {  	s25 =	simm.s32 $0x240;
	s21 =	rddreg [dreg:$0x15]  }
0x40: {  	[tilespmem:s25], [sflag:$0xA] =	stream.linear.gather [hbm4b:s21+s4], $0x40, $0x38;
	[tilespmem:$0x1FF00] =	vst v63  }
0x41: {  	s29 =	rddreg [dreg:$0x16]  }
0x42: {  	[tilespmem:s18], [sflag:$0x5] =	stream.linear.gather [hbm4b:s29+s4], $0x40, $0x38;
	[tilespmem:$0x1FF00] =	vst v63  }
0x43: {  	s0 =	rddreg [dreg:$0x17];
	s1 =	simm.s32 $0x280  }
0x44: {  	[tilespmem:s1], [sflag:$0xB] =	stream.linear.gather [hbm4b:s0+s4], $0x40, $0x38;
	[tilespmem:$0x1FF00] =	vst v63  }
0x45: {  	s7 =	rddreg [dreg:$0x18];
	s0 =	simm.s32 $0x140  }
0x46: {  	[tilespmem:s0], [sflag:$0x6] =	stream.linear.gather [hbm4b:s7+s4], $0x40, $0x38;
	[tilespmem:$0x1FF00] =	vst v63  }
0x47: {  	s11 =	rddreg [dreg:$0x19];
	s1 =	simm.s32 $0x2C0  }
0x48: {  	[tilespmem:s1], [sflag:$0xC] =	stream.linear.gather [hbm4b:s11+s4], $0x40, $0x38;
	[tilespmem:$0x1FF00] =	vst v63  }
0x49: {  	_ =	swait.ge [sflag:s5], $0x40  }
0x4a: {  	[sflag:s5] =	ssyncset.done $0x0  }
0x4b: {  	s7 =	simm.s32 $0x300;
	[sflag:s5] =	ssyncadd.s32 $0xFFFFFFC0  }
0x4c: {  	[tilespmem:s7], [sflag:$0xD] =	stream.indirect.gather [hbm4b:s2+s31], $0x80, s4, s31, $0xb8;
	[tilespmem:$0x1FF00] =	vst v63  }
0x4d: {  	_ =	swait.ge [sflag:s8], $0x40  }
0x4e: {  	[sflag:s8] =	ssyncset.done $0x0  }
0x4f: {  	s9 =	simm.s32 $0x2300;
	[sflag:s8] =	ssyncadd.s32 $0xFFFFFFC0  }
0x50: {  	[tilespmem:s9], [sflag:$0xE] =	stream.indirect.gather [hbm4b:s2+s31], $0x80, s31, s31, $0xb8;
	[tilespmem:$0x1FF00] =	vst v63  }
0x51: {  	_ =	swait.ge [sflag:s15], $0x40  }
0x52: {  	[sflag:s15] =	ssyncset.done $0x0  }
0x53: {  	s11 =	simm.s32 $0x4300;
	[sflag:s15] =	ssyncadd.s32 $0xFFFFFFC0  }
0x54: {  	[tilespmem:s11], [sflag:$0xF] =	stream.indirect.gather [hbm4b:s2+s31], $0x80, s12, s31, $0xb8;
	[tilespmem:$0x1FF00] =	vst v63  }
0x55: {  	_ =	swait.ge [sflag:s19], $0x40  }
0x56: {  	[sflag:s19] =	ssyncset.done $0x0  }
0x57: {  	s21 =	simm.s32 $0x6300;
	[sflag:s19] =	ssyncadd.s32 $0xFFFFFFC0  }
0x58: {  	[tilespmem:s21], [sflag:$0x10] =	stream.indirect.gather [hbm4b:s2+s31], $0x80, s13, s31, $0xb8;
	[tilespmem:$0x1FF00] =	vst v63  }
0x59: {  	_ =	swait.ge [sflag:s23], $0x40  }
0x5a: {  	[sflag:s23] =	ssyncset.done $0x0  }
0x5b: {  	s29 =	simm.s32 $0x8300;
	[sflag:s23] =	ssyncadd.s32 $0xFFFFFFC0  }
0x5c: {  	[tilespmem:s29], [sflag:$0x11] =	stream.indirect.gather [hbm4b:s2+s31], $0x80, s18, s31, $0xb8;
	[tilespmem:$0x1FF00] =	vst v63  }
0x5d: {  	_ =	swait.ge [sflag:s28], $0x40  }
0x5e: {  	[sflag:s28] =	ssyncset.done $0x0  }
0x5f: {  	s25 =	simm.s32 $0xD;
	s1 =	simm.s32 $0xA300;
	[sflag:s28] =	ssyncadd.s32 $0xFFFFFFC0  }
0x60: {  	[tilespmem:s1], [sflag:$0x12] =	stream.indirect.gather [hbm4b:s2+s31], $0x80, s0, s31, $0xb8;
	[tilespmem:$0x1FF00] =	vst v63  }
0x61: {  	_ =	swait.ge [sflag:s25], $0x2000  }
0x62: {  	[sflag:s25] =	ssyncset.done $0x0  }
0x63: {  	[sflag:s25] =	ssyncadd.s32 $0xFFFFE000;
	s25 =	simm.s32 $0x7  }
0x64: {  	_ =	swait.ge [sflag:s25], $0x40  }
0x65: {  	[sflag:s25] =	ssyncset.done $0x0  }
0x66: {  	[sflag:s25] =	ssyncadd.s32 $0xFFFFFFC0  }
0x67: {  	[spmem:s3] =	stream.indirect.scatter.add.f32 [tilespmem:s7], [sflag:$0x13], $0x80, s10, s31, $0xb8;
	[tilespmem:$0x1FF00] =	vst v63  }
0x68: {  	s17 =	sadd.s32 $0x0, s17;
	s25 =	simm.s32 $0xE  }
0x69: {  	[tilespmem:s4], [sflag:$0x1] =	stream.linear.gather [hbm4b:s17+s4], $0x40, $0x38;
	[tilespmem:$0x1FF00] =	vst v63  }
0x6a: {  	_ =	swait.ge [sflag:s25], $0x2000  }
0x6b: {  	[sflag:s25] =	ssyncset.done $0x0  }
0x6c: {  	s17 =	simm.s32 $0x8;
	[sflag:s25] =	ssyncadd.s32 $0xFFFFE000  }
0x6d: {  	_ =	swait.ge [sflag:s17], $0x40  }
0x6e: {  	[sflag:s17] =	ssyncset.done $0x0  }
0x6f: {  	s25 =	rddreg [dreg:$0x8];
	[sflag:s17] =	ssyncadd.s32 $0xFFFFFFC0  }
0x70: {  	[spmem:s3] =	stream.indirect.scatter.add.f32 [tilespmem:s9], [sflag:$0x14], $0x80, s26, s31, $0xb8;
	[tilespmem:$0x1FF00] =	vst v63  }
0x71: {  	s25 =	sadd.s32 $0x0, s25  }
0x72: {  	[tilespmem:s31], [sflag:$0x2] =	stream.linear.gather [hbm4b:s25+s4], $0x40, $0x38;
	[tilespmem:$0x1FF00] =	vst v63  }
0x73: {  	s25 =	simm.s32 $0xF  }
0x74: {  	_ =	swait.ge [sflag:s25], $0x2000  }
0x75: {  	[sflag:s25] =	ssyncset.done $0x0  }
0x76: {  	[sflag:s25] =	ssyncadd.s32 $0xFFFFE000;
	s25 =	simm.s32 $0x9  }
0x77: {  	_ =	swait.ge [sflag:s25], $0x40  }
0x78: {  	[sflag:s25] =	ssyncset.done $0x0  }
0x79: {  	[sflag:s25] =	ssyncadd.s32 $0xFFFFFFC0  }
0x7a: {  	[spmem:s3] =	stream.indirect.scatter.add.f32 [tilespmem:s11], [sflag:$0x15], $0x80, s30, s31, $0xb8;
	[tilespmem:$0x1FF00] =	vst v63  }
0x7b: {  	s17 =	sadd.s32 $0x0, s22;
	s25 =	simm.s32 $0x10  }
0x7c: {  	[tilespmem:s12], [sflag:$0x3] =	stream.linear.gather [hbm4b:s17+s4], $0x40, $0x38;
	[tilespmem:$0x1FF00] =	vst v63  }
0x7d: {  	_ =	swait.ge [sflag:s25], $0x2000  }
0x7e: {  	[sflag:s25] =	ssyncset.done $0x0  }
0x7f: {  	s17 =	simm.s32 $0xA;
	[sflag:s25] =	ssyncadd.s32 $0xFFFFE000  }
0x80: {  	_ =	swait.ge [sflag:s17], $0x40  }
0x81: {  	[sflag:s17] =	ssyncset.done $0x0  }
0x82: {  	s6 =	simm.s32 $0x240;
	s25 =	rddreg [dreg:$0x6];
	[sflag:s17] =	ssyncadd.s32 $0xFFFFFFC0  }
0x83: {  	[spmem:s3] =	stream.indirect.scatter.add.f32 [tilespmem:s21], [sflag:$0x16], $0x80, s6, s31, $0xb8;
	[tilespmem:$0x1FF00] =	vst v63  }
0x84: {  	s25 =	sadd.s32 $0x0, s25  }
0x85: {  	[tilespmem:s13], [sflag:$0x4] =	stream.linear.gather [hbm4b:s25+s4], $0x40, $0x38;
	[tilespmem:$0x1FF00] =	vst v63  }
0x86: {  	s25 =	simm.s32 $0x11  }
0x87: {  	_ =	swait.ge [sflag:s25], $0x2000  }
0x88: {  	[sflag:s25] =	ssyncset.done $0x0  }
0x89: {  	s6 =	simm.s32 $0xB;
	[sflag:s25] =	ssyncadd.s32 $0xFFFFE000  }
0x8a: {  	_ =	swait.ge [sflag:s6], $0x40  }
0x8b: {  	[sflag:s6] =	ssyncset.done $0x0  }
0x8c: {  	[sflag:s6] =	ssyncadd.s32 $0xFFFFFFC0;
	s6 =	simm.s32 $0x280  }
0x8d: {  	[spmem:s3] =	stream.indirect.scatter.add.f32 [tilespmem:s29], [sflag:$0x17], $0x80, s6, s31, $0xb8;
	[tilespmem:$0x1FF00] =	vst v63  }
0x8e: {  	s17 =	sadd.s32 $0x0, s14;
	s25 =	simm.s32 $0x12  }
0x8f: {  	[tilespmem:s18], [sflag:$0x5] =	stream.linear.gather [hbm4b:s17+s4], $0x40, $0x38;
	[tilespmem:$0x1FF00] =	vst v63  }
0x90: {  	_ =	swait.ge [sflag:s25], $0x2000  }
0x91: {  	[sflag:s25] =	ssyncset.done $0x0  }
0x92: {  	s14 =	simm.s32 $0xC;
	[sflag:s25] =	ssyncadd.s32 $0xFFFFE000  }
0x93: {  	_ =	swait.ge [sflag:s14], $0x40  }
0x94: {  	[sflag:s14] =	ssyncset.done $0x0  }
0x95: {  	s25 =	rddreg [dreg:$0x4];
	[sflag:s14] =	ssyncadd.s32 $0xFFFFFFC0;
	s14 =	simm.s32 $0x2C0  }
0x96: {  	[spmem:s3] =	stream.indirect.scatter.add.f32 [tilespmem:s1], [sflag:$0x18], $0x80, s14, s31, $0xb8;
	[tilespmem:$0x1FF00] =	vst v63  }
0x97: {  	s25 =	sadd.s32 $0x0, s25  }
0x98: {  	[tilespmem:s0], [sflag:$0x6] =	stream.linear.gather [hbm4b:s25+s4], $0x40, $0x38;
	[tilespmem:$0x1FF00] =	vst v63  }
0x99: {  	s25 =	simm.s32 $0x13  }
0x9a: {  	_ =	swait.ge [sflag:s25], $0x2000  }
0x9b: {  	[sflag:s25] =	ssyncset.done $0x0  }
0x9c: {  	s1 =	sadd.s32 $0x0, s16;
	[sflag:s25] =	ssyncadd.s32 $0xFFFFE000  }
0x9d: {  	[tilespmem:s10], [sflag:$0x7] =	stream.linear.gather [hbm4b:s1+s4], $0x40, $0x38;
	[tilespmem:$0x1FF00] =	vst v63  }
0x9e: {  	_ =	swait.ge [sflag:s5], $0x40  }
0x9f: {  	[sflag:s5] =	ssyncset.done $0x0  }
0xa0: {  	[sflag:s5] =	ssyncadd.s32 $0xFFFFFFC0;
	s5 =	simm.s32 $0x14  }
0xa1: {  	[tilespmem:s7], [sflag:$0xD] =	stream.indirect.gather [hbm4b:s2+s31], $0x80, s4, s31, $0xb8;
	[tilespmem:$0x1FF00] =	vst v63  }
0xa2: {  	_ =	swait.ge [sflag:s5], $0x2000  }
0xa3: {  	s7 =	rddreg [dreg:$0x9];
	[sflag:s5] =	ssyncset.done $0x0  }
0xa4: {  	[sflag:s5] =	ssyncadd.s32 $0xFFFFE000;
	s25 =	sadd.s32 $0x0, s7  }
0xa5: {  	[tilespmem:s26], [sflag:$0x8] =	stream.linear.gather [hbm4b:s25+s4], $0x40, $0x38;
	[tilespmem:$0x1FF00] =	vst v63  }
0xa6: {  	_ =	swait.ge [sflag:s8], $0x40  }
0xa7: {  	[sflag:s8] =	ssyncset.done $0x0  }
0xa8: {  	[sflag:s8] =	ssyncadd.s32 $0xFFFFFFC0  }
0xa9: {  	[tilespmem:s9], [sflag:$0xE] =	stream.indirect.gather [hbm4b:s2+s31], $0x80, s31, s31, $0xb8;
	[tilespmem:$0x1FF00] =	vst v63  }
0xaa: {  	s9 =	simm.s32 $0x15  }
0xab: {  	_ =	swait.ge [sflag:s9], $0x2000  }
0xac: {  	[sflag:s9] =	ssyncset.done $0x0  }
0xad: {  	s10 =	sadd.s32 $0x0, s24;
	[sflag:s9] =	ssyncadd.s32 $0xFFFFE000  }
0xae: {  	[tilespmem:s30], [sflag:$0x9] =	stream.linear.gather [hbm4b:s10+s4], $0x40, $0x38;
	[tilespmem:$0x1FF00] =	vst v63  }
0xaf: {  	_ =	swait.ge [sflag:s15], $0x40  }
0xb0: {  	[sflag:s15] =	ssyncset.done $0x0  }
0xb1: {  	[sflag:s15] =	ssyncadd.s32 $0xFFFFFFC0;
	s15 =	simm.s32 $0x16  }
0xb2: {  	[tilespmem:s11], [sflag:$0xF] =	stream.indirect.gather [hbm4b:s2+s31], $0x80, s12, s31, $0xb8;
	[tilespmem:$0x1FF00] =	vst v63  }
0xb3: {  	_ =	swait.ge [sflag:s15], $0x2000  }
0xb4: {  	s16 =	rddreg [dreg:$0x7];
	[sflag:s15] =	ssyncset.done $0x0  }
0xb5: {  	s17 =	simm.s32 $0x240;
	[sflag:s15] =	ssyncadd.s32 $0xFFFFE000;
	s25 =	sadd.s32 $0x0, s16  }
0xb6: {  	[tilespmem:s17], [sflag:$0xA] =	stream.linear.gather [hbm4b:s25+s4], $0x40, $0x38;
	[tilespmem:$0x1FF00] =	vst v63  }
0xb7: {  	_ =	swait.ge [sflag:s19], $0x40  }
0xb8: {  	[sflag:s19] =	ssyncset.done $0x0  }
0xb9: {  	s25 =	simm.s32 $0x17;
	[sflag:s19] =	ssyncadd.s32 $0xFFFFFFC0  }
0xba: {  	[tilespmem:s21], [sflag:$0x10] =	stream.indirect.gather [hbm4b:s2+s31], $0x80, s13, s31, $0xb8;
	[tilespmem:$0x1FF00] =	vst v63  }
0xbb: {  	_ =	swait.ge [sflag:s25], $0x2000  }
0xbc: {  	[sflag:s25] =	ssyncset.done $0x0  }
0xbd: {  	s26 =	sadd.s32 $0x0, s20;
	[sflag:s25] =	ssyncadd.s32 $0xFFFFE000  }
0xbe: {  	[tilespmem:s6], [sflag:$0xB] =	stream.linear.gather [hbm4b:s26+s4], $0x40, $0x38;
	[tilespmem:$0x1FF00] =	vst v63  }
0xbf: {  	_ =	swait.ge [sflag:s23], $0x40  }
0xc0: {  	[sflag:s23] =	ssyncset.done $0x0  }
0xc1: {  	[sflag:s23] =	ssyncadd.s32 $0xFFFFFFC0  }
0xc2: {  	[tilespmem:s29], [sflag:$0x11] =	stream.indirect.gather [hbm4b:s2+s31], $0x80, s18, s31, $0xb8;
	[tilespmem:$0x1FF00] =	vst v63  }
0xc3: {  	s29 =	simm.s32 $0x18  }
0xc4: {  	_ =	swait.ge [sflag:s29], $0x2000  }
0xc5: {  	s30 =	rddreg [dreg:$0x5];
	[sflag:s29] =	ssyncset.done $0x0  }
0xc6: {  	[sflag:s29] =	ssyncadd.s32 $0xFFFFE000;
	s25 =	sadd.s32 $0x0, s30  }
0xc7: {  	[tilespmem:s14], [sflag:$0xC] =	stream.linear.gather [hbm4b:s25+s4], $0x40, $0x38;
	[tilespmem:$0x1FF00] =	vst v63  }
0xc8: {  	_ =	swait.ge [sflag:s28], $0x40  }
0xc9: {  	s7 =	simm.s32 $0x1;
	[sflag:s28] =	ssyncset.done $0x0  }
0xca: {  	s20 =	simm.s32 $0x80;
	s26 =	simm.s32 $0x30;
	[sflag:s28] =	ssyncadd.s32 $0xFFFFFFC0  }
.LBB2_2:
0xcb: {  	s1 =	simm.s32 $0x140;
	s5 =	simm.s32 $0xA300;
	s0 =	simm.s32 $0xD  }
0xcc: {  	[tilespmem:s5], [sflag:$0x12] =	stream.indirect.gather [hbm4b:s2+s31], $0x80, s1, s31, $0xb8;
	[tilespmem:$0x1FF00] =	vst v63  }
0xcd: {  	_ =	swait.ge [sflag:s0], $0x2000  }
0xce: {  	[sflag:s0] =	ssyncset.done $0x0  }
0xcf: {  	s10 =	simm.s32 $0x7;
	[sflag:s0] =	ssyncadd.s32 $0xFFFFE000  }
0xd0: {  	_ =	swait.ge [sflag:s10], $0x40  }
0xd1: {  	s25 =	smov.u32 s26;
	s8 =	simm.s32 $0x300;
	[sflag:s10] =	ssyncset.done $0x0  }
0xd2: {  	s11 =	rddreg [dreg:$0xa];
	[sflag:s10] =	ssyncadd.s32 $0xFFFFFFC0;
	s10 =	simm.s32 $0x180  }
0xd3: {  	[spmem:s3] =	stream.indirect.scatter.add.f32 [tilespmem:s8], [sflag:$0x13], $0x80, s10, s31, $0xb8;
	[tilespmem:$0x1FF00] =	vst v63  }
0xd4: {  	s12 =	simm.s32 $0xE;
	s9 =	sadd.s32 s25, s11  }
0xd5: {  	[tilespmem:s4], [sflag:$0x1] =	stream.linear.gather [hbm4b:s9+s4], $0x40, $0x38;
	[tilespmem:$0x1FF00] =	vst v63  }
0xd6: {  	_ =	swait.ge [sflag:s12], $0x2000  }
0xd7: {  	[sflag:s12] =	ssyncset.done $0x0  }
0xd8: {  	s13 =	simm.s32 $0x8;
	[sflag:s12] =	ssyncadd.s32 $0xFFFFE000  }
0xd9: {  	_ =	swait.ge [sflag:s13], $0x40  }
0xda: {  	s15 =	simm.s32 $0x2300;
	[sflag:s13] =	ssyncset.done $0x0  }
0xdb: {  	s11 =	simm.s32 $0x1C0;
	s14 =	rddreg [dreg:$0x8];
	[sflag:s13] =	ssyncadd.s32 $0xFFFFFFC0  }
0xdc: {  	[spmem:s3] =	stream.indirect.scatter.add.f32 [tilespmem:s15], [sflag:$0x14], $0x80, s11, s31, $0xb8;
	[tilespmem:$0x1FF00] =	vst v63  }
0xdd: {  	s16 =	simm.s32 $0xF;
	s9 =	sadd.s32 s25, s14  }
0xde: {  	[tilespmem:s31], [sflag:$0x2] =	stream.linear.gather [hbm4b:s9+s4], $0x40, $0x38;
	[tilespmem:$0x1FF00] =	vst v63  }
0xdf: {  	_ =	swait.ge [sflag:s16], $0x2000  }
0xe0: {  	[sflag:s16] =	ssyncset.done $0x0  }
0xe1: {  	s17 =	simm.s32 $0x9;
	[sflag:s16] =	ssyncadd.s32 $0xFFFFE000  }
0xe2: {  	_ =	swait.ge [sflag:s17], $0x40  }
0xe3: {  	[sflag:s17] =	ssyncset.done $0x0  }
0xe4: {  	s19 =	simm.s32 $0x4300;
	s13 =	simm.s32 $0x200;
	[sflag:s17] =	ssyncadd.s32 $0xFFFFFFC0  }
0xe5: {  	[spmem:s3] =	stream.indirect.scatter.add.f32 [tilespmem:s19], [sflag:$0x15], $0x80, s13, s31, $0xb8;
	[tilespmem:$0x1FF00] =	vst v63  }
0xe6: {  	s21 =	simm.s32 $0x10;
	s18 =	sadd.s32 s25, s22  }
0xe7: {  	[tilespmem:s20], [sflag:$0x3] =	stream.linear.gather [hbm4b:s18+s4], $0x40, $0x38;
	[tilespmem:$0x1FF00] =	vst v63  }
0xe8: {  	_ =	swait.ge [sflag:s21], $0x2000  }
0xe9: {  	[sflag:s21] =	ssyncset.done $0x0  }
0xea: {  	s23 =	simm.s32 $0xA;
	[sflag:s21] =	ssyncadd.s32 $0xFFFFE000  }
0xeb: {  	_ =	swait.ge [sflag:s23], $0x40  }
0xec: {  	s18 =	simm.s32 $0x240;
	[sflag:s23] =	ssyncset.done $0x0  }
0xed: {  	s6 =	rddreg [dreg:$0x6];
	[sflag:s23] =	ssyncadd.s32 $0xFFFFFFC0;
	s23 =	simm.s32 $0x6300  }
0xee: {  	[spmem:s3] =	stream.indirect.scatter.add.f32 [tilespmem:s23], [sflag:$0x16], $0x80, s18, s31, $0xb8;
	[tilespmem:$0x1FF00] =	vst v63  }
0xef: {  	s29 =	simm.s32 $0xC0;
	s9 =	sadd.s32 s25, s6  }
0xf0: {  	[tilespmem:s29], [sflag:$0x4] =	stream.linear.gather [hbm4b:s9+s4], $0x40, $0x38;
	[tilespmem:$0x1FF00] =	vst v63  }
0xf1: {  	s9 =	simm.s32 $0x11  }
0xf2: {  	_ =	swait.ge [sflag:s9], $0x2000  }
0xf3: {  	[sflag:s9] =	ssyncset.done $0x0  }
0xf4: {  	s12 =	simm.s32 $0xB;
	[sflag:s9] =	ssyncadd.s32 $0xFFFFE000  }
0xf5: {  	_ =	swait.ge [sflag:s12], $0x40  }
0xf6: {  	s28 =	simm.s32 $0x8300;
	[sflag:s12] =	ssyncset.done $0x0  }
0xf7: {  	s0 =	simm.s32 $0x280;
	s6 =	rddreg [dreg:$0xc];
	[sflag:s12] =	ssyncadd.s32 $0xFFFFFFC0  }
0xf8: {  	[spmem:s3] =	stream.indirect.scatter.add.f32 [tilespmem:s28], [sflag:$0x17], $0x80, s0, s31, $0xb8;
	[tilespmem:$0x1FF00] =	vst v63  }
0xf9: {  	s30 =	simm.s32 $0x100;
	s16 =	simm.s32 $0x12;
	s14 =	sadd.s32 s25, s6  }
0xfa: {  	[tilespmem:s30], [sflag:$0x5] =	stream.linear.gather [hbm4b:s14+s4], $0x40, $0x38;
	[tilespmem:$0x1FF00] =	vst v63  }
0xfb: {  	_ =	swait.ge [sflag:s16], $0x2000  }
0xfc: {  	[sflag:s16] =	ssyncset.done $0x0  }
0xfd: {  	s17 =	simm.s32 $0xC;
	[sflag:s16] =	ssyncadd.s32 $0xFFFFE000  }
0xfe: {  	_ =	swait.ge [sflag:s17], $0x40  }
0xff: {  	[sflag:s17] =	ssyncset.done $0x0  }
0x100: {  	s6 =	simm.s32 $0x2C0;
	s21 =	rddreg [dreg:$0x4];
	[sflag:s17] =	ssyncadd.s32 $0xFFFFFFC0  }
0x101: {  	[spmem:s3] =	stream.indirect.scatter.add.f32 [tilespmem:s5], [sflag:$0x18], $0x80, s6, s31, $0xb8;
	[tilespmem:$0x1FF00] =	vst v63  }
0x102: {  	s9 =	sadd.s32 s25, s21  }
0x103: {  	[tilespmem:s1], [sflag:$0x6] =	stream.linear.gather [hbm4b:s9+s4], $0x40, $0x38;
	[tilespmem:$0x1FF00] =	vst v63  }
0x104: {  	s9 =	simm.s32 $0x13  }
0x105: {  	_ =	swait.ge [sflag:s9], $0x2000  }
0x106: {  	[sflag:s9] =	ssyncset.done $0x0;
	s12 =	rddreg [dreg:$0xb]  }
0x107: {  	[sflag:s9] =	ssyncadd.s32 $0xFFFFE000;
	s14 =	sadd.s32 s25, s12  }
0x108: {  	[tilespmem:s10], [sflag:$0x7] =	stream.linear.gather [hbm4b:s14+s4], $0x40, $0x38;
	[tilespmem:$0x1FF00] =	vst v63  }
0x109: {  	_ =	swait.ge [sflag:s7], $0x40  }
0x10a: {  	[sflag:s7] =	ssyncset.done $0x0  }
0x10b: {  	s16 =	simm.s32 $0x14;
	[sflag:s7] =	ssyncadd.s32 $0xFFFFFFC0  }
0x10c: {  	[tilespmem:s8], [sflag:$0xD] =	stream.indirect.gather [hbm4b:s2+s31], $0x80, s4, s31, $0xb8;
	[tilespmem:$0x1FF00] =	vst v63  }
0x10d: {  	_ =	swait.ge [sflag:s16], $0x2000  }
0x10e: {  	s17 =	rddreg [dreg:$0x9];
	[sflag:s16] =	ssyncset.done $0x0  }
0x10f: {  	s8 =	simm.s32 $0x2;
	[sflag:s16] =	ssyncadd.s32 $0xFFFFE000;
	s9 =	sadd.s32 s25, s17  }
0x110: {  	[tilespmem:s11], [sflag:$0x8] =	stream.linear.gather [hbm4b:s9+s4], $0x40, $0x38;
	[tilespmem:$0x1FF00] =	vst v63  }
0x111: {  	_ =	swait.ge [sflag:s8], $0x40  }
0x112: {  	[sflag:s8] =	ssyncset.done $0x0  }
0x113: {  	s21 =	simm.s32 $0x15;
	[sflag:s8] =	ssyncadd.s32 $0xFFFFFFC0  }
0x114: {  	[tilespmem:s15], [sflag:$0xE] =	stream.indirect.gather [hbm4b:s2+s31], $0x80, s31, s31, $0xb8;
	[tilespmem:$0x1FF00] =	vst v63  }
0x115: {  	_ =	swait.ge [sflag:s21], $0x2000  }
0x116: {  	[sflag:s21] =	ssyncset.done $0x0  }
0x117: {  	s1 =	sadd.s32 s25, s24;
	s15 =	simm.s32 $0x3;
	[sflag:s21] =	ssyncadd.s32 $0xFFFFE000  }
0x118: {  	[tilespmem:s13], [sflag:$0x9] =	stream.linear.gather [hbm4b:s1+s4], $0x40, $0x38;
	[tilespmem:$0x1FF00] =	vst v63  }
0x119: {  	_ =	swait.ge [sflag:s15], $0x40  }
0x11a: {  	[sflag:s15] =	ssyncset.done $0x0  }
0x11b: {  	s12 =	simm.s32 $0x16;
	[sflag:s15] =	ssyncadd.s32 $0xFFFFFFC0  }
0x11c: {  	[tilespmem:s19], [sflag:$0xF] =	stream.indirect.gather [hbm4b:s2+s31], $0x80, s20, s31, $0xb8;
	[tilespmem:$0x1FF00] =	vst v63  }
0x11d: {  	_ =	swait.ge [sflag:s12], $0x2000  }
0x11e: {  	s17 =	rddreg [dreg:$0x7];
	[sflag:s12] =	ssyncset.done $0x0  }
0x11f: {  	s19 =	simm.s32 $0x4;
	[sflag:s12] =	ssyncadd.s32 $0xFFFFE000;
	s9 =	sadd.s32 s25, s17  }
0x120: {  	[tilespmem:s18], [sflag:$0xA] =	stream.linear.gather [hbm4b:s9+s4], $0x40, $0x38;
	[tilespmem:$0x1FF00] =	vst v63  }
0x121: {  	_ =	swait.ge [sflag:s19], $0x40  }
0x122: {  	[sflag:s19] =	ssyncset.done $0x0  }
0x123: {  	s13 =	simm.s32 $0xC0;
	s12 =	simm.s32 $0x17;
	[sflag:s19] =	ssyncadd.s32 $0xFFFFFFC0  }
0x124: {  	[tilespmem:s23], [sflag:$0x10] =	stream.indirect.gather [hbm4b:s2+s31], $0x80, s13, s31, $0xb8;
	[tilespmem:$0x1FF00] =	vst v63  }
0x125: {  	p0 =	sne.s32 s26, $0x4B0;
	_ =	swait.ge [sflag:s12], $0x2000  }
0x126: {  	s26 =	sadd.s32 $0x30, s26;
	[sflag:s12] =	ssyncset.done $0x0;
	s9 =	rddreg [dreg:$0xd]  }
0x127: {  	s23 =	simm.s32 $0x5;
	[sflag:s12] =	ssyncadd.s32 $0xFFFFE000;
	s12 =	sadd.s32 s25, s9  }
0x128: {  	[tilespmem:s0], [sflag:$0xB] =	stream.linear.gather [hbm4b:s12+s4], $0x40, $0x38;
	[tilespmem:$0x1FF00] =	vst v63  }
0x129: {  	s29 =	simm.s32 $0x180;
	s30 =	simm.s32 $0x240;
	_ =	swait.ge [sflag:s23], $0x40  }
0x12a: {  	s5 =	simm.s32 $0x140;
	s14 =	simm.s32 $0x300;
	[sflag:s23] =	ssyncset.done $0x0  }
0x12b: {  	s18 =	simm.s32 $0x100;
	s0 =	simm.s32 $0x18;
	[sflag:s23] =	ssyncadd.s32 $0xFFFFFFC0  }
0x12c: {  	[tilespmem:s28], [sflag:$0x11] =	stream.indirect.gather [hbm4b:s2+s31], $0x80, s18, s31, $0xb8;
	[tilespmem:$0x1FF00] =	vst v63  }
0x12d: {  	s10 =	simm.s32 $0x1C0;
	s16 =	simm.s32 $0x2300;
	_ =	swait.ge [sflag:s0], $0x2000  }
0x12e: {  	s28 =	simm.s32 $0x6;
	s9 =	rddreg [dreg:$0x5];
	[sflag:s0] =	ssyncset.done $0x0  }
.Ltmp0:
0x12f: {  	[sflag:s0] =	ssyncadd.s32 $0xFFFFE000;
	s9 =	sadd.s32 s25, s9;
	(pc) =	sbr.rel @p0 .LBB2_2-.Ltmp0, $4  }
0x130: {  	[tilespmem:s6], [sflag:$0xC] =	stream.linear.gather [hbm4b:s9+s4], $0x40, $0x38;
	[tilespmem:$0x1FF00] =	vst v63  }
0x131: {  	s11 =	simm.s32 $0x200;
	s21 =	simm.s32 $0x4300;
	_ =	swait.ge [sflag:s28], $0x40  }
0x132: {  	s1 =	simm.s32 $0x280;
	s17 =	simm.s32 $0x6300;
	[sflag:s28] =	ssyncset.done $0x0  }
0x133: {  	s12 =	simm.s32 $0x8300;
	s0 =	simm.s32 $0x2C0;
	[sflag:s28] =	ssyncadd.s32 $0xFFFFFFC0  }
0x134: {  	s6 =	simm.s32 $0xA300;
	s26 =	simm.s32 $0xD  }
0x135: {  	[tilespmem:s6], [sflag:$0x12] =	stream.indirect.gather [hbm4b:s2+s31], $0x80, s5, s31, $0xb8;
	[tilespmem:$0x1FF00] =	vst v63  }
0x136: {  	_ =	swait.ge [sflag:s26], $0x2000  }
0x137: {  	[sflag:s26] =	ssyncset.done $0x0  }
0x138: {  	s7 =	simm.s32 $0x7;
	[sflag:s26] =	ssyncadd.s32 $0xFFFFE000  }
0x139: {  	_ =	swait.ge [sflag:s7], $0x40  }
0x13a: {  	[sflag:s7] =	ssyncset.done $0x0  }
0x13b: {  	s9 =	simm.s32 $0xE;
	[sflag:s7] =	ssyncadd.s32 $0xFFFFFFC0  }
0x13c: {  	[spmem:s3] =	stream.indirect.scatter.add.f32 [tilespmem:s14], [sflag:$0x13], $0x80, s29, s31, $0xb8;
	[tilespmem:$0x1FF00] =	vst v63  }
0x13d: {  	_ =	swait.ge [sflag:s9], $0x2000  }
0x13e: {  	[sflag:s9] =	ssyncset.done $0x0  }
0x13f: {  	s14 =	simm.s32 $0x8;
	[sflag:s9] =	ssyncadd.s32 $0xFFFFE000  }
0x140: {  	_ =	swait.ge [sflag:s14], $0x40  }
0x141: {  	[sflag:s14] =	ssyncset.done $0x0  }
0x142: {  	[sflag:s14] =	ssyncadd.s32 $0xFFFFFFC0  }
0x143: {  	[spmem:s3] =	stream.indirect.scatter.add.f32 [tilespmem:s16], [sflag:$0x14], $0x80, s10, s31, $0xb8;
	[tilespmem:$0x1FF00] =	vst v63  }
0x144: {  	s16 =	simm.s32 $0xF  }
0x145: {  	_ =	swait.ge [sflag:s16], $0x2000  }
0x146: {  	[sflag:s16] =	ssyncset.done $0x0  }
0x147: {  	s20 =	simm.s32 $0x9;
	[sflag:s16] =	ssyncadd.s32 $0xFFFFE000  }
0x148: {  	_ =	swait.ge [sflag:s20], $0x40  }
0x149: {  	[sflag:s20] =	ssyncset.done $0x0  }
0x14a: {  	s25 =	simm.s32 $0x10;
	[sflag:s20] =	ssyncadd.s32 $0xFFFFFFC0  }
0x14b: {  	[spmem:s3] =	stream.indirect.scatter.add.f32 [tilespmem:s21], [sflag:$0x15], $0x80, s11, s31, $0xb8;
	[tilespmem:$0x1FF00] =	vst v63  }
0x14c: {  	_ =	swait.ge [sflag:s25], $0x2000  }
0x14d: {  	[sflag:s25] =	ssyncset.done $0x0  }
0x14e: {  	s26 =	simm.s32 $0xA;
	[sflag:s25] =	ssyncadd.s32 $0xFFFFE000  }
0x14f: {  	_ =	swait.ge [sflag:s26], $0x40  }
0x150: {  	[sflag:s26] =	ssyncset.done $0x0  }
0x151: {  	s29 =	simm.s32 $0x11;
	[sflag:s26] =	ssyncadd.s32 $0xFFFFFFC0  }
0x152: {  	[spmem:s3] =	stream.indirect.scatter.add.f32 [tilespmem:s17], [sflag:$0x16], $0x80, s30, s31, $0xb8;
	[tilespmem:$0x1FF00] =	vst v63  }
0x153: {  	_ =	swait.ge [sflag:s29], $0x2000  }
0x154: {  	[sflag:s29] =	ssyncset.done $0x0  }
0x155: {  	s30 =	simm.s32 $0xB;
	[sflag:s29] =	ssyncadd.s32 $0xFFFFE000  }
0x156: {  	_ =	swait.ge [sflag:s30], $0x40  }
0x157: {  	[sflag:s30] =	ssyncset.done $0x0  }
0x158: {  	s7 =	simm.s32 $0x12;
	[sflag:s30] =	ssyncadd.s32 $0xFFFFFFC0  }
0x159: {  	[spmem:s3] =	stream.indirect.scatter.add.f32 [tilespmem:s12], [sflag:$0x17], $0x80, s1, s31, $0xb8;
	[tilespmem:$0x1FF00] =	vst v63  }
0x15a: {  	_ =	swait.ge [sflag:s7], $0x2000  }
0x15b: {  	[sflag:s7] =	ssyncset.done $0x0  }
0x15c: {  	s9 =	simm.s32 $0xC;
	[sflag:s7] =	ssyncadd.s32 $0xFFFFE000  }
0x15d: {  	_ =	swait.ge [sflag:s9], $0x40  }
0x15e: {  	[sflag:s9] =	ssyncset.done $0x0  }
0x15f: {  	s10 =	simm.s32 $0x13;
	[sflag:s9] =	ssyncadd.s32 $0xFFFFFFC0  }
0x160: {  	[spmem:s3] =	stream.indirect.scatter.add.f32 [tilespmem:s6], [sflag:$0x18], $0x80, s0, s31, $0xb8;
	[tilespmem:$0x1FF00] =	vst v63  }
0x161: {  	_ =	swait.ge [sflag:s10], $0x2000  }
0x162: {  	[sflag:s10] =	ssyncset.done $0x0  }
0x163: {  	s11 =	simm.s32 $0x14;
	[sflag:s10] =	ssyncadd.s32 $0xFFFFE000  }
0x164: {  	_ =	swait.ge [sflag:s11], $0x2000  }
0x165: {  	[sflag:s11] =	ssyncset.done $0x0  }
0x166: {  	s12 =	simm.s32 $0x15;
	[sflag:s11] =	ssyncadd.s32 $0xFFFFE000  }
0x167: {  	_ =	swait.ge [sflag:s12], $0x2000  }
0x168: {  	[sflag:s12] =	ssyncset.done $0x0  }
0x169: {  	s14 =	simm.s32 $0x16;
	[sflag:s12] =	ssyncadd.s32 $0xFFFFE000  }
0x16a: {  	_ =	swait.ge [sflag:s14], $0x2000  }
0x16b: {  	[sflag:s14] =	ssyncset.done $0x0  }
0x16c: {  	s16 =	simm.s32 $0x17;
	[sflag:s14] =	ssyncadd.s32 $0xFFFFE000  }
0x16d: {  	_ =	swait.ge [sflag:s16], $0x2000  }
0x16e: {  	[sflag:s16] =	ssyncset.done $0x0  }
0x16f: {  	s17 =	simm.s32 $0x18;
	[sflag:s16] =	ssyncadd.s32 $0xFFFFE000  }
0x170: {  	_ =	swait.ge [sflag:s17], $0x2000  }
0x171: {  	[sflag:s17] =	ssyncset.done $0x0  }
0x172: {  	[sflag:s17] =	ssyncadd.s32 $0xFFFFE000  }
0x173: {  	[bflag:$0x0] =	sbarrier.arrive $0xFFFF  }
0x174: {  	s20 =	sld [smem:$0x7FD]  }
0x175: {  	s26 =	rddreg [dreg:$0x1c]  }
0x176: {  	s21 =	simm.s32 $0x19;
	s9 =	rddreg [dreg:$0x1d]  }
0x177: {  	[hbm:s9], [sflag:s26] =	dma.local [spmem:s20], $0x2780  }
0x178: {  	_ =	swait.ge [sflag:s21], $0x2780  }
0x179: {  	s25 =	rddreg [dreg:$0x1f]  }
0x17a: {  	s29 =	rddreg [dreg:$0x1e];
	s0 =	sadd.s32 $0x1, s25  }
0x17b: {  	p0 =	sne.s32 s0, s29  }
.Ltmp1:
0x17c: {  	_ = 	snop;
	(pc) =	sbr.rel @p0 .LBB2_1-.Ltmp1, $4  }
0x17d: {  	s14 =	rddreg [dreg:$0xc]  }
0x17e: {  	s5 =	simm.s32 $0x1;
	s20 =	rddreg [dreg:$0xd]  }
0x17f: {  	s30 =	simm.s32 $0x19;
	[sflag:s21] =	ssyncset.done $0x0;
	s17 =	rddreg [dreg:$0xa]  }
0x180: {  	s12 =	simm.s32 $0x80;
	s16 =	rddreg [dreg:$0xb];
	[sflag:s30] =	ssyncadd.s32 $0xFFFFD880  }
0x181: {  	_ =	sfence.sel $0x180000  }
0x182: {  	[bflag:$0x0] =	sbarrier.arrive $0xFFFF  }
0x183: {  	_ =	strace $0x9000004A  }
0x184: {  	s0 =	stileid.u32;
	[bflag:$0x2] =	sbarrier.arrive $0xFFFF  }
0x185: {  	p0 =	sne.s32 s0, $0x0;
	s0 =	rddreg [dreg:$0x3]  }
0x186: {  	s0 =	sadd.s32 @!p0 $0x100000, s0  }
0x187: {  	[sflag:s0] =	ssyncadd.tile.s32 @!p0 $0x1;
	_ =	shalt  }
.Lfunc_end2:
_tile_overlayer_lowered:
.L_overlay_start_2:
0x188: {  	(tag) =	ssettag $0x2  }
0x189: {  	s0 =	rddreg [dreg:$0x0];
	s2 =	stileid.u32  }
0x18a: {  	s1 =	rddreg [dreg:$0x1];
	p0 =	sne.s32 s2, $0x0  }
0x18b: {  	s3 =	rddreg [dreg:$0x2];
	[bflag:$0x3] =	sbarrier.arrive $0xFFFF;
	s2 =	simm.s32 @!p0 $0x1C19  }
0x18c: {  	[timem:s3], [sflag:s2] =	dma.local @!p0 [hbm:s0], s1  }
0x18d: {  	s0 =	simm.s32 @!p0 $0x19  }
0x18e: {  	_ =	swait.ge @!p0 [sflag:s0], s1  }
0x18f: {  	s1 =	ssub.s32 @!p0 $0x0, s1;
	[sflag:s0] =	ssyncset.done @!p0 $0x0  }
0x190: {  	[sflag:s0] =	ssyncadd.s32 @!p0 s1  }
0x191: {  	[bflag:$0x3] =	sbarrier.arrive $0xFFFF  }
0x192: {  	_ =	shalt  }

// kernel: kernel.14.cloned.1.call-start
scs
__scs_entry_jumppad:
0x0: {  	(pc) =	sbr.rel $0x88, $3  }
0x1: {  	(tag) =	ssettag $0x0;
	lr =	simm.s32 $0x1  }
0x2: {  	[smem:$0x3F97] =	sst lr;
	_ =	strace $0xD0000000  }
0x3: {  	_ = 	snop  }
0x4: {  	_ = 	snop  }
0x5: {  	_ = 	snop  }
0x6: {  	_ = 	snop  }
0x7: {  	_ = 	snop  }
__scs_overlays_trampoline_lowered:
0x8: {  	[smem:$0x3FA6] =	sst s0  }
0x9: {  	[smem:$0x3FA7] =	sst s1  }
0xa: {  	[smem:$0x3FA8] =	sst s2  }
0xb: {  	[smem:$0x3FA9] =	sst s3  }
0xc: {  	[smem:$0x3FAA] =	sst s4  }
0xd: {  	[smem:$0x3FAB] =	sst s5  }
0xe: {  	[smem:$0x3FAC] =	sst s6  }
0xf: {  	[smem:$0x3FAD] =	sst s7  }
0x10: {  	[smem:$0x3FAE] =	sst s8  }
0x11: {  	[smem:$0x3FAF] =	sst s9;
	s0 =	simm.s32 @!p0 $0x0  }
0x12: {  	s1 =	sld [smem:$0x3F95];
	s0 =	simm.s32 @p0 $0x1  }
0x13: {  	[smem:$0x3FB0] =	sst s0;
	s0 =	simm.s32 @!p1 $0x0  }
0x14: {  	s2 =	sld [smem:$0x3F94];
	s0 =	simm.s32 @p1 $0x1  }
0x15: {  	[smem:$0x3FB1] =	sst s0;
	s0 =	simm.s32 @!p2 $0x0  }
0x16: {  	s3 =	sld [smem:$0x3FDB];
	s0 =	simm.s32 @p2 $0x1  }
0x17: {  	s4 =	simm.s32 $0x1BF5;
	[smem:$0x3FB3] =	sst s0  }
0x18: {  	s0 =	sld [smem:$0x3F96];
	_ =	swait.ge [sflag:s4], $0x0  }
0x19: {  	s7 =	sld [smem:$0x3F97]  }
0x1a: {  	s8 =	sadd.s32 $0xFFFFE003, lr  }
0x1b: {  	s9 =	sadd.s32 $0xFFFFFEF7, lr;
	s5 =	simm.s32 $0xFFFFFFFF;
	p2 =	slt.u32 s8, $0xFFFFF086  }
0x1c: {  	p1 =	slt.u32 s9, $0xF7A;
	s5 =	simm.s32 @!p2 $0x0  }
0x1d: {  	s5 =	simm.s32 @p1 $0x1;
	p0 =	seq.s32 s7, s2  }
0x1e: {  	s7 =	smul.u32 @!p0 $0xF7A, s2;
	p2 =	seq.s32 @!p0 s5, $0x0  }
0x1f: {  	s9 =	smul.u32 $0xF7A, s1;
	s8 =	simm.s32 @!p0 $0x1BF5;
	p2 =	por !p2, p0  }
0x20: {  	[sflag:s8] =	ssyncset.s32 @!p0 $0xFFFFF086;
	s6 =	sadd.s32 @!p0 s3, s7;
	s7 =	simm.s32 @!p0 $0x108  }
0x21: {  	s3 =	sadd.s32 s3, s9;
	s6 =	sadd.s32 @!p0 $0x88, s6;
	s7 =	simm.s32 @p2 $0x1082  }
0x22: {  	[simem:s7], [sflag:s8] =	dma.local @!p0 [hbm:s6], $0xF7A  }
0x23: {  	s9 =	sor.u32 $0xD0000000, s2;
	s6 =	simm.s32 $0x108;
	_ =	swait.ge @!p0 [sflag:s8], $0x0  }
0x24: {  	s3 =	sadd.s32 $0x88, s3;
	s6 =	simm.s32 @!p1 $0x1082;
	[sflag:s4] =	ssyncset.s32 $0xFFFFF086  }
0x25: {  	[simem:s6], [sflag:s4] =	dma.local [hbm:s3], $0xF7A  }
0x26: {  	[smem:$0x3F97] =	sst s1;
	(tag) =	ssettag s2;
	_ =	strace s9  }
0x27: {  	s1 =	sld [smem:$0x3FA7]  }
0x28: {  	s2 =	sld [smem:$0x3FA8]  }
0x29: {  	s4 =	sld [smem:$0x3FAA]  }
0x2a: {  	p0 =	seq.s32 s5, $0x0;
	s5 =	sld [smem:$0x3FAB]  }
0x2b: {  	s6 =	sld [smem:$0x3FAC]  }
0x2c: {  	s7 =	sld [smem:$0x3FAD]  }
0x2d: {  	s3 =	simm.s32 $0x108;
	s8 =	sld [smem:$0x3FAE]  }
0x2e: {  	s3 =	simm.s32 @!p0 $0x1082;
	s9 =	sld [smem:$0x3FAF]  }
0x2f: {  	lr =	sadd.s32 s0, s3;
	s0 =	sld [smem:$0x3FA6]  }
0x30: {  	s3 =	sld [smem:$0x3FA9]  }
0x31: {  	[smem:$0x3FB2] =	sst s10  }
0x32: {  	s10 =	sld [smem:$0x3FB0];
	_ =	sdelay $0x3  }
0x33: {  	p0 =	seq.s32 s10, $0x1;
	s10 =	sld [smem:$0x3FB2];
	_ =	sdelay $0x3  }
0x34: {  	[smem:$0x3FB2] =	sst s10  }
0x35: {  	s10 =	sld [smem:$0x3FB1];
	_ =	sdelay $0x3  }
0x36: {  	p1 =	seq.s32 s10, $0x1;
	s10 =	sld [smem:$0x3FB2];
	_ =	sdelay $0x3  }
0x37: {  	[smem:$0x3FB2] =	sst s10  }
0x38: {  	s10 =	sld [smem:$0x3FB3]  }
0x39: {  	_ = 	snop;
	(pc) =	sbr.ind lr, $3  }
0x3a: {  	_ = 	snop  }
0x3b: {  	_ = 	snop  }
0x3c: {  	p2 =	seq.s32 s10, $0x1;
	s10 =	sld [smem:$0x3FB2]  }
0x3d: {  	_ =	shalt  }
0x3e: {  	_ =	shalt  }
0x3f: {  	_ =	shalt  }
0x40: {  	_ =	shalt  }
0x41: {  	_ =	shalt  }
0x42: {  	_ =	shalt  }
0x43: {  	_ =	shalt  }
0x44: {  	_ =	shalt  }
0x45: {  	_ =	shalt  }
0x46: {  	_ =	shalt  }
0x47: {  	_ =	shalt  }
0x48: {  	_ =	shalt  }
0x49: {  	_ =	shalt  }
0x4a: {  	_ =	shalt  }
0x4b: {  	_ =	shalt  }
0x4c: {  	_ =	shalt  }
0x4d: {  	_ =	shalt  }
0x4e: {  	_ =	shalt  }
0x4f: {  	_ =	shalt  }
0x50: {  	_ =	shalt  }
0x51: {  	_ =	shalt  }
0x52: {  	_ =	shalt  }
0x53: {  	_ =	shalt  }
0x54: {  	_ =	shalt  }
0x55: {  	_ =	shalt  }
0x56: {  	_ =	shalt  }
0x57: {  	_ =	shalt  }
0x58: {  	_ =	shalt  }
0x59: {  	_ =	shalt  }
0x5a: {  	_ =	shalt  }
0x5b: {  	_ =	shalt  }
0x5c: {  	_ =	shalt  }
0x5d: {  	_ =	shalt  }
0x5e: {  	_ =	shalt  }
0x5f: {  	_ =	shalt  }
0x60: {  	_ =	shalt  }
0x61: {  	_ =	shalt  }
0x62: {  	_ =	shalt  }
0x63: {  	_ =	shalt  }
0x64: {  	_ =	shalt  }
0x65: {  	_ =	shalt  }
0x66: {  	_ =	shalt  }
0x67: {  	_ =	shalt  }
0x68: {  	_ =	shalt  }
0x69: {  	_ =	shalt  }
0x6a: {  	_ =	shalt  }
0x6b: {  	_ =	shalt  }
0x6c: {  	_ =	shalt  }
0x6d: {  	_ =	shalt  }
0x6e: {  	_ =	shalt  }
0x6f: {  	_ =	shalt  }
0x70: {  	_ =	shalt  }
0x71: {  	_ =	shalt  }
0x72: {  	_ =	shalt  }
0x73: {  	_ =	shalt  }
0x74: {  	_ =	shalt  }
0x75: {  	_ =	shalt  }
0x76: {  	_ =	shalt  }
0x77: {  	_ =	shalt  }
0x78: {  	_ =	shalt  }
0x79: {  	_ =	shalt  }
0x7a: {  	_ =	shalt  }
0x7b: {  	_ =	shalt  }
0x7c: {  	_ =	shalt  }
0x7d: {  	_ =	shalt  }
0x7e: {  	_ =	shalt  }
0x7f: {  	_ =	shalt  }
0x80: {  	_ =	shalt  }
0x81: {  	_ =	shalt  }
0x82: {  	_ =	shalt  }
0x83: {  	_ =	shalt  }
0x84: {  	_ =	shalt  }
0x85: {  	_ =	shalt  }
0x86: {  	_ =	shalt  }
0x87: {  	_ =	shalt  }
.Lfunc_end0:
.L_simem_size_0:
called_computation.2_lowered:
.L_overlay_start_0:
0x88: {  	s2 =	sld [smem:$0x3FD9]  }
0x89: {  	s3 =	sld [smem:$0x3FFE];
	_ =	sdelay $0x1  }
0x8a: {  	s1 =	srdreg.scid  }
0x8b: {  	s0 =	sand.u32 $0x1, s1  }
0x8c: {  	s17 =	sshll.u32 s0, $0xA;
	s2 =	sadd.s32 s3, s2  }
0x8d: {  	s2 =	sadd.s32 s2, s17  }
0x8e: {  	[smem:$0x3FBE] =	sst s2  }
0x8f: {  	_ = 	snop  }
0x90: {  	s2 =	sld [smem:$0x3FD0];
	(tm) =	ssettm $0x1  }
0x91: {  	s18 =	sld [smem:$0x3FFB];
	_ =	sdelay $0x3  }
0x92: {  	_ =	strace s18  }
0x93: {  	s3 =	sld [smem:$0x3FFC];
	_ =	sdelay $0x3  }
0x94: {  	_ =	strace s3  }
0x95: {  	s3 =	sld [smem:$0x3FFD];
	_ =	sdelay $0x3  }
0x96: {  	_ =	strace s3  }
0x97: {  	_ =	strace $0x8FFFFFFF  }
0x98: {  	s19 =	sld [smem:$0x3FDB];
	_ =	sdelay $0x1  }
0x99: {  	s4 =	simm.s32 $_scs_section_size  }
0x9a: {  	s5 =	simm.s32 $_size__tile_overlayer_lowered;
	s6 =	simm.s32 $_tile_overlayer_lowered  }
0x9b: {  	s22 =	simm.s32 $0x1BFF;
	s21 =	sshll.u32 s6, $0x1;
	s3 =	sadd.s32 s4, s19  }
0x9c: {  	s7 =	simm.s32 $0x0;
	s20 =	sshll.u32 s5, $0x1;
	s5 =	sadd.s32 s21, s3  }
0x9d: {  	[timem:s7], [sflag:s22] =	dma.local [hbm:s5], s20  }
0x9e: {  	_ =	swait.ge [sflag:s22], s20  }
0x9f: {  	s4 =	ssub.s32 $0x0, s20;
	[sflag:s22] =	ssyncset.done $0x0  }
0xa0: {  	[sflag:s22] =	ssyncadd.s32 s4;
	_ =	sdelay $0x1  }
0xa1: {  	s23 =	simm.s32 $0x1B8B  }
0xa2: {  	_ =	swait.ge [sflag:s23], $0x1  }
0xa3: {  	[sflag:s23] =	ssyncset.done $0x0  }
0xa4: {  	s25 =	simm.s32 $0x1B8E;
	s24 =	sld [smem:$0x3FFE];
	[sflag:s23] =	ssyncadd.s32 $0xFFFFFFFF  }
0xa5: {  	s26 =	simm.s32 $execute0_lowered;
	[smem:$0x3FD2] =	sst s25  }
0xa6: {  	s5 =	sshll.u32 s26, $0x1;
	_ =	strace $0x8000004C;
	[dreg:$0x1] =	wrdreg $0xFFFFFFFF  }
0xa7: {  	s28 =	simm.s32 $_size_execute0_lowered;
	s3 =	sadd.s32 s3, s5;
	[dreg:$0x0] =	wrdreg $0x0  }
0xa8: {  	s5 =	sshll.u32 s28, $0x1;
	[dreg:$0x2] =	wrdreg s3  }
0xa9: {  	[dreg:$0x3] =	wrdreg s5  }
0xaa: {  	[dreg:$0x4] =	wrdreg $0xC0  }
0xab: {  	_ =	task [dreg:s7], $0x5FFFF  }
0xac: {  	[dreg:$0x1] =	wrdreg $0xFFFFFFFF  }
0xad: {  	[dreg:$0x0] =	wrdreg $0x60  }
0xae: {  	[dreg:$0x2] =	wrdreg s2  }
0xaf: {  	[dreg:$0x3] =	wrdreg s24  }
0xb0: {  	[dreg:$0x4] =	wrdreg $0xC3000  }
0xb1: {  	[dreg:$0x5] =	wrdreg $0x9  }
0xb2: {  	_ =	task.clear_ibuf [dreg:s7], $0x6FFFF;
	_ =	strace $0x9000004C  }
0xb3: {  	s29 =	simm.s32 $0x9;
	_ =	strace $0x8000004E  }
0xb4: {  	_ =	swait.ge [sflag:s29], $0x1  }
0xb5: {  	[sflag:s29] =	ssyncadd.s32 $0xFFFFFFFF  }
0xb6: {  	_ =	strace $0x9000004E  }
0xb7: {  	_ =	sfence  }
0xb8: {  	s30 =	sld [smem:$0x0];
	_ =	sdelay $0x2  }
0xb9: {  	s31 =	sshll.u32 s1, $0xD;
	s1 =	sshrl.u32 s1, $0x2  }
0xba: {  	s3 =	sand.u32 $0x4000, s31;
	s1 =	sadd.s32 s1, s30  }
0xbb: {  	s0 =	sor.u32 s3, s0;
	s1 =	sshll.u32 s1, $0x11  }
0xbc: {  	s0 =	sor.u32 s1, s0  }
0xbd: {  	s0 =	sadd.s32 $0x8F2B, s0  }
0xbe: {  	[sflag:s0] =	ssyncadd.remote.s32 $0x1  }
0xbf: {  	_ =	sfence.sel $0xFFFF  }
0xc0: {  	[dreg:$0x0] =	wrdreg $0xFFFFFFFF;
	(pc) =	sbr.abs _section_cstart, $3  }
0xc1: {  	[dreg:$0x1] =	wrdreg $0xFFFFFFFF  }
0xc2: {  	_ =	task.clear_ibuf [dreg:s7], $0x2FFFF;
	_ =	strace $0x9FFFFFFF  }
0xc3: {  	(tm) =	ssettm $0x7FFFFFFF  }
tec
execute0_lowered:
.L_overlay_start_1:
0x0: {  	(tag) =	ssettag $0x1  }
0x1: {  	s2 =	rddreg [dreg:$0x0]  }
0x2: {  	s1 =	rddreg [dreg:$0x1]  }
0x3: {  	s3 =	rddreg [dreg:$0x2]  }
0x4: {  	s15 =	stileid.u32;
	s4 =	simm.s32 $0x0;
	s5 =	srdreg.scid  }
0x5: {  	s0 =	smul.u32 $0x13C00, s15;
	[smem:$0x7FF] =	sst s4;
	s5 =	sand.u32 $0x1, s5  }
0x6: {  	s8 =	sadd.s32 $0xD600, s1;
	s9 =	sadd.s32 $0x3400, s1;
	s12 =	smul.u32 $0xA2, s15  }
0x7: {  	_ =	strace $0x8000004D;
	s7 =	smul.u32 $0x13C000, s5;
	s10 =	sshll.u32 s5, $0x4  }
0x8: {  	s11 =	smul.u32 $0xA20, s5;
	s5 =	ssub.s32 $0x2, s5;
	s6 =	sshrl.u32 s0, $0x3  }
0x9: {  	s10 =	sor.u32 s15, s10;
	s13 =	sshrl.u32 s5, $0x1;
	s6 =	sadd.s32 s6, s1  }
0xa: {  	s7 =	sadd.s32 s0, s7;
	s14 =	smul.u32 $0x510, s10;
	s5 =	ssub.s32 s5, s13  }
0xb: {  	s22 =	sadd.s32 s12, s11;
	s0 =	sadd.s32 s0, s3;
	s7 =	sshrl.u32 s7, $0x3  }
0xc: {  	s10 =	smul.u32 $0x2880, s10;
	[dreg:$0x1a] =	wrdreg s0;
	s1 =	sadd.s32 s7, s1  }
0xd: {  	s23 =	sadd.s32 s8, s14;
	s24 =	sadd.s32 s9, s14;
	s7 =	sshll.u32 s22, $0x3  }
0xe: {  	s25 =	sor.u32 $0x8, s14;
	s10 =	sshrl.u32 s10, $0x3;
	[dreg:$0xe] =	wrdreg s23  }
0xf: {  	[dreg:$0xf] =	wrdreg s24;
	s26 =	sadd.s32 $0x50, s7;
	s29 =	sadd.s32 s8, s25  }
0x10: {  	s11 =	sadd.s32 s9, s25;
	s16 =	sadd.s32 $0x10, s10;
	[dreg:$0x10] =	wrdreg s29  }
0x11: {  	s13 =	sadd.s32 $0x40, s7;
	[dreg:$0x11] =	wrdreg s11;
	s21 =	sadd.s32 s8, s16  }
0x12: {  	s7 =	sadd.s32 $0x30, s7;
	s25 =	sadd.s32 s9, s16;
	[dreg:$0x12] =	wrdreg s21  }
0x13: {  	s17 =	sadd.s32 s7, s8;
	[dreg:$0x13] =	wrdreg s25  }
0x14: {  	s16 =	sadd.s32 s7, s9;
	[dreg:$0xa] =	wrdreg s17  }
0x15: {  	s14 =	sadd.s32 s26, s8;
	[dreg:$0xb] =	wrdreg s16  }
0x16: {  	s20 =	sadd.s32 s26, s9;
	[dreg:$0xc] =	wrdreg s14  }
0x17: {  	s30 =	sadd.s32 $0x8, s14;
	[dreg:$0xd] =	wrdreg s20  }
0x18: {  	s22 =	sadd.s32 s13, s8;
	s12 =	sadd.s32 $0x8, s20;
	[dreg:$0x4] =	wrdreg s30  }
0x19: {  	s24 =	sadd.s32 s13, s9;
	s18 =	sadd.s32 $0x8, s22;
	[dreg:$0x5] =	wrdreg s12  }
0x1a: {  	s31 =	simm.s32 $0x40;
	s19 =	sadd.s32 $0x8, s24;
	[dreg:$0x6] =	wrdreg s18  }
0x1b: {  	s26 =	sadd.s32 $0x18, s10;
	s23 =	sadd.s32 $0x8, s17;
	[dreg:$0x7] =	wrdreg s19  }
0x1c: {  	s28 =	simm.s32 $0x6;
	s29 =	sadd.s32 s8, s26;
	[dreg:$0x8] =	wrdreg s23  }
0x1d: {  	s0 =	simm.s32 $0x0;
	s21 =	sadd.s32 $0x8, s16;
	[dreg:$0x14] =	wrdreg s29  }
0x1e: {  	s25 =	sshll.u32 s15, $0x6;
	s30 =	sadd.s32 s9, s26;
	[dreg:$0x9] =	wrdreg s21  }
0x1f: {  	s15 =	simm.s32 $0x3;
	s26 =	sadd.s32 $0x17800, s6;
	[dreg:$0x15] =	wrdreg s30  }
0x20: {  	s12 =	sadd.s32 $0x20, s10;
	s29 =	sadd.s32 $0x3F000, s1;
	[dreg:$0x1b] =	wrdreg s26  }
0x21: {  	s10 =	sadd.s32 $0x28, s10;
	s13 =	sadd.s32 s8, s12;
	[dreg:$0x1d] =	wrdreg s29  }
0x22: {  	s18 =	sadd.s32 s9, s12;
	s19 =	sadd.s32 s8, s10;
	[dreg:$0x16] =	wrdreg s13  }
0x23: {  	s23 =	sadd.s32 s9, s10;
	s26 =	sor.u32 $0x1C19, s25;
	[dreg:$0x17] =	wrdreg s18  }
0x24: {  	s30 =	smax.u32 s5, $0x1;
	s12 =	simm.s32 $0x80;
	[dreg:$0x18] =	wrdreg s19  }
0x25: {  	s5 =	simm.s32 $0x1;
	s8 =	simm.s32 $0x2;
	[dreg:$0x19] =	wrdreg s23  }
0x26: {  	[dreg:$0x1e] =	wrdreg s30;
	s13 =	simm.s32 $0xC0;
	s18 =	simm.s32 $0x100  }
0x27: {  	s19 =	simm.s32 $0x4;
	s23 =	simm.s32 $0x5;
	[dreg:$0x1c] =	wrdreg s26  }
.LBB2_1:
0x28: {  	[dreg:$0x1f] =	wrdreg s0  }
0x29: {  	s9 =	rddreg [dreg:$0x1a]  }
0x2a: {  	s21 =	rddreg [dreg:$0x1b];
	s11 =	sshrl.u32 s9, $0x3  }
0x2b: {  	s25 =	simm.s32 $0x19;
	[smem:$0x7FD] =	sst s11  }
0x2c: {  	[spmem:s11], [sflag:s26] =	dma.local [hbm:s21], $0x2780  }
0x2d: {  	_ =	swait.ge [sflag:s25], $0x2780  }
0x2e: {  	[sflag:s25] =	ssyncset.done $0x0  }
0x2f: {  	[sflag:s25] =	ssyncadd.s32 $0xFFFFD880  }
0x30: {  	[bflag:$0x0] =	sbarrier.arrive $0xFFFF  }
0x31: {  	s29 =	rddreg [dreg:$0xe]  }
0x32: {  	[tilespmem:s4], [sflag:$0x1] =	stream.linear.gather [hbm4b:s29+s4], $0x40, $0x38;
	[tilespmem:$0x1FF00] =	vst v63  }
0x33: {  	s10 =	simm.s32 $0x180;
	s30 =	rddreg [dreg:$0xf]  }
0x34: {  	[tilespmem:s10], [sflag:$0x7] =	stream.linear.gather [hbm4b:s30+s4], $0x40, $0x38;
	[tilespmem:$0x1FF00] =	vst v63  }
0x35: {  	s0 =	rddreg [dreg:$0x10]  }
0x36: {  	[tilespmem:s31], [sflag:$0x2] =	stream.linear.gather [hbm4b:s0+s4], $0x40, $0x38;
	[tilespmem:$0x1FF00] =	vst v63  }
0x37: {  	s26 =	simm.s32 $0x1C0;
	s1 =	rddreg [dreg:$0x11]  }
0x38: {  	[tilespmem:s26], [sflag:$0x8] =	stream.linear.gather [hbm4b:s1+s4], $0x40, $0x38;
	[tilespmem:$0x1FF00] =	vst v63  }
0x39: {  	s6 =	rddreg [dreg:$0x12]  }
0x3a: {  	[tilespmem:s12], [sflag:$0x3] =	stream.linear.gather [hbm4b:s6+s4], $0x40, $0x38;
	[tilespmem:$0x1FF00] =	vst v63  }
0x3b: {  	s7 =	rddreg [dreg:$0x13];
	s30 =	simm.s32 $0x200  }
0x3c: {  	[tilespmem:s30], [sflag:$0x9] =	stream.linear.gather [hbm4b:s7+s4], $0x40, $0x38;
	[tilespmem:$0x1FF00] =	vst v63  }
0x3d: {  	s11 =	rddreg [dreg:$0x14]  }
0x3e: {  	[tilespmem:s13], [sflag:$0x4] =	stream.linear.gather [hbm4b:s11+s4], $0x40, $0x38;
	[tilespmem:$0x1FF00] =	vst v63  }
0x3f: {  	s25 =	simm.s32 $0x240;
	s21 =	rddreg [dreg:$0x15]  }
0x40: {  	[tilespmem:s25], [sflag:$0xA] =	stream.linear.gather [hbm4b:s21+s4], $0x40, $0x38;
	[tilespmem:$0x1FF00] =	vst v63  }
0x41: {  	s29 =	rddreg [dreg:$0x16]  }
0x42: {  	[tilespmem:s18], [sflag:$0x5] =	stream.linear.gather [hbm4b:s29+s4], $0x40, $0x38;
	[tilespmem:$0x1FF00] =	vst v63  }
0x43: {  	s0 =	rddreg [dreg:$0x17];
	s1 =	simm.s32 $0x280  }
0x44: {  	[tilespmem:s1], [sflag:$0xB] =	stream.linear.gather [hbm4b:s0+s4], $0x40, $0x38;
	[tilespmem:$0x1FF00] =	vst v63  }
0x45: {  	s7 =	rddreg [dreg:$0x18];
	s0 =	simm.s32 $0x140  }
0x46: {  	[tilespmem:s0], [sflag:$0x6] =	stream.linear.gather [hbm4b:s7+s4], $0x40, $0x38;
	[tilespmem:$0x1FF00] =	vst v63  }
0x47: {  	s11 =	rddreg [dreg:$0x19];
	s1 =	simm.s32 $0x2C0  }
0x48: {  	[tilespmem:s1], [sflag:$0xC] =	stream.linear.gather [hbm4b:s11+s4], $0x40, $0x38;
	[tilespmem:$0x1FF00] =	vst v63  }
0x49: {  	_ =	swait.ge [sflag:s5], $0x40  }
0x4a: {  	[sflag:s5] =	ssyncset.done $0x0  }
0x4b: {  	s7 =	simm.s32 $0x300;
	[sflag:s5] =	ssyncadd.s32 $0xFFFFFFC0  }
0x4c: {  	[tilespmem:s7], [sflag:$0xD] =	stream.indirect.gather [hbm4b:s2+s31], $0x80, s4, s31, $0xb8;
	[tilespmem:$0x1FF00] =	vst v63  }
0x4d: {  	_ =	swait.ge [sflag:s8], $0x40  }
0x4e: {  	[sflag:s8] =	ssyncset.done $0x0  }
0x4f: {  	s9 =	simm.s32 $0x2300;
	[sflag:s8] =	ssyncadd.s32 $0xFFFFFFC0  }
0x50: {  	[tilespmem:s9], [sflag:$0xE] =	stream.indirect.gather [hbm4b:s2+s31], $0x80, s31, s31, $0xb8;
	[tilespmem:$0x1FF00] =	vst v63  }
0x51: {  	_ =	swait.ge [sflag:s15], $0x40  }
0x52: {  	[sflag:s15] =	ssyncset.done $0x0  }
0x53: {  	s11 =	simm.s32 $0x4300;
	[sflag:s15] =	ssyncadd.s32 $0xFFFFFFC0  }
0x54: {  	[tilespmem:s11], [sflag:$0xF] =	stream.indirect.gather [hbm4b:s2+s31], $0x80, s12, s31, $0xb8;
	[tilespmem:$0x1FF00] =	vst v63  }
0x55: {  	_ =	swait.ge [sflag:s19], $0x40  }
0x56: {  	[sflag:s19] =	ssyncset.done $0x0  }
0x57: {  	s21 =	simm.s32 $0x6300;
	[sflag:s19] =	ssyncadd.s32 $0xFFFFFFC0  }
0x58: {  	[tilespmem:s21], [sflag:$0x10] =	stream.indirect.gather [hbm4b:s2+s31], $0x80, s13, s31, $0xb8;
	[tilespmem:$0x1FF00] =	vst v63  }
0x59: {  	_ =	swait.ge [sflag:s23], $0x40  }
0x5a: {  	[sflag:s23] =	ssyncset.done $0x0  }
0x5b: {  	s29 =	simm.s32 $0x8300;
	[sflag:s23] =	ssyncadd.s32 $0xFFFFFFC0  }
0x5c: {  	[tilespmem:s29], [sflag:$0x11] =	stream.indirect.gather [hbm4b:s2+s31], $0x80, s18, s31, $0xb8;
	[tilespmem:$0x1FF00] =	vst v63  }
0x5d: {  	_ =	swait.ge [sflag:s28], $0x40  }
0x5e: {  	[sflag:s28] =	ssyncset.done $0x0  }
0x5f: {  	s25 =	simm.s32 $0xD;
	s1 =	simm.s32 $0xA300;
	[sflag:s28] =	ssyncadd.s32 $0xFFFFFFC0  }
0x60: {  	[tilespmem:s1], [sflag:$0x12] =	stream.indirect.gather [hbm4b:s2+s31], $0x80, s0, s31, $0xb8;
	[tilespmem:$0x1FF00] =	vst v63  }
0x61: {  	_ =	swait.ge [sflag:s25], $0x2000  }
0x62: {  	[sflag:s25] =	ssyncset.done $0x0  }
0x63: {  	[sflag:s25] =	ssyncadd.s32 $0xFFFFE000;
	s25 =	simm.s32 $0x7  }
0x64: {  	_ =	swait.ge [sflag:s25], $0x40  }
0x65: {  	[sflag:s25] =	ssyncset.done $0x0  }
0x66: {  	[sflag:s25] =	ssyncadd.s32 $0xFFFFFFC0  }
0x67: {  	[spmem:s3] =	stream.indirect.scatter.add.f32 [tilespmem:s7], [sflag:$0x13], $0x80, s10, s31, $0xb8;
	[tilespmem:$0x1FF00] =	vst v63  }
0x68: {  	s17 =	sadd.s32 $0x0, s17;
	s25 =	simm.s32 $0xE  }
0x69: {  	[tilespmem:s4], [sflag:$0x1] =	stream.linear.gather [hbm4b:s17+s4], $0x40, $0x38;
	[tilespmem:$0x1FF00] =	vst v63  }
0x6a: {  	_ =	swait.ge [sflag:s25], $0x2000  }
0x6b: {  	[sflag:s25] =	ssyncset.done $0x0  }
0x6c: {  	s17 =	simm.s32 $0x8;
	[sflag:s25] =	ssyncadd.s32 $0xFFFFE000  }
0x6d: {  	_ =	swait.ge [sflag:s17], $0x40  }
0x6e: {  	[sflag:s17] =	ssyncset.done $0x0  }
0x6f: {  	s25 =	rddreg [dreg:$0x8];
	[sflag:s17] =	ssyncadd.s32 $0xFFFFFFC0  }
0x70: {  	[spmem:s3] =	stream.indirect.scatter.add.f32 [tilespmem:s9], [sflag:$0x14], $0x80, s26, s31, $0xb8;
	[tilespmem:$0x1FF00] =	vst v63  }
0x71: {  	s25 =	sadd.s32 $0x0, s25  }
0x72: {  	[tilespmem:s31], [sflag:$0x2] =	stream.linear.gather [hbm4b:s25+s4], $0x40, $0x38;
	[tilespmem:$0x1FF00] =	vst v63  }
0x73: {  	s25 =	simm.s32 $0xF  }
0x74: {  	_ =	swait.ge [sflag:s25], $0x2000  }
0x75: {  	[sflag:s25] =	ssyncset.done $0x0  }
0x76: {  	[sflag:s25] =	ssyncadd.s32 $0xFFFFE000;
	s25 =	simm.s32 $0x9  }
0x77: {  	_ =	swait.ge [sflag:s25], $0x40  }
0x78: {  	[sflag:s25] =	ssyncset.done $0x0  }
0x79: {  	[sflag:s25] =	ssyncadd.s32 $0xFFFFFFC0  }
0x7a: {  	[spmem:s3] =	stream.indirect.scatter.add.f32 [tilespmem:s11], [sflag:$0x15], $0x80, s30, s31, $0xb8;
	[tilespmem:$0x1FF00] =	vst v63  }
0x7b: {  	s17 =	sadd.s32 $0x0, s22;
	s25 =	simm.s32 $0x10  }
0x7c: {  	[tilespmem:s12], [sflag:$0x3] =	stream.linear.gather [hbm4b:s17+s4], $0x40, $0x38;
	[tilespmem:$0x1FF00] =	vst v63  }
0x7d: {  	_ =	swait.ge [sflag:s25], $0x2000  }
0x7e: {  	[sflag:s25] =	ssyncset.done $0x0  }
0x7f: {  	s17 =	simm.s32 $0xA;
	[sflag:s25] =	ssyncadd.s32 $0xFFFFE000  }
0x80: {  	_ =	swait.ge [sflag:s17], $0x40  }
0x81: {  	[sflag:s17] =	ssyncset.done $0x0  }
0x82: {  	s6 =	simm.s32 $0x240;
	s25 =	rddreg [dreg:$0x6];
	[sflag:s17] =	ssyncadd.s32 $0xFFFFFFC0  }
0x83: {  	[spmem:s3] =	stream.indirect.scatter.add.f32 [tilespmem:s21], [sflag:$0x16], $0x80, s6, s31, $0xb8;
	[tilespmem:$0x1FF00] =	vst v63  }
0x84: {  	s25 =	sadd.s32 $0x0, s25  }
0x85: {  	[tilespmem:s13], [sflag:$0x4] =	stream.linear.gather [hbm4b:s25+s4], $0x40, $0x38;
	[tilespmem:$0x1FF00] =	vst v63  }
0x86: {  	s25 =	simm.s32 $0x11  }
0x87: {  	_ =	swait.ge [sflag:s25], $0x2000  }
0x88: {  	[sflag:s25] =	ssyncset.done $0x0  }
0x89: {  	s6 =	simm.s32 $0xB;
	[sflag:s25] =	ssyncadd.s32 $0xFFFFE000  }
0x8a: {  	_ =	swait.ge [sflag:s6], $0x40  }
0x8b: {  	[sflag:s6] =	ssyncset.done $0x0  }
0x8c: {  	[sflag:s6] =	ssyncadd.s32 $0xFFFFFFC0;
	s6 =	simm.s32 $0x280  }
0x8d: {  	[spmem:s3] =	stream.indirect.scatter.add.f32 [tilespmem:s29], [sflag:$0x17], $0x80, s6, s31, $0xb8;
	[tilespmem:$0x1FF00] =	vst v63  }
0x8e: {  	s17 =	sadd.s32 $0x0, s14;
	s25 =	simm.s32 $0x12  }
0x8f: {  	[tilespmem:s18], [sflag:$0x5] =	stream.linear.gather [hbm4b:s17+s4], $0x40, $0x38;
	[tilespmem:$0x1FF00] =	vst v63  }
0x90: {  	_ =	swait.ge [sflag:s25], $0x2000  }
0x91: {  	[sflag:s25] =	ssyncset.done $0x0  }
0x92: {  	s14 =	simm.s32 $0xC;
	[sflag:s25] =	ssyncadd.s32 $0xFFFFE000  }
0x93: {  	_ =	swait.ge [sflag:s14], $0x40  }
0x94: {  	[sflag:s14] =	ssyncset.done $0x0  }
0x95: {  	s25 =	rddreg [dreg:$0x4];
	[sflag:s14] =	ssyncadd.s32 $0xFFFFFFC0;
	s14 =	simm.s32 $0x2C0  }
0x96: {  	[spmem:s3] =	stream.indirect.scatter.add.f32 [tilespmem:s1], [sflag:$0x18], $0x80, s14, s31, $0xb8;
	[tilespmem:$0x1FF00] =	vst v63  }
0x97: {  	s25 =	sadd.s32 $0x0, s25  }
0x98: {  	[tilespmem:s0], [sflag:$0x6] =	stream.linear.gather [hbm4b:s25+s4], $0x40, $0x38;
	[tilespmem:$0x1FF00] =	vst v63  }
0x99: {  	s25 =	simm.s32 $0x13  }
0x9a: {  	_ =	swait.ge [sflag:s25], $0x2000  }
0x9b: {  	[sflag:s25] =	ssyncset.done $0x0  }
0x9c: {  	s1 =	sadd.s32 $0x0, s16;
	[sflag:s25] =	ssyncadd.s32 $0xFFFFE000  }
0x9d: {  	[tilespmem:s10], [sflag:$0x7] =	stream.linear.gather [hbm4b:s1+s4], $0x40, $0x38;
	[tilespmem:$0x1FF00] =	vst v63  }
0x9e: {  	_ =	swait.ge [sflag:s5], $0x40  }
0x9f: {  	[sflag:s5] =	ssyncset.done $0x0  }
0xa0: {  	[sflag:s5] =	ssyncadd.s32 $0xFFFFFFC0;
	s5 =	simm.s32 $0x14  }
0xa1: {  	[tilespmem:s7], [sflag:$0xD] =	stream.indirect.gather [hbm4b:s2+s31], $0x80, s4, s31, $0xb8;
	[tilespmem:$0x1FF00] =	vst v63  }
0xa2: {  	_ =	swait.ge [sflag:s5], $0x2000  }
0xa3: {  	s7 =	rddreg [dreg:$0x9];
	[sflag:s5] =	ssyncset.done $0x0  }
0xa4: {  	[sflag:s5] =	ssyncadd.s32 $0xFFFFE000;
	s25 =	sadd.s32 $0x0, s7  }
0xa5: {  	[tilespmem:s26], [sflag:$0x8] =	stream.linear.gather [hbm4b:s25+s4], $0x40, $0x38;
	[tilespmem:$0x1FF00] =	vst v63  }
0xa6: {  	_ =	swait.ge [sflag:s8], $0x40  }
0xa7: {  	[sflag:s8] =	ssyncset.done $0x0  }
0xa8: {  	[sflag:s8] =	ssyncadd.s32 $0xFFFFFFC0  }
0xa9: {  	[tilespmem:s9], [sflag:$0xE] =	stream.indirect.gather [hbm4b:s2+s31], $0x80, s31, s31, $0xb8;
	[tilespmem:$0x1FF00] =	vst v63  }
0xaa: {  	s9 =	simm.s32 $0x15  }
0xab: {  	_ =	swait.ge [sflag:s9], $0x2000  }
0xac: {  	[sflag:s9] =	ssyncset.done $0x0  }
0xad: {  	s10 =	sadd.s32 $0x0, s24;
	[sflag:s9] =	ssyncadd.s32 $0xFFFFE000  }
0xae: {  	[tilespmem:s30], [sflag:$0x9] =	stream.linear.gather [hbm4b:s10+s4], $0x40, $0x38;
	[tilespmem:$0x1FF00] =	vst v63  }
0xaf: {  	_ =	swait.ge [sflag:s15], $0x40  }
0xb0: {  	[sflag:s15] =	ssyncset.done $0x0  }
0xb1: {  	[sflag:s15] =	ssyncadd.s32 $0xFFFFFFC0;
	s15 =	simm.s32 $0x16  }
0xb2: {  	[tilespmem:s11], [sflag:$0xF] =	stream.indirect.gather [hbm4b:s2+s31], $0x80, s12, s31, $0xb8;
	[tilespmem:$0x1FF00] =	vst v63  }
0xb3: {  	_ =	swait.ge [sflag:s15], $0x2000  }
0xb4: {  	s16 =	rddreg [dreg:$0x7];
	[sflag:s15] =	ssyncset.done $0x0  }
0xb5: {  	s17 =	simm.s32 $0x240;
	[sflag:s15] =	ssyncadd.s32 $0xFFFFE000;
	s25 =	sadd.s32 $0x0, s16  }
0xb6: {  	[tilespmem:s17], [sflag:$0xA] =	stream.linear.gather [hbm4b:s25+s4], $0x40, $0x38;
	[tilespmem:$0x1FF00] =	vst v63  }
0xb7: {  	_ =	swait.ge [sflag:s19], $0x40  }
0xb8: {  	[sflag:s19] =	ssyncset.done $0x0  }
0xb9: {  	s25 =	simm.s32 $0x17;
	[sflag:s19] =	ssyncadd.s32 $0xFFFFFFC0  }
0xba: {  	[tilespmem:s21], [sflag:$0x10] =	stream.indirect.gather [hbm4b:s2+s31], $0x80, s13, s31, $0xb8;
	[tilespmem:$0x1FF00] =	vst v63  }
0xbb: {  	_ =	swait.ge [sflag:s25], $0x2000  }
0xbc: {  	[sflag:s25] =	ssyncset.done $0x0  }
0xbd: {  	s26 =	sadd.s32 $0x0, s20;
	[sflag:s25] =	ssyncadd.s32 $0xFFFFE000  }
0xbe: {  	[tilespmem:s6], [sflag:$0xB] =	stream.linear.gather [hbm4b:s26+s4], $0x40, $0x38;
	[tilespmem:$0x1FF00] =	vst v63  }
0xbf: {  	_ =	swait.ge [sflag:s23], $0x40  }
0xc0: {  	[sflag:s23] =	ssyncset.done $0x0  }
0xc1: {  	[sflag:s23] =	ssyncadd.s32 $0xFFFFFFC0  }
0xc2: {  	[tilespmem:s29], [sflag:$0x11] =	stream.indirect.gather [hbm4b:s2+s31], $0x80, s18, s31, $0xb8;
	[tilespmem:$0x1FF00] =	vst v63  }
0xc3: {  	s29 =	simm.s32 $0x18  }
0xc4: {  	_ =	swait.ge [sflag:s29], $0x2000  }
0xc5: {  	s30 =	rddreg [dreg:$0x5];
	[sflag:s29] =	ssyncset.done $0x0  }
0xc6: {  	[sflag:s29] =	ssyncadd.s32 $0xFFFFE000;
	s25 =	sadd.s32 $0x0, s30  }
0xc7: {  	[tilespmem:s14], [sflag:$0xC] =	stream.linear.gather [hbm4b:s25+s4], $0x40, $0x38;
	[tilespmem:$0x1FF00] =	vst v63  }
0xc8: {  	_ =	swait.ge [sflag:s28], $0x40  }
0xc9: {  	s7 =	simm.s32 $0x1;
	[sflag:s28] =	ssyncset.done $0x0  }
0xca: {  	s20 =	simm.s32 $0x80;
	s26 =	simm.s32 $0x30;
	[sflag:s28] =	ssyncadd.s32 $0xFFFFFFC0  }
.LBB2_2:
0xcb: {  	s1 =	simm.s32 $0x140;
	s5 =	simm.s32 $0xA300;
	s0 =	simm.s32 $0xD  }
0xcc: {  	[tilespmem:s5], [sflag:$0x12] =	stream.indirect.gather [hbm4b:s2+s31], $0x80, s1, s31, $0xb8;
	[tilespmem:$0x1FF00] =	vst v63  }
0xcd: {  	_ =	swait.ge [sflag:s0], $0x2000  }
0xce: {  	[sflag:s0] =	ssyncset.done $0x0  }
0xcf: {  	s10 =	simm.s32 $0x7;
	[sflag:s0] =	ssyncadd.s32 $0xFFFFE000  }
0xd0: {  	_ =	swait.ge [sflag:s10], $0x40  }
0xd1: {  	s25 =	smov.u32 s26;
	s8 =	simm.s32 $0x300;
	[sflag:s10] =	ssyncset.done $0x0  }
0xd2: {  	s11 =	rddreg [dreg:$0xa];
	[sflag:s10] =	ssyncadd.s32 $0xFFFFFFC0;
	s10 =	simm.s32 $0x180  }
0xd3: {  	[spmem:s3] =	stream.indirect.scatter.add.f32 [tilespmem:s8], [sflag:$0x13], $0x80, s10, s31, $0xb8;
	[tilespmem:$0x1FF00] =	vst v63  }
0xd4: {  	s12 =	simm.s32 $0xE;
	s9 =	sadd.s32 s25, s11  }
0xd5: {  	[tilespmem:s4], [sflag:$0x1] =	stream.linear.gather [hbm4b:s9+s4], $0x40, $0x38;
	[tilespmem:$0x1FF00] =	vst v63  }
0xd6: {  	_ =	swait.ge [sflag:s12], $0x2000  }
0xd7: {  	[sflag:s12] =	ssyncset.done $0x0  }
0xd8: {  	s13 =	simm.s32 $0x8;
	[sflag:s12] =	ssyncadd.s32 $0xFFFFE000  }
0xd9: {  	_ =	swait.ge [sflag:s13], $0x40  }
0xda: {  	s15 =	simm.s32 $0x2300;
	[sflag:s13] =	ssyncset.done $0x0  }
0xdb: {  	s11 =	simm.s32 $0x1C0;
	s14 =	rddreg [dreg:$0x8];
	[sflag:s13] =	ssyncadd.s32 $0xFFFFFFC0  }
0xdc: {  	[spmem:s3] =	stream.indirect.scatter.add.f32 [tilespmem:s15], [sflag:$0x14], $0x80, s11, s31, $0xb8;
	[tilespmem:$0x1FF00] =	vst v63  }
0xdd: {  	s16 =	simm.s32 $0xF;
	s9 =	sadd.s32 s25, s14  }
0xde: {  	[tilespmem:s31], [sflag:$0x2] =	stream.linear.gather [hbm4b:s9+s4], $0x40, $0x38;
	[tilespmem:$0x1FF00] =	vst v63  }
0xdf: {  	_ =	swait.ge [sflag:s16], $0x2000  }
0xe0: {  	[sflag:s16] =	ssyncset.done $0x0  }
0xe1: {  	s17 =	simm.s32 $0x9;
	[sflag:s16] =	ssyncadd.s32 $0xFFFFE000  }
0xe2: {  	_ =	swait.ge [sflag:s17], $0x40  }
0xe3: {  	[sflag:s17] =	ssyncset.done $0x0  }
0xe4: {  	s19 =	simm.s32 $0x4300;
	s13 =	simm.s32 $0x200;
	[sflag:s17] =	ssyncadd.s32 $0xFFFFFFC0  }
0xe5: {  	[spmem:s3] =	stream.indirect.scatter.add.f32 [tilespmem:s19], [sflag:$0x15], $0x80, s13, s31, $0xb8;
	[tilespmem:$0x1FF00] =	vst v63  }
0xe6: {  	s21 =	simm.s32 $0x10;
	s18 =	sadd.s32 s25, s22  }
0xe7: {  	[tilespmem:s20], [sflag:$0x3] =	stream.linear.gather [hbm4b:s18+s4], $0x40, $0x38;
	[tilespmem:$0x1FF00] =	vst v63  }
0xe8: {  	_ =	swait.ge [sflag:s21], $0x2000  }
0xe9: {  	[sflag:s21] =	ssyncset.done $0x0  }
0xea: {  	s23 =	simm.s32 $0xA;
	[sflag:s21] =	ssyncadd.s32 $0xFFFFE000  }
0xeb: {  	_ =	swait.ge [sflag:s23], $0x40  }
0xec: {  	s18 =	simm.s32 $0x240;
	[sflag:s23] =	ssyncset.done $0x0  }
0xed: {  	s6 =	rddreg [dreg:$0x6];
	[sflag:s23] =	ssyncadd.s32 $0xFFFFFFC0;
	s23 =	simm.s32 $0x6300  }
0xee: {  	[spmem:s3] =	stream.indirect.scatter.add.f32 [tilespmem:s23], [sflag:$0x16], $0x80, s18, s31, $0xb8;
	[tilespmem:$0x1FF00] =	vst v63  }
0xef: {  	s29 =	simm.s32 $0xC0;
	s9 =	sadd.s32 s25, s6  }
0xf0: {  	[tilespmem:s29], [sflag:$0x4] =	stream.linear.gather [hbm4b:s9+s4], $0x40, $0x38;
	[tilespmem:$0x1FF00] =	vst v63  }
0xf1: {  	s9 =	simm.s32 $0x11  }
0xf2: {  	_ =	swait.ge [sflag:s9], $0x2000  }
0xf3: {  	[sflag:s9] =	ssyncset.done $0x0  }
0xf4: {  	s12 =	simm.s32 $0xB;
	[sflag:s9] =	ssyncadd.s32 $0xFFFFE000  }
0xf5: {  	_ =	swait.ge [sflag:s12], $0x40  }
0xf6: {  	s28 =	simm.s32 $0x8300;
	[sflag:s12] =	ssyncset.done $0x0  }
0xf7: {  	s0 =	simm.s32 $0x280;
	s6 =	rddreg [dreg:$0xc];
	[sflag:s12] =	ssyncadd.s32 $0xFFFFFFC0  }
0xf8: {  	[spmem:s3] =	stream.indirect.scatter.add.f32 [tilespmem:s28], [sflag:$0x17], $0x80, s0, s31, $0xb8;
	[tilespmem:$0x1FF00] =	vst v63  }
0xf9: {  	s30 =	simm.s32 $0x100;
	s16 =	simm.s32 $0x12;
	s14 =	sadd.s32 s25, s6  }
0xfa: {  	[tilespmem:s30], [sflag:$0x5] =	stream.linear.gather [hbm4b:s14+s4], $0x40, $0x38;
	[tilespmem:$0x1FF00] =	vst v63  }
0xfb: {  	_ =	swait.ge [sflag:s16], $0x2000  }
0xfc: {  	[sflag:s16] =	ssyncset.done $0x0  }
0xfd: {  	s17 =	simm.s32 $0xC;
	[sflag:s16] =	ssyncadd.s32 $0xFFFFE000  }
0xfe: {  	_ =	swait.ge [sflag:s17], $0x40  }
0xff: {  	[sflag:s17] =	ssyncset.done $0x0  }
0x100: {  	s6 =	simm.s32 $0x2C0;
	s21 =	rddreg [dreg:$0x4];
	[sflag:s17] =	ssyncadd.s32 $0xFFFFFFC0  }
0x101: {  	[spmem:s3] =	stream.indirect.scatter.add.f32 [tilespmem:s5], [sflag:$0x18], $0x80, s6, s31, $0xb8;
	[tilespmem:$0x1FF00] =	vst v63  }
0x102: {  	s9 =	sadd.s32 s25, s21  }
0x103: {  	[tilespmem:s1], [sflag:$0x6] =	stream.linear.gather [hbm4b:s9+s4], $0x40, $0x38;
	[tilespmem:$0x1FF00] =	vst v63  }
0x104: {  	s9 =	simm.s32 $0x13  }
0x105: {  	_ =	swait.ge [sflag:s9], $0x2000  }
0x106: {  	[sflag:s9] =	ssyncset.done $0x0;
	s12 =	rddreg [dreg:$0xb]  }
0x107: {  	[sflag:s9] =	ssyncadd.s32 $0xFFFFE000;
	s14 =	sadd.s32 s25, s12  }
0x108: {  	[tilespmem:s10], [sflag:$0x7] =	stream.linear.gather [hbm4b:s14+s4], $0x40, $0x38;
	[tilespmem:$0x1FF00] =	vst v63  }
0x109: {  	_ =	swait.ge [sflag:s7], $0x40  }
0x10a: {  	[sflag:s7] =	ssyncset.done $0x0  }
0x10b: {  	s16 =	simm.s32 $0x14;
	[sflag:s7] =	ssyncadd.s32 $0xFFFFFFC0  }
0x10c: {  	[tilespmem:s8], [sflag:$0xD] =	stream.indirect.gather [hbm4b:s2+s31], $0x80, s4, s31, $0xb8;
	[tilespmem:$0x1FF00] =	vst v63  }
0x10d: {  	_ =	swait.ge [sflag:s16], $0x2000  }
0x10e: {  	s17 =	rddreg [dreg:$0x9];
	[sflag:s16] =	ssyncset.done $0x0  }
0x10f: {  	s8 =	simm.s32 $0x2;
	[sflag:s16] =	ssyncadd.s32 $0xFFFFE000;
	s9 =	sadd.s32 s25, s17  }
0x110: {  	[tilespmem:s11], [sflag:$0x8] =	stream.linear.gather [hbm4b:s9+s4], $0x40, $0x38;
	[tilespmem:$0x1FF00] =	vst v63  }
0x111: {  	_ =	swait.ge [sflag:s8], $0x40  }
0x112: {  	[sflag:s8] =	ssyncset.done $0x0  }
0x113: {  	s21 =	simm.s32 $0x15;
	[sflag:s8] =	ssyncadd.s32 $0xFFFFFFC0  }
0x114: {  	[tilespmem:s15], [sflag:$0xE] =	stream.indirect.gather [hbm4b:s2+s31], $0x80, s31, s31, $0xb8;
	[tilespmem:$0x1FF00] =	vst v63  }
0x115: {  	_ =	swait.ge [sflag:s21], $0x2000  }
0x116: {  	[sflag:s21] =	ssyncset.done $0x0  }
0x117: {  	s1 =	sadd.s32 s25, s24;
	s15 =	simm.s32 $0x3;
	[sflag:s21] =	ssyncadd.s32 $0xFFFFE000  }
0x118: {  	[tilespmem:s13], [sflag:$0x9] =	stream.linear.gather [hbm4b:s1+s4], $0x40, $0x38;
	[tilespmem:$0x1FF00] =	vst v63  }
0x119: {  	_ =	swait.ge [sflag:s15], $0x40  }
0x11a: {  	[sflag:s15] =	ssyncset.done $0x0  }
0x11b: {  	s12 =	simm.s32 $0x16;
	[sflag:s15] =	ssyncadd.s32 $0xFFFFFFC0  }
0x11c: {  	[tilespmem:s19], [sflag:$0xF] =	stream.indirect.gather [hbm4b:s2+s31], $0x80, s20, s31, $0xb8;
	[tilespmem:$0x1FF00] =	vst v63  }
0x11d: {  	_ =	swait.ge [sflag:s12], $0x2000  }
0x11e: {  	s17 =	rddreg [dreg:$0x7];
	[sflag:s12] =	ssyncset.done $0x0  }
0x11f: {  	s19 =	simm.s32 $0x4;
	[sflag:s12] =	ssyncadd.s32 $0xFFFFE000;
	s9 =	sadd.s32 s25, s17  }
0x120: {  	[tilespmem:s18], [sflag:$0xA] =	stream.linear.gather [hbm4b:s9+s4], $0x40, $0x38;
	[tilespmem:$0x1FF00] =	vst v63  }
0x121: {  	_ =	swait.ge [sflag:s19], $0x40  }
0x122: {  	[sflag:s19] =	ssyncset.done $0x0  }
0x123: {  	s13 =	simm.s32 $0xC0;
	s12 =	simm.s32 $0x17;
	[sflag:s19] =	ssyncadd.s32 $0xFFFFFFC0  }
0x124: {  	[tilespmem:s23], [sflag:$0x10] =	stream.indirect.gather [hbm4b:s2+s31], $0x80, s13, s31, $0xb8;
	[tilespmem:$0x1FF00] =	vst v63  }
0x125: {  	p0 =	sne.s32 s26, $0x4B0;
	_ =	swait.ge [sflag:s12], $0x2000  }
0x126: {  	s26 =	sadd.s32 $0x30, s26;
	[sflag:s12] =	ssyncset.done $0x0;
	s9 =	rddreg [dreg:$0xd]  }
0x127: {  	s23 =	simm.s32 $0x5;
	[sflag:s12] =	ssyncadd.s32 $0xFFFFE000;
	s12 =	sadd.s32 s25, s9  }
0x128: {  	[tilespmem:s0], [sflag:$0xB] =	stream.linear.gather [hbm4b:s12+s4], $0x40, $0x38;
	[tilespmem:$0x1FF00] =	vst v63  }
0x129: {  	s29 =	simm.s32 $0x180;
	s30 =	simm.s32 $0x240;
	_ =	swait.ge [sflag:s23], $0x40  }
0x12a: {  	s5 =	simm.s32 $0x140;
	s14 =	simm.s32 $0x300;
	[sflag:s23] =	ssyncset.done $0x0  }
0x12b: {  	s18 =	simm.s32 $0x100;
	s0 =	simm.s32 $0x18;
	[sflag:s23] =	ssyncadd.s32 $0xFFFFFFC0  }
0x12c: {  	[tilespmem:s28], [sflag:$0x11] =	stream.indirect.gather [hbm4b:s2+s31], $0x80, s18, s31, $0xb8;
	[tilespmem:$0x1FF00] =	vst v63  }
0x12d: {  	s10 =	simm.s32 $0x1C0;
	s16 =	simm.s32 $0x2300;
	_ =	swait.ge [sflag:s0], $0x2000  }
0x12e: {  	s28 =	simm.s32 $0x6;
	s9 =	rddreg [dreg:$0x5];
	[sflag:s0] =	ssyncset.done $0x0  }
.Ltmp0:
0x12f: {  	[sflag:s0] =	ssyncadd.s32 $0xFFFFE000;
	s9 =	sadd.s32 s25, s9;
	(pc) =	sbr.rel @p0 .LBB2_2-.Ltmp0, $4  }
0x130: {  	[tilespmem:s6], [sflag:$0xC] =	stream.linear.gather [hbm4b:s9+s4], $0x40, $0x38;
	[tilespmem:$0x1FF00] =	vst v63  }
0x131: {  	s11 =	simm.s32 $0x200;
	s21 =	simm.s32 $0x4300;
	_ =	swait.ge [sflag:s28], $0x40  }
0x132: {  	s1 =	simm.s32 $0x280;
	s17 =	simm.s32 $0x6300;
	[sflag:s28] =	ssyncset.done $0x0  }
0x133: {  	s12 =	simm.s32 $0x8300;
	s0 =	simm.s32 $0x2C0;
	[sflag:s28] =	ssyncadd.s32 $0xFFFFFFC0  }
0x134: {  	s6 =	simm.s32 $0xA300;
	s26 =	simm.s32 $0xD  }
0x135: {  	[tilespmem:s6], [sflag:$0x12] =	stream.indirect.gather [hbm4b:s2+s31], $0x80, s5, s31, $0xb8;
	[tilespmem:$0x1FF00] =	vst v63  }
0x136: {  	_ =	swait.ge [sflag:s26], $0x2000  }
0x137: {  	[sflag:s26] =	ssyncset.done $0x0  }
0x138: {  	s7 =	simm.s32 $0x7;
	[sflag:s26] =	ssyncadd.s32 $0xFFFFE000  }
0x139: {  	_ =	swait.ge [sflag:s7], $0x40  }
0x13a: {  	[sflag:s7] =	ssyncset.done $0x0  }
0x13b: {  	s9 =	simm.s32 $0xE;
	[sflag:s7] =	ssyncadd.s32 $0xFFFFFFC0  }
0x13c: {  	[spmem:s3] =	stream.indirect.scatter.add.f32 [tilespmem:s14], [sflag:$0x13], $0x80, s29, s31, $0xb8;
	[tilespmem:$0x1FF00] =	vst v63  }
0x13d: {  	_ =	swait.ge [sflag:s9], $0x2000  }
0x13e: {  	[sflag:s9] =	ssyncset.done $0x0  }
0x13f: {  	s14 =	simm.s32 $0x8;
	[sflag:s9] =	ssyncadd.s32 $0xFFFFE000  }
0x140: {  	_ =	swait.ge [sflag:s14], $0x40  }
0x141: {  	[sflag:s14] =	ssyncset.done $0x0  }
0x142: {  	[sflag:s14] =	ssyncadd.s32 $0xFFFFFFC0  }
0x143: {  	[spmem:s3] =	stream.indirect.scatter.add.f32 [tilespmem:s16], [sflag:$0x14], $0x80, s10, s31, $0xb8;
	[tilespmem:$0x1FF00] =	vst v63  }
0x144: {  	s16 =	simm.s32 $0xF  }
0x145: {  	_ =	swait.ge [sflag:s16], $0x2000  }
0x146: {  	[sflag:s16] =	ssyncset.done $0x0  }
0x147: {  	s20 =	simm.s32 $0x9;
	[sflag:s16] =	ssyncadd.s32 $0xFFFFE000  }
0x148: {  	_ =	swait.ge [sflag:s20], $0x40  }
0x149: {  	[sflag:s20] =	ssyncset.done $0x0  }
0x14a: {  	s25 =	simm.s32 $0x10;
	[sflag:s20] =	ssyncadd.s32 $0xFFFFFFC0  }
0x14b: {  	[spmem:s3] =	stream.indirect.scatter.add.f32 [tilespmem:s21], [sflag:$0x15], $0x80, s11, s31, $0xb8;
	[tilespmem:$0x1FF00] =	vst v63  }
0x14c: {  	_ =	swait.ge [sflag:s25], $0x2000  }
0x14d: {  	[sflag:s25] =	ssyncset.done $0x0  }
0x14e: {  	s26 =	simm.s32 $0xA;
	[sflag:s25] =	ssyncadd.s32 $0xFFFFE000  }
0x14f: {  	_ =	swait.ge [sflag:s26], $0x40  }
0x150: {  	[sflag:s26] =	ssyncset.done $0x0  }
0x151: {  	s29 =	simm.s32 $0x11;
	[sflag:s26] =	ssyncadd.s32 $0xFFFFFFC0  }
0x152: {  	[spmem:s3] =	stream.indirect.scatter.add.f32 [tilespmem:s17], [sflag:$0x16], $0x80, s30, s31, $0xb8;
	[tilespmem:$0x1FF00] =	vst v63  }
0x153: {  	_ =	swait.ge [sflag:s29], $0x2000  }
0x154: {  	[sflag:s29] =	ssyncset.done $0x0  }
0x155: {  	s30 =	simm.s32 $0xB;
	[sflag:s29] =	ssyncadd.s32 $0xFFFFE000  }
0x156: {  	_ =	swait.ge [sflag:s30], $0x40  }
0x157: {  	[sflag:s30] =	ssyncset.done $0x0  }
0x158: {  	s7 =	simm.s32 $0x12;
	[sflag:s30] =	ssyncadd.s32 $0xFFFFFFC0  }
0x159: {  	[spmem:s3] =	stream.indirect.scatter.add.f32 [tilespmem:s12], [sflag:$0x17], $0x80, s1, s31, $0xb8;
	[tilespmem:$0x1FF00] =	vst v63  }
0x15a: {  	_ =	swait.ge [sflag:s7], $0x2000  }
0x15b: {  	[sflag:s7] =	ssyncset.done $0x0  }
0x15c: {  	s9 =	simm.s32 $0xC;
	[sflag:s7] =	ssyncadd.s32 $0xFFFFE000  }
0x15d: {  	_ =	swait.ge [sflag:s9], $0x40  }
0x15e: {  	[sflag:s9] =	ssyncset.done $0x0  }
0x15f: {  	s10 =	simm.s32 $0x13;
	[sflag:s9] =	ssyncadd.s32 $0xFFFFFFC0  }
0x160: {  	[spmem:s3] =	stream.indirect.scatter.add.f32 [tilespmem:s6], [sflag:$0x18], $0x80, s0, s31, $0xb8;
	[tilespmem:$0x1FF00] =	vst v63  }
0x161: {  	_ =	swait.ge [sflag:s10], $0x2000  }
0x162: {  	[sflag:s10] =	ssyncset.done $0x0  }
0x163: {  	s11 =	simm.s32 $0x14;
	[sflag:s10] =	ssyncadd.s32 $0xFFFFE000  }
0x164: {  	_ =	swait.ge [sflag:s11], $0x2000  }
0x165: {  	[sflag:s11] =	ssyncset.done $0x0  }
0x166: {  	s12 =	simm.s32 $0x15;
	[sflag:s11] =	ssyncadd.s32 $0xFFFFE000  }
0x167: {  	_ =	swait.ge [sflag:s12], $0x2000  }
0x168: {  	[sflag:s12] =	ssyncset.done $0x0  }
0x169: {  	s14 =	simm.s32 $0x16;
	[sflag:s12] =	ssyncadd.s32 $0xFFFFE000  }
0x16a: {  	_ =	swait.ge [sflag:s14], $0x2000  }
0x16b: {  	[sflag:s14] =	ssyncset.done $0x0  }
0x16c: {  	s16 =	simm.s32 $0x17;
	[sflag:s14] =	ssyncadd.s32 $0xFFFFE000  }
0x16d: {  	_ =	swait.ge [sflag:s16], $0x2000  }
0x16e: {  	[sflag:s16] =	ssyncset.done $0x0  }
0x16f: {  	s17 =	simm.s32 $0x18;
	[sflag:s16] =	ssyncadd.s32 $0xFFFFE000  }
0x170: {  	_ =	swait.ge [sflag:s17], $0x2000  }
0x171: {  	[sflag:s17] =	ssyncset.done $0x0  }
0x172: {  	[sflag:s17] =	ssyncadd.s32 $0xFFFFE000  }
0x173: {  	[bflag:$0x0] =	sbarrier.arrive $0xFFFF  }
0x174: {  	s20 =	sld [smem:$0x7FD]  }
0x175: {  	s26 =	rddreg [dreg:$0x1c]  }
0x176: {  	s21 =	simm.s32 $0x19;
	s9 =	rddreg [dreg:$0x1d]  }
0x177: {  	[hbm:s9], [sflag:s26] =	dma.local [spmem:s20], $0x2780  }
0x178: {  	_ =	swait.ge [sflag:s21], $0x2780  }
0x179: {  	s25 =	rddreg [dreg:$0x1f]  }
0x17a: {  	s29 =	rddreg [dreg:$0x1e];
	s0 =	sadd.s32 $0x1, s25  }
0x17b: {  	p0 =	sne.s32 s0, s29  }
.Ltmp1:
0x17c: {  	_ = 	snop;
	(pc) =	sbr.rel @p0 .LBB2_1-.Ltmp1, $4  }
0x17d: {  	s14 =	rddreg [dreg:$0xc]  }
0x17e: {  	s5 =	simm.s32 $0x1;
	s20 =	rddreg [dreg:$0xd]  }
0x17f: {  	s30 =	simm.s32 $0x19;
	[sflag:s21] =	ssyncset.done $0x0;
	s17 =	rddreg [dreg:$0xa]  }
0x180: {  	s12 =	simm.s32 $0x80;
	s16 =	rddreg [dreg:$0xb];
	[sflag:s30] =	ssyncadd.s32 $0xFFFFD880  }
0x181: {  	_ =	sfence.sel $0x180000  }
0x182: {  	[bflag:$0x0] =	sbarrier.arrive $0xFFFF  }
0x183: {  	_ =	strace $0x9000004D  }
0x184: {  	s0 =	stileid.u32;
	[bflag:$0x2] =	sbarrier.arrive $0xFFFF  }
0x185: {  	p0 =	sne.s32 s0, $0x0;
	s0 =	rddreg [dreg:$0x3]  }
0x186: {  	s0 =	sadd.s32 @!p0 $0x100000, s0  }
0x187: {  	[sflag:s0] =	ssyncadd.tile.s32 @!p0 $0x1;
	_ =	shalt  }
.Lfunc_end2:
_tile_overlayer_lowered:
.L_overlay_start_2:
0x188: {  	(tag) =	ssettag $0x2  }
0x189: {  	s0 =	rddreg [dreg:$0x0];
	s2 =	stileid.u32  }
0x18a: {  	s1 =	rddreg [dreg:$0x1];
	p0 =	sne.s32 s2, $0x0  }
0x18b: {  	s3 =	rddreg [dreg:$0x2];
	[bflag:$0x3] =	sbarrier.arrive $0xFFFF;
	s2 =	simm.s32 @!p0 $0x1C19  }
0x18c: {  	[timem:s3], [sflag:s2] =	dma.local @!p0 [hbm:s0], s1  }
0x18d: {  	s0 =	simm.s32 @!p0 $0x19  }
0x18e: {  	_ =	swait.ge @!p0 [sflag:s0], s1  }
0x18f: {  	s1 =	ssub.s32 @!p0 $0x0, s1;
	[sflag:s0] =	ssyncset.done @!p0 $0x0  }
0x190: {  	[sflag:s0] =	ssyncadd.s32 @!p0 s1  }
0x191: {  	[bflag:$0x3] =	sbarrier.arrive $0xFFFF  }
0x192: {  	_ =	shalt  }

// kernel: kernel.8.cloned.1.call-start
scs
__scs_entry_jumppad:
0x0: {  	(pc) =	sbr.rel $0x88, $3  }
0x1: {  	(tag) =	ssettag $0x0;
	lr =	simm.s32 $0x1  }
0x2: {  	[smem:$0x3F97] =	sst lr;
	_ =	strace $0xD0000000  }
0x3: {  	_ = 	snop  }
0x4: {  	_ = 	snop  }
0x5: {  	_ = 	snop  }
0x6: {  	_ = 	snop  }
0x7: {  	_ = 	snop  }
__scs_overlays_trampoline_lowered:
0x8: {  	[smem:$0x3FA6] =	sst s0  }
0x9: {  	[smem:$0x3FA7] =	sst s1  }
0xa: {  	[smem:$0x3FA8] =	sst s2  }
0xb: {  	[smem:$0x3FA9] =	sst s3  }
0xc: {  	[smem:$0x3FAA] =	sst s4  }
0xd: {  	[smem:$0x3FAB] =	sst s5  }
0xe: {  	[smem:$0x3FAC] =	sst s6  }
0xf: {  	[smem:$0x3FAD] =	sst s7  }
0x10: {  	[smem:$0x3FAE] =	sst s8  }
0x11: {  	[smem:$0x3FAF] =	sst s9;
	s0 =	simm.s32 @!p0 $0x0  }
0x12: {  	s1 =	sld [smem:$0x3F95];
	s0 =	simm.s32 @p0 $0x1  }
0x13: {  	[smem:$0x3FB0] =	sst s0;
	s0 =	simm.s32 @!p1 $0x0  }
0x14: {  	s2 =	sld [smem:$0x3F94];
	s0 =	simm.s32 @p1 $0x1  }
0x15: {  	[smem:$0x3FB1] =	sst s0;
	s0 =	simm.s32 @!p2 $0x0  }
0x16: {  	s3 =	sld [smem:$0x3FDB];
	s0 =	simm.s32 @p2 $0x1  }
0x17: {  	s4 =	simm.s32 $0x1BF5;
	[smem:$0x3FB3] =	sst s0  }
0x18: {  	s0 =	sld [smem:$0x3F96];
	_ =	swait.ge [sflag:s4], $0x0  }
0x19: {  	s7 =	sld [smem:$0x3F97]  }
0x1a: {  	s8 =	sadd.s32 $0xFFFFE003, lr  }
0x1b: {  	s9 =	sadd.s32 $0xFFFFFEF7, lr;
	s5 =	simm.s32 $0xFFFFFFFF;
	p2 =	slt.u32 s8, $0xFFFFF086  }
0x1c: {  	p1 =	slt.u32 s9, $0xF7A;
	s5 =	simm.s32 @!p2 $0x0  }
0x1d: {  	s5 =	simm.s32 @p1 $0x1;
	p0 =	seq.s32 s7, s2  }
0x1e: {  	s7 =	smul.u32 @!p0 $0xF7A, s2;
	p2 =	seq.s32 @!p0 s5, $0x0  }
0x1f: {  	s9 =	smul.u32 $0xF7A, s1;
	s8 =	simm.s32 @!p0 $0x1BF5;
	p2 =	por !p2, p0  }
0x20: {  	[sflag:s8] =	ssyncset.s32 @!p0 $0xFFFFF086;
	s6 =	sadd.s32 @!p0 s3, s7;
	s7 =	simm.s32 @!p0 $0x108  }
0x21: {  	s3 =	sadd.s32 s3, s9;
	s6 =	sadd.s32 @!p0 $0x88, s6;
	s7 =	simm.s32 @p2 $0x1082  }
0x22: {  	[simem:s7], [sflag:s8] =	dma.local @!p0 [hbm:s6], $0xF7A  }
0x23: {  	s9 =	sor.u32 $0xD0000000, s2;
	s6 =	simm.s32 $0x108;
	_ =	swait.ge @!p0 [sflag:s8], $0x0  }
0x24: {  	s3 =	sadd.s32 $0x88, s3;
	s6 =	simm.s32 @!p1 $0x1082;
	[sflag:s4] =	ssyncset.s32 $0xFFFFF086  }
0x25: {  	[simem:s6], [sflag:s4] =	dma.local [hbm:s3], $0xF7A  }
0x26: {  	[smem:$0x3F97] =	sst s1;
	(tag) =	ssettag s2;
	_ =	strace s9  }
0x27: {  	s1 =	sld [smem:$0x3FA7]  }
0x28: {  	s2 =	sld [smem:$0x3FA8]  }
0x29: {  	s4 =	sld [smem:$0x3FAA]  }
0x2a: {  	p0 =	seq.s32 s5, $0x0;
	s5 =	sld [smem:$0x3FAB]  }
0x2b: {  	s6 =	sld [smem:$0x3FAC]  }
0x2c: {  	s7 =	sld [smem:$0x3FAD]  }
0x2d: {  	s3 =	simm.s32 $0x108;
	s8 =	sld [smem:$0x3FAE]  }
0x2e: {  	s3 =	simm.s32 @!p0 $0x1082;
	s9 =	sld [smem:$0x3FAF]  }
0x2f: {  	lr =	sadd.s32 s0, s3;
	s0 =	sld [smem:$0x3FA6]  }
0x30: {  	s3 =	sld [smem:$0x3FA9]  }
0x31: {  	[smem:$0x3FB2] =	sst s10  }
0x32: {  	s10 =	sld [smem:$0x3FB0];
	_ =	sdelay $0x3  }
0x33: {  	p0 =	seq.s32 s10, $0x1;
	s10 =	sld [smem:$0x3FB2];
	_ =	sdelay $0x3  }
0x34: {  	[smem:$0x3FB2] =	sst s10  }
0x35: {  	s10 =	sld [smem:$0x3FB1];
	_ =	sdelay $0x3  }
0x36: {  	p1 =	seq.s32 s10, $0x1;
	s10 =	sld [smem:$0x3FB2];
	_ =	sdelay $0x3  }
0x37: {  	[smem:$0x3FB2] =	sst s10  }
0x38: {  	s10 =	sld [smem:$0x3FB3]  }
0x39: {  	_ = 	snop;
	(pc) =	sbr.ind lr, $3  }
0x3a: {  	_ = 	snop  }
0x3b: {  	_ = 	snop  }
0x3c: {  	p2 =	seq.s32 s10, $0x1;
	s10 =	sld [smem:$0x3FB2]  }
0x3d: {  	_ =	shalt  }
0x3e: {  	_ =	shalt  }
0x3f: {  	_ =	shalt  }
0x40: {  	_ =	shalt  }
0x41: {  	_ =	shalt  }
0x42: {  	_ =	shalt  }
0x43: {  	_ =	shalt  }
0x44: {  	_ =	shalt  }
0x45: {  	_ =	shalt  }
0x46: {  	_ =	shalt  }
0x47: {  	_ =	shalt  }
0x48: {  	_ =	shalt  }
0x49: {  	_ =	shalt  }
0x4a: {  	_ =	shalt  }
0x4b: {  	_ =	shalt  }
0x4c: {  	_ =	shalt  }
0x4d: {  	_ =	shalt  }
0x4e: {  	_ =	shalt  }
0x4f: {  	_ =	shalt  }
0x50: {  	_ =	shalt  }
0x51: {  	_ =	shalt  }
0x52: {  	_ =	shalt  }
0x53: {  	_ =	shalt  }
0x54: {  	_ =	shalt  }
0x55: {  	_ =	shalt  }
0x56: {  	_ =	shalt  }
0x57: {  	_ =	shalt  }
0x58: {  	_ =	shalt  }
0x59: {  	_ =	shalt  }
0x5a: {  	_ =	shalt  }
0x5b: {  	_ =	shalt  }
0x5c: {  	_ =	shalt  }
0x5d: {  	_ =	shalt  }
0x5e: {  	_ =	shalt  }
0x5f: {  	_ =	shalt  }
0x60: {  	_ =	shalt  }
0x61: {  	_ =	shalt  }
0x62: {  	_ =	shalt  }
0x63: {  	_ =	shalt  }
0x64: {  	_ =	shalt  }
0x65: {  	_ =	shalt  }
0x66: {  	_ =	shalt  }
0x67: {  	_ =	shalt  }
0x68: {  	_ =	shalt  }
0x69: {  	_ =	shalt  }
0x6a: {  	_ =	shalt  }
0x6b: {  	_ =	shalt  }
0x6c: {  	_ =	shalt  }
0x6d: {  	_ =	shalt  }
0x6e: {  	_ =	shalt  }
0x6f: {  	_ =	shalt  }
0x70: {  	_ =	shalt  }
0x71: {  	_ =	shalt  }
0x72: {  	_ =	shalt  }
0x73: {  	_ =	shalt  }
0x74: {  	_ =	shalt  }
0x75: {  	_ =	shalt  }
0x76: {  	_ =	shalt  }
0x77: {  	_ =	shalt  }
0x78: {  	_ =	shalt  }
0x79: {  	_ =	shalt  }
0x7a: {  	_ =	shalt  }
0x7b: {  	_ =	shalt  }
0x7c: {  	_ =	shalt  }
0x7d: {  	_ =	shalt  }
0x7e: {  	_ =	shalt  }
0x7f: {  	_ =	shalt  }
0x80: {  	_ =	shalt  }
0x81: {  	_ =	shalt  }
0x82: {  	_ =	shalt  }
0x83: {  	_ =	shalt  }
0x84: {  	_ =	shalt  }
0x85: {  	_ =	shalt  }
0x86: {  	_ =	shalt  }
0x87: {  	_ =	shalt  }
.Lfunc_end0:
.L_simem_size_0:
called_computation_lowered:
.L_overlay_start_0:
0x88: {  	s2 =	sld [smem:$0x3FD9]  }
0x89: {  	s3 =	sld [smem:$0x3FFE];
	_ =	sdelay $0x1  }
0x8a: {  	s1 =	srdreg.scid  }
0x8b: {  	s0 =	sand.u32 $0x1, s1  }
0x8c: {  	s17 =	sshll.u32 s0, $0xA;
	s2 =	sadd.s32 s3, s2  }
0x8d: {  	s2 =	sadd.s32 s2, s17  }
0x8e: {  	[smem:$0x3FBE] =	sst s2  }
0x8f: {  	_ = 	snop  }
0x90: {  	s2 =	sld [smem:$0x3FD0];
	(tm) =	ssettm $0x1  }
0x91: {  	s18 =	sld [smem:$0x3FFB];
	_ =	sdelay $0x3  }
0x92: {  	_ =	strace s18  }
0x93: {  	s3 =	sld [smem:$0x3FFC];
	_ =	sdelay $0x3  }
0x94: {  	_ =	strace s3  }
0x95: {  	s3 =	sld [smem:$0x3FFD];
	_ =	sdelay $0x3  }
0x96: {  	_ =	strace s3  }
0x97: {  	_ =	strace $0x8FFFFFFF  }
0x98: {  	s19 =	sld [smem:$0x3FDB];
	_ =	sdelay $0x1  }
0x99: {  	s4 =	simm.s32 $_scs_section_size  }
0x9a: {  	s5 =	simm.s32 $_size__tile_overlayer_lowered;
	s6 =	simm.s32 $_tile_overlayer_lowered  }
0x9b: {  	s22 =	simm.s32 $0x1BFF;
	s21 =	sshll.u32 s6, $0x1;
	s3 =	sadd.s32 s4, s19  }
0x9c: {  	s7 =	simm.s32 $0x0;
	s20 =	sshll.u32 s5, $0x1;
	s5 =	sadd.s32 s21, s3  }
0x9d: {  	[timem:s7], [sflag:s22] =	dma.local [hbm:s5], s20  }
0x9e: {  	_ =	swait.ge [sflag:s22], s20  }
0x9f: {  	s4 =	ssub.s32 $0x0, s20;
	[sflag:s22] =	ssyncset.done $0x0  }
0xa0: {  	[sflag:s22] =	ssyncadd.s32 s4;
	_ =	sdelay $0x1  }
0xa1: {  	s23 =	simm.s32 $0x1B8B  }
0xa2: {  	_ =	swait.ge [sflag:s23], $0x1  }
0xa3: {  	[sflag:s23] =	ssyncset.done $0x0  }
0xa4: {  	s25 =	simm.s32 $0x1B8E;
	s24 =	sld [smem:$0x3FFE];
	[sflag:s23] =	ssyncadd.s32 $0xFFFFFFFF  }
0xa5: {  	s26 =	simm.s32 $execute0_lowered;
	[smem:$0x3FD2] =	sst s25  }
0xa6: {  	s5 =	sshll.u32 s26, $0x1;
	_ =	strace $0x80000046;
	[dreg:$0x1] =	wrdreg $0xFFFFFFFF  }
0xa7: {  	s28 =	simm.s32 $_size_execute0_lowered;
	s3 =	sadd.s32 s3, s5;
	[dreg:$0x0] =	wrdreg $0x0  }
0xa8: {  	s5 =	sshll.u32 s28, $0x1;
	[dreg:$0x2] =	wrdreg s3  }
0xa9: {  	[dreg:$0x3] =	wrdreg s5  }
0xaa: {  	[dreg:$0x4] =	wrdreg $0xC0  }
0xab: {  	_ =	task [dreg:s7], $0x5FFFF  }
0xac: {  	[dreg:$0x1] =	wrdreg $0xFFFFFFFF  }
0xad: {  	[dreg:$0x0] =	wrdreg $0x60  }
0xae: {  	[dreg:$0x2] =	wrdreg s24  }
0xaf: {  	[dreg:$0x3] =	wrdreg s2  }
0xb0: {  	[dreg:$0x4] =	wrdreg $0x28C00  }
0xb1: {  	[dreg:$0x5] =	wrdreg $0x9  }
0xb2: {  	_ =	task.clear_ibuf [dreg:s7], $0x6FFFF;
	_ =	strace $0x90000046  }
0xb3: {  	s29 =	simm.s32 $0x9;
	_ =	strace $0x80000048  }
0xb4: {  	_ =	swait.ge [sflag:s29], $0x1  }
0xb5: {  	[sflag:s29] =	ssyncadd.s32 $0xFFFFFFFF  }
0xb6: {  	_ =	strace $0x90000048  }
0xb7: {  	_ =	sfence  }
0xb8: {  	s30 =	sld [smem:$0x0];
	_ =	sdelay $0x2  }
0xb9: {  	s31 =	sshll.u32 s1, $0xD;
	s1 =	sshrl.u32 s1, $0x2  }
0xba: {  	s3 =	sand.u32 $0x4000, s31;
	s1 =	sadd.s32 s1, s30  }
0xbb: {  	s0 =	sor.u32 s3, s0;
	s1 =	sshll.u32 s1, $0x11  }
0xbc: {  	s0 =	sor.u32 s1, s0  }
0xbd: {  	s0 =	sadd.s32 $0x8F2B, s0  }
0xbe: {  	[sflag:s0] =	ssyncadd.remote.s32 $0x1  }
0xbf: {  	_ =	sfence.sel $0xFFFF  }
0xc0: {  	[dreg:$0x0] =	wrdreg $0xFFFFFFFF;
	(pc) =	sbr.abs _section_cstart, $3  }
0xc1: {  	[dreg:$0x1] =	wrdreg $0xFFFFFFFF  }
0xc2: {  	_ =	task.clear_ibuf [dreg:s7], $0x2FFFF;
	_ =	strace $0x9FFFFFFF  }
0xc3: {  	(tm) =	ssettm $0x7FFFFFFF  }
tec
execute0_lowered:
.L_overlay_start_1:
0x0: {  	(tag) =	ssettag $0x1  }
0x1: {  	s4 =	rddreg [dreg:$0x0]  }
0x2: {  	s0 =	srdreg.scid;
	s8 =	rddreg [dreg:$0x1]  }
0x3: {  	s2 =	rddreg [dreg:$0x2];
	s3 =	simm.s32 $0x0;
	s13 =	simm.s32 $0x40  }
0x4: {  	s14 =	simm.s32 $0x0;
	s5 =	sand.u32 $0x1, s0;
	s0 =	stileid.u32  }
0x5: {  	[smem:$0x7FF] =	sst s3;
	s1 =	sshll.u32 s5, $0x4;
	s7 =	smul.u32 $0x278, s0  }
0x6: {  	s10 =	ssub.s32 $0x2, s5;
	s5 =	smul.u32 $0x2780, s5;
	s31 =	sshll.u32 s0, $0x6  }
0x7: {  	s6 =	sor.u32 s0, s1;
	s1 =	rddreg [dreg:$0x3];
	_ =	strace $0x80000047  }
0x8: {  	s11 =	sshrl.u32 s10, $0x1;
	s6 =	smul.u32 $0x510, s6;
	s29 =	sshrl.u32 s7, $0x3  }
0x9: {  	s10 =	ssub.s32 s10, s11;
	s30 =	sadd.s32 s7, s2;
	s7 =	sadd.s32 s7, s5  }
0xa: {  	s11 =	simm.s32 $0x1;
	s12 =	sshrl.u32 s7, $0x3;
	s9 =	sadd.s32 s6, s4  }
0xb: {  	s6 =	sadd.s32 s29, s4;
	s4 =	sadd.s32 $0x17800, s4;
	s8 =	sadd.s32 s8, s12  }
0xc: {  	s12 =	simm.s32 $0x2880;
	s5 =	sadd.s32 $0x17A00, s6;
	s6 =	sor.u32 $0x1C01, s31  }
0xd: {  	s7 =	sadd.s32 $0x3400, s9;
	s9 =	smax.u32 s10, $0x1;
	s10 =	sshrl.u32 s30, $0x3  }
.LBB2_1:
0xe: {  	[spmem:s10], [sflag:s6] =	dma.local [hbm:s5], $0x4F  }
0xf: {  	_ =	swait.ge [sflag:s11], $0x4F  }
0x10: {  	[sflag:s11] =	ssyncset.done $0x0  }
0x11: {  	[sflag:s11] =	ssyncadd.s32 $0xFFFFFFB1  }
0x12: {  	[tilespmem:s12], [sflag:$0x1] =	stream.linear.gather [hbm4b:s4+s3], $0x40, $0x38;
	[tilespmem:$0x2B38] =	vst v63  }
0x13: {  	_ =	swait.ge [sflag:s11], $0x40  }
0x14: {  	[sflag:s11] =	ssyncset.done $0x0  }
0x15: {  	[sflag:s11] =	ssyncadd.s32 $0xFFFFFFC0  }
0x16: {  	[tilespmem:s3], [sflag:$0x1] =	stream.linear.gather [hbm4b:s7+s3], $0x2880, $0x38;
	[tilespmem:$0x2B38] =	vst v63  }
0x17: {  	_ =	swait.ge [sflag:s11], $0x2880  }
0x18: {  	[sflag:s11] =	ssyncset.done $0x0  }
0x19: {  	[sflag:s11] =	ssyncadd.s32 $0xFFFFD780  }
0x1a: {  	s15 =	simm.s32 $0x0;
	[bflag:$0x0] =	sbarrier.arrive $0xFFFF  }
0x1b: {  	[spmem:s2] =	stream.indirect.scatter.add.f32 [tilespmem:s12], [sflag:$0x1], $0x1, s15, s13, $0xb8;
	[tilespmem:$0x2B38] =	vst v63  }
0x1c: {  	_ =	swait.ge [sflag:s11], $0x40  }
0x1d: {  	s15 =	simm.s32 $0x100;
	[sflag:s11] =	ssyncset.done $0x0  }
.LBB2_2:
0x1e: {  	s16 =	sshra.s32 s15, $0x2;
	[sflag:s11] =	ssyncadd.s32 $0xFFFFFFC0;
	p0 =	sne.s32 s15, $0xA100  }
0x1f: {  	[spmem:s2] =	stream.indirect.scatter.add.f32 [tilespmem:s12], [sflag:$0x1], $0x1, s16, s13, $0xb8;
	[tilespmem:$0x2B38] =	vst v63  }
.Ltmp0:
0x20: {  	_ = 	snop;
	(pc) =	sbr.rel @p0 .LBB2_2-.Ltmp0, $4  }
0x21: {  	_ = 	snop  }
0x22: {  	s15 =	sadd.s32 $0x100, s15  }
0x23: {  	_ =	swait.ge [sflag:s11], $0x40  }
0x24: {  	[sflag:s11] =	ssyncset.done $0x0  }
0x25: {  	s14 =	sadd.s32 $0x1, s14  }
0x26: {  	[sflag:s11] =	ssyncadd.s32 $0xFFFFFFC0;
	p0 =	sne.s32 s14, s9  }
.Ltmp1:
0x27: {  	[bflag:$0x0] =	sbarrier.arrive $0xFFFF;
	(pc) =	sbr.rel @p0 .LBB2_1-.Ltmp1, $4  }
0x28: {  	[hbm:s8], [sflag:s6] =	dma.local [spmem:s10], $0x4F  }
0x29: {  	_ =	swait.ge [sflag:s11], $0x4F  }
0x2a: {  	[sflag:s11] =	ssyncset.done $0x0  }
0x2b: {  	[sflag:s11] =	ssyncadd.s32 $0xFFFFFFB1  }
0x2c: {  	_ =	sfence.sel $0x180000  }
0x2d: {  	[bflag:$0x0] =	sbarrier.arrive $0xFFFF  }
0x2e: {  	p0 =	sne.s32 s0, $0x0;
	_ =	strace $0x90000047  }
0x2f: {  	s0 =	sadd.s32 @!p0 $0x100000, s1;
	[bflag:$0x2] =	sbarrier.arrive $0xFFFF  }
0x30: {  	[sflag:s0] =	ssyncadd.tile.s32 @!p0 $0x1;
	_ =	shalt  }
.Lfunc_end2:
_tile_overlayer_lowered:
.L_overlay_start_2:
0x31: {  	(tag) =	ssettag $0x2  }
0x32: {  	s0 =	rddreg [dreg:$0x0];
	s2 =	stileid.u32  }
0x33: {  	s1 =	rddreg [dreg:$0x1];
	p0 =	sne.s32 s2, $0x0  }
0x34: {  	s3 =	rddreg [dreg:$0x2];
	[bflag:$0x3] =	sbarrier.arrive $0xFFFF;
	s2 =	simm.s32 @!p0 $0x1C01  }
0x35: {  	[timem:s3], [sflag:s2] =	dma.local @!p0 [hbm:s0], s1  }
0x36: {  	s0 =	simm.s32 @!p0 $0x1  }
0x37: {  	_ =	swait.ge @!p0 [sflag:s0], s1  }
0x38: {  	s1 =	ssub.s32 @!p0 $0x0, s1;
	[sflag:s0] =	ssyncset.done @!p0 $0x0  }
0x39: {  	[sflag:s0] =	ssyncadd.s32 @!p0 s1  }
0x3a: {  	[bflag:$0x3] =	sbarrier.arrive $0xFFFF  }
0x3b: {  	_ =	shalt  }

</sc_bundles>
